<compile_context>
chip_gen: v7x
topology: tpu7x:2x2x1
jax: 0.10.2.dev20260603
libtpu: 0.0.44.dev20260713+nightly
codegen_flags: <defaults>
</compile_context>

<pallas_src>
import functools

import jax
import jax.numpy as jnp
from jax import lax
from jax.experimental import pallas as pl
from jax.experimental.pallas import tpu as pltpu
from jax.experimental.pallas import tpu_sc as plsc

N = 10000
NP = 10240
E = 320000
D = 128
H = 64
R = 8

NC = 2
NS = 16
NW = NC * NS
CH = 125
NROWS = E // CH
NCH = NROWS // NW
RPT = NP // NS

_f32 = jnp.float32

_mesh = plsc.VectorSubcoreMesh(core_axis_name="c", subcore_axis_name="s")


@functools.partial(
    pl.kernel,
    out_type=jax.ShapeDtypeStruct((NC, NP, D), _f32),
    mesh=_mesh,
    scratch_types=[
        pltpu.VMEM((NCH, CH), jnp.int32),
        pltpu.VMEM((128,), _f32),
        pltpu.VMEM((RPT,), _f32),
        pltpu.VMEM((RPT, D), _f32),
        pltpu.VMEM_SHARED((NP,), _f32),
    ],
)
def _sc_deg(dst_hbm, out_hbm, idx_v, ones_v, degloc, bbuf, deg_sh):
    cid = lax.axis_index("c")
    sid = lax.axis_index("s")
    wid = sid * NC + cid

    @pl.loop(0, RPT // 16)
    def _zero(i):
        degloc[pl.ds(i * 16, 16)] = jnp.zeros((16,), _f32)

    pltpu.sync_copy(degloc, deg_sh.at[pl.ds(sid * RPT, RPT)])

    @pl.loop(0, 8)
    def _ones(i):
        ones_v[pl.ds(i * 16, 16)] = jnp.ones((16,), _f32)

    pltpu.sync_copy(dst_hbm.at[pl.ds(wid * NCH, NCH)], idx_v)
    plsc.subcore_barrier()

    @pl.loop(0, NCH)
    def _acc(j):
        pltpu.sync_copy(ones_v.at[pl.ds(0, CH)], deg_sh.at[idx_v.at[j]], add=True)

    plsc.subcore_barrier()
    pltpu.sync_copy(deg_sh.at[pl.ds(sid * RPT, RPT)], degloc)

    @pl.loop(0, RPT // 16)
    def _bcast(i):
        vals = degloc[pl.ds(i * 16, 16)]
        for l in range(16):
            row = jnp.full((16,), vals[l], _f32)
            for k in range(8):
                bbuf[i * 16 + l, pl.ds(k * 16, 16)] = row

    pltpu.sync_copy(bbuf, out_hbm.at[cid, pl.ds(sid * RPT, RPT)])


@functools.partial(
    pl.kernel,
    out_type=jax.ShapeDtypeStruct((NC, NP, D), _f32),
    mesh=_mesh,
    scratch_types=[
        pltpu.VMEM((NCH // 2, CH), jnp.int32),
        pltpu.VMEM((NCH // 2, CH), jnp.int32),
        pltpu.VMEM((CH, D), _f32),
        pltpu.VMEM((CH, D), _f32),
        pltpu.VMEM((16, D), _f32),
        pltpu.VMEM_SHARED((NP, D), _f32),
        pltpu.SemaphoreType.DMA,
        pltpu.SemaphoreType.DMA,
    ],
)
def _sc_scatter(hws_hbm, src_hbm, dst_hbm, out_hbm, sidx, didx, rows0, rows1,
                zbuf, agg_sh, sem0, sem1):
    cid = lax.axis_index("c")
    sid = lax.axis_index("s")
    wid = sid * NC + cid
    PCH = NCH // 2

    @pl.loop(0, 16)
    def _zero(i):
        for k in range(D // 16):
            zbuf[i, pl.ds(k * 16, 16)] = jnp.zeros((16,), _f32)

    @pl.loop(0, RPT // 16)
    def _zs(m):
        pltpu.sync_copy(zbuf, agg_sh.at[pl.ds(sid * RPT + m * 16, 16)])

    plsc.subcore_barrier()

    def _fire(j, buf, sem):
        pltpu.async_copy(hws_hbm.at[sidx.at[j]], buf, sem)

    def _wait(buf, sem):
        pltpu.make_async_copy(hws_hbm.at[sidx.at[0]], buf, sem).wait()

    for p in range(2):
        pltpu.sync_copy(src_hbm.at[pl.ds(wid * NCH + p * PCH, PCH)], sidx)
        pltpu.sync_copy(dst_hbm.at[pl.ds(wid * NCH + p * PCH, PCH)], didx)
        _fire(0, rows0, sem0)

        @pl.loop(0, PCH, step=2)
        def _go(j):
            _fire(j + 1, rows1, sem1)
            _wait(rows0, sem0)
            pltpu.sync_copy(rows0, agg_sh.at[didx.at[j]], add=True)

            @pl.when(j + 2 < PCH)
            def _():
                _fire(j + 2, rows0, sem0)

            _wait(rows1, sem1)
            pltpu.sync_copy(rows1, agg_sh.at[didx.at[j + 1]], add=True)

    plsc.subcore_barrier()
    pltpu.sync_copy(agg_sh.at[pl.ds(sid * RPT, RPT)],
                    out_hbm.at[cid, pl.ds(sid * RPT, RPT)])


def _make_sc_edge(nrows):
    nch = nrows // NW

    @functools.partial(
        pl.kernel,
        out_type=jax.ShapeDtypeStruct((nrows, CH, D), _f32),
        mesh=_mesh,
        scratch_types=[
            pltpu.VMEM((nch, CH), jnp.int32),
            pltpu.VMEM((nch, CH), jnp.int32),
            pltpu.VMEM((CH, D), _f32),
            pltpu.VMEM((CH, D), _f32),
            pltpu.VMEM((CH, D), _f32),
            pltpu.VMEM((CH, D), _f32),
            pltpu.VMEM((CH, D), _f32),
            pltpu.VMEM((CH, D), _f32),
            pltpu.SemaphoreType.DMA,
            pltpu.SemaphoreType.DMA,
            pltpu.SemaphoreType.DMA,
            pltpu.SemaphoreType.DMA,
        ],
    )
    def _sc_edge(h_hbm, row_hbm, col_hbm, out_hbm, ridx, kidx, ga0, gb0,
                 ga1, gb1, zo0, zo1, gs0, gs1, ss0, ss1):
        cid = lax.axis_index("c")
        sid = lax.axis_index("s")
        wid = sid * NC + cid
        base = wid * nch

        pltpu.sync_copy(row_hbm.at[pl.ds(base, nch)], ridx)
        pltpu.sync_copy(col_hbm.at[pl.ds(base, nch)], kidx)

        def _fire_g(j, ba, bb, gs):
            pltpu.async_copy(h_hbm.at[ridx.at[j]], ba, gs)
            pltpu.async_copy(h_hbm.at[kidx.at[j]], bb, gs)

        def _wait_g(ba, bb, gs):
            pltpu.make_async_copy(h_hbm.at[ridx.at[0]], ba, gs).wait()
            pltpu.make_async_copy(h_hbm.at[ridx.at[0]], bb, gs).wait()

        def _mul(ba, bb, zo):
            @pl.loop(0, CH)
            def _m(i):
                for k in range(8):
                    s = pl.ds(k * 16, 16)
                    zo[i, s] = ba[i, s] * bb[i, s]

        def _wait_s(zo, ss, j):
            pltpu.make_async_copy(zo, out_hbm.at[base + j], ss).wait()

        _fire_g(0, ga0, gb0, gs0)
        _fire_g(1, ga1, gb1, gs1)

        @pl.loop(0, nch, step=2)
        def _go(j):
            _wait_g(ga0, gb0, gs0)

            @pl.when(j >= 2)
            def _():
                _wait_s(zo0, ss0, j - 2)

            _mul(ga0, gb0, zo0)
            pltpu.async_copy(zo0, out_hbm.at[base + j], ss0)

            @pl.when(j + 2 < nch)
            def _():
                _fire_g(j + 2, ga0, gb0, gs0)

            _wait_g(ga1, gb1, gs1)

            @pl.when(j >= 2)
            def _():
                _wait_s(zo1, ss1, j - 1)

            _mul(ga1, gb1, zo1)
            pltpu.async_copy(zo1, out_hbm.at[base + j + 1], ss1)

            @pl.when(j + 3 < nch)
            def _():
                _fire_g(j + 3, ga1, gb1, gs1)

        _wait_s(zo0, ss0, nch - 2)
        _wait_s(zo1, ss1, nch - 1)

    return _sc_edge


_sc_edge = _make_sc_edge(NROWS)


BLK = 2048
GRID_N = NP // BLK
EBLK = 2000
GRID_E = E // EBLK


def _prep_body(degb_ref, x_ref, w_ref, dinv_ref, hws_ref):
    deg = jnp.maximum(degb_ref[0] + degb_ref[1] + 1.0, 1.0)
    dinv = lax.rsqrt(deg)
    dinv_ref[...] = dinv
    hw = jnp.dot(x_ref[...], w_ref[...], preferred_element_type=_f32)
    hws_ref[...] = hw * dinv


_tc_prep = pl.pallas_call(
    _prep_body,
    grid=(GRID_N,),
    in_specs=[
        pl.BlockSpec((NC, BLK, D), lambda i: (0, i, 0)),
        pl.BlockSpec((BLK, D), lambda i: (i, 0)),
        pl.BlockSpec((D, D), lambda i: (0, 0)),
    ],
    out_specs=[pl.BlockSpec((BLK, D), lambda i: (i, 0))] * 2,
    out_shape=[jax.ShapeDtypeStruct((NP, D), _f32)] * 2,
)


def _mid_body(part_ref, hws_ref, dinv_ref, b_ref, w_ref, h1_ref, hws2_ref):
    agg = dinv_ref[...] * (part_ref[0] + part_ref[1] + hws_ref[...])
    h1 = jnp.maximum(agg + b_ref[...], 0.0)
    h1_ref[...] = h1
    hws2_ref[...] = jnp.dot(h1, w_ref[...], preferred_element_type=_f32) * dinv_ref[...]


_tc_mid = pl.pallas_call(
    _mid_body,
    grid=(GRID_N,),
    in_specs=[
        pl.BlockSpec((NC, BLK, D), lambda i: (0, i, 0)),
        pl.BlockSpec((BLK, D), lambda i: (i, 0)),
        pl.BlockSpec((BLK, D), lambda i: (i, 0)),
        pl.BlockSpec((1, D), lambda i: (0, 0)),
        pl.BlockSpec((D, D), lambda i: (0, 0)),
    ],
    out_specs=[pl.BlockSpec((BLK, D), lambda i: (i, 0))] * 2,
    out_shape=[jax.ShapeDtypeStruct((NP, D), _f32)] * 2,
)


def _fin_body(part_ref, hws_ref, dinv_ref, b_ref, h1_ref, h_ref):
    h2 = jnp.maximum(
        dinv_ref[...] * (part_ref[0] + part_ref[1] + hws_ref[...]) + b_ref[...],
        0.0)
    h_ref[...] = h2 + h1_ref[...]


_tc_fin = pl.pallas_call(
    _fin_body,
    grid=(GRID_N,),
    in_specs=[
        pl.BlockSpec((NC, BLK, D), lambda i: (0, i, 0)),
        pl.BlockSpec((BLK, D), lambda i: (i, 0)),
        pl.BlockSpec((BLK, D), lambda i: (i, 0)),
        pl.BlockSpec((1, D), lambda i: (0, 0)),
        pl.BlockSpec((BLK, D), lambda i: (i, 0)),
    ],
    out_specs=pl.BlockSpec((BLK, D), lambda i: (i, 0)),
    out_shape=jax.ShapeDtypeStruct((NP, D), _f32),
)


def _mlp_body(z_ref, rel_ref, ws_ref, bs_ref, wall_ref, br_ref, out_ref):
    zb = z_ref[...].astype(jnp.bfloat16)
    wb = ws_ref[...].astype(jnp.bfloat16)
    a = jnp.maximum(
        jnp.dot(zb, wb, preferred_element_type=_f32) + bs_ref[...],
        0.0)
    t = jnp.dot(a, wall_ref[...], preferred_element_type=_f32) + br_ref[...]
    oh = rel_ref[...] == lax.broadcasted_iota(jnp.int32, (EBLK, R), 1)
    out_ref[...] = jnp.sum(jnp.where(oh, t, 0.0), axis=1, keepdims=True)


_tc_mlp = pl.pallas_call(
    _mlp_body,
    grid=(GRID_E,),
    in_specs=[
        pl.BlockSpec((EBLK, D), lambda i: (i, 0)),
        pl.BlockSpec((EBLK, 1), lambda i: (i, 0)),
        pl.BlockSpec((D, H), lambda i: (0, 0)),
        pl.BlockSpec((1, H), lambda i: (0, 0)),
        pl.BlockSpec((H, R), lambda i: (0, 0)),
        pl.BlockSpec((1, R), lambda i: (0, 0)),
    ],
    out_specs=pl.BlockSpec((EBLK, 1), lambda i: (i, 0)),
    out_shape=jax.ShapeDtypeStruct((E, 1), _f32),
)


def kernel(x, edge_index, relations, train_edge_index, W1, b1, W2, b2,
           Ws, bs, Wr, br):
    src2d = train_edge_index[0].astype(jnp.int32).reshape(NROWS, CH)
    dst2d = train_edge_index[1].astype(jnp.int32).reshape(NROWS, CH)
    row2d = edge_index[:, 0].astype(jnp.int32).reshape(NROWS, CH)
    col2d = edge_index[:, 1].astype(jnp.int32).reshape(NROWS, CH)
    rel2 = relations.astype(jnp.int32).reshape(E, 1)

    x_p = jnp.pad(x, ((0, NP - N), (0, 0)))
    b1r = b1.reshape(1, D)
    b2r = b2.reshape(1, D)
    bsr = bs.reshape(1, H)
    wall = Wr.reshape(R, H).T
    brr = br.reshape(1, R)

    degb = _sc_deg(dst2d)
    dinvb, hws1 = _tc_prep(degb, x_p, W1)
    part1 = _sc_scatter(hws1, src2d, dst2d)
    h1, hws2 = _tc_mid(part1, hws1, dinvb, b1r, W2)
    part2 = _sc_scatter(hws2, src2d, dst2d)
    h = _tc_fin(part2, hws2, dinvb, b2r, h1)
    z3 = _sc_edge(h, row2d, col2d)
    z = z3.reshape(E, D)
    out = _tc_mlp(z, rel2, Ws, bsr, wall, brr)
    return out

# --- scband reference (transcript-rebuilt; emitter-appended) ---
"""Pipeline reference for scband-gnn-62543313764578 (READ-ONLY COPY).

The authoritative reference and input builder live on the scoring server;
editing this copy changes nothing except your own understanding.
"""

import jax, jax.numpy as jnp
import numpy as np

N_NODES = 10000
N_EDGES = 320000
D = 128
H = 64
R = 8


def setup_inputs(seed: int = 0) -> dict:
    key = jax.random.key(seed)
    ks = jax.random.split(key, 12)
    x = jax.random.normal(ks[0], (N_NODES, D), dtype=jnp.float32)
    edge_index = jax.random.randint(ks[1], (N_EDGES, 2), 0, N_NODES, dtype=jnp.int64)
    relations = jax.random.randint(ks[2], (N_EDGES,), 0, R, dtype=jnp.int64)
    # train_edge_index is an __init__ constant (the message-passing graph)
    train_edge_index = jax.random.randint(ks[3], (2, N_EDGES), 0, N_NODES, dtype=jnp.int64)
    # GCN layer params (glorot-ish scale)
    s = 1.0 / np.sqrt(D)
    W1 = jax.random.normal(ks[4], (D, D), dtype=jnp.float32) * s
    b1 = jnp.zeros((D,), dtype=jnp.float32)
    W2 = jax.random.normal(ks[5], (D, D), dtype=jnp.float32) * s
    b2 = jnp.zeros((D,), dtype=jnp.float32)
    # RelationAwareMLP: shared 128->64, then relation-specific 64->1
    Ws = jax.random.normal(ks[6], (D, H), dtype=jnp.float32) * s
    bs = jnp.zeros((H,), dtype=jnp.float32)
    Wr = jax.random.normal(ks[7], (R, H, 1), dtype=jnp.float32) * (1.0 / np.sqrt(H))
    br = jnp.zeros((R, 1), dtype=jnp.float32)
    return {"x": x, "edge_index": edge_index, "relations": relations,
            "train_edge_index": train_edge_index,
            "W1": W1, "b1": b1, "W2": W2, "b2": b2,
            "Ws": Ws, "bs": bs, "Wr": Wr, "br": br}


def reference(x, edge_index, relations, train_edge_index, W1, b1, W2, b2, Ws, bs, Wr, br):
    N = x.shape[0]
    # InMemoryGCN: precomputed sym-normalized adjacency with self-loops
    loop = jnp.arange(N, dtype=train_edge_index.dtype)
    src = jnp.concatenate([train_edge_index[0], loop])
    dst = jnp.concatenate([train_edge_index[1], loop])
    deg = jax.ops.segment_sum(jnp.ones(src.shape[0], dtype=x.dtype), dst, num_segments=N)
    dinv = jax.lax.rsqrt(jnp.maximum(deg, 1.0))
    norm = dinv[src] * dinv[dst]

    def conv(h, W, b):
        hw = h @ W
        agg = jax.ops.segment_sum(hw[src] * norm[:, None], dst, num_segments=N)
        return agg + b

    # 2 conv layers, last 1 is residual; dropout rate 0.0 -> identity
    h = jax.nn.relu(conv(x, W1, b1))
    h = jax.nn.relu(conv(h, W2, b2)) + h

    # link features: kroenecker aggregation (elementwise product)
    row = edge_index[:, 0]
    col = edge_index[:, 1]
    z = h[row] * h[col]

    # RelationAwareMLP: shared linear + relu, then per-relation final linear
    a = jax.nn.relu(z @ Ws + bs)
    out = jnp.einsum('bi,bio->bo', a, Wr[relations]) + br[relations]
    return out

if __name__ == "__main__":
    import jax
    _d = setup_inputs()
    print(jax.jit(kernel)(*tuple(_d.values())))

</pallas_src>

<mosaic_0001>
#map = affine_map<(d0, d1) -> (0, 0)>
#map1 = affine_map<(d0, d1) -> (0, 0, 0)>
module attributes {stable_mosaic.version = 14 : i64} {
  func.func @_sc_edge(%arg0: i32, %arg1: i32, %arg2: memref<10240x128xf32, #tpu.memory_space<hbm>>, %arg3: memref<2560x125xi32, #tpu.memory_space<hbm>>, %arg4: memref<2560x125xi32, #tpu.memory_space<hbm>>, %arg5: memref<2560x125x128xf32, #tpu.memory_space<hbm>>, %arg6: memref<80x125xi32, #tpu.memory_space<vmem>>, %arg7: memref<80x125xi32, #tpu.memory_space<vmem>>, %arg8: memref<125x128xf32, #tpu.memory_space<vmem>>, %arg9: memref<125x128xf32, #tpu.memory_space<vmem>>, %arg10: memref<125x128xf32, #tpu.memory_space<vmem>>, %arg11: memref<125x128xf32, #tpu.memory_space<vmem>>, %arg12: memref<125x128xf32, #tpu.memory_space<vmem>>, %arg13: memref<125x128xf32, #tpu.memory_space<vmem>>, %arg14: memref<!tpu.dma_semaphore, #tpu.memory_space<semaphore_mem>>, %arg15: memref<!tpu.dma_semaphore, #tpu.memory_space<semaphore_mem>>, %arg16: memref<!tpu.dma_semaphore, #tpu.memory_space<semaphore_mem>>, %arg17: memref<!tpu.dma_semaphore, #tpu.memory_space<semaphore_mem>>) attributes {dimension_semantics = [#tpu.dimension_semantics<core_parallel>, #tpu.dimension_semantics<subcore_parallel>], iteration_bounds = array<i64: 2, 16>, scalar_prefetch = 0 : i64, scratch_operands = 12 : i64, tpu.core_type = #tpu.core_type<sc_vector_subcore>, window_params = [{transform_indices = #map}, {transform_indices = #map}, {transform_indices = #map}, {transform_indices = #map1}]} {
    %mul3A = arith.constant 2 : i32
    %mul3A_0 = arith.muli %arg1, %mul3A : i32
    %add3A = arith.addi %mul3A_0, %arg0 : i32
    %mul3A_1 = arith.constant 80 : i32
    %mul3A_2 = arith.muli %add3A, %mul3A_1 : i32
    "tpu.region"() ({
      %run_scoped3A = tpu.sem_alloc : memref<!tpu.dma_semaphore, #tpu.memory_space<semaphore_mem>>
      %dma_start3A_53 = arith.constant 0 : i32
      %dma_start3A_54 = tpu.memref_slice %arg3[%mul3A_2, %dma_start3A_53] : memref<2560x125xi32, #tpu.memory_space<hbm>> -> memref<80x125xi32, #tpu.memory_space<hbm>>
      %dma_start3A_55 = arith.constant 0 : i32
      %dma_start3A_56 = tpu.memref_slice %arg3[%mul3A_2, %dma_start3A_55] : memref<2560x125xi32, #tpu.memory_space<hbm>> -> memref<80x125xi32, #tpu.memory_space<hbm>>
      tpu.enqueue_dma source(%dma_start3A_56 : memref<80x125xi32, #tpu.memory_space<hbm>>) target(%arg6 : memref<80x125xi32, #tpu.memory_space<vmem>>) target_semaphore(%run_scoped3A : memref<!tpu.dma_semaphore, #tpu.memory_space<semaphore_mem>>)
      %dma_wait3A_57 = arith.constant 0 : i32
      %dma_wait3A_58 = tpu.memref_slice %arg3[%mul3A_2, %dma_wait3A_57] : memref<2560x125xi32, #tpu.memory_space<hbm>> -> memref<80x125xi32, #tpu.memory_space<hbm>>
      %dma_wait3A_59 = arith.constant 0 : i32
      %dma_wait3A_60 = tpu.memref_slice %arg3[%mul3A_2, %dma_wait3A_59] : memref<2560x125xi32, #tpu.memory_space<hbm>> -> memref<80x125xi32, #tpu.memory_space<hbm>>
      tpu.wait_dma2 semaphore(%run_scoped3A : memref<!tpu.dma_semaphore, #tpu.memory_space<semaphore_mem>>) src(%dma_wait3A_60 : memref<80x125xi32, #tpu.memory_space<hbm>>) dst(%arg6 : memref<80x125xi32, #tpu.memory_space<vmem>>)
      tpu.yield
    }) : () -> ()
    "tpu.region"() ({
      %run_scoped3A = tpu.sem_alloc : memref<!tpu.dma_semaphore, #tpu.memory_space<semaphore_mem>>
      %dma_start3A_53 = arith.constant 0 : i32
      %dma_start3A_54 = tpu.memref_slice %arg4[%mul3A_2, %dma_start3A_53] : memref<2560x125xi32, #tpu.memory_space<hbm>> -> memref<80x125xi32, #tpu.memory_space<hbm>>
      %dma_start3A_55 = arith.constant 0 : i32
      %dma_start3A_56 = tpu.memref_slice %arg4[%mul3A_2, %dma_start3A_55] : memref<2560x125xi32, #tpu.memory_space<hbm>> -> memref<80x125xi32, #tpu.memory_space<hbm>>
      tpu.enqueue_dma source(%dma_start3A_56 : memref<80x125xi32, #tpu.memory_space<hbm>>) target(%arg7 : memref<80x125xi32, #tpu.memory_space<vmem>>) target_semaphore(%run_scoped3A : memref<!tpu.dma_semaphore, #tpu.memory_space<semaphore_mem>>)
      %dma_wait3A_57 = arith.constant 0 : i32
      %dma_wait3A_58 = tpu.memref_slice %arg4[%mul3A_2, %dma_wait3A_57] : memref<2560x125xi32, #tpu.memory_space<hbm>> -> memref<80x125xi32, #tpu.memory_space<hbm>>
      %dma_wait3A_59 = arith.constant 0 : i32
      %dma_wait3A_60 = tpu.memref_slice %arg4[%mul3A_2, %dma_wait3A_59] : memref<2560x125xi32, #tpu.memory_space<hbm>> -> memref<80x125xi32, #tpu.memory_space<hbm>>
      tpu.wait_dma2 semaphore(%run_scoped3A : memref<!tpu.dma_semaphore, #tpu.memory_space<semaphore_mem>>) src(%dma_wait3A_60 : memref<80x125xi32, #tpu.memory_space<hbm>>) dst(%arg7 : memref<80x125xi32, #tpu.memory_space<vmem>>)
      tpu.yield
    }) : () -> ()
    %dma_start3A = arith.constant 0 : i32
    %dma_start3A_3 = arith.constant 0 : i32
    %dma_start3A_4 = tpu.memref_slice %arg6[%dma_start3A, %dma_start3A_3] : memref<80x125xi32, #tpu.memory_space<vmem>> -> memref<1x125xi32, #tpu.memory_space<vmem>>
    %dma_start3A_5 = tpu.memref_squeeze %dma_start3A_4 : memref<1x125xi32, #tpu.memory_space<vmem>> -> memref<125xi32, #tpu.memory_space<vmem>>
    %dma_start3A_6 = arith.constant 0 : i32
    %dma_start3A_7 = arith.constant 0 : i32
    %dma_start3A_8 = tpu.memref_slice %arg2[%dma_start3A_6, %dma_start3A_7] : memref<10240x128xf32, #tpu.memory_space<hbm>> -> memref<10240x128xf32, #tpu.memory_space<hbm>>
    tpu.enqueue_indirect_dma source(%dma_start3A_8 : memref<10240x128xf32, #tpu.memory_space<hbm>>) target(%arg8 : memref<125x128xf32, #tpu.memory_space<vmem>>) offsets(%dma_start3A_5 : memref<125xi32, #tpu.memory_space<vmem>>) semaphore(%arg14 : memref<!tpu.dma_semaphore, #tpu.memory_space<semaphore_mem>>)
    %dma_start3A_9 = arith.constant 0 : i32
    %dma_start3A_10 = arith.constant 0 : i32
    %dma_start3A_11 = tpu.memref_slice %arg7[%dma_start3A_9, %dma_start3A_10] : memref<80x125xi32, #tpu.memory_space<vmem>> -> memref<1x125xi32, #tpu.memory_space<vmem>>
    %dma_start3A_12 = tpu.memref_squeeze %dma_start3A_11 : memref<1x125xi32, #tpu.memory_space<vmem>> -> memref<125xi32, #tpu.memory_space<vmem>>
    %dma_start3A_13 = arith.constant 0 : i32
    %dma_start3A_14 = arith.constant 0 : i32
    %dma_start3A_15 = tpu.memref_slice %arg2[%dma_start3A_13, %dma_start3A_14] : memref<10240x128xf32, #tpu.memory_space<hbm>> -> memref<10240x128xf32, #tpu.memory_space<hbm>>
    tpu.enqueue_indirect_dma source(%dma_start3A_15 : memref<10240x128xf32, #tpu.memory_space<hbm>>) target(%arg9 : memref<125x128xf32, #tpu.memory_space<vmem>>) offsets(%dma_start3A_12 : memref<125xi32, #tpu.memory_space<vmem>>) semaphore(%arg14 : memref<!tpu.dma_semaphore, #tpu.memory_space<semaphore_mem>>)
    %dma_start3A_16 = arith.constant 1 : i32
    %dma_start3A_17 = arith.constant 0 : i32
    %dma_start3A_18 = tpu.memref_slice %arg6[%dma_start3A_16, %dma_start3A_17] : memref<80x125xi32, #tpu.memory_space<vmem>> -> memref<1x125xi32, #tpu.memory_space<vmem>>
    %dma_start3A_19 = tpu.memref_squeeze %dma_start3A_18 : memref<1x125xi32, #tpu.memory_space<vmem>> -> memref<125xi32, #tpu.memory_space<vmem>>
    %dma_start3A_20 = arith.constant 0 : i32
    %dma_start3A_21 = arith.constant 0 : i32
    %dma_start3A_22 = tpu.memref_slice %arg2[%dma_start3A_20, %dma_start3A_21] : memref<10240x128xf32, #tpu.memory_space<hbm>> -> memref<10240x128xf32, #tpu.memory_space<hbm>>
    tpu.enqueue_indirect_dma source(%dma_start3A_22 : memref<10240x128xf32, #tpu.memory_space<hbm>>) target(%arg10 : memref<125x128xf32, #tpu.memory_space<vmem>>) offsets(%dma_start3A_19 : memref<125xi32, #tpu.memory_space<vmem>>) semaphore(%arg15 : memref<!tpu.dma_semaphore, #tpu.memory_space<semaphore_mem>>)
    %dma_start3A_23 = arith.constant 1 : i32
    %dma_start3A_24 = arith.constant 0 : i32
    %dma_start3A_25 = tpu.memref_slice %arg7[%dma_start3A_23, %dma_start3A_24] : memref<80x125xi32, #tpu.memory_space<vmem>> -> memref<1x125xi32, #tpu.memory_space<vmem>>
    %dma_start3A_26 = tpu.memref_squeeze %dma_start3A_25 : memref<1x125xi32, #tpu.memory_space<vmem>> -> memref<125xi32, #tpu.memory_space<vmem>>
    %dma_start3A_27 = arith.constant 0 : i32
    %dma_start3A_28 = arith.constant 0 : i32
    %dma_start3A_29 = tpu.memref_slice %arg2[%dma_start3A_27, %dma_start3A_28] : memref<10240x128xf32, #tpu.memory_space<hbm>> -> memref<10240x128xf32, #tpu.memory_space<hbm>>
    tpu.enqueue_indirect_dma source(%dma_start3A_29 : memref<10240x128xf32, #tpu.memory_space<hbm>>) target(%arg11 : memref<125x128xf32, #tpu.memory_space<vmem>>) offsets(%dma_start3A_26 : memref<125xi32, #tpu.memory_space<vmem>>) semaphore(%arg15 : memref<!tpu.dma_semaphore, #tpu.memory_space<semaphore_mem>>)
    %scan3A = arith.constant 0 : i32
    %scan3A_30 = arith.constant 40 : i32
    %scan3A_31 = arith.addi %scan3A, %scan3A_30 : i32
    %scan3A_32 = arith.constant 1 : i32
    scf.for %scan3A_53 = %scan3A to %scan3A_31 step %scan3A_32  : i32 {
      %mul3A_54 = arith.constant 2 : i32
      %mul3A_55 = arith.muli %scan3A_53, %mul3A_54 : i32
      %add3A_56 = arith.constant 0 : i32
      %add3A_57 = arith.addi %add3A_56, %mul3A_55 : i32
      %dma_wait3A_58 = arith.constant 0 : i32
      %dma_wait3A_59 = arith.constant 0 : i32
      %dma_wait3A_60 = tpu.memref_slice %arg6[%dma_wait3A_58, %dma_wait3A_59] : memref<80x125xi32, #tpu.memory_space<vmem>> -> memref<1x125xi32, #tpu.memory_space<vmem>>
      %dma_wait3A_61 = tpu.memref_squeeze %dma_wait3A_60 : memref<1x125xi32, #tpu.memory_space<vmem>> -> memref<125xi32, #tpu.memory_space<vmem>>
      %dma_wait3A_62 = arith.constant 0 : i32
      %dma_wait3A_63 = arith.constant 0 : i32
      %dma_wait3A_64 = tpu.memref_slice %arg2[%dma_wait3A_62, %dma_wait3A_63] : memref<10240x128xf32, #tpu.memory_space<hbm>> -> memref<10240x128xf32, #tpu.memory_space<hbm>>
      tpu.wait_indirect_dma semaphore(%arg14 : memref<!tpu.dma_semaphore, #tpu.memory_space<semaphore_mem>>) src(%dma_wait3A_64 : memref<10240x128xf32, #tpu.memory_space<hbm>>) dst(%arg8 : memref<125x128xf32, #tpu.memory_space<vmem>>)
      %dma_wait3A_65 = arith.constant 0 : i32
      %dma_wait3A_66 = arith.constant 0 : i32
      %dma_wait3A_67 = tpu.memref_slice %arg6[%dma_wait3A_65, %dma_wait3A_66] : memref<80x125xi32, #tpu.memory_space<vmem>> -> memref<1x125xi32, #tpu.memory_space<vmem>>
      %dma_wait3A_68 = tpu.memref_squeeze %dma_wait3A_67 : memref<1x125xi32, #tpu.memory_space<vmem>> -> memref<125xi32, #tpu.memory_space<vmem>>
      %dma_wait3A_69 = arith.constant 0 : i32
      %dma_wait3A_70 = arith.constant 0 : i32
      %dma_wait3A_71 = tpu.memref_slice %arg2[%dma_wait3A_69, %dma_wait3A_70] : memref<10240x128xf32, #tpu.memory_space<hbm>> -> memref<10240x128xf32, #tpu.memory_space<hbm>>
      tpu.wait_indirect_dma semaphore(%arg14 : memref<!tpu.dma_semaphore, #tpu.memory_space<semaphore_mem>>) src(%dma_wait3A_71 : memref<10240x128xf32, #tpu.memory_space<hbm>>) dst(%arg9 : memref<125x128xf32, #tpu.memory_space<vmem>>)
      %ge3A = arith.constant 2 : i32
      %ge3A_72 = arith.cmpi sge, %add3A_57, %ge3A : i32
      %convert_element_type3A = arith.extui %ge3A_72 : i1 to i32
      %cond3A = arith.constant 0 : i32
      %cond3A_73 = arith.cmpi ne, %convert_element_type3A, %cond3A : i32
      scf.if %cond3A_73 {
        %sub3A = arith.constant 2 : i32
        %sub3A_136 = arith.subi %add3A_57, %sub3A : i32
        %add3A_137 = arith.addi %mul3A_2, %sub3A_136 : i32
        %dma_wait3A_138 = arith.constant 0 : i32
        %dma_wait3A_139 = arith.constant 0 : i32
        %dma_wait3A_140 = tpu.memref_slice %arg5[%add3A_137, %dma_wait3A_138, %dma_wait3A_139] : memref<2560x125x128xf32, #tpu.memory_space<hbm>> -> memref<1x125x128xf32, #tpu.memory_space<hbm>>
        %dma_wait3A_141 = tpu.memref_squeeze %dma_wait3A_140 : memref<1x125x128xf32, #tpu.memory_space<hbm>> -> memref<125x128xf32, #tpu.memory_space<hbm>>
        %dma_wait3A_142 = arith.constant 0 : i32
        %dma_wait3A_143 = arith.constant 0 : i32
        %dma_wait3A_144 = tpu.memref_slice %arg5[%add3A_137, %dma_wait3A_142, %dma_wait3A_143] : memref<2560x125x128xf32, #tpu.memory_space<hbm>> -> memref<1x125x128xf32, #tpu.memory_space<hbm>>
        %dma_wait3A_145 = tpu.memref_squeeze %dma_wait3A_144 : memref<1x125x128xf32, #tpu.memory_space<hbm>> -> memref<125x128xf32, #tpu.memory_space<hbm>>
        tpu.wait_dma2 semaphore(%arg16 : memref<!tpu.dma_semaphore, #tpu.memory_space<semaphore_mem>>) src(%arg12 : memref<125x128xf32, #tpu.memory_space<vmem>>) dst(%dma_wait3A_145 : memref<125x128xf32, #tpu.memory_space<hbm>>)
      } else {
      }
      %scan3A_74 = arith.constant 0 : i32
      %scan3A_75 = arith.constant 125 : i32
      %scan3A_76 = arith.addi %scan3A_74, %scan3A_75 : i32
      %scan3A_77 = arith.constant 1 : i32
      scf.for %scan3A_136 = %scan3A_74 to %scan3A_76 step %scan3A_77  : i32 {
        %mul3A_137 = arith.constant 1 : i32
        %mul3A_138 = arith.muli %scan3A_136, %mul3A_137 : i32
        %add3A_139 = arith.constant 0 : i32
        %add3A_140 = arith.addi %add3A_139, %mul3A_138 : i32
        %get3A = arith.index_cast %add3A_140 : i32 to index
        %get3A_141 = arith.constant 0 : index
        %get3A_142 = tpu.vector_load %arg8[%get3A, %get3A_141] {strides = array<i32>} : memref<125x128xf32, #tpu.memory_space<vmem>>, vector<1x16xf32>,
        %get3A_143 = vector.shape_cast %get3A_142 : vector<1x16xf32> to vector<16xf32>
        %get3A_144 = arith.index_cast %add3A_140 : i32 to index
        %get3A_145 = arith.constant 0 : index
        %get3A_146 = tpu.vector_load %arg9[%get3A_144, %get3A_145] {strides = array<i32>} : memref<125x128xf32, #tpu.memory_space<vmem>>, vector<1x16xf32>,
        %get3A_147 = vector.shape_cast %get3A_146 : vector<1x16xf32> to vector<16xf32>
        %mul3A_148 = arith.mulf %get3A_143, %get3A_147 : vector<16xf32>
        %swap3A = arith.index_cast %add3A_140 : i32 to index
        %swap3A_149 = arith.constant 0 : index
        %swap3A_150 = tpu.vector_load %arg12[%swap3A, %swap3A_149] {strides = array<i32>} : memref<125x128xf32, #tpu.memory_space<vmem>>, vector<1x16xf32>,
        %swap3A_151 = vector.shape_cast %swap3A_150 : vector<1x16xf32> to vector<16xf32>
        %swap3A_152 = vector.shape_cast %mul3A_148 : vector<16xf32> to vector<1x16xf32>
        tpu.vector_store %arg12[%swap3A, %swap3A_149], %swap3A_152 {strides = array<i32>} : memref<125x128xf32, #tpu.memory_space<vmem>>, vector<1x16xf32>,
        %get3A_153 = arith.index_cast %add3A_140 : i32 to index
        %get3A_154 = arith.constant 16 : index
        %get3A_155 = tpu.vector_load %arg8[%get3A_153, %get3A_154] {strides = array<i32>} : memref<125x128xf32, #tpu.memory_space<vmem>>, vector<1x16xf32>,
        %get3A_156 = vector.shape_cast %get3A_155 : vector<1x16xf32> to vector<16xf32>
        %get3A_157 = arith.index_cast %add3A_140 : i32 to index
        %get3A_158 = arith.constant 16 : index
        %get3A_159 = tpu.vector_load %arg9[%get3A_157, %get3A_158] {strides = array<i32>} : memref<125x128xf32, #tpu.memory_space<vmem>>, vector<1x16xf32>,
        %get3A_160 = vector.shape_cast %get3A_159 : vector<1x16xf32> to vector<16xf32>
        %mul3A_161 = arith.mulf %get3A_156, %get3A_160 : vector<16xf32>
        %swap3A_162 = arith.index_cast %add3A_140 : i32 to index
        %swap3A_163 = arith.constant 16 : index
        %swap3A_164 = tpu.vector_load %arg12[%swap3A_162, %swap3A_163] {strides = array<i32>} : memref<125x128xf32, #tpu.memory_space<vmem>>, vector<1x16xf32>,
        %swap3A_165 = vector.shape_cast %swap3A_164 : vector<1x16xf32> to vector<16xf32>
        %swap3A_166 = vector.shape_cast %mul3A_161 : vector<16xf32> to vector<1x16xf32>
        tpu.vector_store %arg12[%swap3A_162, %swap3A_163], %swap3A_166 {strides = array<i32>} : memref<125x128xf32, #tpu.memory_space<vmem>>, vector<1x16xf32>,
        %get3A_167 = arith.index_cast %add3A_140 : i32 to index
        %get3A_168 = arith.constant 32 : index
        %get3A_169 = tpu.vector_load %arg8[%get3A_167, %get3A_168] {strides = array<i32>} : memref<125x128xf32, #tpu.memory_space<vmem>>, vector<1x16xf32>,
        %get3A_170 = vector.shape_cast %get3A_169 : vector<1x16xf32> to vector<16xf32>
        %get3A_171 = arith.index_cast %add3A_140 : i32 to index
        %get3A_172 = arith.constant 32 : index
        %get3A_173 = tpu.vector_load %arg9[%get3A_171, %get3A_172] {strides = array<i32>} : memref<125x128xf32, #tpu.memory_space<vmem>>, vector<1x16xf32>,
        %get3A_174 = vector.shape_cast %get3A_173 : vector<1x16xf32> to vector<16xf32>
        %mul3A_175 = arith.mulf %get3A_170, %get3A_174 : vector<16xf32>
        %swap3A_176 = arith.index_cast %add3A_140 : i32 to index
        %swap3A_177 = arith.constant 32 : index
        %swap3A_178 = tpu.vector_load %arg12[%swap3A_176, %swap3A_177] {strides = array<i32>} : memref<125x128xf32, #tpu.memory_space<vmem>>, vector<1x16xf32>,
        %swap3A_179 = vector.shape_cast %swap3A_178 : vector<1x16xf32> to vector<16xf32>
        %swap3A_180 = vector.shape_cast %mul3A_175 : vector<16xf32> to vector<1x16xf32>
        tpu.vector_store %arg12[%swap3A_176, %swap3A_177], %swap3A_180 {strides = array<i32>} : memref<125x128xf32, #tpu.memory_space<vmem>>, vector<1x16xf32>,
        %get3A_181 = arith.index_cast %add3A_140 : i32 to index
        %get3A_182 = arith.constant 48 : index
        %get3A_183 = tpu.vector_load %arg8[%get3A_181, %get3A_182] {strides = array<i32>} : memref<125x128xf32, #tpu.memory_space<vmem>>, vector<1x16xf32>,
        %get3A_184 = vector.shape_cast %get3A_183 : vector<1x16xf32> to vector<16xf32>
        %get3A_185 = arith.index_cast %add3A_140 : i32 to index
        %get3A_186 = arith.constant 48 : index
        %get3A_187 = tpu.vector_load %arg9[%get3A_185, %get3A_186] {strides = array<i32>} : memref<125x128xf32, #tpu.memory_space<vmem>>, vector<1x16xf32>,
        %get3A_188 = vector.shape_cast %get3A_187 : vector<1x16xf32> to vector<16xf32>
        %mul3A_189 = arith.mulf %get3A_184, %get3A_188 : vector<16xf32>
        %swap3A_190 = arith.index_cast %add3A_140 : i32 to index
        %swap3A_191 = arith.constant 48 : index
        %swap3A_192 = tpu.vector_load %arg12[%swap3A_190, %swap3A_191] {strides = array<i32>} : memref<125x128xf32, #tpu.memory_space<vmem>>, vector<1x16xf32>,
        %swap3A_193 = vector.shape_cast %swap3A_192 : vector<1x16xf32> to vector<16xf32>
        %swap3A_194 = vector.shape_cast %mul3A_189 : vector<16xf32> to vector<1x16xf32>
        tpu.vector_store %arg12[%swap3A_190, %swap3A_191], %swap3A_194 {strides = array<i32>} : memref<125x128xf32, #tpu.memory_space<vmem>>, vector<1x16xf32>,
        %get3A_195 = arith.index_cast %add3A_140 : i32 to index
        %get3A_196 = arith.constant 64 : index
        %get3A_197 = tpu.vector_load %arg8[%get3A_195, %get3A_196] {strides = array<i32>} : memref<125x128xf32, #tpu.memory_space<vmem>>, vector<1x16xf32>,
        %get3A_198 = vector.shape_cast %get3A_197 : vector<1x16xf32> to vector<16xf32>
        %get3A_199 = arith.index_cast %add3A_140 : i32 to index
        %get3A_200 = arith.constant 64 : index
        %get3A_201 = tpu.vector_load %arg9[%get3A_199, %get3A_200] {strides = array<i32>} : memref<125x128xf32, #tpu.memory_space<vmem>>, vector<1x16xf32>,
        %get3A_202 = vector.shape_cast %get3A_201 : vector<1x16xf32> to vector<16xf32>
        %mul3A_203 = arith.mulf %get3A_198, %get3A_202 : vector<16xf32>
        %swap3A_204 = arith.index_cast %add3A_140 : i32 to index
        %swap3A_205 = arith.constant 64 : index
        %swap3A_206 = tpu.vector_load %arg12[%swap3A_204, %swap3A_205] {strides = array<i32>} : memref<125x128xf32, #tpu.memory_space<vmem>>, vector<1x16xf32>,
        %swap3A_207 = vector.shape_cast %swap3A_206 : vector<1x16xf32> to vector<16xf32>
        %swap3A_208 = vector.shape_cast %mul3A_203 : vector<16xf32> to vector<1x16xf32>
        tpu.vector_store %arg12[%swap3A_204, %swap3A_205], %swap3A_208 {strides = array<i32>} : memref<125x128xf32, #tpu.memory_space<vmem>>, vector<1x16xf32>,
        %get3A_209 = arith.index_cast %add3A_140 : i32 to index
        %get3A_210 = arith.constant 80 : index
        %get3A_211 = tpu.vector_load %arg8[%get3A_209, %get3A_210] {strides = array<i32>} : memref<125x128xf32, #tpu.memory_space<vmem>>, vector<1x16xf32>,
        %get3A_212 = vector.shape_cast %get3A_211 : vector<1x16xf32> to vector<16xf32>
        %get3A_213 = arith.index_cast %add3A_140 : i32 to index
        %get3A_214 = arith.constant 80 : index
        %get3A_215 = tpu.vector_load %arg9[%get3A_213, %get3A_214] {strides = array<i32>} : memref<125x128xf32, #tpu.memory_space<vmem>>, vector<1x16xf32>,
        %get3A_216 = vector.shape_cast %get3A_215 : vector<1x16xf32> to vector<16xf32>
        %mul3A_217 = arith.mulf %get3A_212, %get3A_216 : vector<16xf32>
        %swap3A_218 = arith.index_cast %add3A_140 : i32 to index
        %swap3A_219 = arith.constant 80 : index
        %swap3A_220 = tpu.vector_load %arg12[%swap3A_218, %swap3A_219] {strides = array<i32>} : memref<125x128xf32, #tpu.memory_space<vmem>>, vector<1x16xf32>,
        %swap3A_221 = vector.shape_cast %swap3A_220 : vector<1x16xf32> to vector<16xf32>
        %swap3A_222 = vector.shape_cast %mul3A_217 : vector<16xf32> to vector<1x16xf32>
        tpu.vector_store %arg12[%swap3A_218, %swap3A_219], %swap3A_222 {strides = array<i32>} : memref<125x128xf32, #tpu.memory_space<vmem>>, vector<1x16xf32>,
        %get3A_223 = arith.index_cast %add3A_140 : i32 to index
        %get3A_224 = arith.constant 96 : index
        %get3A_225 = tpu.vector_load %arg8[%get3A_223, %get3A_224] {strides = array<i32>} : memref<125x128xf32, #tpu.memory_space<vmem>>, vector<1x16xf32>,
        %get3A_226 = vector.shape_cast %get3A_225 : vector<1x16xf32> to vector<16xf32>
        %get3A_227 = arith.index_cast %add3A_140 : i32 to index
        %get3A_228 = arith.constant 96 : index
        %get3A_229 = tpu.vector_load %arg9[%get3A_227, %get3A_228] {strides = array<i32>} : memref<125x128xf32, #tpu.memory_space<vmem>>, vector<1x16xf32>,
        %get3A_230 = vector.shape_cast %get3A_229 : vector<1x16xf32> to vector<16xf32>
        %mul3A_231 = arith.mulf %get3A_226, %get3A_230 : vector<16xf32>
        %swap3A_232 = arith.index_cast %add3A_140 : i32 to index
        %swap3A_233 = arith.constant 96 : index
        %swap3A_234 = tpu.vector_load %arg12[%swap3A_232, %swap3A_233] {strides = array<i32>} : memref<125x128xf32, #tpu.memory_space<vmem>>, vector<1x16xf32>,
        %swap3A_235 = vector.shape_cast %swap3A_234 : vector<1x16xf32> to vector<16xf32>
        %swap3A_236 = vector.shape_cast %mul3A_231 : vector<16xf32> to vector<1x16xf32>
        tpu.vector_store %arg12[%swap3A_232, %swap3A_233], %swap3A_236 {strides = array<i32>} : memref<125x128xf32, #tpu.memory_space<vmem>>, vector<1x16xf32>,
        %get3A_237 = arith.index_cast %add3A_140 : i32 to index
        %get3A_238 = arith.constant 112 : index
        %get3A_239 = tpu.vector_load %arg8[%get3A_237, %get3A_238] {strides = array<i32>} : memref<125x128xf32, #tpu.memory_space<vmem>>, vector<1x16xf32>,
        %get3A_240 = vector.shape_cast %get3A_239 : vector<1x16xf32> to vector<16xf32>
        %get3A_241 = arith.index_cast %add3A_140 : i32 to index
        %get3A_242 = arith.constant 112 : index
        %get3A_243 = tpu.vector_load %arg9[%get3A_241, %get3A_242] {strides = array<i32>} : memref<125x128xf32, #tpu.memory_space<vmem>>, vector<1x16xf32>,
        %get3A_244 = vector.shape_cast %get3A_243 : vector<1x16xf32> to vector<16xf32>
        %mul3A_245 = arith.mulf %get3A_240, %get3A_244 : vector<16xf32>
        %swap3A_246 = arith.index_cast %add3A_140 : i32 to index
        %swap3A_247 = arith.constant 112 : index
        %swap3A_248 = tpu.vector_load %arg12[%swap3A_246, %swap3A_247] {strides = array<i32>} : memref<125x128xf32, #tpu.memory_space<vmem>>, vector<1x16xf32>,
        %swap3A_249 = vector.shape_cast %swap3A_248 : vector<1x16xf32> to vector<16xf32>
        %swap3A_250 = vector.shape_cast %mul3A_245 : vector<16xf32> to vector<1x16xf32>
        tpu.vector_store %arg12[%swap3A_246, %swap3A_247], %swap3A_250 {strides = array<i32>} : memref<125x128xf32, #tpu.memory_space<vmem>>, vector<1x16xf32>,
      }
      %scan3A_78 = arith.constant 125 : i32
      %add3A_79 = arith.addi %mul3A_2, %add3A_57 : i32
      %dma_start3A_80 = arith.constant 0 : i32
      %dma_start3A_81 = arith.constant 0 : i32
      %dma_start3A_82 = tpu.memref_slice %arg5[%add3A_79, %dma_start3A_80, %dma_start3A_81] : memref<2560x125x128xf32, #tpu.memory_space<hbm>> -> memref<1x125x128xf32, #tpu.memory_space<hbm>>
      %dma_start3A_83 = tpu.memref_squeeze %dma_start3A_82 : memref<1x125x128xf32, #tpu.memory_space<hbm>> -> memref<125x128xf32, #tpu.memory_space<hbm>>
      %dma_start3A_84 = arith.constant 0 : i32
      %dma_start3A_85 = arith.constant 0 : i32
      %dma_start3A_86 = tpu.memref_slice %arg5[%add3A_79, %dma_start3A_84, %dma_start3A_85] : memref<2560x125x128xf32, #tpu.memory_space<hbm>> -> memref<1x125x128xf32, #tpu.memory_space<hbm>>
      %dma_start3A_87 = tpu.memref_squeeze %dma_start3A_86 : memref<1x125x128xf32, #tpu.memory_space<hbm>> -> memref<125x128xf32, #tpu.memory_space<hbm>>
      tpu.enqueue_dma source(%arg12 : memref<125x128xf32, #tpu.memory_space<vmem>>) target(%dma_start3A_87 : memref<125x128xf32, #tpu.memory_space<hbm>>) target_semaphore(%arg16 : memref<!tpu.dma_semaphore, #tpu.memory_space<semaphore_mem>>)
      %add3A_88 = arith.constant 2 : i32
      %add3A_89 = arith.addi %add3A_57, %add3A_88 : i32
      %lt3A = arith.constant 80 : i32
      %lt3A_90 = arith.cmpi slt, %add3A_89, %lt3A : i32
      %convert_element_type3A_91 = arith.extui %lt3A_90 : i1 to i32
      %cond3A_92 = arith.constant 0 : i32
      %cond3A_93 = arith.cmpi ne, %convert_element_type3A_91, %cond3A_92 : i32
      scf.if %cond3A_93 {
        %add3A_136 = arith.constant 2 : i32
        %add3A_137 = arith.addi %add3A_57, %add3A_136 : i32
        %dma_start3A_138 = arith.constant 0 : i32
        %dma_start3A_139 = tpu.memref_slice %arg6[%add3A_137, %dma_start3A_138] : memref<80x125xi32, #tpu.memory_space<vmem>> -> memref<1x125xi32, #tpu.memory_space<vmem>>
        %dma_start3A_140 = tpu.memref_squeeze %dma_start3A_139 : memref<1x125xi32, #tpu.memory_space<vmem>> -> memref<125xi32, #tpu.memory_space<vmem>>
        %dma_start3A_141 = arith.constant 0 : i32
        %dma_start3A_142 = arith.constant 0 : i32
        %dma_start3A_143 = tpu.memref_slice %arg2[%dma_start3A_141, %dma_start3A_142] : memref<10240x128xf32, #tpu.memory_space<hbm>> -> memref<10240x128xf32, #tpu.memory_space<hbm>>
        tpu.enqueue_indirect_dma source(%dma_start3A_143 : memref<10240x128xf32, #tpu.memory_space<hbm>>) target(%arg8 : memref<125x128xf32, #tpu.memory_space<vmem>>) offsets(%dma_start3A_140 : memref<125xi32, #tpu.memory_space<vmem>>) semaphore(%arg14 : memref<!tpu.dma_semaphore, #tpu.memory_space<semaphore_mem>>)
        %dma_start3A_144 = arith.constant 0 : i32
        %dma_start3A_145 = tpu.memref_slice %arg7[%add3A_137, %dma_start3A_144] : memref<80x125xi32, #tpu.memory_space<vmem>> -> memref<1x125xi32, #tpu.memory_space<vmem>>
        %dma_start3A_146 = tpu.memref_squeeze %dma_start3A_145 : memref<1x125xi32, #tpu.memory_space<vmem>> -> memref<125xi32, #tpu.memory_space<vmem>>
        %dma_start3A_147 = arith.constant 0 : i32
        %dma_start3A_148 = arith.constant 0 : i32
        %dma_start3A_149 = tpu.memref_slice %arg2[%dma_start3A_147, %dma_start3A_148] : memref<10240x128xf32, #tpu.memory_space<hbm>> -> memref<10240x128xf32, #tpu.memory_space<hbm>>
        tpu.enqueue_indirect_dma source(%dma_start3A_149 : memref<10240x128xf32, #tpu.memory_space<hbm>>) target(%arg9 : memref<125x128xf32, #tpu.memory_space<vmem>>) offsets(%dma_start3A_146 : memref<125xi32, #tpu.memory_space<vmem>>) semaphore(%arg14 : memref<!tpu.dma_semaphore, #tpu.memory_space<semaphore_mem>>)
      } else {
      }
      %dma_wait3A_94 = arith.constant 0 : i32
      %dma_wait3A_95 = arith.constant 0 : i32
      %dma_wait3A_96 = tpu.memref_slice %arg6[%dma_wait3A_94, %dma_wait3A_95] : memref<80x125xi32, #tpu.memory_space<vmem>> -> memref<1x125xi32, #tpu.memory_space<vmem>>
      %dma_wait3A_97 = tpu.memref_squeeze %dma_wait3A_96 : memref<1x125xi32, #tpu.memory_space<vmem>> -> memref<125xi32, #tpu.memory_space<vmem>>
      %dma_wait3A_98 = arith.constant 0 : i32
      %dma_wait3A_99 = arith.constant 0 : i32
      %dma_wait3A_100 = tpu.memref_slice %arg2[%dma_wait3A_98, %dma_wait3A_99] : memref<10240x128xf32, #tpu.memory_space<hbm>> -> memref<10240x128xf32, #tpu.memory_space<hbm>>
      tpu.wait_indirect_dma semaphore(%arg15 : memref<!tpu.dma_semaphore, #tpu.memory_space<semaphore_mem>>) src(%dma_wait3A_100 : memref<10240x128xf32, #tpu.memory_space<hbm>>) dst(%arg10 : memref<125x128xf32, #tpu.memory_space<vmem>>)
      %dma_wait3A_101 = arith.constant 0 : i32
      %dma_wait3A_102 = arith.constant 0 : i32
      %dma_wait3A_103 = tpu.memref_slice %arg6[%dma_wait3A_101, %dma_wait3A_102] : memref<80x125xi32, #tpu.memory_space<vmem>> -> memref<1x125xi32, #tpu.memory_space<vmem>>
      %dma_wait3A_104 = tpu.memref_squeeze %dma_wait3A_103 : memref<1x125xi32, #tpu.memory_space<vmem>> -> memref<125xi32, #tpu.memory_space<vmem>>
      %dma_wait3A_105 = arith.constant 0 : i32
      %dma_wait3A_106 = arith.constant 0 : i32
      %dma_wait3A_107 = tpu.memref_slice %arg2[%dma_wait3A_105, %dma_wait3A_106] : memref<10240x128xf32, #tpu.memory_space<hbm>> -> memref<10240x128xf32, #tpu.memory_space<hbm>>
      tpu.wait_indirect_dma semaphore(%arg15 : memref<!tpu.dma_semaphore, #tpu.memory_space<semaphore_mem>>) src(%dma_wait3A_107 : memref<10240x128xf32, #tpu.memory_space<hbm>>) dst(%arg11 : memref<125x128xf32, #tpu.memory_space<vmem>>)
      %ge3A_108 = arith.constant 2 : i32
      %ge3A_109 = arith.cmpi sge, %add3A_57, %ge3A_108 : i32
      %convert_element_type3A_110 = arith.extui %ge3A_109 : i1 to i32
      %cond3A_111 = arith.constant 0 : i32
      %cond3A_112 = arith.cmpi ne, %convert_element_type3A_110, %cond3A_111 : i32
      scf.if %cond3A_112 {
        %sub3A = arith.constant 1 : i32
        %sub3A_136 = arith.subi %add3A_57, %sub3A : i32
        %add3A_137 = arith.addi %mul3A_2, %sub3A_136 : i32
        %dma_wait3A_138 = arith.constant 0 : i32
        %dma_wait3A_139 = arith.constant 0 : i32
        %dma_wait3A_140 = tpu.memref_slice %arg5[%add3A_137, %dma_wait3A_138, %dma_wait3A_139] : memref<2560x125x128xf32, #tpu.memory_space<hbm>> -> memref<1x125x128xf32, #tpu.memory_space<hbm>>
        %dma_wait3A_141 = tpu.memref_squeeze %dma_wait3A_140 : memref<1x125x128xf32, #tpu.memory_space<hbm>> -> memref<125x128xf32, #tpu.memory_space<hbm>>
        %dma_wait3A_142 = arith.constant 0 : i32
        %dma_wait3A_143 = arith.constant 0 : i32
        %dma_wait3A_144 = tpu.memref_slice %arg5[%add3A_137, %dma_wait3A_142, %dma_wait3A_143] : memref<2560x125x128xf32, #tpu.memory_space<hbm>> -> memref<1x125x128xf32, #tpu.memory_space<hbm>>
        %dma_wait3A_145 = tpu.memref_squeeze %dma_wait3A_144 : memref<1x125x128xf32, #tpu.memory_space<hbm>> -> memref<125x128xf32, #tpu.memory_space<hbm>>
        tpu.wait_dma2 semaphore(%arg17 : memref<!tpu.dma_semaphore, #tpu.memory_space<semaphore_mem>>) src(%arg13 : memref<125x128xf32, #tpu.memory_space<vmem>>) dst(%dma_wait3A_145 : memref<125x128xf32, #tpu.memory_space<hbm>>)
      } else {
      }
      %scan3A_113 = arith.constant 0 : i32
      %scan3A_114 = arith.constant 125 : i32
      %scan3A_115 = arith.addi %scan3A_113, %scan3A_114 : i32
      %scan3A_116 = arith.constant 1 : i32
      scf.for %scan3A_136 = %scan3A_113 to %scan3A_115 step %scan3A_116  : i32 {
        %mul3A_137 = arith.constant 1 : i32
        %mul3A_138 = arith.muli %scan3A_136, %mul3A_137 : i32
        %add3A_139 = arith.constant 0 : i32
        %add3A_140 = arith.addi %add3A_139, %mul3A_138 : i32
        %get3A = arith.index_cast %add3A_140 : i32 to index
        %get3A_141 = arith.constant 0 : index
        %get3A_142 = tpu.vector_load %arg10[%get3A, %get3A_141] {strides = array<i32>} : memref<125x128xf32, #tpu.memory_space<vmem>>, vector<1x16xf32>,
        %get3A_143 = vector.shape_cast %get3A_142 : vector<1x16xf32> to vector<16xf32>
        %get3A_144 = arith.index_cast %add3A_140 : i32 to index
        %get3A_145 = arith.constant 0 : index
        %get3A_146 = tpu.vector_load %arg11[%get3A_144, %get3A_145] {strides = array<i32>} : memref<125x128xf32, #tpu.memory_space<vmem>>, vector<1x16xf32>,
        %get3A_147 = vector.shape_cast %get3A_146 : vector<1x16xf32> to vector<16xf32>
        %mul3A_148 = arith.mulf %get3A_143, %get3A_147 : vector<16xf32>
        %swap3A = arith.index_cast %add3A_140 : i32 to index
        %swap3A_149 = arith.constant 0 : index
        %swap3A_150 = tpu.vector_load %arg13[%swap3A, %swap3A_149] {strides = array<i32>} : memref<125x128xf32, #tpu.memory_space<vmem>>, vector<1x16xf32>,
        %swap3A_151 = vector.shape_cast %swap3A_150 : vector<1x16xf32> to vector<16xf32>
        %swap3A_152 = vector.shape_cast %mul3A_148 : vector<16xf32> to vector<1x16xf32>
        tpu.vector_store %arg13[%swap3A, %swap3A_149], %swap3A_152 {strides = array<i32>} : memref<125x128xf32, #tpu.memory_space<vmem>>, vector<1x16xf32>,
        %get3A_153 = arith.index_cast %add3A_140 : i32 to index
        %get3A_154 = arith.constant 16 : index
        %get3A_155 = tpu.vector_load %arg10[%get3A_153, %get3A_154] {strides = array<i32>} : memref<125x128xf32, #tpu.memory_space<vmem>>, vector<1x16xf32>,
        %get3A_156 = vector.shape_cast %get3A_155 : vector<1x16xf32> to vector<16xf32>
        %get3A_157 = arith.index_cast %add3A_140 : i32 to index
        %get3A_158 = arith.constant 16 : index
        %get3A_159 = tpu.vector_load %arg11[%get3A_157, %get3A_158] {strides = array<i32>} : memref<125x128xf32, #tpu.memory_space<vmem>>, vector<1x16xf32>,
        %get3A_160 = vector.shape_cast %get3A_159 : vector<1x16xf32> to vector<16xf32>
        %mul3A_161 = arith.mulf %get3A_156, %get3A_160 : vector<16xf32>
        %swap3A_162 = arith.index_cast %add3A_140 : i32 to index
        %swap3A_163 = arith.constant 16 : index
        %swap3A_164 = tpu.vector_load %arg13[%swap3A_162, %swap3A_163] {strides = array<i32>} : memref<125x128xf32, #tpu.memory_space<vmem>>, vector<1x16xf32>,
        %swap3A_165 = vector.shape_cast %swap3A_164 : vector<1x16xf32> to vector<16xf32>
        %swap3A_166 = vector.shape_cast %mul3A_161 : vector<16xf32> to vector<1x16xf32>
        tpu.vector_store %arg13[%swap3A_162, %swap3A_163], %swap3A_166 {strides = array<i32>} : memref<125x128xf32, #tpu.memory_space<vmem>>, vector<1x16xf32>,
        %get3A_167 = arith.index_cast %add3A_140 : i32 to index
        %get3A_168 = arith.constant 32 : index
        %get3A_169 = tpu.vector_load %arg10[%get3A_167, %get3A_168] {strides = array<i32>} : memref<125x128xf32, #tpu.memory_space<vmem>>, vector<1x16xf32>,
        %get3A_170 = vector.shape_cast %get3A_169 : vector<1x16xf32> to vector<16xf32>
        %get3A_171 = arith.index_cast %add3A_140 : i32 to index
        %get3A_172 = arith.constant 32 : index
        %get3A_173 = tpu.vector_load %arg11[%get3A_171, %get3A_172] {strides = array<i32>} : memref<125x128xf32, #tpu.memory_space<vmem>>, vector<1x16xf32>,
        %get3A_174 = vector.shape_cast %get3A_173 : vector<1x16xf32> to vector<16xf32>
        %mul3A_175 = arith.mulf %get3A_170, %get3A_174 : vector<16xf32>
        %swap3A_176 = arith.index_cast %add3A_140 : i32 to index
        %swap3A_177 = arith.constant 32 : index
        %swap3A_178 = tpu.vector_load %arg13[%swap3A_176, %swap3A_177] {strides = array<i32>} : memref<125x128xf32, #tpu.memory_space<vmem>>, vector<1x16xf32>,
        %swap3A_179 = vector.shape_cast %swap3A_178 : vector<1x16xf32> to vector<16xf32>
        %swap3A_180 = vector.shape_cast %mul3A_175 : vector<16xf32> to vector<1x16xf32>
        tpu.vector_store %arg13[%swap3A_176, %swap3A_177], %swap3A_180 {strides = array<i32>} : memref<125x128xf32, #tpu.memory_space<vmem>>, vector<1x16xf32>,
        %get3A_181 = arith.index_cast %add3A_140 : i32 to index
        %get3A_182 = arith.constant 48 : index
        %get3A_183 = tpu.vector_load %arg10[%get3A_181, %get3A_182] {strides = array<i32>} : memref<125x128xf32, #tpu.memory_space<vmem>>, vector<1x16xf32>,
        %get3A_184 = vector.shape_cast %get3A_183 : vector<1x16xf32> to vector<16xf32>
        %get3A_185 = arith.index_cast %add3A_140 : i32 to index
        %get3A_186 = arith.constant 48 : index
        %get3A_187 = tpu.vector_load %arg11[%get3A_185, %get3A_186] {strides = array<i32>} : memref<125x128xf32, #tpu.memory_space<vmem>>, vector<1x16xf32>,
        %get3A_188 = vector.shape_cast %get3A_187 : vector<1x16xf32> to vector<16xf32>
        %mul3A_189 = arith.mulf %get3A_184, %get3A_188 : vector<16xf32>
        %swap3A_190 = arith.index_cast %add3A_140 : i32 to index
        %swap3A_191 = arith.constant 48 : index
        %swap3A_192 = tpu.vector_load %arg13[%swap3A_190, %swap3A_191] {strides = array<i32>} : memref<125x128xf32, #tpu.memory_space<vmem>>, vector<1x16xf32>,
        %swap3A_193 = vector.shape_cast %swap3A_192 : vector<1x16xf32> to vector<16xf32>
        %swap3A_194 = vector.shape_cast %mul3A_189 : vector<16xf32> to vector<1x16xf32>
        tpu.vector_store %arg13[%swap3A_190, %swap3A_191], %swap3A_194 {strides = array<i32>} : memref<125x128xf32, #tpu.memory_space<vmem>>, vector<1x16xf32>,
        %get3A_195 = arith.index_cast %add3A_140 : i32 to index
        %get3A_196 = arith.constant 64 : index
        %get3A_197 = tpu.vector_load %arg10[%get3A_195, %get3A_196] {strides = array<i32>} : memref<125x128xf32, #tpu.memory_space<vmem>>, vector<1x16xf32>,
        %get3A_198 = vector.shape_cast %get3A_197 : vector<1x16xf32> to vector<16xf32>
        %get3A_199 = arith.index_cast %add3A_140 : i32 to index
        %get3A_200 = arith.constant 64 : index
        %get3A_201 = tpu.vector_load %arg11[%get3A_199, %get3A_200] {strides = array<i32>} : memref<125x128xf32, #tpu.memory_space<vmem>>, vector<1x16xf32>,
        %get3A_202 = vector.shape_cast %get3A_201 : vector<1x16xf32> to vector<16xf32>
        %mul3A_203 = arith.mulf %get3A_198, %get3A_202 : vector<16xf32>
        %swap3A_204 = arith.index_cast %add3A_140 : i32 to index
        %swap3A_205 = arith.constant 64 : index
        %swap3A_206 = tpu.vector_load %arg13[%swap3A_204, %swap3A_205] {strides = array<i32>} : memref<125x128xf32, #tpu.memory_space<vmem>>, vector<1x16xf32>,
        %swap3A_207 = vector.shape_cast %swap3A_206 : vector<1x16xf32> to vector<16xf32>
        %swap3A_208 = vector.shape_cast %mul3A_203 : vector<16xf32> to vector<1x16xf32>
        tpu.vector_store %arg13[%swap3A_204, %swap3A_205], %swap3A_208 {strides = array<i32>} : memref<125x128xf32, #tpu.memory_space<vmem>>, vector<1x16xf32>,
        %get3A_209 = arith.index_cast %add3A_140 : i32 to index
        %get3A_210 = arith.constant 80 : index
        %get3A_211 = tpu.vector_load %arg10[%get3A_209, %get3A_210] {strides = array<i32>} : memref<125x128xf32, #tpu.memory_space<vmem>>, vector<1x16xf32>,
        %get3A_212 = vector.shape_cast %get3A_211 : vector<1x16xf32> to vector<16xf32>
        %get3A_213 = arith.index_cast %add3A_140 : i32 to index
        %get3A_214 = arith.constant 80 : index
        %get3A_215 = tpu.vector_load %arg11[%get3A_213, %get3A_214] {strides = array<i32>} : memref<125x128xf32, #tpu.memory_space<vmem>>, vector<1x16xf32>,
        %get3A_216 = vector.shape_cast %get3A_215 : vector<1x16xf32> to vector<16xf32>
        %mul3A_217 = arith.mulf %get3A_212, %get3A_216 : vector<16xf32>
        %swap3A_218 = arith.index_cast %add3A_140 : i32 to index
        %swap3A_219 = arith.constant 80 : index
        %swap3A_220 = tpu.vector_load %arg13[%swap3A_218, %swap3A_219] {strides = array<i32>} : memref<125x128xf32, #tpu.memory_space<vmem>>, vector<1x16xf32>,
        %swap3A_221 = vector.shape_cast %swap3A_220 : vector<1x16xf32> to vector<16xf32>
        %swap3A_222 = vector.shape_cast %mul3A_217 : vector<16xf32> to vector<1x16xf32>
        tpu.vector_store %arg13[%swap3A_218, %swap3A_219], %swap3A_222 {strides = array<i32>} : memref<125x128xf32, #tpu.memory_space<vmem>>, vector<1x16xf32>,
        %get3A_223 = arith.index_cast %add3A_140 : i32 to index
        %get3A_224 = arith.constant 96 : index
        %get3A_225 = tpu.vector_load %arg10[%get3A_223, %get3A_224] {strides = array<i32>} : memref<125x128xf32, #tpu.memory_space<vmem>>, vector<1x16xf32>,
        %get3A_226 = vector.shape_cast %get3A_225 : vector<1x16xf32> to vector<16xf32>
        %get3A_227 = arith.index_cast %add3A_140 : i32 to index
        %get3A_228 = arith.constant 96 : index
        %get3A_229 = tpu.vector_load %arg11[%get3A_227, %get3A_228] {strides = array<i32>} : memref<125x128xf32, #tpu.memory_space<vmem>>, vector<1x16xf32>,
        %get3A_230 = vector.shape_cast %get3A_229 : vector<1x16xf32> to vector<16xf32>
        %mul3A_231 = arith.mulf %get3A_226, %get3A_230 : vector<16xf32>
        %swap3A_232 = arith.index_cast %add3A_140 : i32 to index
        %swap3A_233 = arith.constant 96 : index
        %swap3A_234 = tpu.vector_load %arg13[%swap3A_232, %swap3A_233] {strides = array<i32>} : memref<125x128xf32, #tpu.memory_space<vmem>>, vector<1x16xf32>,
        %swap3A_235 = vector.shape_cast %swap3A_234 : vector<1x16xf32> to vector<16xf32>
        %swap3A_236 = vector.shape_cast %mul3A_231 : vector<16xf32> to vector<1x16xf32>
        tpu.vector_store %arg13[%swap3A_232, %swap3A_233], %swap3A_236 {strides = array<i32>} : memref<125x128xf32, #tpu.memory_space<vmem>>, vector<1x16xf32>,
        %get3A_237 = arith.index_cast %add3A_140 : i32 to index
        %get3A_238 = arith.constant 112 : index
        %get3A_239 = tpu.vector_load %arg10[%get3A_237, %get3A_238] {strides = array<i32>} : memref<125x128xf32, #tpu.memory_space<vmem>>, vector<1x16xf32>,
        %get3A_240 = vector.shape_cast %get3A_239 : vector<1x16xf32> to vector<16xf32>
        %get3A_241 = arith.index_cast %add3A_140 : i32 to index
        %get3A_242 = arith.constant 112 : index
        %get3A_243 = tpu.vector_load %arg11[%get3A_241, %get3A_242] {strides = array<i32>} : memref<125x128xf32, #tpu.memory_space<vmem>>, vector<1x16xf32>,
        %get3A_244 = vector.shape_cast %get3A_243 : vector<1x16xf32> to vector<16xf32>
        %mul3A_245 = arith.mulf %get3A_240, %get3A_244 : vector<16xf32>
        %swap3A_246 = arith.index_cast %add3A_140 : i32 to index
        %swap3A_247 = arith.constant 112 : index
        %swap3A_248 = tpu.vector_load %arg13[%swap3A_246, %swap3A_247] {strides = array<i32>} : memref<125x128xf32, #tpu.memory_space<vmem>>, vector<1x16xf32>,
        %swap3A_249 = vector.shape_cast %swap3A_248 : vector<1x16xf32> to vector<16xf32>
        %swap3A_250 = vector.shape_cast %mul3A_245 : vector<16xf32> to vector<1x16xf32>
        tpu.vector_store %arg13[%swap3A_246, %swap3A_247], %swap3A_250 {strides = array<i32>} : memref<125x128xf32, #tpu.memory_space<vmem>>, vector<1x16xf32>,
      }
      %scan3A_117 = arith.constant 125 : i32
      %add3A_118 = arith.addi %mul3A_2, %add3A_57 : i32
      %add3A_119 = arith.constant 1 : i32
      %add3A_120 = arith.addi %add3A_118, %add3A_119 : i32
      %dma_start3A_121 = arith.constant 0 : i32
      %dma_start3A_122 = arith.constant 0 : i32
      %dma_start3A_123 = tpu.memref_slice %arg5[%add3A_120, %dma_start3A_121, %dma_start3A_122] : memref<2560x125x128xf32, #tpu.memory_space<hbm>> -> memref<1x125x128xf32, #tpu.memory_space<hbm>>
      %dma_start3A_124 = tpu.memref_squeeze %dma_start3A_123 : memref<1x125x128xf32, #tpu.memory_space<hbm>> -> memref<125x128xf32, #tpu.memory_space<hbm>>
      %dma_start3A_125 = arith.constant 0 : i32
      %dma_start3A_126 = arith.constant 0 : i32
      %dma_start3A_127 = tpu.memref_slice %arg5[%add3A_120, %dma_start3A_125, %dma_start3A_126] : memref<2560x125x128xf32, #tpu.memory_space<hbm>> -> memref<1x125x128xf32, #tpu.memory_space<hbm>>
      %dma_start3A_128 = tpu.memref_squeeze %dma_start3A_127 : memref<1x125x128xf32, #tpu.memory_space<hbm>> -> memref<125x128xf32, #tpu.memory_space<hbm>>
      tpu.enqueue_dma source(%arg13 : memref<125x128xf32, #tpu.memory_space<vmem>>) target(%dma_start3A_128 : memref<125x128xf32, #tpu.memory_space<hbm>>) target_semaphore(%arg17 : memref<!tpu.dma_semaphore, #tpu.memory_space<semaphore_mem>>)
      %add3A_129 = arith.constant 3 : i32
      %add3A_130 = arith.addi %add3A_57, %add3A_129 : i32
      %lt3A_131 = arith.constant 80 : i32
      %lt3A_132 = arith.cmpi slt, %add3A_130, %lt3A_131 : i32
      %convert_element_type3A_133 = arith.extui %lt3A_132 : i1 to i32
      %cond3A_134 = arith.constant 0 : i32
      %cond3A_135 = arith.cmpi ne, %convert_element_type3A_133, %cond3A_134 : i32
      scf.if %cond3A_135 {
        %add3A_136 = arith.constant 3 : i32
        %add3A_137 = arith.addi %add3A_57, %add3A_136 : i32
        %dma_start3A_138 = arith.constant 0 : i32
        %dma_start3A_139 = tpu.memref_slice %arg6[%add3A_137, %dma_start3A_138] : memref<80x125xi32, #tpu.memory_space<vmem>> -> memref<1x125xi32, #tpu.memory_space<vmem>>
        %dma_start3A_140 = tpu.memref_squeeze %dma_start3A_139 : memref<1x125xi32, #tpu.memory_space<vmem>> -> memref<125xi32, #tpu.memory_space<vmem>>
        %dma_start3A_141 = arith.constant 0 : i32
        %dma_start3A_142 = arith.constant 0 : i32
        %dma_start3A_143 = tpu.memref_slice %arg2[%dma_start3A_141, %dma_start3A_142] : memref<10240x128xf32, #tpu.memory_space<hbm>> -> memref<10240x128xf32, #tpu.memory_space<hbm>>
        tpu.enqueue_indirect_dma source(%dma_start3A_143 : memref<10240x128xf32, #tpu.memory_space<hbm>>) target(%arg10 : memref<125x128xf32, #tpu.memory_space<vmem>>) offsets(%dma_start3A_140 : memref<125xi32, #tpu.memory_space<vmem>>) semaphore(%arg15 : memref<!tpu.dma_semaphore, #tpu.memory_space<semaphore_mem>>)
        %dma_start3A_144 = arith.constant 0 : i32
        %dma_start3A_145 = tpu.memref_slice %arg7[%add3A_137, %dma_start3A_144] : memref<80x125xi32, #tpu.memory_space<vmem>> -> memref<1x125xi32, #tpu.memory_space<vmem>>
        %dma_start3A_146 = tpu.memref_squeeze %dma_start3A_145 : memref<1x125xi32, #tpu.memory_space<vmem>> -> memref<125xi32, #tpu.memory_space<vmem>>
        %dma_start3A_147 = arith.constant 0 : i32
        %dma_start3A_148 = arith.constant 0 : i32
        %dma_start3A_149 = tpu.memref_slice %arg2[%dma_start3A_147, %dma_start3A_148] : memref<10240x128xf32, #tpu.memory_space<hbm>> -> memref<10240x128xf32, #tpu.memory_space<hbm>>
        tpu.enqueue_indirect_dma source(%dma_start3A_149 : memref<10240x128xf32, #tpu.memory_space<hbm>>) target(%arg11 : memref<125x128xf32, #tpu.memory_space<vmem>>) offsets(%dma_start3A_146 : memref<125xi32, #tpu.memory_space<vmem>>) semaphore(%arg15 : memref<!tpu.dma_semaphore, #tpu.memory_space<semaphore_mem>>)
      } else {
      }
    }
    %scan3A_33 = arith.constant 40 : i32
    %add3A_34 = arith.constant 78 : i32
    %add3A_35 = arith.addi %mul3A_2, %add3A_34 : i32
    %dma_wait3A = arith.constant 0 : i32
    %dma_wait3A_36 = arith.constant 0 : i32
    %dma_wait3A_37 = tpu.memref_slice %arg5[%add3A_35, %dma_wait3A, %dma_wait3A_36] : memref<2560x125x128xf32, #tpu.memory_space<hbm>> -> memref<1x125x128xf32, #tpu.memory_space<hbm>>
    %dma_wait3A_38 = tpu.memref_squeeze %dma_wait3A_37 : memref<1x125x128xf32, #tpu.memory_space<hbm>> -> memref<125x128xf32, #tpu.memory_space<hbm>>
    %dma_wait3A_39 = arith.constant 0 : i32
    %dma_wait3A_40 = arith.constant 0 : i32
    %dma_wait3A_41 = tpu.memref_slice %arg5[%add3A_35, %dma_wait3A_39, %dma_wait3A_40] : memref<2560x125x128xf32, #tpu.memory_space<hbm>> -> memref<1x125x128xf32, #tpu.memory_space<hbm>>
    %dma_wait3A_42 = tpu.memref_squeeze %dma_wait3A_41 : memref<1x125x128xf32, #tpu.memory_space<hbm>> -> memref<125x128xf32, #tpu.memory_space<hbm>>
    tpu.wait_dma2 semaphore(%arg16 : memref<!tpu.dma_semaphore, #tpu.memory_space<semaphore_mem>>) src(%arg12 : memref<125x128xf32, #tpu.memory_space<vmem>>) dst(%dma_wait3A_42 : memref<125x128xf32, #tpu.memory_space<hbm>>)
    %add3A_43 = arith.constant 79 : i32
    %add3A_44 = arith.addi %mul3A_2, %add3A_43 : i32
    %dma_wait3A_45 = arith.constant 0 : i32
    %dma_wait3A_46 = arith.constant 0 : i32
    %dma_wait3A_47 = tpu.memref_slice %arg5[%add3A_44, %dma_wait3A_45, %dma_wait3A_46] : memref<2560x125x128xf32, #tpu.memory_space<hbm>> -> memref<1x125x128xf32, #tpu.memory_space<hbm>>
    %dma_wait3A_48 = tpu.memref_squeeze %dma_wait3A_47 : memref<1x125x128xf32, #tpu.memory_space<hbm>> -> memref<125x128xf32, #tpu.memory_space<hbm>>
    %dma_wait3A_49 = arith.constant 0 : i32
    %dma_wait3A_50 = arith.constant 0 : i32
    %dma_wait3A_51 = tpu.memref_slice %arg5[%add3A_44, %dma_wait3A_49, %dma_wait3A_50] : memref<2560x125x128xf32, #tpu.memory_space<hbm>> -> memref<1x125x128xf32, #tpu.memory_space<hbm>>
    %dma_wait3A_52 = tpu.memref_squeeze %dma_wait3A_51 : memref<1x125x128xf32, #tpu.memory_space<hbm>> -> memref<125x128xf32, #tpu.memory_space<hbm>>
    tpu.wait_dma2 semaphore(%arg17 : memref<!tpu.dma_semaphore, #tpu.memory_space<semaphore_mem>>) src(%arg13 : memref<125x128xf32, #tpu.memory_space<vmem>>) dst(%dma_wait3A_52 : memref<125x128xf32, #tpu.memory_space<hbm>>)
    return
  }
}

#map = affine_map<(d0, d1) -> (0, 0)>
#map1 = affine_map<(d0, d1) -> (0, 0, 0)>
module attributes {stable_mosaic.version = 14 : i64} {
  func.func @_sc_deg(%arg0: i32, %arg1: i32, %arg2: memref<2560x125xi32, #tpu.memory_space<hbm>>, %arg3: memref<2x10240x128xf32, #tpu.memory_space<hbm>>, %arg4: memref<80x125xi32, #tpu.memory_space<vmem>>, %arg5: memref<128xf32, #tpu.memory_space<vmem>>, %arg6: memref<640xf32, #tpu.memory_space<vmem>>, %arg7: memref<640x128xf32, #tpu.memory_space<vmem>>, %arg8: memref<10240xf32, #tpu.memory_space<vmem_shared>>) attributes {dimension_semantics = [#tpu.dimension_semantics<core_parallel>, #tpu.dimension_semantics<subcore_parallel>], iteration_bounds = array<i64: 2, 16>, scalar_prefetch = 0 : i64, scratch_operands = 5 : i64, tpu.core_type = #tpu.core_type<sc_vector_subcore>, window_params = [{transform_indices = #map}, {transform_indices = #map1}]} {
    %mul3A = arith.constant 2 : i32
    %mul3A_0 = arith.muli %arg1, %mul3A : i32
    %add3A = arith.addi %mul3A_0, %arg0 : i32
    %scan3A = arith.constant 0 : i32
    %scan3A_1 = arith.constant 40 : i32
    %scan3A_2 = arith.addi %scan3A, %scan3A_1 : i32
    %scan3A_3 = arith.constant 1 : i32
    scf.for %scan3A_29 = %scan3A to %scan3A_2 step %scan3A_3  : i32 {
      %mul3A_30 = arith.constant 1 : i32
      %mul3A_31 = arith.muli %scan3A_29, %mul3A_30 : i32
      %add3A_32 = arith.constant 0 : i32
      %add3A_33 = arith.addi %add3A_32, %mul3A_31 : i32
      %broadcast_in_dim3A = arith.constant 0.000000e+00 : f32
      %broadcast_in_dim3A_34 = vector.broadcast %broadcast_in_dim3A : f32 to vector<16xf32>
      %mul3A_35 = arith.constant 16 : i32
      %mul3A_36 = arith.muli %add3A_33, %mul3A_35 : i32
      %swap3A = arith.index_cast %mul3A_36 : i32 to index
      %swap3A_37 = tpu.vector_load %arg6[%swap3A] {strides = array<i32>} : memref<640xf32, #tpu.memory_space<vmem>>, vector<16xf32>,
      %swap3A_38 = vector.shape_cast %swap3A_37 : vector<16xf32> to vector<16xf32>
      %swap3A_39 = vector.shape_cast %broadcast_in_dim3A_34 : vector<16xf32> to vector<16xf32>
      tpu.vector_store %arg6[%swap3A], %swap3A_39 {strides = array<i32>} : memref<640xf32, #tpu.memory_space<vmem>>, vector<16xf32>,
    }
    %scan3A_4 = arith.constant 40 : i32
    %mul3A_5 = arith.constant 640 : i32
    %mul3A_6 = arith.muli %arg1, %mul3A_5 : i32
    "tpu.region"() ({
      %run_scoped3A = tpu.sem_alloc : memref<!tpu.dma_semaphore, #tpu.memory_space<semaphore_mem>>
      %dma_start3A = tpu.memref_slice %arg8[%mul3A_6] : memref<10240xf32, #tpu.memory_space<vmem_shared>> -> memref<640xf32, #tpu.memory_space<vmem_shared>>
      %dma_start3A_29 = tpu.memref_slice %arg8[%mul3A_6] : memref<10240xf32, #tpu.memory_space<vmem_shared>> -> memref<640xf32, #tpu.memory_space<vmem_shared>>
      tpu.enqueue_dma source(%arg6 : memref<640xf32, #tpu.memory_space<vmem>>) target(%dma_start3A_29 : memref<640xf32, #tpu.memory_space<vmem_shared>>) target_semaphore(%run_scoped3A : memref<!tpu.dma_semaphore, #tpu.memory_space<semaphore_mem>>)
      %dma_wait3A = tpu.memref_slice %arg8[%mul3A_6] : memref<10240xf32, #tpu.memory_space<vmem_shared>> -> memref<640xf32, #tpu.memory_space<vmem_shared>>
      %dma_wait3A_30 = tpu.memref_slice %arg8[%mul3A_6] : memref<10240xf32, #tpu.memory_space<vmem_shared>> -> memref<640xf32, #tpu.memory_space<vmem_shared>>
      tpu.wait_dma2 semaphore(%run_scoped3A : memref<!tpu.dma_semaphore, #tpu.memory_space<semaphore_mem>>) src(%arg6 : memref<640xf32, #tpu.memory_space<vmem>>) dst(%dma_wait3A_30 : memref<640xf32, #tpu.memory_space<vmem_shared>>)
      tpu.yield
    }) : () -> ()
    %scan3A_7 = arith.constant 0 : i32
    %scan3A_8 = arith.constant 8 : i32
    %scan3A_9 = arith.addi %scan3A_7, %scan3A_8 : i32
    %scan3A_10 = arith.constant 1 : i32
    scf.for %scan3A_29 = %scan3A_7 to %scan3A_9 step %scan3A_10  : i32 {
      %mul3A_30 = arith.constant 1 : i32
      %mul3A_31 = arith.muli %scan3A_29, %mul3A_30 : i32
      %add3A_32 = arith.constant 0 : i32
      %add3A_33 = arith.addi %add3A_32, %mul3A_31 : i32
      %broadcast_in_dim3A = arith.constant 1.000000e+00 : f32
      %broadcast_in_dim3A_34 = vector.broadcast %broadcast_in_dim3A : f32 to vector<16xf32>
      %mul3A_35 = arith.constant 16 : i32
      %mul3A_36 = arith.muli %add3A_33, %mul3A_35 : i32
      %swap3A = arith.index_cast %mul3A_36 : i32 to index
      %swap3A_37 = tpu.vector_load %arg5[%swap3A] {strides = array<i32>} : memref<128xf32, #tpu.memory_space<vmem>>, vector<16xf32>,
      %swap3A_38 = vector.shape_cast %swap3A_37 : vector<16xf32> to vector<16xf32>
      %swap3A_39 = vector.shape_cast %broadcast_in_dim3A_34 : vector<16xf32> to vector<16xf32>
      tpu.vector_store %arg5[%swap3A], %swap3A_39 {strides = array<i32>} : memref<128xf32, #tpu.memory_space<vmem>>, vector<16xf32>,
    }
    %scan3A_11 = arith.constant 8 : i32
    %mul3A_12 = arith.constant 80 : i32
    %mul3A_13 = arith.muli %add3A, %mul3A_12 : i32
    "tpu.region"() ({
      %run_scoped3A = tpu.sem_alloc : memref<!tpu.dma_semaphore, #tpu.memory_space<semaphore_mem>>
      %dma_start3A = arith.constant 0 : i32
      %dma_start3A_29 = tpu.memref_slice %arg2[%mul3A_13, %dma_start3A] : memref<2560x125xi32, #tpu.memory_space<hbm>> -> memref<80x125xi32, #tpu.memory_space<hbm>>
      %dma_start3A_30 = arith.constant 0 : i32
      %dma_start3A_31 = tpu.memref_slice %arg2[%mul3A_13, %dma_start3A_30] : memref<2560x125xi32, #tpu.memory_space<hbm>> -> memref<80x125xi32, #tpu.memory_space<hbm>>
      tpu.enqueue_dma source(%dma_start3A_31 : memref<80x125xi32, #tpu.memory_space<hbm>>) target(%arg4 : memref<80x125xi32, #tpu.memory_space<vmem>>) target_semaphore(%run_scoped3A : memref<!tpu.dma_semaphore, #tpu.memory_space<semaphore_mem>>)
      %dma_wait3A = arith.constant 0 : i32
      %dma_wait3A_32 = tpu.memref_slice %arg2[%mul3A_13, %dma_wait3A] : memref<2560x125xi32, #tpu.memory_space<hbm>> -> memref<80x125xi32, #tpu.memory_space<hbm>>
      %dma_wait3A_33 = arith.constant 0 : i32
      %dma_wait3A_34 = tpu.memref_slice %arg2[%mul3A_13, %dma_wait3A_33] : memref<2560x125xi32, #tpu.memory_space<hbm>> -> memref<80x125xi32, #tpu.memory_space<hbm>>
      tpu.wait_dma2 semaphore(%run_scoped3A : memref<!tpu.dma_semaphore, #tpu.memory_space<semaphore_mem>>) src(%dma_wait3A_34 : memref<80x125xi32, #tpu.memory_space<hbm>>) dst(%arg4 : memref<80x125xi32, #tpu.memory_space<vmem>>)
      tpu.yield
    }) : () -> ()
    %barrier3A = arith.constant 0 : index
    tpu.barrier barrier_id(%barrier3A)
    %scan3A_14 = arith.constant 0 : i32
    %scan3A_15 = arith.constant 80 : i32
    %scan3A_16 = arith.addi %scan3A_14, %scan3A_15 : i32
    %scan3A_17 = arith.constant 1 : i32
    scf.for %scan3A_29 = %scan3A_14 to %scan3A_16 step %scan3A_17  : i32 {
      %mul3A_30 = arith.constant 1 : i32
      %mul3A_31 = arith.muli %scan3A_29, %mul3A_30 : i32
      %add3A_32 = arith.constant 0 : i32
      %add3A_33 = arith.addi %add3A_32, %mul3A_31 : i32
      "tpu.region"() ({
        %run_scoped3A = tpu.sem_alloc : memref<!tpu.dma_semaphore, #tpu.memory_space<semaphore_mem>>
        %dma_start3A = arith.constant 0 : i32
        %dma_start3A_34 = tpu.memref_slice %arg5[%dma_start3A] : memref<128xf32, #tpu.memory_space<vmem>> -> memref<125xf32, #tpu.memory_space<vmem>>
        %dma_start3A_35 = arith.constant 0 : i32
        %dma_start3A_36 = tpu.memref_slice %arg4[%add3A_33, %dma_start3A_35] : memref<80x125xi32, #tpu.memory_space<vmem>> -> memref<1x125xi32, #tpu.memory_space<vmem>>
        %dma_start3A_37 = tpu.memref_squeeze %dma_start3A_36 : memref<1x125xi32, #tpu.memory_space<vmem>> -> memref<125xi32, #tpu.memory_space<vmem>>
        %dma_start3A_38 = arith.constant 0 : i32
        %dma_start3A_39 = tpu.memref_slice %arg8[%dma_start3A_38] : memref<10240xf32, #tpu.memory_space<vmem_shared>> -> memref<10240xf32, #tpu.memory_space<vmem_shared>>
        tpu.enqueue_indirect_dma source(%dma_start3A_34 : memref<125xf32, #tpu.memory_space<vmem>>) target(%dma_start3A_39 : memref<10240xf32, #tpu.memory_space<vmem_shared>>) offsets(%dma_start3A_37 : memref<125xi32, #tpu.memory_space<vmem>>) semaphore(%run_scoped3A : memref<!tpu.dma_semaphore, #tpu.memory_space<semaphore_mem>>) {add = true}
        %dma_wait3A = arith.constant 0 : i32
        %dma_wait3A_40 = tpu.memref_slice %arg5[%dma_wait3A] : memref<128xf32, #tpu.memory_space<vmem>> -> memref<125xf32, #tpu.memory_space<vmem>>
        %dma_wait3A_41 = arith.constant 0 : i32
        %dma_wait3A_42 = tpu.memref_slice %arg4[%add3A_33, %dma_wait3A_41] : memref<80x125xi32, #tpu.memory_space<vmem>> -> memref<1x125xi32, #tpu.memory_space<vmem>>
        %dma_wait3A_43 = tpu.memref_squeeze %dma_wait3A_42 : memref<1x125xi32, #tpu.memory_space<vmem>> -> memref<125xi32, #tpu.memory_space<vmem>>
        %dma_wait3A_44 = arith.constant 0 : i32
        %dma_wait3A_45 = tpu.memref_slice %arg8[%dma_wait3A_44] : memref<10240xf32, #tpu.memory_space<vmem_shared>> -> memref<10240xf32, #tpu.memory_space<vmem_shared>>
        tpu.wait_indirect_dma semaphore(%run_scoped3A : memref<!tpu.dma_semaphore, #tpu.memory_space<semaphore_mem>>) src(%dma_wait3A_40 : memref<125xf32, #tpu.memory_space<vmem>>) dst(%dma_wait3A_45 : memref<10240xf32, #tpu.memory_space<vmem_shared>>)
        tpu.yield
      }) : () -> ()
    }
    %scan3A_18 = arith.constant 80 : i32
    %barrier3A_19 = arith.constant 0 : index
    tpu.barrier barrier_id(%barrier3A_19)
    %mul3A_20 = arith.constant 640 : i32
    %mul3A_21 = arith.muli %arg1, %mul3A_20 : i32
    "tpu.region"() ({
      %run_scoped3A = tpu.sem_alloc : memref<!tpu.dma_semaphore, #tpu.memory_space<semaphore_mem>>
      %dma_start3A = tpu.memref_slice %arg8[%mul3A_21] : memref<10240xf32, #tpu.memory_space<vmem_shared>> -> memref<640xf32, #tpu.memory_space<vmem_shared>>
      %dma_start3A_29 = tpu.memref_slice %arg8[%mul3A_21] : memref<10240xf32, #tpu.memory_space<vmem_shared>> -> memref<640xf32, #tpu.memory_space<vmem_shared>>
      tpu.enqueue_dma source(%dma_start3A_29 : memref<640xf32, #tpu.memory_space<vmem_shared>>) target(%arg6 : memref<640xf32, #tpu.memory_space<vmem>>) target_semaphore(%run_scoped3A : memref<!tpu.dma_semaphore, #tpu.memory_space<semaphore_mem>>)
      %dma_wait3A = tpu.memref_slice %arg8[%mul3A_21] : memref<10240xf32, #tpu.memory_space<vmem_shared>> -> memref<640xf32, #tpu.memory_space<vmem_shared>>
      %dma_wait3A_30 = tpu.memref_slice %arg8[%mul3A_21] : memref<10240xf32, #tpu.memory_space<vmem_shared>> -> memref<640xf32, #tpu.memory_space<vmem_shared>>
      tpu.wait_dma2 semaphore(%run_scoped3A : memref<!tpu.dma_semaphore, #tpu.memory_space<semaphore_mem>>) src(%dma_wait3A_30 : memref<640xf32, #tpu.memory_space<vmem_shared>>) dst(%arg6 : memref<640xf32, #tpu.memory_space<vmem>>)
      tpu.yield
    }) : () -> ()
    %scan3A_22 = arith.constant 0 : i32
    %scan3A_23 = arith.constant 40 : i32
    %scan3A_24 = arith.addi %scan3A_22, %scan3A_23 : i32
    %scan3A_25 = arith.constant 1 : i32
    scf.for %scan3A_29 = %scan3A_22 to %scan3A_24 step %scan3A_25  : i32 {
      %mul3A_30 = arith.constant 1 : i32
      %mul3A_31 = arith.muli %scan3A_29, %mul3A_30 : i32
      %add3A_32 = arith.constant 0 : i32
      %add3A_33 = arith.addi %add3A_32, %mul3A_31 : i32
      %mul3A_34 = arith.constant 16 : i32
      %mul3A_35 = arith.muli %add3A_33, %mul3A_34 : i32
      %get3A = arith.index_cast %mul3A_35 : i32 to index
      %get3A_36 = tpu.vector_load %arg6[%get3A] {strides = array<i32>} : memref<640xf32, #tpu.memory_space<vmem>>, vector<16xf32>,
      %get3A_37 = vector.shape_cast %get3A_36 : vector<16xf32> to vector<16xf32>
      %slice3A = vector.extract_strided_slice %get3A_37 {offsets = [0], sizes = [1], strides = [1]} : vector<16xf32> to vector<1xf32>
      %squeeze3A = vector.extract %slice3A[0] : f32 from vector<1xf32>
      %broadcast_in_dim3A = vector.broadcast %squeeze3A : f32 to vector<16xf32>
      %mul3A_38 = arith.constant 16 : i32
      %mul3A_39 = arith.muli %add3A_33, %mul3A_38 : i32
      %add3A_40 = arith.constant 0 : i32
      %add3A_41 = arith.addi %mul3A_39, %add3A_40 : i32
      %swap3A = arith.index_cast %add3A_41 : i32 to index
      %swap3A_42 = arith.constant 0 : index
      %swap3A_43 = tpu.vector_load %arg7[%swap3A, %swap3A_42] {strides = array<i32>} : memref<640x128xf32, #tpu.memory_space<vmem>>, vector<1x16xf32>,
      %swap3A_44 = vector.shape_cast %swap3A_43 : vector<1x16xf32> to vector<16xf32>
      %swap3A_45 = vector.shape_cast %broadcast_in_dim3A : vector<16xf32> to vector<1x16xf32>
      tpu.vector_store %arg7[%swap3A, %swap3A_42], %swap3A_45 {strides = array<i32>} : memref<640x128xf32, #tpu.memory_space<vmem>>, vector<1x16xf32>,
      %mul3A_46 = arith.constant 16 : i32
      %mul3A_47 = arith.muli %add3A_33, %mul3A_46 : i32
      %add3A_48 = arith.constant 0 : i32
      %add3A_49 = arith.addi %mul3A_47, %add3A_48 : i32
      %swap3A_50 = arith.index_cast %add3A_49 : i32 to index
      %swap3A_51 = arith.constant 16 : index
      %swap3A_52 = tpu.vector_load %arg7[%swap3A_50, %swap3A_51] {strides = array<i32>} : memref<640x128xf32, #tpu.memory_space<vmem>>, vector<1x16xf32>,
      %swap3A_53 = vector.shape_cast %swap3A_52 : vector<1x16xf32> to vector<16xf32>
      %swap3A_54 = vector.shape_cast %broadcast_in_dim3A : vector<16xf32> to vector<1x16xf32>
      tpu.vector_store %arg7[%swap3A_50, %swap3A_51], %swap3A_54 {strides = array<i32>} : memref<640x128xf32, #tpu.memory_space<vmem>>, vector<1x16xf32>,
      %mul3A_55 = arith.constant 16 : i32
      %mul3A_56 = arith.muli %add3A_33, %mul3A_55 : i32
      %add3A_57 = arith.constant 0 : i32
      %add3A_58 = arith.addi %mul3A_56, %add3A_57 : i32
      %swap3A_59 = arith.index_cast %add3A_58 : i32 to index
      %swap3A_60 = arith.constant 32 : index
      %swap3A_61 = tpu.vector_load %arg7[%swap3A_59, %swap3A_60] {strides = array<i32>} : memref<640x128xf32, #tpu.memory_space<vmem>>, vector<1x16xf32>,
      %swap3A_62 = vector.shape_cast %swap3A_61 : vector<1x16xf32> to vector<16xf32>
      %swap3A_63 = vector.shape_cast %broadcast_in_dim3A : vector<16xf32> to vector<1x16xf32>
      tpu.vector_store %arg7[%swap3A_59, %swap3A_60], %swap3A_63 {strides = array<i32>} : memref<640x128xf32, #tpu.memory_space<vmem>>, vector<1x16xf32>,
      %mul3A_64 = arith.constant 16 : i32
      %mul3A_65 = arith.muli %add3A_33, %mul3A_64 : i32
      %add3A_66 = arith.constant 0 : i32
      %add3A_67 = arith.addi %mul3A_65, %add3A_66 : i32
      %swap3A_68 = arith.index_cast %add3A_67 : i32 to index
      %swap3A_69 = arith.constant 48 : index
      %swap3A_70 = tpu.vector_load %arg7[%swap3A_68, %swap3A_69] {strides = array<i32>} : memref<640x128xf32, #tpu.memory_space<vmem>>, vector<1x16xf32>,
      %swap3A_71 = vector.shape_cast %swap3A_70 : vector<1x16xf32> to vector<16xf32>
      %swap3A_72 = vector.shape_cast %broadcast_in_dim3A : vector<16xf32> to vector<1x16xf32>
      tpu.vector_store %arg7[%swap3A_68, %swap3A_69], %swap3A_72 {strides = array<i32>} : memref<640x128xf32, #tpu.memory_space<vmem>>, vector<1x16xf32>,
      %mul3A_73 = arith.constant 16 : i32
      %mul3A_74 = arith.muli %add3A_33, %mul3A_73 : i32
      %add3A_75 = arith.constant 0 : i32
      %add3A_76 = arith.addi %mul3A_74, %add3A_75 : i32
      %swap3A_77 = arith.index_cast %add3A_76 : i32 to index
      %swap3A_78 = arith.constant 64 : index
      %swap3A_79 = tpu.vector_load %arg7[%swap3A_77, %swap3A_78] {strides = array<i32>} : memref<640x128xf32, #tpu.memory_space<vmem>>, vector<1x16xf32>,
      %swap3A_80 = vector.shape_cast %swap3A_79 : vector<1x16xf32> to vector<16xf32>
      %swap3A_81 = vector.shape_cast %broadcast_in_dim3A : vector<16xf32> to vector<1x16xf32>
      tpu.vector_store %arg7[%swap3A_77, %swap3A_78], %swap3A_81 {strides = array<i32>} : memref<640x128xf32, #tpu.memory_space<vmem>>, vector<1x16xf32>,
      %mul3A_82 = arith.constant 16 : i32
      %mul3A_83 = arith.muli %add3A_33, %mul3A_82 : i32
      %add3A_84 = arith.constant 0 : i32
      %add3A_85 = arith.addi %mul3A_83, %add3A_84 : i32
      %swap3A_86 = arith.index_cast %add3A_85 : i32 to index
      %swap3A_87 = arith.constant 80 : index
      %swap3A_88 = tpu.vector_load %arg7[%swap3A_86, %swap3A_87] {strides = array<i32>} : memref<640x128xf32, #tpu.memory_space<vmem>>, vector<1x16xf32>,
      %swap3A_89 = vector.shape_cast %swap3A_88 : vector<1x16xf32> to vector<16xf32>
      %swap3A_90 = vector.shape_cast %broadcast_in_dim3A : vector<16xf32> to vector<1x16xf32>
      tpu.vector_store %arg7[%swap3A_86, %swap3A_87], %swap3A_90 {strides = array<i32>} : memref<640x128xf32, #tpu.memory_space<vmem>>, vector<1x16xf32>,
      %mul3A_91 = arith.constant 16 : i32
      %mul3A_92 = arith.muli %add3A_33, %mul3A_91 : i32
      %add3A_93 = arith.constant 0 : i32
      %add3A_94 = arith.addi %mul3A_92, %add3A_93 : i32
      %swap3A_95 = arith.index_cast %add3A_94 : i32 to index
      %swap3A_96 = arith.constant 96 : index
      %swap3A_97 = tpu.vector_load %arg7[%swap3A_95, %swap3A_96] {strides = array<i32>} : memref<640x128xf32, #tpu.memory_space<vmem>>, vector<1x16xf32>,
      %swap3A_98 = vector.shape_cast %swap3A_97 : vector<1x16xf32> to vector<16xf32>
      %swap3A_99 = vector.shape_cast %broadcast_in_dim3A : vector<16xf32> to vector<1x16xf32>
      tpu.vector_store %arg7[%swap3A_95, %swap3A_96], %swap3A_99 {strides = array<i32>} : memref<640x128xf32, #tpu.memory_space<vmem>>, vector<1x16xf32>,
      %mul3A_100 = arith.constant 16 : i32
      %mul3A_101 = arith.muli %add3A_33, %mul3A_100 : i32
      %add3A_102 = arith.constant 0 : i32
      %add3A_103 = arith.addi %mul3A_101, %add3A_102 : i32
      %swap3A_104 = arith.index_cast %add3A_103 : i32 to index
      %swap3A_105 = arith.constant 112 : index
      %swap3A_106 = tpu.vector_load %arg7[%swap3A_104, %swap3A_105] {strides = array<i32>} : memref<640x128xf32, #tpu.memory_space<vmem>>, vector<1x16xf32>,
      %swap3A_107 = vector.shape_cast %swap3A_106 : vector<1x16xf32> to vector<16xf32>
      %swap3A_108 = vector.shape_cast %broadcast_in_dim3A : vector<16xf32> to vector<1x16xf32>
      tpu.vector_store %arg7[%swap3A_104, %swap3A_105], %swap3A_108 {strides = array<i32>} : memref<640x128xf32, #tpu.memory_space<vmem>>, vector<1x16xf32>,
      %slice3A_109 = vector.extract_strided_slice %get3A_37 {offsets = [1], sizes = [1], strides = [1]} : vector<16xf32> to vector<1xf32>
      %squeeze3A_110 = vector.extract %slice3A_109[0] : f32 from vector<1xf32>
      %broadcast_in_dim3A_111 = vector.broadcast %squeeze3A_110 : f32 to vector<16xf32>
      %mul3A_112 = arith.constant 16 : i32
      %mul3A_113 = arith.muli %add3A_33, %mul3A_112 : i32
      %add3A_114 = arith.constant 1 : i32
      %add3A_115 = arith.addi %mul3A_113, %add3A_114 : i32
      %swap3A_116 = arith.index_cast %add3A_115 : i32 to index
      %swap3A_117 = arith.constant 0 : index
      %swap3A_118 = tpu.vector_load %arg7[%swap3A_116, %swap3A_117] {strides = array<i32>} : memref<640x128xf32, #tpu.memory_space<vmem>>, vector<1x16xf32>,
      %swap3A_119 = vector.shape_cast %swap3A_118 : vector<1x16xf32> to vector<16xf32>
      %swap3A_120 = vector.shape_cast %broadcast_in_dim3A_111 : vector<16xf32> to vector<1x16xf32>
      tpu.vector_store %arg7[%swap3A_116, %swap3A_117], %swap3A_120 {strides = array<i32>} : memref<640x128xf32, #tpu.memory_space<vmem>>, vector<1x16xf32>,
      %mul3A_121 = arith.constant 16 : i32
      %mul3A_122 = arith.muli %add3A_33, %mul3A_121 : i32
      %add3A_123 = arith.constant 1 : i32
      %add3A_124 = arith.addi %mul3A_122, %add3A_123 : i32
      %swap3A_125 = arith.index_cast %add3A_124 : i32 to index
      %swap3A_126 = arith.constant 16 : index
      %swap3A_127 = tpu.vector_load %arg7[%swap3A_125, %swap3A_126] {strides = array<i32>} : memref<640x128xf32, #tpu.memory_space<vmem>>, vector<1x16xf32>,
      %swap3A_128 = vector.shape_cast %swap3A_127 : vector<1x16xf32> to vector<16xf32>
      %swap3A_129 = vector.shape_cast %broadcast_in_dim3A_111 : vector<16xf32> to vector<1x16xf32>
      tpu.vector_store %arg7[%swap3A_125, %swap3A_126], %swap3A_129 {strides = array<i32>} : memref<640x128xf32, #tpu.memory_space<vmem>>, vector<1x16xf32>,
      %mul3A_130 = arith.constant 16 : i32
      %mul3A_131 = arith.muli %add3A_33, %mul3A_130 : i32
      %add3A_132 = arith.constant 1 : i32
      %add3A_133 = arith.addi %mul3A_131, %add3A_132 : i32
      %swap3A_134 = arith.index_cast %add3A_133 : i32 to index
      %swap3A_135 = arith.constant 32 : index
      %swap3A_136 = tpu.vector_load %arg7[%swap3A_134, %swap3A_135] {strides = array<i32>} : memref<640x128xf32, #tpu.memory_space<vmem>>, vector<1x16xf32>,
      %swap3A_137 = vector.shape_cast %swap3A_136 : vector<1x16xf32> to vector<16xf32>
      %swap3A_138 = vector.shape_cast %broadcast_in_dim3A_111 : vector<16xf32> to vector<1x16xf32>
      tpu.vector_store %arg7[%swap3A_134, %swap3A_135], %swap3A_138 {strides = array<i32>} : memref<640x128xf32, #tpu.memory_space<vmem>>, vector<1x16xf32>,
      %mul3A_139 = arith.constant 16 : i32
      %mul3A_140 = arith.muli %add3A_33, %mul3A_139 : i32
      %add3A_141 = arith.constant 1 : i32
      %add3A_142 = arith.addi %mul3A_140, %add3A_141 : i32
      %swap3A_143 = arith.index_cast %add3A_142 : i32 to index
      %swap3A_144 = arith.constant 48 : index
      %swap3A_145 = tpu.vector_load %arg7[%swap3A_143, %swap3A_144] {strides = array<i32>} : memref<640x128xf32, #tpu.memory_space<vmem>>, vector<1x16xf32>,
      %swap3A_146 = vector.shape_cast %swap3A_145 : vector<1x16xf32> to vector<16xf32>
      %swap3A_147 = vector.shape_cast %broadcast_in_dim3A_111 : vector<16xf32> to vector<1x16xf32>
      tpu.vector_store %arg7[%swap3A_143, %swap3A_144], %swap3A_147 {strides = array<i32>} : memref<640x128xf32, #tpu.memory_space<vmem>>, vector<1x16xf32>,
      %mul3A_148 = arith.constant 16 : i32
      %mul3A_149 = arith.muli %add3A_33, %mul3A_148 : i32
      %add3A_150 = arith.constant 1 : i32
      %add3A_151 = arith.addi %mul3A_149, %add3A_150 : i32
      %swap3A_152 = arith.index_cast %add3A_151 : i32 to index
      %swap3A_153 = arith.constant 64 : index
      %swap3A_154 = tpu.vector_load %arg7[%swap3A_152, %swap3A_153] {strides = array<i32>} : memref<640x128xf32, #tpu.memory_space<vmem>>, vector<1x16xf32>,
      %swap3A_155 = vector.shape_cast %swap3A_154 : vector<1x16xf32> to vector<16xf32>
      %swap3A_156 = vector.shape_cast %broadcast_in_dim3A_111 : vector<16xf32> to vector<1x16xf32>
      tpu.vector_store %arg7[%swap3A_152, %swap3A_153], %swap3A_156 {strides = array<i32>} : memref<640x128xf32, #tpu.memory_space<vmem>>, vector<1x16xf32>,
      %mul3A_157 = arith.constant 16 : i32
      %mul3A_158 = arith.muli %add3A_33, %mul3A_157 : i32
      %add3A_159 = arith.constant 1 : i32
      %add3A_160 = arith.addi %mul3A_158, %add3A_159 : i32
      %swap3A_161 = arith.index_cast %add3A_160 : i32 to index
      %swap3A_162 = arith.constant 80 : index
      %swap3A_163 = tpu.vector_load %arg7[%swap3A_161, %swap3A_162] {strides = array<i32>} : memref<640x128xf32, #tpu.memory_space<vmem>>, vector<1x16xf32>,
      %swap3A_164 = vector.shape_cast %swap3A_163 : vector<1x16xf32> to vector<16xf32>
      %swap3A_165 = vector.shape_cast %broadcast_in_dim3A_111 : vector<16xf32> to vector<1x16xf32>
      tpu.vector_store %arg7[%swap3A_161, %swap3A_162], %swap3A_165 {strides = array<i32>} : memref<640x128xf32, #tpu.memory_space<vmem>>, vector<1x16xf32>,
      %mul3A_166 = arith.constant 16 : i32
      %mul3A_167 = arith.muli %add3A_33, %mul3A_166 : i32
      %add3A_168 = arith.constant 1 : i32
      %add3A_169 = arith.addi %mul3A_167, %add3A_168 : i32
      %swap3A_170 = arith.index_cast %add3A_169 : i32 to index
      %swap3A_171 = arith.constant 96 : index
      %swap3A_172 = tpu.vector_load %arg7[%swap3A_170, %swap3A_171] {strides = array<i32>} : memref<640x128xf32, #tpu.memory_space<vmem>>, vector<1x16xf32>,
      %swap3A_173 = vector.shape_cast %swap3A_172 : vector<1x16xf32> to vector<16xf32>
      %swap3A_174 = vector.shape_cast %broadcast_in_dim3A_111 : vector<16xf32> to vector<1x16xf32>
      tpu.vector_store %arg7[%swap3A_170, %swap3A_171], %swap3A_174 {strides = array<i32>} : memref<640x128xf32, #tpu.memory_space<vmem>>, vector<1x16xf32>,
      %mul3A_175 = arith.constant 16 : i32
      %mul3A_176 = arith.muli %add3A_33, %mul3A_175 : i32
      %add3A_177 = arith.constant 1 : i32
      %add3A_178 = arith.addi %mul3A_176, %add3A_177 : i32
      %swap3A_179 = arith.index_cast %add3A_178 : i32 to index
      %swap3A_180 = arith.constant 112 : index
      %swap3A_181 = tpu.vector_load %arg7[%swap3A_179, %swap3A_180] {strides = array<i32>} : memref<640x128xf32, #tpu.memory_space<vmem>>, vector<1x16xf32>,
      %swap3A_182 = vector.shape_cast %swap3A_181 : vector<1x16xf32> to vector<16xf32>
      %swap3A_183 = vector.shape_cast %broadcast_in_dim3A_111 : vector<16xf32> to vector<1x16xf32>
      tpu.vector_store %arg7[%swap3A_179, %swap3A_180], %swap3A_183 {strides = array<i32>} : memref<640x128xf32, #tpu.memory_space<vmem>>, vector<1x16xf32>,
      %slice3A_184 = vector.extract_strided_slice %get3A_37 {offsets = [2], sizes = [1], strides = [1]} : vector<16xf32> to vector<1xf32>
      %squeeze3A_185 = vector.extract %slice3A_184[0] : f32 from vector<1xf32>
      %broadcast_in_dim3A_186 = vector.broadcast %squeeze3A_185 : f32 to vector<16xf32>
      %mul3A_187 = arith.constant 16 : i32
      %mul3A_188 = arith.muli %add3A_33, %mul3A_187 : i32
      %add3A_189 = arith.constant 2 : i32
      %add3A_190 = arith.addi %mul3A_188, %add3A_189 : i32
      %swap3A_191 = arith.index_cast %add3A_190 : i32 to index
      %swap3A_192 = arith.constant 0 : index
      %swap3A_193 = tpu.vector_load %arg7[%swap3A_191, %swap3A_192] {strides = array<i32>} : memref<640x128xf32, #tpu.memory_space<vmem>>, vector<1x16xf32>,
      %swap3A_194 = vector.shape_cast %swap3A_193 : vector<1x16xf32> to vector<16xf32>
      %swap3A_195 = vector.shape_cast %broadcast_in_dim3A_186 : vector<16xf32> to vector<1x16xf32>
      tpu.vector_store %arg7[%swap3A_191, %swap3A_192], %swap3A_195 {strides = array<i32>} : memref<640x128xf32, #tpu.memory_space<vmem>>, vector<1x16xf32>,
      %mul3A_196 = arith.constant 16 : i32
      %mul3A_197 = arith.muli %add3A_33, %mul3A_196 : i32
      %add3A_198 = arith.constant 2 : i32
      %add3A_199 = arith.addi %mul3A_197, %add3A_198 : i32
      %swap3A_200 = arith.index_cast %add3A_199 : i32 to index
      %swap3A_201 = arith.constant 16 : index
      %swap3A_202 = tpu.vector_load %arg7[%swap3A_200, %swap3A_201] {strides = array<i32>} : memref<640x128xf32, #tpu.memory_space<vmem>>, vector<1x16xf32>,
      %swap3A_203 = vector.shape_cast %swap3A_202 : vector<1x16xf32> to vector<16xf32>
      %swap3A_204 = vector.shape_cast %broadcast_in_dim3A_186 : vector<16xf32> to vector<1x16xf32>
      tpu.vector_store %arg7[%swap3A_200, %swap3A_201], %swap3A_204 {strides = array<i32>} : memref<640x128xf32, #tpu.memory_space<vmem>>, vector<1x16xf32>,
      %mul3A_205 = arith.constant 16 : i32
      %mul3A_206 = arith.muli %add3A_33, %mul3A_205 : i32
      %add3A_207 = arith.constant 2 : i32
      %add3A_208 = arith.addi %mul3A_206, %add3A_207 : i32
      %swap3A_209 = arith.index_cast %add3A_208 : i32 to index
      %swap3A_210 = arith.constant 32 : index
      %swap3A_211 = tpu.vector_load %arg7[%swap3A_209, %swap3A_210] {strides = array<i32>} : memref<640x128xf32, #tpu.memory_space<vmem>>, vector<1x16xf32>,
      %swap3A_212 = vector.shape_cast %swap3A_211 : vector<1x16xf32> to vector<16xf32>
      %swap3A_213 = vector.shape_cast %broadcast_in_dim3A_186 : vector<16xf32> to vector<1x16xf32>
      tpu.vector_store %arg7[%swap3A_209, %swap3A_210], %swap3A_213 {strides = array<i32>} : memref<640x128xf32, #tpu.memory_space<vmem>>, vector<1x16xf32>,
      %mul3A_214 = arith.constant 16 : i32
      %mul3A_215 = arith.muli %add3A_33, %mul3A_214 : i32
      %add3A_216 = arith.constant 2 : i32
      %add3A_217 = arith.addi %mul3A_215, %add3A_216 : i32
      %swap3A_218 = arith.index_cast %add3A_217 : i32 to index
      %swap3A_219 = arith.constant 48 : index
      %swap3A_220 = tpu.vector_load %arg7[%swap3A_218, %swap3A_219] {strides = array<i32>} : memref<640x128xf32, #tpu.memory_space<vmem>>, vector<1x16xf32>,
      %swap3A_221 = vector.shape_cast %swap3A_220 : vector<1x16xf32> to vector<16xf32>
      %swap3A_222 = vector.shape_cast %broadcast_in_dim3A_186 : vector<16xf32> to vector<1x16xf32>
      tpu.vector_store %arg7[%swap3A_218, %swap3A_219], %swap3A_222 {strides = array<i32>} : memref<640x128xf32, #tpu.memory_space<vmem>>, vector<1x16xf32>,
      %mul3A_223 = arith.constant 16 : i32
      %mul3A_224 = arith.muli %add3A_33, %mul3A_223 : i32
      %add3A_225 = arith.constant 2 : i32
      %add3A_226 = arith.addi %mul3A_224, %add3A_225 : i32
      %swap3A_227 = arith.index_cast %add3A_226 : i32 to index
      %swap3A_228 = arith.constant 64 : index
      %swap3A_229 = tpu.vector_load %arg7[%swap3A_227, %swap3A_228] {strides = array<i32>} : memref<640x128xf32, #tpu.memory_space<vmem>>, vector<1x16xf32>,
      %swap3A_230 = vector.shape_cast %swap3A_229 : vector<1x16xf32> to vector<16xf32>
      %swap3A_231 = vector.shape_cast %broadcast_in_dim3A_186 : vector<16xf32> to vector<1x16xf32>
      tpu.vector_store %arg7[%swap3A_227, %swap3A_228], %swap3A_231 {strides = array<i32>} : memref<640x128xf32, #tpu.memory_space<vmem>>, vector<1x16xf32>,
      %mul3A_232 = arith.constant 16 : i32
      %mul3A_233 = arith.muli %add3A_33, %mul3A_232 : i32
      %add3A_234 = arith.constant 2 : i32
      %add3A_235 = arith.addi %mul3A_233, %add3A_234 : i32
      %swap3A_236 = arith.index_cast %add3A_235 : i32 to index
      %swap3A_237 = arith.constant 80 : index
      %swap3A_238 = tpu.vector_load %arg7[%swap3A_236, %swap3A_237] {strides = array<i32>} : memref<640x128xf32, #tpu.memory_space<vmem>>, vector<1x16xf32>,
      %swap3A_239 = vector.shape_cast %swap3A_238 : vector<1x16xf32> to vector<16xf32>
      %swap3A_240 = vector.shape_cast %broadcast_in_dim3A_186 : vector<16xf32> to vector<1x16xf32>
      tpu.vector_store %arg7[%swap3A_236, %swap3A_237], %swap3A_240 {strides = array<i32>} : memref<640x128xf32, #tpu.memory_space<vmem>>, vector<1x16xf32>,
      %mul3A_241 = arith.constant 16 : i32
      %mul3A_242 = arith.muli %add3A_33, %mul3A_241 : i32
      %add3A_243 = arith.constant 2 : i32
      %add3A_244 = arith.addi %mul3A_242, %add3A_243 : i32
      %swap3A_245 = arith.index_cast %add3A_244 : i32 to index
      %swap3A_246 = arith.constant 96 : index
      %swap3A_247 = tpu.vector_load %arg7[%swap3A_245, %swap3A_246] {strides = array<i32>} : memref<640x128xf32, #tpu.memory_space<vmem>>, vector<1x16xf32>,
      %swap3A_248 = vector.shape_cast %swap3A_247 : vector<1x16xf32> to vector<16xf32>
      %swap3A_249 = vector.shape_cast %broadcast_in_dim3A_186 : vector<16xf32> to vector<1x16xf32>
      tpu.vector_store %arg7[%swap3A_245, %swap3A_246], %swap3A_249 {strides = array<i32>} : memref<640x128xf32, #tpu.memory_space<vmem>>, vector<1x16xf32>,
      %mul3A_250 = arith.constant 16 : i32
      %mul3A_251 = arith.muli %add3A_33, %mul3A_250 : i32
      %add3A_252 = arith.constant 2 : i32
      %add3A_253 = arith.addi %mul3A_251, %add3A_252 : i32
      %swap3A_254 = arith.index_cast %add3A_253 : i32 to index
      %swap3A_255 = arith.constant 112 : index
      %swap3A_256 = tpu.vector_load %arg7[%swap3A_254, %swap3A_255] {strides = array<i32>} : memref<640x128xf32, #tpu.memory_space<vmem>>, vector<1x16xf32>,
      %swap3A_257 = vector.shape_cast %swap3A_256 : vector<1x16xf32> to vector<16xf32>
      %swap3A_258 = vector.shape_cast %broadcast_in_dim3A_186 : vector<16xf32> to vector<1x16xf32>
      tpu.vector_store %arg7[%swap3A_254, %swap3A_255], %swap3A_258 {strides = array<i32>} : memref<640x128xf32, #tpu.memory_space<vmem>>, vector<1x16xf32>,
      %slice3A_259 = vector.extract_strided_slice %get3A_37 {offsets = [3], sizes = [1], strides = [1]} : vector<16xf32> to vector<1xf32>
      %squeeze3A_260 = vector.extract %slice3A_259[0] : f32 from vector<1xf32>
      %broadcast_in_dim3A_261 = vector.broadcast %squeeze3A_260 : f32 to vector<16xf32>
      %mul3A_262 = arith.constant 16 : i32
      %mul3A_263 = arith.muli %add3A_33, %mul3A_262 : i32
      %add3A_264 = arith.constant 3 : i32
      %add3A_265 = arith.addi %mul3A_263, %add3A_264 : i32
      %swap3A_266 = arith.index_cast %add3A_265 : i32 to index
      %swap3A_267 = arith.constant 0 : index
      %swap3A_268 = tpu.vector_load %arg7[%swap3A_266, %swap3A_267] {strides = array<i32>} : memref<640x128xf32, #tpu.memory_space<vmem>>, vector<1x16xf32>,
      %swap3A_269 = vector.shape_cast %swap3A_268 : vector<1x16xf32> to vector<16xf32>
      %swap3A_270 = vector.shape_cast %broadcast_in_dim3A_261 : vector<16xf32> to vector<1x16xf32>
      tpu.vector_store %arg7[%swap3A_266, %swap3A_267], %swap3A_270 {strides = array<i32>} : memref<640x128xf32, #tpu.memory_space<vmem>>, vector<1x16xf32>,
      %mul3A_271 = arith.constant 16 : i32
      %mul3A_272 = arith.muli %add3A_33, %mul3A_271 : i32
      %add3A_273 = arith.constant 3 : i32
      %add3A_274 = arith.addi %mul3A_272, %add3A_273 : i32
      %swap3A_275 = arith.index_cast %add3A_274 : i32 to index
      %swap3A_276 = arith.constant 16 : index
      %swap3A_277 = tpu.vector_load %arg7[%swap3A_275, %swap3A_276] {strides = array<i32>} : memref<640x128xf32, #tpu.memory_space<vmem>>, vector<1x16xf32>,
      %swap3A_278 = vector.shape_cast %swap3A_277 : vector<1x16xf32> to vector<16xf32>
      %swap3A_279 = vector.shape_cast %broadcast_in_dim3A_261 : vector<16xf32> to vector<1x16xf32>
      tpu.vector_store %arg7[%swap3A_275, %swap3A_276], %swap3A_279 {strides = array<i32>} : memref<640x128xf32, #tpu.memory_space<vmem>>, vector<1x16xf32>,
      %mul3A_280 = arith.constant 16 : i32
      %mul3A_281 = arith.muli %add3A_33, %mul3A_280 : i32
      %add3A_282 = arith.constant 3 : i32
      %add3A_283 = arith.addi %mul3A_281, %add3A_282 : i32
      %swap3A_284 = arith.index_cast %add3A_283 : i32 to index
      %swap3A_285 = arith.constant 32 : index
      %swap3A_286 = tpu.vector_load %arg7[%swap3A_284, %swap3A_285] {strides = array<i32>} : memref<640x128xf32, #tpu.memory_space<vmem>>, vector<1x16xf32>,
      %swap3A_287 = vector.shape_cast %swap3A_286 : vector<1x16xf32> to vector<16xf32>
      %swap3A_288 = vector.shape_cast %broadcast_in_dim3A_261 : vector<16xf32> to vector<1x16xf32>
      tpu.vector_store %arg7[%swap3A_284, %swap3A_285], %swap3A_288 {strides = array<i32>} : memref<640x128xf32, #tpu.memory_space<vmem>>, vector<1x16xf32>,
      %mul3A_289 = arith.constant 16 : i32
      %mul3A_290 = arith.muli %add3A_33, %mul3A_289 : i32
      %add3A_291 = arith.constant 3 : i32
      %add3A_292 = arith.addi %mul3A_290, %add3A_291 : i32
      %swap3A_293 = arith.index_cast %add3A_292 : i32 to index
      %swap3A_294 = arith.constant 48 : index
      %swap3A_295 = tpu.vector_load %arg7[%swap3A_293, %swap3A_294] {strides = array<i32>} : memref<640x128xf32, #tpu.memory_space<vmem>>, vector<1x16xf32>,
      %swap3A_296 = vector.shape_cast %swap3A_295 : vector<1x16xf32> to vector<16xf32>
      %swap3A_297 = vector.shape_cast %broadcast_in_dim3A_261 : vector<16xf32> to vector<1x16xf32>
      tpu.vector_store %arg7[%swap3A_293, %swap3A_294], %swap3A_297 {strides = array<i32>} : memref<640x128xf32, #tpu.memory_space<vmem>>, vector<1x16xf32>,
      %mul3A_298 = arith.constant 16 : i32
      %mul3A_299 = arith.muli %add3A_33, %mul3A_298 : i32
      %add3A_300 = arith.constant 3 : i32
      %add3A_301 = arith.addi %mul3A_299, %add3A_300 : i32
      %swap3A_302 = arith.index_cast %add3A_301 : i32 to index
      %swap3A_303 = arith.constant 64 : index
      %swap3A_304 = tpu.vector_load %arg7[%swap3A_302, %swap3A_303] {strides = array<i32>} : memref<640x128xf32, #tpu.memory_space<vmem>>, vector<1x16xf32>,
      %swap3A_305 = vector.shape_cast %swap3A_304 : vector<1x16xf32> to vector<16xf32>
      %swap3A_306 = vector.shape_cast %broadcast_in_dim3A_261 : vector<16xf32> to vector<1x16xf32>
      tpu.vector_store %arg7[%swap3A_302, %swap3A_303], %swap3A_306 {strides = array<i32>} : memref<640x128xf32, #tpu.memory_space<vmem>>, vector<1x16xf32>,
      %mul3A_307 = arith.constant 16 : i32
      %mul3A_308 = arith.muli %add3A_33, %mul3A_307 : i32
      %add3A_309 = arith.constant 3 : i32
      %add3A_310 = arith.addi %mul3A_308, %add3A_309 : i32
      %swap3A_311 = arith.index_cast %add3A_310 : i32 to index
      %swap3A_312 = arith.constant 80 : index
      %swap3A_313 = tpu.vector_load %arg7[%swap3A_311, %swap3A_312] {strides = array<i32>} : memref<640x128xf32, #tpu.memory_space<vmem>>, vector<1x16xf32>,
      %swap3A_314 = vector.shape_cast %swap3A_313 : vector<1x16xf32> to vector<16xf32>
      %swap3A_315 = vector.shape_cast %broadcast_in_dim3A_261 : vector<16xf32> to vector<1x16xf32>
      tpu.vector_store %arg7[%swap3A_311, %swap3A_312], %swap3A_315 {strides = array<i32>} : memref<640x128xf32, #tpu.memory_space<vmem>>, vector<1x16xf32>,
      %mul3A_316 = arith.constant 16 : i32
      %mul3A_317 = arith.muli %add3A_33, %mul3A_316 : i32
      %add3A_318 = arith.constant 3 : i32
      %add3A_319 = arith.addi %mul3A_317, %add3A_318 : i32
      %swap3A_320 = arith.index_cast %add3A_319 : i32 to index
      %swap3A_321 = arith.constant 96 : index
      %swap3A_322 = tpu.vector_load %arg7[%swap3A_320, %swap3A_321] {strides = array<i32>} : memref<640x128xf32, #tpu.memory_space<vmem>>, vector<1x16xf32>,
      %swap3A_323 = vector.shape_cast %swap3A_322 : vector<1x16xf32> to vector<16xf32>
      %swap3A_324 = vector.shape_cast %broadcast_in_dim3A_261 : vector<16xf32> to vector<1x16xf32>
      tpu.vector_store %arg7[%swap3A_320, %swap3A_321], %swap3A_324 {strides = array<i32>} : memref<640x128xf32, #tpu.memory_space<vmem>>, vector<1x16xf32>,
      %mul3A_325 = arith.constant 16 : i32
      %mul3A_326 = arith.muli %add3A_33, %mul3A_325 : i32
      %add3A_327 = arith.constant 3 : i32
      %add3A_328 = arith.addi %mul3A_326, %add3A_327 : i32
      %swap3A_329 = arith.index_cast %add3A_328 : i32 to index
      %swap3A_330 = arith.constant 112 : index
      %swap3A_331 = tpu.vector_load %arg7[%swap3A_329, %swap3A_330] {strides = array<i32>} : memref<640x128xf32, #tpu.memory_space<vmem>>, vector<1x16xf32>,
      %swap3A_332 = vector.shape_cast %swap3A_331 : vector<1x16xf32> to vector<16xf32>
      %swap3A_333 = vector.shape_cast %broadcast_in_dim3A_261 : vector<16xf32> to vector<1x16xf32>
      tpu.vector_store %arg7[%swap3A_329, %swap3A_330], %swap3A_333 {strides = array<i32>} : memref<640x128xf32, #tpu.memory_space<vmem>>, vector<1x16xf32>,
      %slice3A_334 = vector.extract_strided_slice %get3A_37 {offsets = [4], sizes = [1], strides = [1]} : vector<16xf32> to vector<1xf32>
      %squeeze3A_335 = vector.extract %slice3A_334[0] : f32 from vector<1xf32>
      %broadcast_in_dim3A_336 = vector.broadcast %squeeze3A_335 : f32 to vector<16xf32>
      %mul3A_337 = arith.constant 16 : i32
      %mul3A_338 = arith.muli %add3A_33, %mul3A_337 : i32
      %add3A_339 = arith.constant 4 : i32
      %add3A_340 = arith.addi %mul3A_338, %add3A_339 : i32
      %swap3A_341 = arith.index_cast %add3A_340 : i32 to index
      %swap3A_342 = arith.constant 0 : index
      %swap3A_343 = tpu.vector_load %arg7[%swap3A_341, %swap3A_342] {strides = array<i32>} : memref<640x128xf32, #tpu.memory_space<vmem>>, vector<1x16xf32>,
      %swap3A_344 = vector.shape_cast %swap3A_343 : vector<1x16xf32> to vector<16xf32>
      %swap3A_345 = vector.shape_cast %broadcast_in_dim3A_336 : vector<16xf32> to vector<1x16xf32>
      tpu.vector_store %arg7[%swap3A_341, %swap3A_342], %swap3A_345 {strides = array<i32>} : memref<640x128xf32, #tpu.memory_space<vmem>>, vector<1x16xf32>,
      %mul3A_346 = arith.constant 16 : i32
      %mul3A_347 = arith.muli %add3A_33, %mul3A_346 : i32
      %add3A_348 = arith.constant 4 : i32
      %add3A_349 = arith.addi %mul3A_347, %add3A_348 : i32
      %swap3A_350 = arith.index_cast %add3A_349 : i32 to index
      %swap3A_351 = arith.constant 16 : index
      %swap3A_352 = tpu.vector_load %arg7[%swap3A_350, %swap3A_351] {strides = array<i32>} : memref<640x128xf32, #tpu.memory_space<vmem>>, vector<1x16xf32>,
      %swap3A_353 = vector.shape_cast %swap3A_352 : vector<1x16xf32> to vector<16xf32>
      %swap3A_354 = vector.shape_cast %broadcast_in_dim3A_336 : vector<16xf32> to vector<1x16xf32>
      tpu.vector_store %arg7[%swap3A_350, %swap3A_351], %swap3A_354 {strides = array<i32>} : memref<640x128xf32, #tpu.memory_space<vmem>>, vector<1x16xf32>,
      %mul3A_355 = arith.constant 16 : i32
      %mul3A_356 = arith.muli %add3A_33, %mul3A_355 : i32
      %add3A_357 = arith.constant 4 : i32
      %add3A_358 = arith.addi %mul3A_356, %add3A_357 : i32
      %swap3A_359 = arith.index_cast %add3A_358 : i32 to index
      %swap3A_360 = arith.constant 32 : index
      %swap3A_361 = tpu.vector_load %arg7[%swap3A_359, %swap3A_360] {strides = array<i32>} : memref<640x128xf32, #tpu.memory_space<vmem>>, vector<1x16xf32>,
      %swap3A_362 = vector.shape_cast %swap3A_361 : vector<1x16xf32> to vector<16xf32>
      %swap3A_363 = vector.shape_cast %broadcast_in_dim3A_336 : vector<16xf32> to vector<1x16xf32>
      tpu.vector_store %arg7[%swap3A_359, %swap3A_360], %swap3A_363 {strides = array<i32>} : memref<640x128xf32, #tpu.memory_space<vmem>>, vector<1x16xf32>,
      %mul3A_364 = arith.constant 16 : i32
      %mul3A_365 = arith.muli %add3A_33, %mul3A_364 : i32
      %add3A_366 = arith.constant 4 : i32
      %add3A_367 = arith.addi %mul3A_365, %add3A_366 : i32
      %swap3A_368 = arith.index_cast %add3A_367 : i32 to index
      %swap3A_369 = arith.constant 48 : index
      %swap3A_370 = tpu.vector_load %arg7[%swap3A_368, %swap3A_369] {strides = array<i32>} : memref<640x128xf32, #tpu.memory_space<vmem>>, vector<1x16xf32>,
      %swap3A_371 = vector.shape_cast %swap3A_370 : vector<1x16xf32> to vector<16xf32>
      %swap3A_372 = vector.shape_cast %broadcast_in_dim3A_336 : vector<16xf32> to vector<1x16xf32>
      tpu.vector_store %arg7[%swap3A_368, %swap3A_369], %swap3A_372 {strides = array<i32>} : memref<640x128xf32, #tpu.memory_space<vmem>>, vector<1x16xf32>,
      %mul3A_373 = arith.constant 16 : i32
      %mul3A_374 = arith.muli %add3A_33, %mul3A_373 : i32
      %add3A_375 = arith.constant 4 : i32
      %add3A_376 = arith.addi %mul3A_374, %add3A_375 : i32
      %swap3A_377 = arith.index_cast %add3A_376 : i32 to index
      %swap3A_378 = arith.constant 64 : index
      %swap3A_379 = tpu.vector_load %arg7[%swap3A_377, %swap3A_378] {strides = array<i32>} : memref<640x128xf32, #tpu.memory_space<vmem>>, vector<1x16xf32>,
      %swap3A_380 = vector.shape_cast %swap3A_379 : vector<1x16xf32> to vector<16xf32>
      %swap3A_381 = vector.shape_cast %broadcast_in_dim3A_336 : vector<16xf32> to vector<1x16xf32>
      tpu.vector_store %arg7[%swap3A_377, %swap3A_378], %swap3A_381 {strides = array<i32>} : memref<640x128xf32, #tpu.memory_space<vmem>>, vector<1x16xf32>,
      %mul3A_382 = arith.constant 16 : i32
      %mul3A_383 = arith.muli %add3A_33, %mul3A_382 : i32
      %add3A_384 = arith.constant 4 : i32
      %add3A_385 = arith.addi %mul3A_383, %add3A_384 : i32
      %swap3A_386 = arith.index_cast %add3A_385 : i32 to index
      %swap3A_387 = arith.constant 80 : index
      %swap3A_388 = tpu.vector_load %arg7[%swap3A_386, %swap3A_387] {strides = array<i32>} : memref<640x128xf32, #tpu.memory_space<vmem>>, vector<1x16xf32>,
      %swap3A_389 = vector.shape_cast %swap3A_388 : vector<1x16xf32> to vector<16xf32>
      %swap3A_390 = vector.shape_cast %broadcast_in_dim3A_336 : vector<16xf32> to vector<1x16xf32>
      tpu.vector_store %arg7[%swap3A_386, %swap3A_387], %swap3A_390 {strides = array<i32>} : memref<640x128xf32, #tpu.memory_space<vmem>>, vector<1x16xf32>,
      %mul3A_391 = arith.constant 16 : i32
      %mul3A_392 = arith.muli %add3A_33, %mul3A_391 : i32
      %add3A_393 = arith.constant 4 : i32
      %add3A_394 = arith.addi %mul3A_392, %add3A_393 : i32
      %swap3A_395 = arith.index_cast %add3A_394 : i32 to index
      %swap3A_396 = arith.constant 96 : index
      %swap3A_397 = tpu.vector_load %arg7[%swap3A_395, %swap3A_396] {strides = array<i32>} : memref<640x128xf32, #tpu.memory_space<vmem>>, vector<1x16xf32>,
      %swap3A_398 = vector.shape_cast %swap3A_397 : vector<1x16xf32> to vector<16xf32>
      %swap3A_399 = vector.shape_cast %broadcast_in_dim3A_336 : vector<16xf32> to vector<1x16xf32>
      tpu.vector_store %arg7[%swap3A_395, %swap3A_396], %swap3A_399 {strides = array<i32>} : memref<640x128xf32, #tpu.memory_space<vmem>>, vector<1x16xf32>,
      %mul3A_400 = arith.constant 16 : i32
      %mul3A_401 = arith.muli %add3A_33, %mul3A_400 : i32
      %add3A_402 = arith.constant 4 : i32
      %add3A_403 = arith.addi %mul3A_401, %add3A_402 : i32
      %swap3A_404 = arith.index_cast %add3A_403 : i32 to index
      %swap3A_405 = arith.constant 112 : index
      %swap3A_406 = tpu.vector_load %arg7[%swap3A_404, %swap3A_405] {strides = array<i32>} : memref<640x128xf32, #tpu.memory_space<vmem>>, vector<1x16xf32>,
      %swap3A_407 = vector.shape_cast %swap3A_406 : vector<1x16xf32> to vector<16xf32>
      %swap3A_408 = vector.shape_cast %broadcast_in_dim3A_336 : vector<16xf32> to vector<1x16xf32>
      tpu.vector_store %arg7[%swap3A_404, %swap3A_405], %swap3A_408 {strides = array<i32>} : memref<640x128xf32, #tpu.memory_space<vmem>>, vector<1x16xf32>,
      %slice3A_409 = vector.extract_strided_slice %get3A_37 {offsets = [5], sizes = [1], strides = [1]} : vector<16xf32> to vector<1xf32>
      %squeeze3A_410 = vector.extract %slice3A_409[0] : f32 from vector<1xf32>
      %broadcast_in_dim3A_411 = vector.broadcast %squeeze3A_410 : f32 to vector<16xf32>
      %mul3A_412 = arith.constant 16 : i32
      %mul3A_413 = arith.muli %add3A_33, %mul3A_412 : i32
      %add3A_414 = arith.constant 5 : i32
      %add3A_415 = arith.addi %mul3A_413, %add3A_414 : i32
      %swap3A_416 = arith.index_cast %add3A_415 : i32 to index
      %swap3A_417 = arith.constant 0 : index
      %swap3A_418 = tpu.vector_load %arg7[%swap3A_416, %swap3A_417] {strides = array<i32>} : memref<640x128xf32, #tpu.memory_space<vmem>>, vector<1x16xf32>,
      %swap3A_419 = vector.shape_cast %swap3A_418 : vector<1x16xf32> to vector<16xf32>
      %swap3A_420 = vector.shape_cast %broadcast_in_dim3A_411 : vector<16xf32> to vector<1x16xf32>
      tpu.vector_store %arg7[%swap3A_416, %swap3A_417], %swap3A_420 {strides = array<i32>} : memref<640x128xf32, #tpu.memory_space<vmem>>, vector<1x16xf32>,
      %mul3A_421 = arith.constant 16 : i32
      %mul3A_422 = arith.muli %add3A_33, %mul3A_421 : i32
      %add3A_423 = arith.constant 5 : i32
      %add3A_424 = arith.addi %mul3A_422, %add3A_423 : i32
      %swap3A_425 = arith.index_cast %add3A_424 : i32 to index
      %swap3A_426 = arith.constant 16 : index
      %swap3A_427 = tpu.vector_load %arg7[%swap3A_425, %swap3A_426] {strides = array<i32>} : memref<640x128xf32, #tpu.memory_space<vmem>>, vector<1x16xf32>,
      %swap3A_428 = vector.shape_cast %swap3A_427 : vector<1x16xf32> to vector<16xf32>
      %swap3A_429 = vector.shape_cast %broadcast_in_dim3A_411 : vector<16xf32> to vector<1x16xf32>
      tpu.vector_store %arg7[%swap3A_425, %swap3A_426], %swap3A_429 {strides = array<i32>} : memref<640x128xf32, #tpu.memory_space<vmem>>, vector<1x16xf32>,
      %mul3A_430 = arith.constant 16 : i32
      %mul3A_431 = arith.muli %add3A_33, %mul3A_430 : i32
      %add3A_432 = arith.constant 5 : i32
      %add3A_433 = arith.addi %mul3A_431, %add3A_432 : i32
      %swap3A_434 = arith.index_cast %add3A_433 : i32 to index
      %swap3A_435 = arith.constant 32 : index
      %swap3A_436 = tpu.vector_load %arg7[%swap3A_434, %swap3A_435] {strides = array<i32>} : memref<640x128xf32, #tpu.memory_space<vmem>>, vector<1x16xf32>,
      %swap3A_437 = vector.shape_cast %swap3A_436 : vector<1x16xf32> to vector<16xf32>
      %swap3A_438 = vector.shape_cast %broadcast_in_dim3A_411 : vector<16xf32> to vector<1x16xf32>
      tpu.vector_store %arg7[%swap3A_434, %swap3A_435], %swap3A_438 {strides = array<i32>} : memref<640x128xf32, #tpu.memory_space<vmem>>, vector<1x16xf32>,
      %mul3A_439 = arith.constant 16 : i32
      %mul3A_440 = arith.muli %add3A_33, %mul3A_439 : i32
      %add3A_441 = arith.constant 5 : i32
      %add3A_442 = arith.addi %mul3A_440, %add3A_441 : i32
      %swap3A_443 = arith.index_cast %add3A_442 : i32 to index
      %swap3A_444 = arith.constant 48 : index
      %swap3A_445 = tpu.vector_load %arg7[%swap3A_443, %swap3A_444] {strides = array<i32>} : memref<640x128xf32, #tpu.memory_space<vmem>>, vector<1x16xf32>,
      %swap3A_446 = vector.shape_cast %swap3A_445 : vector<1x16xf32> to vector<16xf32>
      %swap3A_447 = vector.shape_cast %broadcast_in_dim3A_411 : vector<16xf32> to vector<1x16xf32>
      tpu.vector_store %arg7[%swap3A_443, %swap3A_444], %swap3A_447 {strides = array<i32>} : memref<640x128xf32, #tpu.memory_space<vmem>>, vector<1x16xf32>,
      %mul3A_448 = arith.constant 16 : i32
      %mul3A_449 = arith.muli %add3A_33, %mul3A_448 : i32
      %add3A_450 = arith.constant 5 : i32
      %add3A_451 = arith.addi %mul3A_449, %add3A_450 : i32
      %swap3A_452 = arith.index_cast %add3A_451 : i32 to index
      %swap3A_453 = arith.constant 64 : index
      %swap3A_454 = tpu.vector_load %arg7[%swap3A_452, %swap3A_453] {strides = array<i32>} : memref<640x128xf32, #tpu.memory_space<vmem>>, vector<1x16xf32>,
      %swap3A_455 = vector.shape_cast %swap3A_454 : vector<1x16xf32> to vector<16xf32>
      %swap3A_456 = vector.shape_cast %broadcast_in_dim3A_411 : vector<16xf32> to vector<1x16xf32>
      tpu.vector_store %arg7[%swap3A_452, %swap3A_453], %swap3A_456 {strides = array<i32>} : memref<640x128xf32, #tpu.memory_space<vmem>>, vector<1x16xf32>,
      %mul3A_457 = arith.constant 16 : i32
      %mul3A_458 = arith.muli %add3A_33, %mul3A_457 : i32
      %add3A_459 = arith.constant 5 : i32
      %add3A_460 = arith.addi %mul3A_458, %add3A_459 : i32
      %swap3A_461 = arith.index_cast %add3A_460 : i32 to index
      %swap3A_462 = arith.constant 80 : index
      %swap3A_463 = tpu.vector_load %arg7[%swap3A_461, %swap3A_462] {strides = array<i32>} : memref<640x128xf32, #tpu.memory_space<vmem>>, vector<1x16xf32>,
      %swap3A_464 = vector.shape_cast %swap3A_463 : vector<1x16xf32> to vector<16xf32>
      %swap3A_465 = vector.shape_cast %broadcast_in_dim3A_411 : vector<16xf32> to vector<1x16xf32>
      tpu.vector_store %arg7[%swap3A_461, %swap3A_462], %swap3A_465 {strides = array<i32>} : memref<640x128xf32, #tpu.memory_space<vmem>>, vector<1x16xf32>,
      %mul3A_466 = arith.constant 16 : i32
      %mul3A_467 = arith.muli %add3A_33, %mul3A_466 : i32
      %add3A_468 = arith.constant 5 : i32
      %add3A_469 = arith.addi %mul3A_467, %add3A_468 : i32
      %swap3A_470 = arith.index_cast %add3A_469 : i32 to index
      %swap3A_471 = arith.constant 96 : index
      %swap3A_472 = tpu.vector_load %arg7[%swap3A_470, %swap3A_471] {strides = array<i32>} : memref<640x128xf32, #tpu.memory_space<vmem>>, vector<1x16xf32>,
      %swap3A_473 = vector.shape_cast %swap3A_472 : vector<1x16xf32> to vector<16xf32>
      %swap3A_474 = vector.shape_cast %broadcast_in_dim3A_411 : vector<16xf32> to vector<1x16xf32>
      tpu.vector_store %arg7[%swap3A_470, %swap3A_471], %swap3A_474 {strides = array<i32>} : memref<640x128xf32, #tpu.memory_space<vmem>>, vector<1x16xf32>,
      %mul3A_475 = arith.constant 16 : i32
      %mul3A_476 = arith.muli %add3A_33, %mul3A_475 : i32
      %add3A_477 = arith.constant 5 : i32
      %add3A_478 = arith.addi %mul3A_476, %add3A_477 : i32
      %swap3A_479 = arith.index_cast %add3A_478 : i32 to index
      %swap3A_480 = arith.constant 112 : index
      %swap3A_481 = tpu.vector_load %arg7[%swap3A_479, %swap3A_480] {strides = array<i32>} : memref<640x128xf32, #tpu.memory_space<vmem>>, vector<1x16xf32>,
      %swap3A_482 = vector.shape_cast %swap3A_481 : vector<1x16xf32> to vector<16xf32>
      %swap3A_483 = vector.shape_cast %broadcast_in_dim3A_411 : vector<16xf32> to vector<1x16xf32>
      tpu.vector_store %arg7[%swap3A_479, %swap3A_480], %swap3A_483 {strides = array<i32>} : memref<640x128xf32, #tpu.memory_space<vmem>>, vector<1x16xf32>,
      %slice3A_484 = vector.extract_strided_slice %get3A_37 {offsets = [6], sizes = [1], strides = [1]} : vector<16xf32> to vector<1xf32>
      %squeeze3A_485 = vector.extract %slice3A_484[0] : f32 from vector<1xf32>
      %broadcast_in_dim3A_486 = vector.broadcast %squeeze3A_485 : f32 to vector<16xf32>
      %mul3A_487 = arith.constant 16 : i32
      %mul3A_488 = arith.muli %add3A_33, %mul3A_487 : i32
      %add3A_489 = arith.constant 6 : i32
      %add3A_490 = arith.addi %mul3A_488, %add3A_489 : i32
      %swap3A_491 = arith.index_cast %add3A_490 : i32 to index
      %swap3A_492 = arith.constant 0 : index
      %swap3A_493 = tpu.vector_load %arg7[%swap3A_491, %swap3A_492] {strides = array<i32>} : memref<640x128xf32, #tpu.memory_space<vmem>>, vector<1x16xf32>,
      %swap3A_494 = vector.shape_cast %swap3A_493 : vector<1x16xf32> to vector<16xf32>
      %swap3A_495 = vector.shape_cast %broadcast_in_dim3A_486 : vector<16xf32> to vector<1x16xf32>
      tpu.vector_store %arg7[%swap3A_491, %swap3A_492], %swap3A_495 {strides = array<i32>} : memref<640x128xf32, #tpu.memory_space<vmem>>, vector<1x16xf32>,
      %mul3A_496 = arith.constant 16 : i32
      %mul3A_497 = arith.muli %add3A_33, %mul3A_496 : i32
      %add3A_498 = arith.constant 6 : i32
      %add3A_499 = arith.addi %mul3A_497, %add3A_498 : i32
      %swap3A_500 = arith.index_cast %add3A_499 : i32 to index
      %swap3A_501 = arith.constant 16 : index
      %swap3A_502 = tpu.vector_load %arg7[%swap3A_500, %swap3A_501] {strides = array<i32>} : memref<640x128xf32, #tpu.memory_space<vmem>>, vector<1x16xf32>,
      %swap3A_503 = vector.shape_cast %swap3A_502 : vector<1x16xf32> to vector<16xf32>
      %swap3A_504 = vector.shape_cast %broadcast_in_dim3A_486 : vector<16xf32> to vector<1x16xf32>
      tpu.vector_store %arg7[%swap3A_500, %swap3A_501], %swap3A_504 {strides = array<i32>} : memref<640x128xf32, #tpu.memory_space<vmem>>, vector<1x16xf32>,
      %mul3A_505 = arith.constant 16 : i32
      %mul3A_506 = arith.muli %add3A_33, %mul3A_505 : i32
      %add3A_507 = arith.constant 6 : i32
      %add3A_508 = arith.addi %mul3A_506, %add3A_507 : i32
      %swap3A_509 = arith.index_cast %add3A_508 : i32 to index
      %swap3A_510 = arith.constant 32 : index
      %swap3A_511 = tpu.vector_load %arg7[%swap3A_509, %swap3A_510] {strides = array<i32>} : memref<640x128xf32, #tpu.memory_space<vmem>>, vector<1x16xf32>,
      %swap3A_512 = vector.shape_cast %swap3A_511 : vector<1x16xf32> to vector<16xf32>
      %swap3A_513 = vector.shape_cast %broadcast_in_dim3A_486 : vector<16xf32> to vector<1x16xf32>
      tpu.vector_store %arg7[%swap3A_509, %swap3A_510], %swap3A_513 {strides = array<i32>} : memref<640x128xf32, #tpu.memory_space<vmem>>, vector<1x16xf32>,
      %mul3A_514 = arith.constant 16 : i32
      %mul3A_515 = arith.muli %add3A_33, %mul3A_514 : i32
      %add3A_516 = arith.constant 6 : i32
      %add3A_517 = arith.addi %mul3A_515, %add3A_516 : i32
      %swap3A_518 = arith.index_cast %add3A_517 : i32 to index
      %swap3A_519 = arith.constant 48 : index
      %swap3A_520 = tpu.vector_load %arg7[%swap3A_518, %swap3A_519] {strides = array<i32>} : memref<640x128xf32, #tpu.memory_space<vmem>>, vector<1x16xf32>,
      %swap3A_521 = vector.shape_cast %swap3A_520 : vector<1x16xf32> to vector<16xf32>
      %swap3A_522 = vector.shape_cast %broadcast_in_dim3A_486 : vector<16xf32> to vector<1x16xf32>
      tpu.vector_store %arg7[%swap3A_518, %swap3A_519], %swap3A_522 {strides = array<i32>} : memref<640x128xf32, #tpu.memory_space<vmem>>, vector<1x16xf32>,
      %mul3A_523 = arith.constant 16 : i32
      %mul3A_524 = arith.muli %add3A_33, %mul3A_523 : i32
      %add3A_525 = arith.constant 6 : i32
      %add3A_526 = arith.addi %mul3A_524, %add3A_525 : i32
      %swap3A_527 = arith.index_cast %add3A_526 : i32 to index
      %swap3A_528 = arith.constant 64 : index
      %swap3A_529 = tpu.vector_load %arg7[%swap3A_527, %swap3A_528] {strides = array<i32>} : memref<640x128xf32, #tpu.memory_space<vmem>>, vector<1x16xf32>,
      %swap3A_530 = vector.shape_cast %swap3A_529 : vector<1x16xf32> to vector<16xf32>
      %swap3A_531 = vector.shape_cast %broadcast_in_dim3A_486 : vector<16xf32> to vector<1x16xf32>
      tpu.vector_store %arg7[%swap3A_527, %swap3A_528], %swap3A_531 {strides = array<i32>} : memref<640x128xf32, #tpu.memory_space<vmem>>, vector<1x16xf32>,
      %mul3A_532 = arith.constant 16 : i32
      %mul3A_533 = arith.muli %add3A_33, %mul3A_532 : i32
      %add3A_534 = arith.constant 6 : i32
      %add3A_535 = arith.addi %mul3A_533, %add3A_534 : i32
      %swap3A_536 = arith.index_cast %add3A_535 : i32 to index
      %swap3A_537 = arith.constant 80 : index
      %swap3A_538 = tpu.vector_load %arg7[%swap3A_536, %swap3A_537] {strides = array<i32>} : memref<640x128xf32, #tpu.memory_space<vmem>>, vector<1x16xf32>,
      %swap3A_539 = vector.shape_cast %swap3A_538 : vector<1x16xf32> to vector<16xf32>
      %swap3A_540 = vector.shape_cast %broadcast_in_dim3A_486 : vector<16xf32> to vector<1x16xf32>
      tpu.vector_store %arg7[%swap3A_536, %swap3A_537], %swap3A_540 {strides = array<i32>} : memref<640x128xf32, #tpu.memory_space<vmem>>, vector<1x16xf32>,
      %mul3A_541 = arith.constant 16 : i32
      %mul3A_542 = arith.muli %add3A_33, %mul3A_541 : i32
      %add3A_543 = arith.constant 6 : i32
      %add3A_544 = arith.addi %mul3A_542, %add3A_543 : i32
      %swap3A_545 = arith.index_cast %add3A_544 : i32 to index
      %swap3A_546 = arith.constant 96 : index
      %swap3A_547 = tpu.vector_load %arg7[%swap3A_545, %swap3A_546] {strides = array<i32>} : memref<640x128xf32, #tpu.memory_space<vmem>>, vector<1x16xf32>,
      %swap3A_548 = vector.shape_cast %swap3A_547 : vector<1x16xf32> to vector<16xf32>
      %swap3A_549 = vector.shape_cast %broadcast_in_dim3A_486 : vector<16xf32> to vector<1x16xf32>
      tpu.vector_store %arg7[%swap3A_545, %swap3A_546], %swap3A_549 {strides = array<i32>} : memref<640x128xf32, #tpu.memory_space<vmem>>, vector<1x16xf32>,
      %mul3A_550 = arith.constant 16 : i32
      %mul3A_551 = arith.muli %add3A_33, %mul3A_550 : i32
      %add3A_552 = arith.constant 6 : i32
      %add3A_553 = arith.addi %mul3A_551, %add3A_552 : i32
      %swap3A_554 = arith.index_cast %add3A_553 : i32 to index
      %swap3A_555 = arith.constant 112 : index
      %swap3A_556 = tpu.vector_load %arg7[%swap3A_554, %swap3A_555] {strides = array<i32>} : memref<640x128xf32, #tpu.memory_space<vmem>>, vector<1x16xf32>,
      %swap3A_557 = vector.shape_cast %swap3A_556 : vector<1x16xf32> to vector<16xf32>
      %swap3A_558 = vector.shape_cast %broadcast_in_dim3A_486 : vector<16xf32> to vector<1x16xf32>
      tpu.vector_store %arg7[%swap3A_554, %swap3A_555], %swap3A_558 {strides = array<i32>} : memref<640x128xf32, #tpu.memory_space<vmem>>, vector<1x16xf32>,
      %slice3A_559 = vector.extract_strided_slice %get3A_37 {offsets = [7], sizes = [1], strides = [1]} : vector<16xf32> to vector<1xf32>
      %squeeze3A_560 = vector.extract %slice3A_559[0] : f32 from vector<1xf32>
      %broadcast_in_dim3A_561 = vector.broadcast %squeeze3A_560 : f32 to vector<16xf32>
      %mul3A_562 = arith.constant 16 : i32
      %mul3A_563 = arith.muli %add3A_33, %mul3A_562 : i32
      %add3A_564 = arith.constant 7 : i32
      %add3A_565 = arith.addi %mul3A_563, %add3A_564 : i32
      %swap3A_566 = arith.index_cast %add3A_565 : i32 to index
      %swap3A_567 = arith.constant 0 : index
      %swap3A_568 = tpu.vector_load %arg7[%swap3A_566, %swap3A_567] {strides = array<i32>} : memref<640x128xf32, #tpu.memory_space<vmem>>, vector<1x16xf32>,
      %swap3A_569 = vector.shape_cast %swap3A_568 : vector<1x16xf32> to vector<16xf32>
      %swap3A_570 = vector.shape_cast %broadcast_in_dim3A_561 : vector<16xf32> to vector<1x16xf32>
      tpu.vector_store %arg7[%swap3A_566, %swap3A_567], %swap3A_570 {strides = array<i32>} : memref<640x128xf32, #tpu.memory_space<vmem>>, vector<1x16xf32>,
      %mul3A_571 = arith.constant 16 : i32
      %mul3A_572 = arith.muli %add3A_33, %mul3A_571 : i32
      %add3A_573 = arith.constant 7 : i32
      %add3A_574 = arith.addi %mul3A_572, %add3A_573 : i32
      %swap3A_575 = arith.index_cast %add3A_574 : i32 to index
      %swap3A_576 = arith.constant 16 : index
      %swap3A_577 = tpu.vector_load %arg7[%swap3A_575, %swap3A_576] {strides = array<i32>} : memref<640x128xf32, #tpu.memory_space<vmem>>, vector<1x16xf32>,
      %swap3A_578 = vector.shape_cast %swap3A_577 : vector<1x16xf32> to vector<16xf32>
      %swap3A_579 = vector.shape_cast %broadcast_in_dim3A_561 : vector<16xf32> to vector<1x16xf32>
      tpu.vector_store %arg7[%swap3A_575, %swap3A_576], %swap3A_579 {strides = array<i32>} : memref<640x128xf32, #tpu.memory_space<vmem>>, vector<1x16xf32>,
      %mul3A_580 = arith.constant 16 : i32
      %mul3A_581 = arith.muli %add3A_33, %mul3A_580 : i32
      %add3A_582 = arith.constant 7 : i32
      %add3A_583 = arith.addi %mul3A_581, %add3A_582 : i32
      %swap3A_584 = arith.index_cast %add3A_583 : i32 to index
      %swap3A_585 = arith.constant 32 : index
      %swap3A_586 = tpu.vector_load %arg7[%swap3A_584, %swap3A_585] {strides = array<i32>} : memref<640x128xf32, #tpu.memory_space<vmem>>, vector<1x16xf32>,
      %swap3A_587 = vector.shape_cast %swap3A_586 : vector<1x16xf32> to vector<16xf32>
      %swap3A_588 = vector.shape_cast %broadcast_in_dim3A_561 : vector<16xf32> to vector<1x16xf32>
      tpu.vector_store %arg7[%swap3A_584, %swap3A_585], %swap3A_588 {strides = array<i32>} : memref<640x128xf32, #tpu.memory_space<vmem>>, vector<1x16xf32>,
      %mul3A_589 = arith.constant 16 : i32
      %mul3A_590 = arith.muli %add3A_33, %mul3A_589 : i32
      %add3A_591 = arith.constant 7 : i32
      %add3A_592 = arith.addi %mul3A_590, %add3A_591 : i32
      %swap3A_593 = arith.index_cast %add3A_592 : i32 to index
      %swap3A_594 = arith.constant 48 : index
      %swap3A_595 = tpu.vector_load %arg7[%swap3A_593, %swap3A_594] {strides = array<i32>} : memref<640x128xf32, #tpu.memory_space<vmem>>, vector<1x16xf32>,
      %swap3A_596 = vector.shape_cast %swap3A_595 : vector<1x16xf32> to vector<16xf32>
      %swap3A_597 = vector.shape_cast %broadcast_in_dim3A_561 : vector<16xf32> to vector<1x16xf32>
      tpu.vector_store %arg7[%swap3A_593, %swap3A_594], %swap3A_597 {strides = array<i32>} : memref<640x128xf32, #tpu.memory_space<vmem>>, vector<1x16xf32>,
      %mul3A_598 = arith.constant 16 : i32
      %mul3A_599 = arith.muli %add3A_33, %mul3A_598 : i32
      %add3A_600 = arith.constant 7 : i32
      %add3A_601 = arith.addi %mul3A_599, %add3A_600 : i32
      %swap3A_602 = arith.index_cast %add3A_601 : i32 to index
      %swap3A_603 = arith.constant 64 : index
      %swap3A_604 = tpu.vector_load %arg7[%swap3A_602, %swap3A_603] {strides = array<i32>} : memref<640x128xf32, #tpu.memory_space<vmem>>, vector<1x16xf32>,
      %swap3A_605 = vector.shape_cast %swap3A_604 : vector<1x16xf32> to vector<16xf32>
      %swap3A_606 = vector.shape_cast %broadcast_in_dim3A_561 : vector<16xf32> to vector<1x16xf32>
      tpu.vector_store %arg7[%swap3A_602, %swap3A_603], %swap3A_606 {strides = array<i32>} : memref<640x128xf32, #tpu.memory_space<vmem>>, vector<1x16xf32>,
      %mul3A_607 = arith.constant 16 : i32
      %mul3A_608 = arith.muli %add3A_33, %mul3A_607 : i32
      %add3A_609 = arith.constant 7 : i32
      %add3A_610 = arith.addi %mul3A_608, %add3A_609 : i32
      %swap3A_611 = arith.index_cast %add3A_610 : i32 to index
      %swap3A_612 = arith.constant 80 : index
      %swap3A_613 = tpu.vector_load %arg7[%swap3A_611, %swap3A_612] {strides = array<i32>} : memref<640x128xf32, #tpu.memory_space<vmem>>, vector<1x16xf32>,
      %swap3A_614 = vector.shape_cast %swap3A_613 : vector<1x16xf32> to vector<16xf32>
      %swap3A_615 = vector.shape_cast %broadcast_in_dim3A_561 : vector<16xf32> to vector<1x16xf32>
      tpu.vector_store %arg7[%swap3A_611, %swap3A_612], %swap3A_615 {strides = array<i32>} : memref<640x128xf32, #tpu.memory_space<vmem>>, vector<1x16xf32>,
      %mul3A_616 = arith.constant 16 : i32
      %mul3A_617 = arith.muli %add3A_33, %mul3A_616 : i32
      %add3A_618 = arith.constant 7 : i32
      %add3A_619 = arith.addi %mul3A_617, %add3A_618 : i32
      %swap3A_620 = arith.index_cast %add3A_619 : i32 to index
      %swap3A_621 = arith.constant 96 : index
      %swap3A_622 = tpu.vector_load %arg7[%swap3A_620, %swap3A_621] {strides = array<i32>} : memref<640x128xf32, #tpu.memory_space<vmem>>, vector<1x16xf32>,
      %swap3A_623 = vector.shape_cast %swap3A_622 : vector<1x16xf32> to vector<16xf32>
      %swap3A_624 = vector.shape_cast %broadcast_in_dim3A_561 : vector<16xf32> to vector<1x16xf32>
      tpu.vector_store %arg7[%swap3A_620, %swap3A_621], %swap3A_624 {strides = array<i32>} : memref<640x128xf32, #tpu.memory_space<vmem>>, vector<1x16xf32>,
      %mul3A_625 = arith.constant 16 : i32
      %mul3A_626 = arith.muli %add3A_33, %mul3A_625 : i32
      %add3A_627 = arith.constant 7 : i32
      %add3A_628 = arith.addi %mul3A_626, %add3A_627 : i32
      %swap3A_629 = arith.index_cast %add3A_628 : i32 to index
      %swap3A_630 = arith.constant 112 : index
      %swap3A_631 = tpu.vector_load %arg7[%swap3A_629, %swap3A_630] {strides = array<i32>} : memref<640x128xf32, #tpu.memory_space<vmem>>, vector<1x16xf32>,
      %swap3A_632 = vector.shape_cast %swap3A_631 : vector<1x16xf32> to vector<16xf32>
      %swap3A_633 = vector.shape_cast %broadcast_in_dim3A_561 : vector<16xf32> to vector<1x16xf32>
      tpu.vector_store %arg7[%swap3A_629, %swap3A_630], %swap3A_633 {strides = array<i32>} : memref<640x128xf32, #tpu.memory_space<vmem>>, vector<1x16xf32>,
      %slice3A_634 = vector.extract_strided_slice %get3A_37 {offsets = [8], sizes = [1], strides = [1]} : vector<16xf32> to vector<1xf32>
      %squeeze3A_635 = vector.extract %slice3A_634[0] : f32 from vector<1xf32>
      %broadcast_in_dim3A_636 = vector.broadcast %squeeze3A_635 : f32 to vector<16xf32>
      %mul3A_637 = arith.constant 16 : i32
      %mul3A_638 = arith.muli %add3A_33, %mul3A_637 : i32
      %add3A_639 = arith.constant 8 : i32
      %add3A_640 = arith.addi %mul3A_638, %add3A_639 : i32
      %swap3A_641 = arith.index_cast %add3A_640 : i32 to index
      %swap3A_642 = arith.constant 0 : index
      %swap3A_643 = tpu.vector_load %arg7[%swap3A_641, %swap3A_642] {strides = array<i32>} : memref<640x128xf32, #tpu.memory_space<vmem>>, vector<1x16xf32>,
      %swap3A_644 = vector.shape_cast %swap3A_643 : vector<1x16xf32> to vector<16xf32>
      %swap3A_645 = vector.shape_cast %broadcast_in_dim3A_636 : vector<16xf32> to vector<1x16xf32>
      tpu.vector_store %arg7[%swap3A_641, %swap3A_642], %swap3A_645 {strides = array<i32>} : memref<640x128xf32, #tpu.memory_space<vmem>>, vector<1x16xf32>,
      %mul3A_646 = arith.constant 16 : i32
      %mul3A_647 = arith.muli %add3A_33, %mul3A_646 : i32
      %add3A_648 = arith.constant 8 : i32
      %add3A_649 = arith.addi %mul3A_647, %add3A_648 : i32
      %swap3A_650 = arith.index_cast %add3A_649 : i32 to index
      %swap3A_651 = arith.constant 16 : index
      %swap3A_652 = tpu.vector_load %arg7[%swap3A_650, %swap3A_651] {strides = array<i32>} : memref<640x128xf32, #tpu.memory_space<vmem>>, vector<1x16xf32>,
      %swap3A_653 = vector.shape_cast %swap3A_652 : vector<1x16xf32> to vector<16xf32>
      %swap3A_654 = vector.shape_cast %broadcast_in_dim3A_636 : vector<16xf32> to vector<1x16xf32>
      tpu.vector_store %arg7[%swap3A_650, %swap3A_651], %swap3A_654 {strides = array<i32>} : memref<640x128xf32, #tpu.memory_space<vmem>>, vector<1x16xf32>,
      %mul3A_655 = arith.constant 16 : i32
      %mul3A_656 = arith.muli %add3A_33, %mul3A_655 : i32
      %add3A_657 = arith.constant 8 : i32
      %add3A_658 = arith.addi %mul3A_656, %add3A_657 : i32
      %swap3A_659 = arith.index_cast %add3A_658 : i32 to index
      %swap3A_660 = arith.constant 32 : index
      %swap3A_661 = tpu.vector_load %arg7[%swap3A_659, %swap3A_660] {strides = array<i32>} : memref<640x128xf32, #tpu.memory_space<vmem>>, vector<1x16xf32>,
      %swap3A_662 = vector.shape_cast %swap3A_661 : vector<1x16xf32> to vector<16xf32>
      %swap3A_663 = vector.shape_cast %broadcast_in_dim3A_636 : vector<16xf32> to vector<1x16xf32>
      tpu.vector_store %arg7[%swap3A_659, %swap3A_660], %swap3A_663 {strides = array<i32>} : memref<640x128xf32, #tpu.memory_space<vmem>>, vector<1x16xf32>,
      %mul3A_664 = arith.constant 16 : i32
      %mul3A_665 = arith.muli %add3A_33, %mul3A_664 : i32
      %add3A_666 = arith.constant 8 : i32
      %add3A_667 = arith.addi %mul3A_665, %add3A_666 : i32
      %swap3A_668 = arith.index_cast %add3A_667 : i32 to index
      %swap3A_669 = arith.constant 48 : index
      %swap3A_670 = tpu.vector_load %arg7[%swap3A_668, %swap3A_669] {strides = array<i32>} : memref<640x128xf32, #tpu.memory_space<vmem>>, vector<1x16xf32>,
      %swap3A_671 = vector.shape_cast %swap3A_670 : vector<1x16xf32> to vector<16xf32>
      %swap3A_672 = vector.shape_cast %broadcast_in_dim3A_636 : vector<16xf32> to vector<1x16xf32>
      tpu.vector_store %arg7[%swap3A_668, %swap3A_669], %swap3A_672 {strides = array<i32>} : memref<640x128xf32, #tpu.memory_space<vmem>>, vector<1x16xf32>,
      %mul3A_673 = arith.constant 16 : i32
      %mul3A_674 = arith.muli %add3A_33, %mul3A_673 : i32
      %add3A_675 = arith.constant 8 : i32
      %add3A_676 = arith.addi %mul3A_674, %add3A_675 : i32
      %swap3A_677 = arith.index_cast %add3A_676 : i32 to index
      %swap3A_678 = arith.constant 64 : index
      %swap3A_679 = tpu.vector_load %arg7[%swap3A_677, %swap3A_678] {strides = array<i32>} : memref<640x128xf32, #tpu.memory_space<vmem>>, vector<1x16xf32>,
      %swap3A_680 = vector.shape_cast %swap3A_679 : vector<1x16xf32> to vector<16xf32>
      %swap3A_681 = vector.shape_cast %broadcast_in_dim3A_636 : vector<16xf32> to vector<1x16xf32>
      tpu.vector_store %arg7[%swap3A_677, %swap3A_678], %swap3A_681 {strides = array<i32>} : memref<640x128xf32, #tpu.memory_space<vmem>>, vector<1x16xf32>,
      %mul3A_682 = arith.constant 16 : i32
      %mul3A_683 = arith.muli %add3A_33, %mul3A_682 : i32
      %add3A_684 = arith.constant 8 : i32
      %add3A_685 = arith.addi %mul3A_683, %add3A_684 : i32
      %swap3A_686 = arith.index_cast %add3A_685 : i32 to index
      %swap3A_687 = arith.constant 80 : index
      %swap3A_688 = tpu.vector_load %arg7[%swap3A_686, %swap3A_687] {strides = array<i32>} : memref<640x128xf32, #tpu.memory_space<vmem>>, vector<1x16xf32>,
      %swap3A_689 = vector.shape_cast %swap3A_688 : vector<1x16xf32> to vector<16xf32>
      %swap3A_690 = vector.shape_cast %broadcast_in_dim3A_636 : vector<16xf32> to vector<1x16xf32>
      tpu.vector_store %arg7[%swap3A_686, %swap3A_687], %swap3A_690 {strides = array<i32>} : memref<640x128xf32, #tpu.memory_space<vmem>>, vector<1x16xf32>,
      %mul3A_691 = arith.constant 16 : i32
      %mul3A_692 = arith.muli %add3A_33, %mul3A_691 : i32
      %add3A_693 = arith.constant 8 : i32
      %add3A_694 = arith.addi %mul3A_692, %add3A_693 : i32
      %swap3A_695 = arith.index_cast %add3A_694 : i32 to index
      %swap3A_696 = arith.constant 96 : index
      %swap3A_697 = tpu.vector_load %arg7[%swap3A_695, %swap3A_696] {strides = array<i32>} : memref<640x128xf32, #tpu.memory_space<vmem>>, vector<1x16xf32>,
      %swap3A_698 = vector.shape_cast %swap3A_697 : vector<1x16xf32> to vector<16xf32>
      %swap3A_699 = vector.shape_cast %broadcast_in_dim3A_636 : vector<16xf32> to vector<1x16xf32>
      tpu.vector_store %arg7[%swap3A_695, %swap3A_696], %swap3A_699 {strides = array<i32>} : memref<640x128xf32, #tpu.memory_space<vmem>>, vector<1x16xf32>,
      %mul3A_700 = arith.constant 16 : i32
      %mul3A_701 = arith.muli %add3A_33, %mul3A_700 : i32
      %add3A_702 = arith.constant 8 : i32
      %add3A_703 = arith.addi %mul3A_701, %add3A_702 : i32
      %swap3A_704 = arith.index_cast %add3A_703 : i32 to index
      %swap3A_705 = arith.constant 112 : index
      %swap3A_706 = tpu.vector_load %arg7[%swap3A_704, %swap3A_705] {strides = array<i32>} : memref<640x128xf32, #tpu.memory_space<vmem>>, vector<1x16xf32>,
      %swap3A_707 = vector.shape_cast %swap3A_706 : vector<1x16xf32> to vector<16xf32>
      %swap3A_708 = vector.shape_cast %broadcast_in_dim3A_636 : vector<16xf32> to vector<1x16xf32>
      tpu.vector_store %arg7[%swap3A_704, %swap3A_705], %swap3A_708 {strides = array<i32>} : memref<640x128xf32, #tpu.memory_space<vmem>>, vector<1x16xf32>,
      %slice3A_709 = vector.extract_strided_slice %get3A_37 {offsets = [9], sizes = [1], strides = [1]} : vector<16xf32> to vector<1xf32>
      %squeeze3A_710 = vector.extract %slice3A_709[0] : f32 from vector<1xf32>
      %broadcast_in_dim3A_711 = vector.broadcast %squeeze3A_710 : f32 to vector<16xf32>
      %mul3A_712 = arith.constant 16 : i32
      %mul3A_713 = arith.muli %add3A_33, %mul3A_712 : i32
      %add3A_714 = arith.constant 9 : i32
      %add3A_715 = arith.addi %mul3A_713, %add3A_714 : i32
      %swap3A_716 = arith.index_cast %add3A_715 : i32 to index
      %swap3A_717 = arith.constant 0 : index
      %swap3A_718 = tpu.vector_load %arg7[%swap3A_716, %swap3A_717] {strides = array<i32>} : memref<640x128xf32, #tpu.memory_space<vmem>>, vector<1x16xf32>,
      %swap3A_719 = vector.shape_cast %swap3A_718 : vector<1x16xf32> to vector<16xf32>
      %swap3A_720 = vector.shape_cast %broadcast_in_dim3A_711 : vector<16xf32> to vector<1x16xf32>
      tpu.vector_store %arg7[%swap3A_716, %swap3A_717], %swap3A_720 {strides = array<i32>} : memref<640x128xf32, #tpu.memory_space<vmem>>, vector<1x16xf32>,
      %mul3A_721 = arith.constant 16 : i32
      %mul3A_722 = arith.muli %add3A_33, %mul3A_721 : i32
      %add3A_723 = arith.constant 9 : i32
      %add3A_724 = arith.addi %mul3A_722, %add3A_723 : i32
      %swap3A_725 = arith.index_cast %add3A_724 : i32 to index
      %swap3A_726 = arith.constant 16 : index
      %swap3A_727 = tpu.vector_load %arg7[%swap3A_725, %swap3A_726] {strides = array<i32>} : memref<640x128xf32, #tpu.memory_space<vmem>>, vector<1x16xf32>,
      %swap3A_728 = vector.shape_cast %swap3A_727 : vector<1x16xf32> to vector<16xf32>
      %swap3A_729 = vector.shape_cast %broadcast_in_dim3A_711 : vector<16xf32> to vector<1x16xf32>
      tpu.vector_store %arg7[%swap3A_725, %swap3A_726], %swap3A_729 {strides = array<i32>} : memref<640x128xf32, #tpu.memory_space<vmem>>, vector<1x16xf32>,
      %mul3A_730 = arith.constant 16 : i32
      %mul3A_731 = arith.muli %add3A_33, %mul3A_730 : i32
      %add3A_732 = arith.constant 9 : i32
      %add3A_733 = arith.addi %mul3A_731, %add3A_732 : i32
      %swap3A_734 = arith.index_cast %add3A_733 : i32 to index
      %swap3A_735 = arith.constant 32 : index
      %swap3A_736 = tpu.vector_load %arg7[%swap3A_734, %swap3A_735] {strides = array<i32>} : memref<640x128xf32, #tpu.memory_space<vmem>>, vector<1x16xf32>,
      %swap3A_737 = vector.shape_cast %swap3A_736 : vector<1x16xf32> to vector<16xf32>
      %swap3A_738 = vector.shape_cast %broadcast_in_dim3A_711 : vector<16xf32> to vector<1x16xf32>
      tpu.vector_store %arg7[%swap3A_734, %swap3A_735], %swap3A_738 {strides = array<i32>} : memref<640x128xf32, #tpu.memory_space<vmem>>, vector<1x16xf32>,
      %mul3A_739 = arith.constant 16 : i32
      %mul3A_740 = arith.muli %add3A_33, %mul3A_739 : i32
      %add3A_741 = arith.constant 9 : i32
      %add3A_742 = arith.addi %mul3A_740, %add3A_741 : i32
      %swap3A_743 = arith.index_cast %add3A_742 : i32 to index
      %swap3A_744 = arith.constant 48 : index
      %swap3A_745 = tpu.vector_load %arg7[%swap3A_743, %swap3A_744] {strides = array<i32>} : memref<640x128xf32, #tpu.memory_space<vmem>>, vector<1x16xf32>,
      %swap3A_746 = vector.shape_cast %swap3A_745 : vector<1x16xf32> to vector<16xf32>
      %swap3A_747 = vector.shape_cast %broadcast_in_dim3A_711 : vector<16xf32> to vector<1x16xf32>
      tpu.vector_store %arg7[%swap3A_743, %swap3A_744], %swap3A_747 {strides = array<i32>} : memref<640x128xf32, #tpu.memory_space<vmem>>, vector<1x16xf32>,
      %mul3A_748 = arith.constant 16 : i32
      %mul3A_749 = arith.muli %add3A_33, %mul3A_748 : i32
      %add3A_750 = arith.constant 9 : i32
      %add3A_751 = arith.addi %mul3A_749, %add3A_750 : i32
      %swap3A_752 = arith.index_cast %add3A_751 : i32 to index
      %swap3A_753 = arith.constant 64 : index
      %swap3A_754 = tpu.vector_load %arg7[%swap3A_752, %swap3A_753] {strides = array<i32>} : memref<640x128xf32, #tpu.memory_space<vmem>>, vector<1x16xf32>,
      %swap3A_755 = vector.shape_cast %swap3A_754 : vector<1x16xf32> to vector<16xf32>
      %swap3A_756 = vector.shape_cast %broadcast_in_dim3A_711 : vector<16xf32> to vector<1x16xf32>
      tpu.vector_store %arg7[%swap3A_752, %swap3A_753], %swap3A_756 {strides = array<i32>} : memref<640x128xf32, #tpu.memory_space<vmem>>, vector<1x16xf32>,
      %mul3A_757 = arith.constant 16 : i32
      %mul3A_758 = arith.muli %add3A_33, %mul3A_757 : i32
      %add3A_759 = arith.constant 9 : i32
      %add3A_760 = arith.addi %mul3A_758, %add3A_759 : i32
      %swap3A_761 = arith.index_cast %add3A_760 : i32 to index
      %swap3A_762 = arith.constant 80 : index
      %swap3A_763 = tpu.vector_load %arg7[%swap3A_761, %swap3A_762] {strides = array<i32>} : memref<640x128xf32, #tpu.memory_space<vmem>>, vector<1x16xf32>,
      %swap3A_764 = vector.shape_cast %swap3A_763 : vector<1x16xf32> to vector<16xf32>
      %swap3A_765 = vector.shape_cast %broadcast_in_dim3A_711 : vector<16xf32> to vector<1x16xf32>
      tpu.vector_store %arg7[%swap3A_761, %swap3A_762], %swap3A_765 {strides = array<i32>} : memref<640x128xf32, #tpu.memory_space<vmem>>, vector<1x16xf32>,
      %mul3A_766 = arith.constant 16 : i32
      %mul3A_767 = arith.muli %add3A_33, %mul3A_766 : i32
      %add3A_768 = arith.constant 9 : i32
      %add3A_769 = arith.addi %mul3A_767, %add3A_768 : i32
      %swap3A_770 = arith.index_cast %add3A_769 : i32 to index
      %swap3A_771 = arith.constant 96 : index
      %swap3A_772 = tpu.vector_load %arg7[%swap3A_770, %swap3A_771] {strides = array<i32>} : memref<640x128xf32, #tpu.memory_space<vmem>>, vector<1x16xf32>,
      %swap3A_773 = vector.shape_cast %swap3A_772 : vector<1x16xf32> to vector<16xf32>
      %swap3A_774 = vector.shape_cast %broadcast_in_dim3A_711 : vector<16xf32> to vector<1x16xf32>
      tpu.vector_store %arg7[%swap3A_770, %swap3A_771], %swap3A_774 {strides = array<i32>} : memref<640x128xf32, #tpu.memory_space<vmem>>, vector<1x16xf32>,
      %mul3A_775 = arith.constant 16 : i32
      %mul3A_776 = arith.muli %add3A_33, %mul3A_775 : i32
      %add3A_777 = arith.constant 9 : i32
      %add3A_778 = arith.addi %mul3A_776, %add3A_777 : i32
      %swap3A_779 = arith.index_cast %add3A_778 : i32 to index
      %swap3A_780 = arith.constant 112 : index
      %swap3A_781 = tpu.vector_load %arg7[%swap3A_779, %swap3A_780] {strides = array<i32>} : memref<640x128xf32, #tpu.memory_space<vmem>>, vector<1x16xf32>,
      %swap3A_782 = vector.shape_cast %swap3A_781 : vector<1x16xf32> to vector<16xf32>
      %swap3A_783 = vector.shape_cast %broadcast_in_dim3A_711 : vector<16xf32> to vector<1x16xf32>
      tpu.vector_store %arg7[%swap3A_779, %swap3A_780], %swap3A_783 {strides = array<i32>} : memref<640x128xf32, #tpu.memory_space<vmem>>, vector<1x16xf32>,
      %slice3A_784 = vector.extract_strided_slice %get3A_37 {offsets = [10], sizes = [1], strides = [1]} : vector<16xf32> to vector<1xf32>
      %squeeze3A_785 = vector.extract %slice3A_784[0] : f32 from vector<1xf32>
      %broadcast_in_dim3A_786 = vector.broadcast %squeeze3A_785 : f32 to vector<16xf32>
      %mul3A_787 = arith.constant 16 : i32
      %mul3A_788 = arith.muli %add3A_33, %mul3A_787 : i32
      %add3A_789 = arith.constant 10 : i32
      %add3A_790 = arith.addi %mul3A_788, %add3A_789 : i32
      %swap3A_791 = arith.index_cast %add3A_790 : i32 to index
      %swap3A_792 = arith.constant 0 : index
      %swap3A_793 = tpu.vector_load %arg7[%swap3A_791, %swap3A_792] {strides = array<i32>} : memref<640x128xf32, #tpu.memory_space<vmem>>, vector<1x16xf32>,
      %swap3A_794 = vector.shape_cast %swap3A_793 : vector<1x16xf32> to vector<16xf32>
      %swap3A_795 = vector.shape_cast %broadcast_in_dim3A_786 : vector<16xf32> to vector<1x16xf32>
      tpu.vector_store %arg7[%swap3A_791, %swap3A_792], %swap3A_795 {strides = array<i32>} : memref<640x128xf32, #tpu.memory_space<vmem>>, vector<1x16xf32>,
      %mul3A_796 = arith.constant 16 : i32
      %mul3A_797 = arith.muli %add3A_33, %mul3A_796 : i32
      %add3A_798 = arith.constant 10 : i32
      %add3A_799 = arith.addi %mul3A_797, %add3A_798 : i32
      %swap3A_800 = arith.index_cast %add3A_799 : i32 to index
      %swap3A_801 = arith.constant 16 : index
      %swap3A_802 = tpu.vector_load %arg7[%swap3A_800, %swap3A_801] {strides = array<i32>} : memref<640x128xf32, #tpu.memory_space<vmem>>, vector<1x16xf32>,
      %swap3A_803 = vector.shape_cast %swap3A_802 : vector<1x16xf32> to vector<16xf32>
      %swap3A_804 = vector.shape_cast %broadcast_in_dim3A_786 : vector<16xf32> to vector<1x16xf32>
      tpu.vector_store %arg7[%swap3A_800, %swap3A_801], %swap3A_804 {strides = array<i32>} : memref<640x128xf32, #tpu.memory_space<vmem>>, vector<1x16xf32>,
      %mul3A_805 = arith.constant 16 : i32
      %mul3A_806 = arith.muli %add3A_33, %mul3A_805 : i32
      %add3A_807 = arith.constant 10 : i32
      %add3A_808 = arith.addi %mul3A_806, %add3A_807 : i32
      %swap3A_809 = arith.index_cast %add3A_808 : i32 to index
      %swap3A_810 = arith.constant 32 : index
      %swap3A_811 = tpu.vector_load %arg7[%swap3A_809, %swap3A_810] {strides = array<i32>} : memref<640x128xf32, #tpu.memory_space<vmem>>, vector<1x16xf32>,
      %swap3A_812 = vector.shape_cast %swap3A_811 : vector<1x16xf32> to vector<16xf32>
      %swap3A_813 = vector.shape_cast %broadcast_in_dim3A_786 : vector<16xf32> to vector<1x16xf32>
      tpu.vector_store %arg7[%swap3A_809, %swap3A_810], %swap3A_813 {strides = array<i32>} : memref<640x128xf32, #tpu.memory_space<vmem>>, vector<1x16xf32>,
      %mul3A_814 = arith.constant 16 : i32
      %mul3A_815 = arith.muli %add3A_33, %mul3A_814 : i32
      %add3A_816 = arith.constant 10 : i32
      %add3A_817 = arith.addi %mul3A_815, %add3A_816 : i32
      %swap3A_818 = arith.index_cast %add3A_817 : i32 to index
      %swap3A_819 = arith.constant 48 : index
      %swap3A_820 = tpu.vector_load %arg7[%swap3A_818, %swap3A_819] {strides = array<i32>} : memref<640x128xf32, #tpu.memory_space<vmem>>, vector<1x16xf32>,
      %swap3A_821 = vector.shape_cast %swap3A_820 : vector<1x16xf32> to vector<16xf32>
      %swap3A_822 = vector.shape_cast %broadcast_in_dim3A_786 : vector<16xf32> to vector<1x16xf32>
      tpu.vector_store %arg7[%swap3A_818, %swap3A_819], %swap3A_822 {strides = array<i32>} : memref<640x128xf32, #tpu.memory_space<vmem>>, vector<1x16xf32>,
      %mul3A_823 = arith.constant 16 : i32
      %mul3A_824 = arith.muli %add3A_33, %mul3A_823 : i32
      %add3A_825 = arith.constant 10 : i32
      %add3A_826 = arith.addi %mul3A_824, %add3A_825 : i32
      %swap3A_827 = arith.index_cast %add3A_826 : i32 to index
      %swap3A_828 = arith.constant 64 : index
      %swap3A_829 = tpu.vector_load %arg7[%swap3A_827, %swap3A_828] {strides = array<i32>} : memref<640x128xf32, #tpu.memory_space<vmem>>, vector<1x16xf32>,
      %swap3A_830 = vector.shape_cast %swap3A_829 : vector<1x16xf32> to vector<16xf32>
      %swap3A_831 = vector.shape_cast %broadcast_in_dim3A_786 : vector<16xf32> to vector<1x16xf32>
      tpu.vector_store %arg7[%swap3A_827, %swap3A_828], %swap3A_831 {strides = array<i32>} : memref<640x128xf32, #tpu.memory_space<vmem>>, vector<1x16xf32>,
      %mul3A_832 = arith.constant 16 : i32
      %mul3A_833 = arith.muli %add3A_33, %mul3A_832 : i32
      %add3A_834 = arith.constant 10 : i32
      %add3A_835 = arith.addi %mul3A_833, %add3A_834 : i32
      %swap3A_836 = arith.index_cast %add3A_835 : i32 to index
      %swap3A_837 = arith.constant 80 : index
      %swap3A_838 = tpu.vector_load %arg7[%swap3A_836, %swap3A_837] {strides = array<i32>} : memref<640x128xf32, #tpu.memory_space<vmem>>, vector<1x16xf32>,
      %swap3A_839 = vector.shape_cast %swap3A_838 : vector<1x16xf32> to vector<16xf32>
      %swap3A_840 = vector.shape_cast %broadcast_in_dim3A_786 : vector<16xf32> to vector<1x16xf32>
      tpu.vector_store %arg7[%swap3A_836, %swap3A_837], %swap3A_840 {strides = array<i32>} : memref<640x128xf32, #tpu.memory_space<vmem>>, vector<1x16xf32>,
      %mul3A_841 = arith.constant 16 : i32
      %mul3A_842 = arith.muli %add3A_33, %mul3A_841 : i32
      %add3A_843 = arith.constant 10 : i32
      %add3A_844 = arith.addi %mul3A_842, %add3A_843 : i32
      %swap3A_845 = arith.index_cast %add3A_844 : i32 to index
      %swap3A_846 = arith.constant 96 : index
      %swap3A_847 = tpu.vector_load %arg7[%swap3A_845, %swap3A_846] {strides = array<i32>} : memref<640x128xf32, #tpu.memory_space<vmem>>, vector<1x16xf32>,
      %swap3A_848 = vector.shape_cast %swap3A_847 : vector<1x16xf32> to vector<16xf32>
      %swap3A_849 = vector.shape_cast %broadcast_in_dim3A_786 : vector<16xf32> to vector<1x16xf32>
      tpu.vector_store %arg7[%swap3A_845, %swap3A_846], %swap3A_849 {strides = array<i32>} : memref<640x128xf32, #tpu.memory_space<vmem>>, vector<1x16xf32>,
      %mul3A_850 = arith.constant 16 : i32
      %mul3A_851 = arith.muli %add3A_33, %mul3A_850 : i32
      %add3A_852 = arith.constant 10 : i32
      %add3A_853 = arith.addi %mul3A_851, %add3A_852 : i32
      %swap3A_854 = arith.index_cast %add3A_853 : i32 to index
      %swap3A_855 = arith.constant 112 : index
      %swap3A_856 = tpu.vector_load %arg7[%swap3A_854, %swap3A_855] {strides = array<i32>} : memref<640x128xf32, #tpu.memory_space<vmem>>, vector<1x16xf32>,
      %swap3A_857 = vector.shape_cast %swap3A_856 : vector<1x16xf32> to vector<16xf32>
      %swap3A_858 = vector.shape_cast %broadcast_in_dim3A_786 : vector<16xf32> to vector<1x16xf32>
      tpu.vector_store %arg7[%swap3A_854, %swap3A_855], %swap3A_858 {strides = array<i32>} : memref<640x128xf32, #tpu.memory_space<vmem>>, vector<1x16xf32>,
      %slice3A_859 = vector.extract_strided_slice %get3A_37 {offsets = [11], sizes = [1], strides = [1]} : vector<16xf32> to vector<1xf32>
      %squeeze3A_860 = vector.extract %slice3A_859[0] : f32 from vector<1xf32>
      %broadcast_in_dim3A_861 = vector.broadcast %squeeze3A_860 : f32 to vector<16xf32>
      %mul3A_862 = arith.constant 16 : i32
      %mul3A_863 = arith.muli %add3A_33, %mul3A_862 : i32
      %add3A_864 = arith.constant 11 : i32
      %add3A_865 = arith.addi %mul3A_863, %add3A_864 : i32
      %swap3A_866 = arith.index_cast %add3A_865 : i32 to index
      %swap3A_867 = arith.constant 0 : index
      %swap3A_868 = tpu.vector_load %arg7[%swap3A_866, %swap3A_867] {strides = array<i32>} : memref<640x128xf32, #tpu.memory_space<vmem>>, vector<1x16xf32>,
      %swap3A_869 = vector.shape_cast %swap3A_868 : vector<1x16xf32> to vector<16xf32>
      %swap3A_870 = vector.shape_cast %broadcast_in_dim3A_861 : vector<16xf32> to vector<1x16xf32>
      tpu.vector_store %arg7[%swap3A_866, %swap3A_867], %swap3A_870 {strides = array<i32>} : memref<640x128xf32, #tpu.memory_space<vmem>>, vector<1x16xf32>,
      %mul3A_871 = arith.constant 16 : i32
      %mul3A_872 = arith.muli %add3A_33, %mul3A_871 : i32
      %add3A_873 = arith.constant 11 : i32
      %add3A_874 = arith.addi %mul3A_872, %add3A_873 : i32
      %swap3A_875 = arith.index_cast %add3A_874 : i32 to index
      %swap3A_876 = arith.constant 16 : index
      %swap3A_877 = tpu.vector_load %arg7[%swap3A_875, %swap3A_876] {strides = array<i32>} : memref<640x128xf32, #tpu.memory_space<vmem>>, vector<1x16xf32>,
      %swap3A_878 = vector.shape_cast %swap3A_877 : vector<1x16xf32> to vector<16xf32>
      %swap3A_879 = vector.shape_cast %broadcast_in_dim3A_861 : vector<16xf32> to vector<1x16xf32>
      tpu.vector_store %arg7[%swap3A_875, %swap3A_876], %swap3A_879 {strides = array<i32>} : memref<640x128xf32, #tpu.memory_space<vmem>>, vector<1x16xf32>,
      %mul3A_880 = arith.constant 16 : i32
      %mul3A_881 = arith.muli %add3A_33, %mul3A_880 : i32
      %add3A_882 = arith.constant 11 : i32
      %add3A_883 = arith.addi %mul3A_881, %add3A_882 : i32
      %swap3A_884 = arith.index_cast %add3A_883 : i32 to index
      %swap3A_885 = arith.constant 32 : index
      %swap3A_886 = tpu.vector_load %arg7[%swap3A_884, %swap3A_885] {strides = array<i32>} : memref<640x128xf32, #tpu.memory_space<vmem>>, vector<1x16xf32>,
      %swap3A_887 = vector.shape_cast %swap3A_886 : vector<1x16xf32> to vector<16xf32>
      %swap3A_888 = vector.shape_cast %broadcast_in_dim3A_861 : vector<16xf32> to vector<1x16xf32>
      tpu.vector_store %arg7[%swap3A_884, %swap3A_885], %swap3A_888 {strides = array<i32>} : memref<640x128xf32, #tpu.memory_space<vmem>>, vector<1x16xf32>,
      %mul3A_889 = arith.constant 16 : i32
      %mul3A_890 = arith.muli %add3A_33, %mul3A_889 : i32
      %add3A_891 = arith.constant 11 : i32
      %add3A_892 = arith.addi %mul3A_890, %add3A_891 : i32
      %swap3A_893 = arith.index_cast %add3A_892 : i32 to index
      %swap3A_894 = arith.constant 48 : index
      %swap3A_895 = tpu.vector_load %arg7[%swap3A_893, %swap3A_894] {strides = array<i32>} : memref<640x128xf32, #tpu.memory_space<vmem>>, vector<1x16xf32>,
      %swap3A_896 = vector.shape_cast %swap3A_895 : vector<1x16xf32> to vector<16xf32>
      %swap3A_897 = vector.shape_cast %broadcast_in_dim3A_861 : vector<16xf32> to vector<1x16xf32>
      tpu.vector_store %arg7[%swap3A_893, %swap3A_894], %swap3A_897 {strides = array<i32>} : memref<640x128xf32, #tpu.memory_space<vmem>>, vector<1x16xf32>,
      %mul3A_898 = arith.constant 16 : i32
      %mul3A_899 = arith.muli %add3A_33, %mul3A_898 : i32
      %add3A_900 = arith.constant 11 : i32
      %add3A_901 = arith.addi %mul3A_899, %add3A_900 : i32
      %swap3A_902 = arith.index_cast %add3A_901 : i32 to index
      %swap3A_903 = arith.constant 64 : index
      %swap3A_904 = tpu.vector_load %arg7[%swap3A_902, %swap3A_903] {strides = array<i32>} : memref<640x128xf32, #tpu.memory_space<vmem>>, vector<1x16xf32>,
      %swap3A_905 = vector.shape_cast %swap3A_904 : vector<1x16xf32> to vector<16xf32>
      %swap3A_906 = vector.shape_cast %broadcast_in_dim3A_861 : vector<16xf32> to vector<1x16xf32>
      tpu.vector_store %arg7[%swap3A_902, %swap3A_903], %swap3A_906 {strides = array<i32>} : memref<640x128xf32, #tpu.memory_space<vmem>>, vector<1x16xf32>,
      %mul3A_907 = arith.constant 16 : i32
      %mul3A_908 = arith.muli %add3A_33, %mul3A_907 : i32
      %add3A_909 = arith.constant 11 : i32
      %add3A_910 = arith.addi %mul3A_908, %add3A_909 : i32
      %swap3A_911 = arith.index_cast %add3A_910 : i32 to index
      %swap3A_912 = arith.constant 80 : index
      %swap3A_913 = tpu.vector_load %arg7[%swap3A_911, %swap3A_912] {strides = array<i32>} : memref<640x128xf32, #tpu.memory_space<vmem>>, vector<1x16xf32>,
      %swap3A_914 = vector.shape_cast %swap3A_913 : vector<1x16xf32> to vector<16xf32>
      %swap3A_915 = vector.shape_cast %broadcast_in_dim3A_861 : vector<16xf32> to vector<1x16xf32>
      tpu.vector_store %arg7[%swap3A_911, %swap3A_912], %swap3A_915 {strides = array<i32>} : memref<640x128xf32, #tpu.memory_space<vmem>>, vector<1x16xf32>,
      %mul3A_916 = arith.constant 16 : i32
      %mul3A_917 = arith.muli %add3A_33, %mul3A_916 : i32
      %add3A_918 = arith.constant 11 : i32
      %add3A_919 = arith.addi %mul3A_917, %add3A_918 : i32
      %swap3A_920 = arith.index_cast %add3A_919 : i32 to index
      %swap3A_921 = arith.constant 96 : index
      %swap3A_922 = tpu.vector_load %arg7[%swap3A_920, %swap3A_921] {strides = array<i32>} : memref<640x128xf32, #tpu.memory_space<vmem>>, vector<1x16xf32>,
      %swap3A_923 = vector.shape_cast %swap3A_922 : vector<1x16xf32> to vector<16xf32>
      %swap3A_924 = vector.shape_cast %broadcast_in_dim3A_861 : vector<16xf32> to vector<1x16xf32>
      tpu.vector_store %arg7[%swap3A_920, %swap3A_921], %swap3A_924 {strides = array<i32>} : memref<640x128xf32, #tpu.memory_space<vmem>>, vector<1x16xf32>,
      %mul3A_925 = arith.constant 16 : i32
      %mul3A_926 = arith.muli %add3A_33, %mul3A_925 : i32
      %add3A_927 = arith.constant 11 : i32
      %add3A_928 = arith.addi %mul3A_926, %add3A_927 : i32
      %swap3A_929 = arith.index_cast %add3A_928 : i32 to index
      %swap3A_930 = arith.constant 112 : index
      %swap3A_931 = tpu.vector_load %arg7[%swap3A_929, %swap3A_930] {strides = array<i32>} : memref<640x128xf32, #tpu.memory_space<vmem>>, vector<1x16xf32>,
      %swap3A_932 = vector.shape_cast %swap3A_931 : vector<1x16xf32> to vector<16xf32>
      %swap3A_933 = vector.shape_cast %broadcast_in_dim3A_861 : vector<16xf32> to vector<1x16xf32>
      tpu.vector_store %arg7[%swap3A_929, %swap3A_930], %swap3A_933 {strides = array<i32>} : memref<640x128xf32, #tpu.memory_space<vmem>>, vector<1x16xf32>,
      %slice3A_934 = vector.extract_strided_slice %get3A_37 {offsets = [12], sizes = [1], strides = [1]} : vector<16xf32> to vector<1xf32>
      %squeeze3A_935 = vector.extract %slice3A_934[0] : f32 from vector<1xf32>
      %broadcast_in_dim3A_936 = vector.broadcast %squeeze3A_935 : f32 to vector<16xf32>
      %mul3A_937 = arith.constant 16 : i32
      %mul3A_938 = arith.muli %add3A_33, %mul3A_937 : i32
      %add3A_939 = arith.constant 12 : i32
      %add3A_940 = arith.addi %mul3A_938, %add3A_939 : i32
      %swap3A_941 = arith.index_cast %add3A_940 : i32 to index
      %swap3A_942 = arith.constant 0 : index
      %swap3A_943 = tpu.vector_load %arg7[%swap3A_941, %swap3A_942] {strides = array<i32>} : memref<640x128xf32, #tpu.memory_space<vmem>>, vector<1x16xf32>,
      %swap3A_944 = vector.shape_cast %swap3A_943 : vector<1x16xf32> to vector<16xf32>
      %swap3A_945 = vector.shape_cast %broadcast_in_dim3A_936 : vector<16xf32> to vector<1x16xf32>
      tpu.vector_store %arg7[%swap3A_941, %swap3A_942], %swap3A_945 {strides = array<i32>} : memref<640x128xf32, #tpu.memory_space<vmem>>, vector<1x16xf32>,
      %mul3A_946 = arith.constant 16 : i32
      %mul3A_947 = arith.muli %add3A_33, %mul3A_946 : i32
      %add3A_948 = arith.constant 12 : i32
      %add3A_949 = arith.addi %mul3A_947, %add3A_948 : i32
      %swap3A_950 = arith.index_cast %add3A_949 : i32 to index
      %swap3A_951 = arith.constant 16 : index
      %swap3A_952 = tpu.vector_load %arg7[%swap3A_950, %swap3A_951] {strides = array<i32>} : memref<640x128xf32, #tpu.memory_space<vmem>>, vector<1x16xf32>,
      %swap3A_953 = vector.shape_cast %swap3A_952 : vector<1x16xf32> to vector<16xf32>
      %swap3A_954 = vector.shape_cast %broadcast_in_dim3A_936 : vector<16xf32> to vector<1x16xf32>
      tpu.vector_store %arg7[%swap3A_950, %swap3A_951], %swap3A_954 {strides = array<i32>} : memref<640x128xf32, #tpu.memory_space<vmem>>, vector<1x16xf32>,
      %mul3A_955 = arith.constant 16 : i32
      %mul3A_956 = arith.muli %add3A_33, %mul3A_955 : i32
      %add3A_957 = arith.constant 12 : i32
      %add3A_958 = arith.addi %mul3A_956, %add3A_957 : i32
      %swap3A_959 = arith.index_cast %add3A_958 : i32 to index
      %swap3A_960 = arith.constant 32 : index
      %swap3A_961 = tpu.vector_load %arg7[%swap3A_959, %swap3A_960] {strides = array<i32>} : memref<640x128xf32, #tpu.memory_space<vmem>>, vector<1x16xf32>,
      %swap3A_962 = vector.shape_cast %swap3A_961 : vector<1x16xf32> to vector<16xf32>
      %swap3A_963 = vector.shape_cast %broadcast_in_dim3A_936 : vector<16xf32> to vector<1x16xf32>
      tpu.vector_store %arg7[%swap3A_959, %swap3A_960], %swap3A_963 {strides = array<i32>} : memref<640x128xf32, #tpu.memory_space<vmem>>, vector<1x16xf32>,
      %mul3A_964 = arith.constant 16 : i32
      %mul3A_965 = arith.muli %add3A_33, %mul3A_964 : i32
      %add3A_966 = arith.constant 12 : i32
      %add3A_967 = arith.addi %mul3A_965, %add3A_966 : i32
      %swap3A_968 = arith.index_cast %add3A_967 : i32 to index
      %swap3A_969 = arith.constant 48 : index
      %swap3A_970 = tpu.vector_load %arg7[%swap3A_968, %swap3A_969] {strides = array<i32>} : memref<640x128xf32, #tpu.memory_space<vmem>>, vector<1x16xf32>,
      %swap3A_971 = vector.shape_cast %swap3A_970 : vector<1x16xf32> to vector<16xf32>
      %swap3A_972 = vector.shape_cast %broadcast_in_dim3A_936 : vector<16xf32> to vector<1x16xf32>
      tpu.vector_store %arg7[%swap3A_968, %swap3A_969], %swap3A_972 {strides = array<i32>} : memref<640x128xf32, #tpu.memory_space<vmem>>, vector<1x16xf32>,
      %mul3A_973 = arith.constant 16 : i32
      %mul3A_974 = arith.muli %add3A_33, %mul3A_973 : i32
      %add3A_975 = arith.constant 12 : i32
      %add3A_976 = arith.addi %mul3A_974, %add3A_975 : i32
      %swap3A_977 = arith.index_cast %add3A_976 : i32 to index
      %swap3A_978 = arith.constant 64 : index
      %swap3A_979 = tpu.vector_load %arg7[%swap3A_977, %swap3A_978] {strides = array<i32>} : memref<640x128xf32, #tpu.memory_space<vmem>>, vector<1x16xf32>,
      %swap3A_980 = vector.shape_cast %swap3A_979 : vector<1x16xf32> to vector<16xf32>
      %swap3A_981 = vector.shape_cast %broadcast_in_dim3A_936 : vector<16xf32> to vector<1x16xf32>
      tpu.vector_store %arg7[%swap3A_977, %swap3A_978], %swap3A_981 {strides = array<i32>} : memref<640x128xf32, #tpu.memory_space<vmem>>, vector<1x16xf32>,
      %mul3A_982 = arith.constant 16 : i32
      %mul3A_983 = arith.muli %add3A_33, %mul3A_982 : i32
      %add3A_984 = arith.constant 12 : i32
      %add3A_985 = arith.addi %mul3A_983, %add3A_984 : i32
      %swap3A_986 = arith.index_cast %add3A_985 : i32 to index
      %swap3A_987 = arith.constant 80 : index
      %swap3A_988 = tpu.vector_load %arg7[%swap3A_986, %swap3A_987] {strides = array<i32>} : memref<640x128xf32, #tpu.memory_space<vmem>>, vector<1x16xf32>,
      %swap3A_989 = vector.shape_cast %swap3A_988 : vector<1x16xf32> to vector<16xf32>
      %swap3A_990 = vector.shape_cast %broadcast_in_dim3A_936 : vector<16xf32> to vector<1x16xf32>
      tpu.vector_store %arg7[%swap3A_986, %swap3A_987], %swap3A_990 {strides = array<i32>} : memref<640x128xf32, #tpu.memory_space<vmem>>, vector<1x16xf32>,
      %mul3A_991 = arith.constant 16 : i32
      %mul3A_992 = arith.muli %add3A_33, %mul3A_991 : i32
      %add3A_993 = arith.constant 12 : i32
      %add3A_994 = arith.addi %mul3A_992, %add3A_993 : i32
      %swap3A_995 = arith.index_cast %add3A_994 : i32 to index
      %swap3A_996 = arith.constant 96 : index
      %swap3A_997 = tpu.vector_load %arg7[%swap3A_995, %swap3A_996] {strides = array<i32>} : memref<640x128xf32, #tpu.memory_space<vmem>>, vector<1x16xf32>,
      %swap3A_998 = vector.shape_cast %swap3A_997 : vector<1x16xf32> to vector<16xf32>
      %swap3A_999 = vector.shape_cast %broadcast_in_dim3A_936 : vector<16xf32> to vector<1x16xf32>
      tpu.vector_store %arg7[%swap3A_995, %swap3A_996], %swap3A_999 {strides = array<i32>} : memref<640x128xf32, #tpu.memory_space<vmem>>, vector<1x16xf32>,
      %mul3A_1000 = arith.constant 16 : i32
      %mul3A_1001 = arith.muli %add3A_33, %mul3A_1000 : i32
      %add3A_1002 = arith.constant 12 : i32
      %add3A_1003 = arith.addi %mul3A_1001, %add3A_1002 : i32
      %swap3A_1004 = arith.index_cast %add3A_1003 : i32 to index
      %swap3A_1005 = arith.constant 112 : index
      %swap3A_1006 = tpu.vector_load %arg7[%swap3A_1004, %swap3A_1005] {strides = array<i32>} : memref<640x128xf32, #tpu.memory_space<vmem>>, vector<1x16xf32>,
      %swap3A_1007 = vector.shape_cast %swap3A_1006 : vector<1x16xf32> to vector<16xf32>
      %swap3A_1008 = vector.shape_cast %broadcast_in_dim3A_936 : vector<16xf32> to vector<1x16xf32>
      tpu.vector_store %arg7[%swap3A_1004, %swap3A_1005], %swap3A_1008 {strides = array<i32>} : memref<640x128xf32, #tpu.memory_space<vmem>>, vector<1x16xf32>,
      %slice3A_1009 = vector.extract_strided_slice %get3A_37 {offsets = [13], sizes = [1], strides = [1]} : vector<16xf32> to vector<1xf32>
      %squeeze3A_1010 = vector.extract %slice3A_1009[0] : f32 from vector<1xf32>
      %broadcast_in_dim3A_1011 = vector.broadcast %squeeze3A_1010 : f32 to vector<16xf32>
      %mul3A_1012 = arith.constant 16 : i32
      %mul3A_1013 = arith.muli %add3A_33, %mul3A_1012 : i32
      %add3A_1014 = arith.constant 13 : i32
      %add3A_1015 = arith.addi %mul3A_1013, %add3A_1014 : i32
      %swap3A_1016 = arith.index_cast %add3A_1015 : i32 to index
      %swap3A_1017 = arith.constant 0 : index
      %swap3A_1018 = tpu.vector_load %arg7[%swap3A_1016, %swap3A_1017] {strides = array<i32>} : memref<640x128xf32, #tpu.memory_space<vmem>>, vector<1x16xf32>,
      %swap3A_1019 = vector.shape_cast %swap3A_1018 : vector<1x16xf32> to vector<16xf32>
      %swap3A_1020 = vector.shape_cast %broadcast_in_dim3A_1011 : vector<16xf32> to vector<1x16xf32>
      tpu.vector_store %arg7[%swap3A_1016, %swap3A_1017], %swap3A_1020 {strides = array<i32>} : memref<640x128xf32, #tpu.memory_space<vmem>>, vector<1x16xf32>,
      %mul3A_1021 = arith.constant 16 : i32
      %mul3A_1022 = arith.muli %add3A_33, %mul3A_1021 : i32
      %add3A_1023 = arith.constant 13 : i32
      %add3A_1024 = arith.addi %mul3A_1022, %add3A_1023 : i32
      %swap3A_1025 = arith.index_cast %add3A_1024 : i32 to index
      %swap3A_1026 = arith.constant 16 : index
      %swap3A_1027 = tpu.vector_load %arg7[%swap3A_1025, %swap3A_1026] {strides = array<i32>} : memref<640x128xf32, #tpu.memory_space<vmem>>, vector<1x16xf32>,
      %swap3A_1028 = vector.shape_cast %swap3A_1027 : vector<1x16xf32> to vector<16xf32>
      %swap3A_1029 = vector.shape_cast %broadcast_in_dim3A_1011 : vector<16xf32> to vector<1x16xf32>
      tpu.vector_store %arg7[%swap3A_1025, %swap3A_1026], %swap3A_1029 {strides = array<i32>} : memref<640x128xf32, #tpu.memory_space<vmem>>, vector<1x16xf32>,
      %mul3A_1030 = arith.constant 16 : i32
      %mul3A_1031 = arith.muli %add3A_33, %mul3A_1030 : i32
      %add3A_1032 = arith.constant 13 : i32
      %add3A_1033 = arith.addi %mul3A_1031, %add3A_1032 : i32
      %swap3A_1034 = arith.index_cast %add3A_1033 : i32 to index
      %swap3A_1035 = arith.constant 32 : index
      %swap3A_1036 = tpu.vector_load %arg7[%swap3A_1034, %swap3A_1035] {strides = array<i32>} : memref<640x128xf32, #tpu.memory_space<vmem>>, vector<1x16xf32>,
      %swap3A_1037 = vector.shape_cast %swap3A_1036 : vector<1x16xf32> to vector<16xf32>
      %swap3A_1038 = vector.shape_cast %broadcast_in_dim3A_1011 : vector<16xf32> to vector<1x16xf32>
      tpu.vector_store %arg7[%swap3A_1034, %swap3A_1035], %swap3A_1038 {strides = array<i32>} : memref<640x128xf32, #tpu.memory_space<vmem>>, vector<1x16xf32>,
      %mul3A_1039 = arith.constant 16 : i32
      %mul3A_1040 = arith.muli %add3A_33, %mul3A_1039 : i32
      %add3A_1041 = arith.constant 13 : i32
      %add3A_1042 = arith.addi %mul3A_1040, %add3A_1041 : i32
      %swap3A_1043 = arith.index_cast %add3A_1042 : i32 to index
      %swap3A_1044 = arith.constant 48 : index
      %swap3A_1045 = tpu.vector_load %arg7[%swap3A_1043, %swap3A_1044] {strides = array<i32>} : memref<640x128xf32, #tpu.memory_space<vmem>>, vector<1x16xf32>,
      %swap3A_1046 = vector.shape_cast %swap3A_1045 : vector<1x16xf32> to vector<16xf32>
      %swap3A_1047 = vector.shape_cast %broadcast_in_dim3A_1011 : vector<16xf32> to vector<1x16xf32>
      tpu.vector_store %arg7[%swap3A_1043, %swap3A_1044], %swap3A_1047 {strides = array<i32>} : memref<640x128xf32, #tpu.memory_space<vmem>>, vector<1x16xf32>,
      %mul3A_1048 = arith.constant 16 : i32
      %mul3A_1049 = arith.muli %add3A_33, %mul3A_1048 : i32
      %add3A_1050 = arith.constant 13 : i32
      %add3A_1051 = arith.addi %mul3A_1049, %add3A_1050 : i32
      %swap3A_1052 = arith.index_cast %add3A_1051 : i32 to index
      %swap3A_1053 = arith.constant 64 : index
      %swap3A_1054 = tpu.vector_load %arg7[%swap3A_1052, %swap3A_1053] {strides = array<i32>} : memref<640x128xf32, #tpu.memory_space<vmem>>, vector<1x16xf32>,
      %swap3A_1055 = vector.shape_cast %swap3A_1054 : vector<1x16xf32> to vector<16xf32>
      %swap3A_1056 = vector.shape_cast %broadcast_in_dim3A_1011 : vector<16xf32> to vector<1x16xf32>
      tpu.vector_store %arg7[%swap3A_1052, %swap3A_1053], %swap3A_1056 {strides = array<i32>} : memref<640x128xf32, #tpu.memory_space<vmem>>, vector<1x16xf32>,
      %mul3A_1057 = arith.constant 16 : i32
      %mul3A_1058 = arith.muli %add3A_33, %mul3A_1057 : i32
      %add3A_1059 = arith.constant 13 : i32
      %add3A_1060 = arith.addi %mul3A_1058, %add3A_1059 : i32
      %swap3A_1061 = arith.index_cast %add3A_1060 : i32 to index
      %swap3A_1062 = arith.constant 80 : index
      %swap3A_1063 = tpu.vector_load %arg7[%swap3A_1061, %swap3A_1062] {strides = array<i32>} : memref<640x128xf32, #tpu.memory_space<vmem>>, vector<1x16xf32>,
      %swap3A_1064 = vector.shape_cast %swap3A_1063 : vector<1x16xf32> to vector<16xf32>
      %swap3A_1065 = vector.shape_cast %broadcast_in_dim3A_1011 : vector<16xf32> to vector<1x16xf32>
      tpu.vector_store %arg7[%swap3A_1061, %swap3A_1062], %swap3A_1065 {strides = array<i32>} : memref<640x128xf32, #tpu.memory_space<vmem>>, vector<1x16xf32>,
      %mul3A_1066 = arith.constant 16 : i32
      %mul3A_1067 = arith.muli %add3A_33, %mul3A_1066 : i32
      %add3A_1068 = arith.constant 13 : i32
      %add3A_1069 = arith.addi %mul3A_1067, %add3A_1068 : i32
      %swap3A_1070 = arith.index_cast %add3A_1069 : i32 to index
      %swap3A_1071 = arith.constant 96 : index
      %swap3A_1072 = tpu.vector_load %arg7[%swap3A_1070, %swap3A_1071] {strides = array<i32>} : memref<640x128xf32, #tpu.memory_space<vmem>>, vector<1x16xf32>,
      %swap3A_1073 = vector.shape_cast %swap3A_1072 : vector<1x16xf32> to vector<16xf32>
      %swap3A_1074 = vector.shape_cast %broadcast_in_dim3A_1011 : vector<16xf32> to vector<1x16xf32>
      tpu.vector_store %arg7[%swap3A_1070, %swap3A_1071], %swap3A_1074 {strides = array<i32>} : memref<640x128xf32, #tpu.memory_space<vmem>>, vector<1x16xf32>,
      %mul3A_1075 = arith.constant 16 : i32
      %mul3A_1076 = arith.muli %add3A_33, %mul3A_1075 : i32
      %add3A_1077 = arith.constant 13 : i32
      %add3A_1078 = arith.addi %mul3A_1076, %add3A_1077 : i32
      %swap3A_1079 = arith.index_cast %add3A_1078 : i32 to index
      %swap3A_1080 = arith.constant 112 : index
      %swap3A_1081 = tpu.vector_load %arg7[%swap3A_1079, %swap3A_1080] {strides = array<i32>} : memref<640x128xf32, #tpu.memory_space<vmem>>, vector<1x16xf32>,
      %swap3A_1082 = vector.shape_cast %swap3A_1081 : vector<1x16xf32> to vector<16xf32>
      %swap3A_1083 = vector.shape_cast %broadcast_in_dim3A_1011 : vector<16xf32> to vector<1x16xf32>
      tpu.vector_store %arg7[%swap3A_1079, %swap3A_1080], %swap3A_1083 {strides = array<i32>} : memref<640x128xf32, #tpu.memory_space<vmem>>, vector<1x16xf32>,
      %slice3A_1084 = vector.extract_strided_slice %get3A_37 {offsets = [14], sizes = [1], strides = [1]} : vector<16xf32> to vector<1xf32>
      %squeeze3A_1085 = vector.extract %slice3A_1084[0] : f32 from vector<1xf32>
      %broadcast_in_dim3A_1086 = vector.broadcast %squeeze3A_1085 : f32 to vector<16xf32>
      %mul3A_1087 = arith.constant 16 : i32
      %mul3A_1088 = arith.muli %add3A_33, %mul3A_1087 : i32
      %add3A_1089 = arith.constant 14 : i32
      %add3A_1090 = arith.addi %mul3A_1088, %add3A_1089 : i32
      %swap3A_1091 = arith.index_cast %add3A_1090 : i32 to index
      %swap3A_1092 = arith.constant 0 : index
      %swap3A_1093 = tpu.vector_load %arg7[%swap3A_1091, %swap3A_1092] {strides = array<i32>} : memref<640x128xf32, #tpu.memory_space<vmem>>, vector<1x16xf32>,
      %swap3A_1094 = vector.shape_cast %swap3A_1093 : vector<1x16xf32> to vector<16xf32>
      %swap3A_1095 = vector.shape_cast %broadcast_in_dim3A_1086 : vector<16xf32> to vector<1x16xf32>
      tpu.vector_store %arg7[%swap3A_1091, %swap3A_1092], %swap3A_1095 {strides = array<i32>} : memref<640x128xf32, #tpu.memory_space<vmem>>, vector<1x16xf32>,
      %mul3A_1096 = arith.constant 16 : i32
      %mul3A_1097 = arith.muli %add3A_33, %mul3A_1096 : i32
      %add3A_1098 = arith.constant 14 : i32
      %add3A_1099 = arith.addi %mul3A_1097, %add3A_1098 : i32
      %swap3A_1100 = arith.index_cast %add3A_1099 : i32 to index
      %swap3A_1101 = arith.constant 16 : index
      %swap3A_1102 = tpu.vector_load %arg7[%swap3A_1100, %swap3A_1101] {strides = array<i32>} : memref<640x128xf32, #tpu.memory_space<vmem>>, vector<1x16xf32>,
      %swap3A_1103 = vector.shape_cast %swap3A_1102 : vector<1x16xf32> to vector<16xf32>
      %swap3A_1104 = vector.shape_cast %broadcast_in_dim3A_1086 : vector<16xf32> to vector<1x16xf32>
      tpu.vector_store %arg7[%swap3A_1100, %swap3A_1101], %swap3A_1104 {strides = array<i32>} : memref<640x128xf32, #tpu.memory_space<vmem>>, vector<1x16xf32>,
      %mul3A_1105 = arith.constant 16 : i32
      %mul3A_1106 = arith.muli %add3A_33, %mul3A_1105 : i32
      %add3A_1107 = arith.constant 14 : i32
      %add3A_1108 = arith.addi %mul3A_1106, %add3A_1107 : i32
      %swap3A_1109 = arith.index_cast %add3A_1108 : i32 to index
      %swap3A_1110 = arith.constant 32 : index
      %swap3A_1111 = tpu.vector_load %arg7[%swap3A_1109, %swap3A_1110] {strides = array<i32>} : memref<640x128xf32, #tpu.memory_space<vmem>>, vector<1x16xf32>,
      %swap3A_1112 = vector.shape_cast %swap3A_1111 : vector<1x16xf32> to vector<16xf32>
      %swap3A_1113 = vector.shape_cast %broadcast_in_dim3A_1086 : vector<16xf32> to vector<1x16xf32>
      tpu.vector_store %arg7[%swap3A_1109, %swap3A_1110], %swap3A_1113 {strides = array<i32>} : memref<640x128xf32, #tpu.memory_space<vmem>>, vector<1x16xf32>,
      %mul3A_1114 = arith.constant 16 : i32
      %mul3A_1115 = arith.muli %add3A_33, %mul3A_1114 : i32
      %add3A_1116 = arith.constant 14 : i32
      %add3A_1117 = arith.addi %mul3A_1115, %add3A_1116 : i32
      %swap3A_1118 = arith.index_cast %add3A_1117 : i32 to index
      %swap3A_1119 = arith.constant 48 : index
      %swap3A_1120 = tpu.vector_load %arg7[%swap3A_1118, %swap3A_1119] {strides = array<i32>} : memref<640x128xf32, #tpu.memory_space<vmem>>, vector<1x16xf32>,
      %swap3A_1121 = vector.shape_cast %swap3A_1120 : vector<1x16xf32> to vector<16xf32>
      %swap3A_1122 = vector.shape_cast %broadcast_in_dim3A_1086 : vector<16xf32> to vector<1x16xf32>
      tpu.vector_store %arg7[%swap3A_1118, %swap3A_1119], %swap3A_1122 {strides = array<i32>} : memref<640x128xf32, #tpu.memory_space<vmem>>, vector<1x16xf32>,
      %mul3A_1123 = arith.constant 16 : i32
      %mul3A_1124 = arith.muli %add3A_33, %mul3A_1123 : i32
      %add3A_1125 = arith.constant 14 : i32
      %add3A_1126 = arith.addi %mul3A_1124, %add3A_1125 : i32
      %swap3A_1127 = arith.index_cast %add3A_1126 : i32 to index
      %swap3A_1128 = arith.constant 64 : index
      %swap3A_1129 = tpu.vector_load %arg7[%swap3A_1127, %swap3A_1128] {strides = array<i32>} : memref<640x128xf32, #tpu.memory_space<vmem>>, vector<1x16xf32>,
      %swap3A_1130 = vector.shape_cast %swap3A_1129 : vector<1x16xf32> to vector<16xf32>
      %swap3A_1131 = vector.shape_cast %broadcast_in_dim3A_1086 : vector<16xf32> to vector<1x16xf32>
      tpu.vector_store %arg7[%swap3A_1127, %swap3A_1128], %swap3A_1131 {strides = array<i32>} : memref<640x128xf32, #tpu.memory_space<vmem>>, vector<1x16xf32>,
      %mul3A_1132 = arith.constant 16 : i32
      %mul3A_1133 = arith.muli %add3A_33, %mul3A_1132 : i32
      %add3A_1134 = arith.constant 14 : i32
      %add3A_1135 = arith.addi %mul3A_1133, %add3A_1134 : i32
      %swap3A_1136 = arith.index_cast %add3A_1135 : i32 to index
      %swap3A_1137 = arith.constant 80 : index
      %swap3A_1138 = tpu.vector_load %arg7[%swap3A_1136, %swap3A_1137] {strides = array<i32>} : memref<640x128xf32, #tpu.memory_space<vmem>>, vector<1x16xf32>,
      %swap3A_1139 = vector.shape_cast %swap3A_1138 : vector<1x16xf32> to vector<16xf32>
      %swap3A_1140 = vector.shape_cast %broadcast_in_dim3A_1086 : vector<16xf32> to vector<1x16xf32>
      tpu.vector_store %arg7[%swap3A_1136, %swap3A_1137], %swap3A_1140 {strides = array<i32>} : memref<640x128xf32, #tpu.memory_space<vmem>>, vector<1x16xf32>,
      %mul3A_1141 = arith.constant 16 : i32
      %mul3A_1142 = arith.muli %add3A_33, %mul3A_1141 : i32
      %add3A_1143 = arith.constant 14 : i32
      %add3A_1144 = arith.addi %mul3A_1142, %add3A_1143 : i32
      %swap3A_1145 = arith.index_cast %add3A_1144 : i32 to index
      %swap3A_1146 = arith.constant 96 : index
      %swap3A_1147 = tpu.vector_load %arg7[%swap3A_1145, %swap3A_1146] {strides = array<i32>} : memref<640x128xf32, #tpu.memory_space<vmem>>, vector<1x16xf32>,
      %swap3A_1148 = vector.shape_cast %swap3A_1147 : vector<1x16xf32> to vector<16xf32>
      %swap3A_1149 = vector.shape_cast %broadcast_in_dim3A_1086 : vector<16xf32> to vector<1x16xf32>
      tpu.vector_store %arg7[%swap3A_1145, %swap3A_1146], %swap3A_1149 {strides = array<i32>} : memref<640x128xf32, #tpu.memory_space<vmem>>, vector<1x16xf32>,
      %mul3A_1150 = arith.constant 16 : i32
      %mul3A_1151 = arith.muli %add3A_33, %mul3A_1150 : i32
      %add3A_1152 = arith.constant 14 : i32
      %add3A_1153 = arith.addi %mul3A_1151, %add3A_1152 : i32
      %swap3A_1154 = arith.index_cast %add3A_1153 : i32 to index
      %swap3A_1155 = arith.constant 112 : index
      %swap3A_1156 = tpu.vector_load %arg7[%swap3A_1154, %swap3A_1155] {strides = array<i32>} : memref<640x128xf32, #tpu.memory_space<vmem>>, vector<1x16xf32>,
      %swap3A_1157 = vector.shape_cast %swap3A_1156 : vector<1x16xf32> to vector<16xf32>
      %swap3A_1158 = vector.shape_cast %broadcast_in_dim3A_1086 : vector<16xf32> to vector<1x16xf32>
      tpu.vector_store %arg7[%swap3A_1154, %swap3A_1155], %swap3A_1158 {strides = array<i32>} : memref<640x128xf32, #tpu.memory_space<vmem>>, vector<1x16xf32>,
      %slice3A_1159 = vector.extract_strided_slice %get3A_37 {offsets = [15], sizes = [1], strides = [1]} : vector<16xf32> to vector<1xf32>
      %squeeze3A_1160 = vector.extract %slice3A_1159[0] : f32 from vector<1xf32>
      %broadcast_in_dim3A_1161 = vector.broadcast %squeeze3A_1160 : f32 to vector<16xf32>
      %mul3A_1162 = arith.constant 16 : i32
      %mul3A_1163 = arith.muli %add3A_33, %mul3A_1162 : i32
      %add3A_1164 = arith.constant 15 : i32
      %add3A_1165 = arith.addi %mul3A_1163, %add3A_1164 : i32
      %swap3A_1166 = arith.index_cast %add3A_1165 : i32 to index
      %swap3A_1167 = arith.constant 0 : index
      %swap3A_1168 = tpu.vector_load %arg7[%swap3A_1166, %swap3A_1167] {strides = array<i32>} : memref<640x128xf32, #tpu.memory_space<vmem>>, vector<1x16xf32>,
      %swap3A_1169 = vector.shape_cast %swap3A_1168 : vector<1x16xf32> to vector<16xf32>
      %swap3A_1170 = vector.shape_cast %broadcast_in_dim3A_1161 : vector<16xf32> to vector<1x16xf32>
      tpu.vector_store %arg7[%swap3A_1166, %swap3A_1167], %swap3A_1170 {strides = array<i32>} : memref<640x128xf32, #tpu.memory_space<vmem>>, vector<1x16xf32>,
      %mul3A_1171 = arith.constant 16 : i32
      %mul3A_1172 = arith.muli %add3A_33, %mul3A_1171 : i32
      %add3A_1173 = arith.constant 15 : i32
      %add3A_1174 = arith.addi %mul3A_1172, %add3A_1173 : i32
      %swap3A_1175 = arith.index_cast %add3A_1174 : i32 to index
      %swap3A_1176 = arith.constant 16 : index
      %swap3A_1177 = tpu.vector_load %arg7[%swap3A_1175, %swap3A_1176] {strides = array<i32>} : memref<640x128xf32, #tpu.memory_space<vmem>>, vector<1x16xf32>,
      %swap3A_1178 = vector.shape_cast %swap3A_1177 : vector<1x16xf32> to vector<16xf32>
      %swap3A_1179 = vector.shape_cast %broadcast_in_dim3A_1161 : vector<16xf32> to vector<1x16xf32>
      tpu.vector_store %arg7[%swap3A_1175, %swap3A_1176], %swap3A_1179 {strides = array<i32>} : memref<640x128xf32, #tpu.memory_space<vmem>>, vector<1x16xf32>,
      %mul3A_1180 = arith.constant 16 : i32
      %mul3A_1181 = arith.muli %add3A_33, %mul3A_1180 : i32
      %add3A_1182 = arith.constant 15 : i32
      %add3A_1183 = arith.addi %mul3A_1181, %add3A_1182 : i32
      %swap3A_1184 = arith.index_cast %add3A_1183 : i32 to index
      %swap3A_1185 = arith.constant 32 : index
      %swap3A_1186 = tpu.vector_load %arg7[%swap3A_1184, %swap3A_1185] {strides = array<i32>} : memref<640x128xf32, #tpu.memory_space<vmem>>, vector<1x16xf32>,
      %swap3A_1187 = vector.shape_cast %swap3A_1186 : vector<1x16xf32> to vector<16xf32>
      %swap3A_1188 = vector.shape_cast %broadcast_in_dim3A_1161 : vector<16xf32> to vector<1x16xf32>
      tpu.vector_store %arg7[%swap3A_1184, %swap3A_1185], %swap3A_1188 {strides = array<i32>} : memref<640x128xf32, #tpu.memory_space<vmem>>, vector<1x16xf32>,
      %mul3A_1189 = arith.constant 16 : i32
      %mul3A_1190 = arith.muli %add3A_33, %mul3A_1189 : i32
      %add3A_1191 = arith.constant 15 : i32
      %add3A_1192 = arith.addi %mul3A_1190, %add3A_1191 : i32
      %swap3A_1193 = arith.index_cast %add3A_1192 : i32 to index
      %swap3A_1194 = arith.constant 48 : index
      %swap3A_1195 = tpu.vector_load %arg7[%swap3A_1193, %swap3A_1194] {strides = array<i32>} : memref<640x128xf32, #tpu.memory_space<vmem>>, vector<1x16xf32>,
      %swap3A_1196 = vector.shape_cast %swap3A_1195 : vector<1x16xf32> to vector<16xf32>
      %swap3A_1197 = vector.shape_cast %broadcast_in_dim3A_1161 : vector<16xf32> to vector<1x16xf32>
      tpu.vector_store %arg7[%swap3A_1193, %swap3A_1194], %swap3A_1197 {strides = array<i32>} : memref<640x128xf32, #tpu.memory_space<vmem>>, vector<1x16xf32>,
      %mul3A_1198 = arith.constant 16 : i32
      %mul3A_1199 = arith.muli %add3A_33, %mul3A_1198 : i32
      %add3A_1200 = arith.constant 15 : i32
      %add3A_1201 = arith.addi %mul3A_1199, %add3A_1200 : i32
      %swap3A_1202 = arith.index_cast %add3A_1201 : i32 to index
      %swap3A_1203 = arith.constant 64 : index
      %swap3A_1204 = tpu.vector_load %arg7[%swap3A_1202, %swap3A_1203] {strides = array<i32>} : memref<640x128xf32, #tpu.memory_space<vmem>>, vector<1x16xf32>,
      %swap3A_1205 = vector.shape_cast %swap3A_1204 : vector<1x16xf32> to vector<16xf32>
      %swap3A_1206 = vector.shape_cast %broadcast_in_dim3A_1161 : vector<16xf32> to vector<1x16xf32>
      tpu.vector_store %arg7[%swap3A_1202, %swap3A_1203], %swap3A_1206 {strides = array<i32>} : memref<640x128xf32, #tpu.memory_space<vmem>>, vector<1x16xf32>,
      %mul3A_1207 = arith.constant 16 : i32
      %mul3A_1208 = arith.muli %add3A_33, %mul3A_1207 : i32
      %add3A_1209 = arith.constant 15 : i32
      %add3A_1210 = arith.addi %mul3A_1208, %add3A_1209 : i32
      %swap3A_1211 = arith.index_cast %add3A_1210 : i32 to index
      %swap3A_1212 = arith.constant 80 : index
      %swap3A_1213 = tpu.vector_load %arg7[%swap3A_1211, %swap3A_1212] {strides = array<i32>} : memref<640x128xf32, #tpu.memory_space<vmem>>, vector<1x16xf32>,
      %swap3A_1214 = vector.shape_cast %swap3A_1213 : vector<1x16xf32> to vector<16xf32>
      %swap3A_1215 = vector.shape_cast %broadcast_in_dim3A_1161 : vector<16xf32> to vector<1x16xf32>
      tpu.vector_store %arg7[%swap3A_1211, %swap3A_1212], %swap3A_1215 {strides = array<i32>} : memref<640x128xf32, #tpu.memory_space<vmem>>, vector<1x16xf32>,
      %mul3A_1216 = arith.constant 16 : i32
      %mul3A_1217 = arith.muli %add3A_33, %mul3A_1216 : i32
      %add3A_1218 = arith.constant 15 : i32
      %add3A_1219 = arith.addi %mul3A_1217, %add3A_1218 : i32
      %swap3A_1220 = arith.index_cast %add3A_1219 : i32 to index
      %swap3A_1221 = arith.constant 96 : index
      %swap3A_1222 = tpu.vector_load %arg7[%swap3A_1220, %swap3A_1221] {strides = array<i32>} : memref<640x128xf32, #tpu.memory_space<vmem>>, vector<1x16xf32>,
      %swap3A_1223 = vector.shape_cast %swap3A_1222 : vector<1x16xf32> to vector<16xf32>
      %swap3A_1224 = vector.shape_cast %broadcast_in_dim3A_1161 : vector<16xf32> to vector<1x16xf32>
      tpu.vector_store %arg7[%swap3A_1220, %swap3A_1221], %swap3A_1224 {strides = array<i32>} : memref<640x128xf32, #tpu.memory_space<vmem>>, vector<1x16xf32>,
      %mul3A_1225 = arith.constant 16 : i32
      %mul3A_1226 = arith.muli %add3A_33, %mul3A_1225 : i32
      %add3A_1227 = arith.constant 15 : i32
      %add3A_1228 = arith.addi %mul3A_1226, %add3A_1227 : i32
      %swap3A_1229 = arith.index_cast %add3A_1228 : i32 to index
      %swap3A_1230 = arith.constant 112 : index
      %swap3A_1231 = tpu.vector_load %arg7[%swap3A_1229, %swap3A_1230] {strides = array<i32>} : memref<640x128xf32, #tpu.memory_space<vmem>>, vector<1x16xf32>,
      %swap3A_1232 = vector.shape_cast %swap3A_1231 : vector<1x16xf32> to vector<16xf32>
      %swap3A_1233 = vector.shape_cast %broadcast_in_dim3A_1161 : vector<16xf32> to vector<1x16xf32>
      tpu.vector_store %arg7[%swap3A_1229, %swap3A_1230], %swap3A_1233 {strides = array<i32>} : memref<640x128xf32, #tpu.memory_space<vmem>>, vector<1x16xf32>,
    }
    %scan3A_26 = arith.constant 40 : i32
    %mul3A_27 = arith.constant 640 : i32
    %mul3A_28 = arith.muli %arg1, %mul3A_27 : i32
    "tpu.region"() ({
      %run_scoped3A = tpu.sem_alloc : memref<!tpu.dma_semaphore, #tpu.memory_space<semaphore_mem>>
      %dma_start3A = arith.constant 0 : i32
      %dma_start3A_29 = tpu.memref_slice %arg3[%arg0, %mul3A_28, %dma_start3A] : memref<2x10240x128xf32, #tpu.memory_space<hbm>> -> memref<1x640x128xf32, #tpu.memory_space<hbm>>
      %dma_start3A_30 = tpu.memref_squeeze %dma_start3A_29 : memref<1x640x128xf32, #tpu.memory_space<hbm>> -> memref<640x128xf32, #tpu.memory_space<hbm>>
      %dma_start3A_31 = arith.constant 0 : i32
      %dma_start3A_32 = tpu.memref_slice %arg3[%arg0, %mul3A_28, %dma_start3A_31] : memref<2x10240x128xf32, #tpu.memory_space<hbm>> -> memref<1x640x128xf32, #tpu.memory_space<hbm>>
      %dma_start3A_33 = tpu.memref_squeeze %dma_start3A_32 : memref<1x640x128xf32, #tpu.memory_space<hbm>> -> memref<640x128xf32, #tpu.memory_space<hbm>>
      tpu.enqueue_dma source(%arg7 : memref<640x128xf32, #tpu.memory_space<vmem>>) target(%dma_start3A_33 : memref<640x128xf32, #tpu.memory_space<hbm>>) target_semaphore(%run_scoped3A : memref<!tpu.dma_semaphore, #tpu.memory_space<semaphore_mem>>)
      %dma_wait3A = arith.constant 0 : i32
      %dma_wait3A_34 = tpu.memref_slice %arg3[%arg0, %mul3A_28, %dma_wait3A] : memref<2x10240x128xf32, #tpu.memory_space<hbm>> -> memref<1x640x128xf32, #tpu.memory_space<hbm>>
      %dma_wait3A_35 = tpu.memref_squeeze %dma_wait3A_34 : memref<1x640x128xf32, #tpu.memory_space<hbm>> -> memref<640x128xf32, #tpu.memory_space<hbm>>
      %dma_wait3A_36 = arith.constant 0 : i32
      %dma_wait3A_37 = tpu.memref_slice %arg3[%arg0, %mul3A_28, %dma_wait3A_36] : memref<2x10240x128xf32, #tpu.memory_space<hbm>> -> memref<1x640x128xf32, #tpu.memory_space<hbm>>
      %dma_wait3A_38 = tpu.memref_squeeze %dma_wait3A_37 : memref<1x640x128xf32, #tpu.memory_space<hbm>> -> memref<640x128xf32, #tpu.memory_space<hbm>>
      tpu.wait_dma2 semaphore(%run_scoped3A : memref<!tpu.dma_semaphore, #tpu.memory_space<semaphore_mem>>) src(%arg7 : memref<640x128xf32, #tpu.memory_space<vmem>>) dst(%dma_wait3A_38 : memref<640x128xf32, #tpu.memory_space<hbm>>)
      tpu.yield
    }) : () -> ()
    return
  }
}

#map = affine_map<(d0, d1) -> (0, 0)>
#map1 = affine_map<(d0, d1) -> (0, 0, 0)>
module attributes {stable_mosaic.version = 14 : i64} {
  func.func @_sc_scatter(%arg0: i32, %arg1: i32, %arg2: memref<10240x128xf32, #tpu.memory_space<hbm>>, %arg3: memref<2560x125xi32, #tpu.memory_space<hbm>>, %arg4: memref<2560x125xi32, #tpu.memory_space<hbm>>, %arg5: memref<2x10240x128xf32, #tpu.memory_space<hbm>>, %arg6: memref<40x125xi32, #tpu.memory_space<vmem>>, %arg7: memref<40x125xi32, #tpu.memory_space<vmem>>, %arg8: memref<125x128xf32, #tpu.memory_space<vmem>>, %arg9: memref<125x128xf32, #tpu.memory_space<vmem>>, %arg10: memref<16x128xf32, #tpu.memory_space<vmem>>, %arg11: memref<10240x128xf32, #tpu.memory_space<vmem_shared>>, %arg12: memref<!tpu.dma_semaphore, #tpu.memory_space<semaphore_mem>>, %arg13: memref<!tpu.dma_semaphore, #tpu.memory_space<semaphore_mem>>) attributes {dimension_semantics = [#tpu.dimension_semantics<core_parallel>, #tpu.dimension_semantics<subcore_parallel>], iteration_bounds = array<i64: 2, 16>, scalar_prefetch = 0 : i64, scratch_operands = 8 : i64, tpu.core_type = #tpu.core_type<sc_vector_subcore>, window_params = [{transform_indices = #map}, {transform_indices = #map}, {transform_indices = #map}, {transform_indices = #map1}]} {
    %mul3A = arith.constant 2 : i32
    %mul3A_0 = arith.muli %arg1, %mul3A : i32
    %add3A = arith.addi %mul3A_0, %arg0 : i32
    %scan3A = arith.constant 0 : i32
    %scan3A_1 = arith.constant 16 : i32
    %scan3A_2 = arith.addi %scan3A, %scan3A_1 : i32
    %scan3A_3 = arith.constant 1 : i32
    scf.for %scan3A_54 = %scan3A to %scan3A_2 step %scan3A_3  : i32 {
      %mul3A_55 = arith.constant 1 : i32
      %mul3A_56 = arith.muli %scan3A_54, %mul3A_55 : i32
      %add3A_57 = arith.constant 0 : i32
      %add3A_58 = arith.addi %add3A_57, %mul3A_56 : i32
      %broadcast_in_dim3A = arith.constant 0.000000e+00 : f32
      %broadcast_in_dim3A_59 = vector.broadcast %broadcast_in_dim3A : f32 to vector<16xf32>
      %swap3A = arith.index_cast %add3A_58 : i32 to index
      %swap3A_60 = arith.constant 0 : index
      %swap3A_61 = tpu.vector_load %arg10[%swap3A, %swap3A_60] {strides = array<i32>} : memref<16x128xf32, #tpu.memory_space<vmem>>, vector<1x16xf32>,
      %swap3A_62 = vector.shape_cast %swap3A_61 : vector<1x16xf32> to vector<16xf32>
      %swap3A_63 = vector.shape_cast %broadcast_in_dim3A_59 : vector<16xf32> to vector<1x16xf32>
      tpu.vector_store %arg10[%swap3A, %swap3A_60], %swap3A_63 {strides = array<i32>} : memref<16x128xf32, #tpu.memory_space<vmem>>, vector<1x16xf32>,
      %broadcast_in_dim3A_64 = arith.constant 0.000000e+00 : f32
      %broadcast_in_dim3A_65 = vector.broadcast %broadcast_in_dim3A_64 : f32 to vector<16xf32>
      %swap3A_66 = arith.index_cast %add3A_58 : i32 to index
      %swap3A_67 = arith.constant 16 : index
      %swap3A_68 = tpu.vector_load %arg10[%swap3A_66, %swap3A_67] {strides = array<i32>} : memref<16x128xf32, #tpu.memory_space<vmem>>, vector<1x16xf32>,
      %swap3A_69 = vector.shape_cast %swap3A_68 : vector<1x16xf32> to vector<16xf32>
      %swap3A_70 = vector.shape_cast %broadcast_in_dim3A_65 : vector<16xf32> to vector<1x16xf32>
      tpu.vector_store %arg10[%swap3A_66, %swap3A_67], %swap3A_70 {strides = array<i32>} : memref<16x128xf32, #tpu.memory_space<vmem>>, vector<1x16xf32>,
      %broadcast_in_dim3A_71 = arith.constant 0.000000e+00 : f32
      %broadcast_in_dim3A_72 = vector.broadcast %broadcast_in_dim3A_71 : f32 to vector<16xf32>
      %swap3A_73 = arith.index_cast %add3A_58 : i32 to index
      %swap3A_74 = arith.constant 32 : index
      %swap3A_75 = tpu.vector_load %arg10[%swap3A_73, %swap3A_74] {strides = array<i32>} : memref<16x128xf32, #tpu.memory_space<vmem>>, vector<1x16xf32>,
      %swap3A_76 = vector.shape_cast %swap3A_75 : vector<1x16xf32> to vector<16xf32>
      %swap3A_77 = vector.shape_cast %broadcast_in_dim3A_72 : vector<16xf32> to vector<1x16xf32>
      tpu.vector_store %arg10[%swap3A_73, %swap3A_74], %swap3A_77 {strides = array<i32>} : memref<16x128xf32, #tpu.memory_space<vmem>>, vector<1x16xf32>,
      %broadcast_in_dim3A_78 = arith.constant 0.000000e+00 : f32
      %broadcast_in_dim3A_79 = vector.broadcast %broadcast_in_dim3A_78 : f32 to vector<16xf32>
      %swap3A_80 = arith.index_cast %add3A_58 : i32 to index
      %swap3A_81 = arith.constant 48 : index
      %swap3A_82 = tpu.vector_load %arg10[%swap3A_80, %swap3A_81] {strides = array<i32>} : memref<16x128xf32, #tpu.memory_space<vmem>>, vector<1x16xf32>,
      %swap3A_83 = vector.shape_cast %swap3A_82 : vector<1x16xf32> to vector<16xf32>
      %swap3A_84 = vector.shape_cast %broadcast_in_dim3A_79 : vector<16xf32> to vector<1x16xf32>
      tpu.vector_store %arg10[%swap3A_80, %swap3A_81], %swap3A_84 {strides = array<i32>} : memref<16x128xf32, #tpu.memory_space<vmem>>, vector<1x16xf32>,
      %broadcast_in_dim3A_85 = arith.constant 0.000000e+00 : f32
      %broadcast_in_dim3A_86 = vector.broadcast %broadcast_in_dim3A_85 : f32 to vector<16xf32>
      %swap3A_87 = arith.index_cast %add3A_58 : i32 to index
      %swap3A_88 = arith.constant 64 : index
      %swap3A_89 = tpu.vector_load %arg10[%swap3A_87, %swap3A_88] {strides = array<i32>} : memref<16x128xf32, #tpu.memory_space<vmem>>, vector<1x16xf32>,
      %swap3A_90 = vector.shape_cast %swap3A_89 : vector<1x16xf32> to vector<16xf32>
      %swap3A_91 = vector.shape_cast %broadcast_in_dim3A_86 : vector<16xf32> to vector<1x16xf32>
      tpu.vector_store %arg10[%swap3A_87, %swap3A_88], %swap3A_91 {strides = array<i32>} : memref<16x128xf32, #tpu.memory_space<vmem>>, vector<1x16xf32>,
      %broadcast_in_dim3A_92 = arith.constant 0.000000e+00 : f32
      %broadcast_in_dim3A_93 = vector.broadcast %broadcast_in_dim3A_92 : f32 to vector<16xf32>
      %swap3A_94 = arith.index_cast %add3A_58 : i32 to index
      %swap3A_95 = arith.constant 80 : index
      %swap3A_96 = tpu.vector_load %arg10[%swap3A_94, %swap3A_95] {strides = array<i32>} : memref<16x128xf32, #tpu.memory_space<vmem>>, vector<1x16xf32>,
      %swap3A_97 = vector.shape_cast %swap3A_96 : vector<1x16xf32> to vector<16xf32>
      %swap3A_98 = vector.shape_cast %broadcast_in_dim3A_93 : vector<16xf32> to vector<1x16xf32>
      tpu.vector_store %arg10[%swap3A_94, %swap3A_95], %swap3A_98 {strides = array<i32>} : memref<16x128xf32, #tpu.memory_space<vmem>>, vector<1x16xf32>,
      %broadcast_in_dim3A_99 = arith.constant 0.000000e+00 : f32
      %broadcast_in_dim3A_100 = vector.broadcast %broadcast_in_dim3A_99 : f32 to vector<16xf32>
      %swap3A_101 = arith.index_cast %add3A_58 : i32 to index
      %swap3A_102 = arith.constant 96 : index
      %swap3A_103 = tpu.vector_load %arg10[%swap3A_101, %swap3A_102] {strides = array<i32>} : memref<16x128xf32, #tpu.memory_space<vmem>>, vector<1x16xf32>,
      %swap3A_104 = vector.shape_cast %swap3A_103 : vector<1x16xf32> to vector<16xf32>
      %swap3A_105 = vector.shape_cast %broadcast_in_dim3A_100 : vector<16xf32> to vector<1x16xf32>
      tpu.vector_store %arg10[%swap3A_101, %swap3A_102], %swap3A_105 {strides = array<i32>} : memref<16x128xf32, #tpu.memory_space<vmem>>, vector<1x16xf32>,
      %broadcast_in_dim3A_106 = arith.constant 0.000000e+00 : f32
      %broadcast_in_dim3A_107 = vector.broadcast %broadcast_in_dim3A_106 : f32 to vector<16xf32>
      %swap3A_108 = arith.index_cast %add3A_58 : i32 to index
      %swap3A_109 = arith.constant 112 : index
      %swap3A_110 = tpu.vector_load %arg10[%swap3A_108, %swap3A_109] {strides = array<i32>} : memref<16x128xf32, #tpu.memory_space<vmem>>, vector<1x16xf32>,
      %swap3A_111 = vector.shape_cast %swap3A_110 : vector<1x16xf32> to vector<16xf32>
      %swap3A_112 = vector.shape_cast %broadcast_in_dim3A_107 : vector<16xf32> to vector<1x16xf32>
      tpu.vector_store %arg10[%swap3A_108, %swap3A_109], %swap3A_112 {strides = array<i32>} : memref<16x128xf32, #tpu.memory_space<vmem>>, vector<1x16xf32>,
    }
    %scan3A_4 = arith.constant 16 : i32
    %scan3A_5 = arith.constant 0 : i32
    %scan3A_6 = arith.constant 40 : i32
    %scan3A_7 = arith.addi %scan3A_5, %scan3A_6 : i32
    %scan3A_8 = arith.constant 1 : i32
    scf.for %scan3A_54 = %scan3A_5 to %scan3A_7 step %scan3A_8  : i32 {
      %mul3A_55 = arith.constant 1 : i32
      %mul3A_56 = arith.muli %scan3A_54, %mul3A_55 : i32
      %add3A_57 = arith.constant 0 : i32
      %add3A_58 = arith.addi %add3A_57, %mul3A_56 : i32
      %mul3A_59 = arith.constant 640 : i32
      %mul3A_60 = arith.muli %arg1, %mul3A_59 : i32
      %mul3A_61 = arith.constant 16 : i32
      %mul3A_62 = arith.muli %add3A_58, %mul3A_61 : i32
      %add3A_63 = arith.addi %mul3A_60, %mul3A_62 : i32
      "tpu.region"() ({
        %run_scoped3A = tpu.sem_alloc : memref<!tpu.dma_semaphore, #tpu.memory_space<semaphore_mem>>
        %dma_start3A_64 = arith.constant 0 : i32
        %dma_start3A_65 = tpu.memref_slice %arg11[%add3A_63, %dma_start3A_64] : memref<10240x128xf32, #tpu.memory_space<vmem_shared>> -> memref<16x128xf32, #tpu.memory_space<vmem_shared>>
        %dma_start3A_66 = arith.constant 0 : i32
        %dma_start3A_67 = tpu.memref_slice %arg11[%add3A_63, %dma_start3A_66] : memref<10240x128xf32, #tpu.memory_space<vmem_shared>> -> memref<16x128xf32, #tpu.memory_space<vmem_shared>>
        tpu.enqueue_dma source(%arg10 : memref<16x128xf32, #tpu.memory_space<vmem>>) target(%dma_start3A_67 : memref<16x128xf32, #tpu.memory_space<vmem_shared>>) target_semaphore(%run_scoped3A : memref<!tpu.dma_semaphore, #tpu.memory_space<semaphore_mem>>)
        %dma_wait3A = arith.constant 0 : i32
        %dma_wait3A_68 = tpu.memref_slice %arg11[%add3A_63, %dma_wait3A] : memref<10240x128xf32, #tpu.memory_space<vmem_shared>> -> memref<16x128xf32, #tpu.memory_space<vmem_shared>>
        %dma_wait3A_69 = arith.constant 0 : i32
        %dma_wait3A_70 = tpu.memref_slice %arg11[%add3A_63, %dma_wait3A_69] : memref<10240x128xf32, #tpu.memory_space<vmem_shared>> -> memref<16x128xf32, #tpu.memory_space<vmem_shared>>
        tpu.wait_dma2 semaphore(%run_scoped3A : memref<!tpu.dma_semaphore, #tpu.memory_space<semaphore_mem>>) src(%arg10 : memref<16x128xf32, #tpu.memory_space<vmem>>) dst(%dma_wait3A_70 : memref<16x128xf32, #tpu.memory_space<vmem_shared>>)
        tpu.yield
      }) : () -> ()
    }
    %scan3A_9 = arith.constant 40 : i32
    %barrier3A = arith.constant 0 : index
    tpu.barrier barrier_id(%barrier3A)
    %mul3A_10 = arith.constant 80 : i32
    %mul3A_11 = arith.muli %add3A, %mul3A_10 : i32
    %add3A_12 = arith.constant 0 : i32
    %add3A_13 = arith.addi %mul3A_11, %add3A_12 : i32
    "tpu.region"() ({
      %run_scoped3A = tpu.sem_alloc : memref<!tpu.dma_semaphore, #tpu.memory_space<semaphore_mem>>
      %dma_start3A_54 = arith.constant 0 : i32
      %dma_start3A_55 = tpu.memref_slice %arg3[%add3A_13, %dma_start3A_54] : memref<2560x125xi32, #tpu.memory_space<hbm>> -> memref<40x125xi32, #tpu.memory_space<hbm>>
      %dma_start3A_56 = arith.constant 0 : i32
      %dma_start3A_57 = tpu.memref_slice %arg3[%add3A_13, %dma_start3A_56] : memref<2560x125xi32, #tpu.memory_space<hbm>> -> memref<40x125xi32, #tpu.memory_space<hbm>>
      tpu.enqueue_dma source(%dma_start3A_57 : memref<40x125xi32, #tpu.memory_space<hbm>>) target(%arg6 : memref<40x125xi32, #tpu.memory_space<vmem>>) target_semaphore(%run_scoped3A : memref<!tpu.dma_semaphore, #tpu.memory_space<semaphore_mem>>)
      %dma_wait3A = arith.constant 0 : i32
      %dma_wait3A_58 = tpu.memref_slice %arg3[%add3A_13, %dma_wait3A] : memref<2560x125xi32, #tpu.memory_space<hbm>> -> memref<40x125xi32, #tpu.memory_space<hbm>>
      %dma_wait3A_59 = arith.constant 0 : i32
      %dma_wait3A_60 = tpu.memref_slice %arg3[%add3A_13, %dma_wait3A_59] : memref<2560x125xi32, #tpu.memory_space<hbm>> -> memref<40x125xi32, #tpu.memory_space<hbm>>
      tpu.wait_dma2 semaphore(%run_scoped3A : memref<!tpu.dma_semaphore, #tpu.memory_space<semaphore_mem>>) src(%dma_wait3A_60 : memref<40x125xi32, #tpu.memory_space<hbm>>) dst(%arg6 : memref<40x125xi32, #tpu.memory_space<vmem>>)
      tpu.yield
    }) : () -> ()
    %mul3A_14 = arith.constant 80 : i32
    %mul3A_15 = arith.muli %add3A, %mul3A_14 : i32
    %add3A_16 = arith.constant 0 : i32
    %add3A_17 = arith.addi %mul3A_15, %add3A_16 : i32
    "tpu.region"() ({
      %run_scoped3A = tpu.sem_alloc : memref<!tpu.dma_semaphore, #tpu.memory_space<semaphore_mem>>
      %dma_start3A_54 = arith.constant 0 : i32
      %dma_start3A_55 = tpu.memref_slice %arg4[%add3A_17, %dma_start3A_54] : memref<2560x125xi32, #tpu.memory_space<hbm>> -> memref<40x125xi32, #tpu.memory_space<hbm>>
      %dma_start3A_56 = arith.constant 0 : i32
      %dma_start3A_57 = tpu.memref_slice %arg4[%add3A_17, %dma_start3A_56] : memref<2560x125xi32, #tpu.memory_space<hbm>> -> memref<40x125xi32, #tpu.memory_space<hbm>>
      tpu.enqueue_dma source(%dma_start3A_57 : memref<40x125xi32, #tpu.memory_space<hbm>>) target(%arg7 : memref<40x125xi32, #tpu.memory_space<vmem>>) target_semaphore(%run_scoped3A : memref<!tpu.dma_semaphore, #tpu.memory_space<semaphore_mem>>)
      %dma_wait3A = arith.constant 0 : i32
      %dma_wait3A_58 = tpu.memref_slice %arg4[%add3A_17, %dma_wait3A] : memref<2560x125xi32, #tpu.memory_space<hbm>> -> memref<40x125xi32, #tpu.memory_space<hbm>>
      %dma_wait3A_59 = arith.constant 0 : i32
      %dma_wait3A_60 = tpu.memref_slice %arg4[%add3A_17, %dma_wait3A_59] : memref<2560x125xi32, #tpu.memory_space<hbm>> -> memref<40x125xi32, #tpu.memory_space<hbm>>
      tpu.wait_dma2 semaphore(%run_scoped3A : memref<!tpu.dma_semaphore, #tpu.memory_space<semaphore_mem>>) src(%dma_wait3A_60 : memref<40x125xi32, #tpu.memory_space<hbm>>) dst(%arg7 : memref<40x125xi32, #tpu.memory_space<vmem>>)
      tpu.yield
    }) : () -> ()
    %dma_start3A = arith.constant 0 : i32
    %dma_start3A_18 = arith.constant 0 : i32
    %dma_start3A_19 = tpu.memref_slice %arg6[%dma_start3A, %dma_start3A_18] : memref<40x125xi32, #tpu.memory_space<vmem>> -> memref<1x125xi32, #tpu.memory_space<vmem>>
    %dma_start3A_20 = tpu.memref_squeeze %dma_start3A_19 : memref<1x125xi32, #tpu.memory_space<vmem>> -> memref<125xi32, #tpu.memory_space<vmem>>
    %dma_start3A_21 = arith.constant 0 : i32
    %dma_start3A_22 = arith.constant 0 : i32
    %dma_start3A_23 = tpu.memref_slice %arg2[%dma_start3A_21, %dma_start3A_22] : memref<10240x128xf32, #tpu.memory_space<hbm>> -> memref<10240x128xf32, #tpu.memory_space<hbm>>
    tpu.enqueue_indirect_dma source(%dma_start3A_23 : memref<10240x128xf32, #tpu.memory_space<hbm>>) target(%arg8 : memref<125x128xf32, #tpu.memory_space<vmem>>) offsets(%dma_start3A_20 : memref<125xi32, #tpu.memory_space<vmem>>) semaphore(%arg12 : memref<!tpu.dma_semaphore, #tpu.memory_space<semaphore_mem>>)
    %scan3A_24 = arith.constant 0 : i32
    %scan3A_25 = arith.constant 20 : i32
    %scan3A_26 = arith.addi %scan3A_24, %scan3A_25 : i32
    %scan3A_27 = arith.constant 1 : i32
    scf.for %scan3A_54 = %scan3A_24 to %scan3A_26 step %scan3A_27  : i32 {
      %mul3A_55 = arith.constant 2 : i32
      %mul3A_56 = arith.muli %scan3A_54, %mul3A_55 : i32
      %add3A_57 = arith.constant 0 : i32
      %add3A_58 = arith.addi %add3A_57, %mul3A_56 : i32
      %add3A_59 = arith.constant 1 : i32
      %add3A_60 = arith.addi %add3A_58, %add3A_59 : i32
      %dma_start3A_61 = arith.constant 0 : i32
      %dma_start3A_62 = tpu.memref_slice %arg6[%add3A_60, %dma_start3A_61] : memref<40x125xi32, #tpu.memory_space<vmem>> -> memref<1x125xi32, #tpu.memory_space<vmem>>
      %dma_start3A_63 = tpu.memref_squeeze %dma_start3A_62 : memref<1x125xi32, #tpu.memory_space<vmem>> -> memref<125xi32, #tpu.memory_space<vmem>>
      %dma_start3A_64 = arith.constant 0 : i32
      %dma_start3A_65 = arith.constant 0 : i32
      %dma_start3A_66 = tpu.memref_slice %arg2[%dma_start3A_64, %dma_start3A_65] : memref<10240x128xf32, #tpu.memory_space<hbm>> -> memref<10240x128xf32, #tpu.memory_space<hbm>>
      tpu.enqueue_indirect_dma source(%dma_start3A_66 : memref<10240x128xf32, #tpu.memory_space<hbm>>) target(%arg9 : memref<125x128xf32, #tpu.memory_space<vmem>>) offsets(%dma_start3A_63 : memref<125xi32, #tpu.memory_space<vmem>>) semaphore(%arg13 : memref<!tpu.dma_semaphore, #tpu.memory_space<semaphore_mem>>)
      %dma_wait3A = arith.constant 0 : i32
      %dma_wait3A_67 = arith.constant 0 : i32
      %dma_wait3A_68 = tpu.memref_slice %arg6[%dma_wait3A, %dma_wait3A_67] : memref<40x125xi32, #tpu.memory_space<vmem>> -> memref<1x125xi32, #tpu.memory_space<vmem>>
      %dma_wait3A_69 = tpu.memref_squeeze %dma_wait3A_68 : memref<1x125xi32, #tpu.memory_space<vmem>> -> memref<125xi32, #tpu.memory_space<vmem>>
      %dma_wait3A_70 = arith.constant 0 : i32
      %dma_wait3A_71 = arith.constant 0 : i32
      %dma_wait3A_72 = tpu.memref_slice %arg2[%dma_wait3A_70, %dma_wait3A_71] : memref<10240x128xf32, #tpu.memory_space<hbm>> -> memref<10240x128xf32, #tpu.memory_space<hbm>>
      tpu.wait_indirect_dma semaphore(%arg12 : memref<!tpu.dma_semaphore, #tpu.memory_space<semaphore_mem>>) src(%dma_wait3A_72 : memref<10240x128xf32, #tpu.memory_space<hbm>>) dst(%arg8 : memref<125x128xf32, #tpu.memory_space<vmem>>)
      "tpu.region"() ({
        %run_scoped3A = tpu.sem_alloc : memref<!tpu.dma_semaphore, #tpu.memory_space<semaphore_mem>>
        %dma_start3A_86 = arith.constant 0 : i32
        %dma_start3A_87 = tpu.memref_slice %arg7[%add3A_58, %dma_start3A_86] : memref<40x125xi32, #tpu.memory_space<vmem>> -> memref<1x125xi32, #tpu.memory_space<vmem>>
        %dma_start3A_88 = tpu.memref_squeeze %dma_start3A_87 : memref<1x125xi32, #tpu.memory_space<vmem>> -> memref<125xi32, #tpu.memory_space<vmem>>
        %dma_start3A_89 = arith.constant 0 : i32
        %dma_start3A_90 = arith.constant 0 : i32
        %dma_start3A_91 = tpu.memref_slice %arg11[%dma_start3A_89, %dma_start3A_90] : memref<10240x128xf32, #tpu.memory_space<vmem_shared>> -> memref<10240x128xf32, #tpu.memory_space<vmem_shared>>
        tpu.enqueue_indirect_dma source(%arg8 : memref<125x128xf32, #tpu.memory_space<vmem>>) target(%dma_start3A_91 : memref<10240x128xf32, #tpu.memory_space<vmem_shared>>) offsets(%dma_start3A_88 : memref<125xi32, #tpu.memory_space<vmem>>) semaphore(%run_scoped3A : memref<!tpu.dma_semaphore, #tpu.memory_space<semaphore_mem>>) {add = true}
        %dma_wait3A_92 = arith.constant 0 : i32
        %dma_wait3A_93 = tpu.memref_slice %arg7[%add3A_58, %dma_wait3A_92] : memref<40x125xi32, #tpu.memory_space<vmem>> -> memref<1x125xi32, #tpu.memory_space<vmem>>
        %dma_wait3A_94 = tpu.memref_squeeze %dma_wait3A_93 : memref<1x125xi32, #tpu.memory_space<vmem>> -> memref<125xi32, #tpu.memory_space<vmem>>
        %dma_wait3A_95 = arith.constant 0 : i32
        %dma_wait3A_96 = arith.constant 0 : i32
        %dma_wait3A_97 = tpu.memref_slice %arg11[%dma_wait3A_95, %dma_wait3A_96] : memref<10240x128xf32, #tpu.memory_space<vmem_shared>> -> memref<10240x128xf32, #tpu.memory_space<vmem_shared>>
        tpu.wait_indirect_dma semaphore(%run_scoped3A : memref<!tpu.dma_semaphore, #tpu.memory_space<semaphore_mem>>) src(%arg8 : memref<125x128xf32, #tpu.memory_space<vmem>>) dst(%dma_wait3A_97 : memref<10240x128xf32, #tpu.memory_space<vmem_shared>>)
        tpu.yield
      }) : () -> ()
      %add3A_73 = arith.constant 2 : i32
      %add3A_74 = arith.addi %add3A_58, %add3A_73 : i32
      %lt3A = arith.constant 40 : i32
      %lt3A_75 = arith.cmpi slt, %add3A_74, %lt3A : i32
      %convert_element_type3A = arith.extui %lt3A_75 : i1 to i32
      %cond3A = arith.constant 0 : i32
      %cond3A_76 = arith.cmpi ne, %convert_element_type3A, %cond3A : i32
      scf.if %cond3A_76 {
        %add3A_86 = arith.constant 2 : i32
        %add3A_87 = arith.addi %add3A_58, %add3A_86 : i32
        %dma_start3A_88 = arith.constant 0 : i32
        %dma_start3A_89 = tpu.memref_slice %arg6[%add3A_87, %dma_start3A_88] : memref<40x125xi32, #tpu.memory_space<vmem>> -> memref<1x125xi32, #tpu.memory_space<vmem>>
        %dma_start3A_90 = tpu.memref_squeeze %dma_start3A_89 : memref<1x125xi32, #tpu.memory_space<vmem>> -> memref<125xi32, #tpu.memory_space<vmem>>
        %dma_start3A_91 = arith.constant 0 : i32
        %dma_start3A_92 = arith.constant 0 : i32
        %dma_start3A_93 = tpu.memref_slice %arg2[%dma_start3A_91, %dma_start3A_92] : memref<10240x128xf32, #tpu.memory_space<hbm>> -> memref<10240x128xf32, #tpu.memory_space<hbm>>
        tpu.enqueue_indirect_dma source(%dma_start3A_93 : memref<10240x128xf32, #tpu.memory_space<hbm>>) target(%arg8 : memref<125x128xf32, #tpu.memory_space<vmem>>) offsets(%dma_start3A_90 : memref<125xi32, #tpu.memory_space<vmem>>) semaphore(%arg12 : memref<!tpu.dma_semaphore, #tpu.memory_space<semaphore_mem>>)
      } else {
      }
      %dma_wait3A_77 = arith.constant 0 : i32
      %dma_wait3A_78 = arith.constant 0 : i32
      %dma_wait3A_79 = tpu.memref_slice %arg6[%dma_wait3A_77, %dma_wait3A_78] : memref<40x125xi32, #tpu.memory_space<vmem>> -> memref<1x125xi32, #tpu.memory_space<vmem>>
      %dma_wait3A_80 = tpu.memref_squeeze %dma_wait3A_79 : memref<1x125xi32, #tpu.memory_space<vmem>> -> memref<125xi32, #tpu.memory_space<vmem>>
      %dma_wait3A_81 = arith.constant 0 : i32
      %dma_wait3A_82 = arith.constant 0 : i32
      %dma_wait3A_83 = tpu.memref_slice %arg2[%dma_wait3A_81, %dma_wait3A_82] : memref<10240x128xf32, #tpu.memory_space<hbm>> -> memref<10240x128xf32, #tpu.memory_space<hbm>>
      tpu.wait_indirect_dma semaphore(%arg13 : memref<!tpu.dma_semaphore, #tpu.memory_space<semaphore_mem>>) src(%dma_wait3A_83 : memref<10240x128xf32, #tpu.memory_space<hbm>>) dst(%arg9 : memref<125x128xf32, #tpu.memory_space<vmem>>)
      %add3A_84 = arith.constant 1 : i32
      %add3A_85 = arith.addi %add3A_58, %add3A_84 : i32
      "tpu.region"() ({
        %run_scoped3A = tpu.sem_alloc : memref<!tpu.dma_semaphore, #tpu.memory_space<semaphore_mem>>
        %dma_start3A_86 = arith.constant 0 : i32
        %dma_start3A_87 = tpu.memref_slice %arg7[%add3A_85, %dma_start3A_86] : memref<40x125xi32, #tpu.memory_space<vmem>> -> memref<1x125xi32, #tpu.memory_space<vmem>>
        %dma_start3A_88 = tpu.memref_squeeze %dma_start3A_87 : memref<1x125xi32, #tpu.memory_space<vmem>> -> memref<125xi32, #tpu.memory_space<vmem>>
        %dma_start3A_89 = arith.constant 0 : i32
        %dma_start3A_90 = arith.constant 0 : i32
        %dma_start3A_91 = tpu.memref_slice %arg11[%dma_start3A_89, %dma_start3A_90] : memref<10240x128xf32, #tpu.memory_space<vmem_shared>> -> memref<10240x128xf32, #tpu.memory_space<vmem_shared>>
        tpu.enqueue_indirect_dma source(%arg9 : memref<125x128xf32, #tpu.memory_space<vmem>>) target(%dma_start3A_91 : memref<10240x128xf32, #tpu.memory_space<vmem_shared>>) offsets(%dma_start3A_88 : memref<125xi32, #tpu.memory_space<vmem>>) semaphore(%run_scoped3A : memref<!tpu.dma_semaphore, #tpu.memory_space<semaphore_mem>>) {add = true}
        %dma_wait3A_92 = arith.constant 0 : i32
        %dma_wait3A_93 = tpu.memref_slice %arg7[%add3A_85, %dma_wait3A_92] : memref<40x125xi32, #tpu.memory_space<vmem>> -> memref<1x125xi32, #tpu.memory_space<vmem>>
        %dma_wait3A_94 = tpu.memref_squeeze %dma_wait3A_93 : memref<1x125xi32, #tpu.memory_space<vmem>> -> memref<125xi32, #tpu.memory_space<vmem>>
        %dma_wait3A_95 = arith.constant 0 : i32
        %dma_wait3A_96 = arith.constant 0 : i32
        %dma_wait3A_97 = tpu.memref_slice %arg11[%dma_wait3A_95, %dma_wait3A_96] : memref<10240x128xf32, #tpu.memory_space<vmem_shared>> -> memref<10240x128xf32, #tpu.memory_space<vmem_shared>>
        tpu.wait_indirect_dma semaphore(%run_scoped3A : memref<!tpu.dma_semaphore, #tpu.memory_space<semaphore_mem>>) src(%arg9 : memref<125x128xf32, #tpu.memory_space<vmem>>) dst(%dma_wait3A_97 : memref<10240x128xf32, #tpu.memory_space<vmem_shared>>)
        tpu.yield
      }) : () -> ()
    }
    %scan3A_28 = arith.constant 20 : i32
    %mul3A_29 = arith.constant 80 : i32
    %mul3A_30 = arith.muli %add3A, %mul3A_29 : i32
    %add3A_31 = arith.constant 40 : i32
    %add3A_32 = arith.addi %mul3A_30, %add3A_31 : i32
    "tpu.region"() ({
      %run_scoped3A = tpu.sem_alloc : memref<!tpu.dma_semaphore, #tpu.memory_space<semaphore_mem>>
      %dma_start3A_54 = arith.constant 0 : i32
      %dma_start3A_55 = tpu.memref_slice %arg3[%add3A_32, %dma_start3A_54] : memref<2560x125xi32, #tpu.memory_space<hbm>> -> memref<40x125xi32, #tpu.memory_space<hbm>>
      %dma_start3A_56 = arith.constant 0 : i32
      %dma_start3A_57 = tpu.memref_slice %arg3[%add3A_32, %dma_start3A_56] : memref<2560x125xi32, #tpu.memory_space<hbm>> -> memref<40x125xi32, #tpu.memory_space<hbm>>
      tpu.enqueue_dma source(%dma_start3A_57 : memref<40x125xi32, #tpu.memory_space<hbm>>) target(%arg6 : memref<40x125xi32, #tpu.memory_space<vmem>>) target_semaphore(%run_scoped3A : memref<!tpu.dma_semaphore, #tpu.memory_space<semaphore_mem>>)
      %dma_wait3A = arith.constant 0 : i32
      %dma_wait3A_58 = tpu.memref_slice %arg3[%add3A_32, %dma_wait3A] : memref<2560x125xi32, #tpu.memory_space<hbm>> -> memref<40x125xi32, #tpu.memory_space<hbm>>
      %dma_wait3A_59 = arith.constant 0 : i32
      %dma_wait3A_60 = tpu.memref_slice %arg3[%add3A_32, %dma_wait3A_59] : memref<2560x125xi32, #tpu.memory_space<hbm>> -> memref<40x125xi32, #tpu.memory_space<hbm>>
      tpu.wait_dma2 semaphore(%run_scoped3A : memref<!tpu.dma_semaphore, #tpu.memory_space<semaphore_mem>>) src(%dma_wait3A_60 : memref<40x125xi32, #tpu.memory_space<hbm>>) dst(%arg6 : memref<40x125xi32, #tpu.memory_space<vmem>>)
      tpu.yield
    }) : () -> ()
    %mul3A_33 = arith.constant 80 : i32
    %mul3A_34 = arith.muli %add3A, %mul3A_33 : i32
    %add3A_35 = arith.constant 40 : i32
    %add3A_36 = arith.addi %mul3A_34, %add3A_35 : i32
    "tpu.region"() ({
      %run_scoped3A = tpu.sem_alloc : memref<!tpu.dma_semaphore, #tpu.memory_space<semaphore_mem>>
      %dma_start3A_54 = arith.constant 0 : i32
      %dma_start3A_55 = tpu.memref_slice %arg4[%add3A_36, %dma_start3A_54] : memref<2560x125xi32, #tpu.memory_space<hbm>> -> memref<40x125xi32, #tpu.memory_space<hbm>>
      %dma_start3A_56 = arith.constant 0 : i32
      %dma_start3A_57 = tpu.memref_slice %arg4[%add3A_36, %dma_start3A_56] : memref<2560x125xi32, #tpu.memory_space<hbm>> -> memref<40x125xi32, #tpu.memory_space<hbm>>
      tpu.enqueue_dma source(%dma_start3A_57 : memref<40x125xi32, #tpu.memory_space<hbm>>) target(%arg7 : memref<40x125xi32, #tpu.memory_space<vmem>>) target_semaphore(%run_scoped3A : memref<!tpu.dma_semaphore, #tpu.memory_space<semaphore_mem>>)
      %dma_wait3A = arith.constant 0 : i32
      %dma_wait3A_58 = tpu.memref_slice %arg4[%add3A_36, %dma_wait3A] : memref<2560x125xi32, #tpu.memory_space<hbm>> -> memref<40x125xi32, #tpu.memory_space<hbm>>
      %dma_wait3A_59 = arith.constant 0 : i32
      %dma_wait3A_60 = tpu.memref_slice %arg4[%add3A_36, %dma_wait3A_59] : memref<2560x125xi32, #tpu.memory_space<hbm>> -> memref<40x125xi32, #tpu.memory_space<hbm>>
      tpu.wait_dma2 semaphore(%run_scoped3A : memref<!tpu.dma_semaphore, #tpu.memory_space<semaphore_mem>>) src(%dma_wait3A_60 : memref<40x125xi32, #tpu.memory_space<hbm>>) dst(%arg7 : memref<40x125xi32, #tpu.memory_space<vmem>>)
      tpu.yield
    }) : () -> ()
    %dma_start3A_37 = arith.constant 0 : i32
    %dma_start3A_38 = arith.constant 0 : i32
    %dma_start3A_39 = tpu.memref_slice %arg6[%dma_start3A_37, %dma_start3A_38] : memref<40x125xi32, #tpu.memory_space<vmem>> -> memref<1x125xi32, #tpu.memory_space<vmem>>
    %dma_start3A_40 = tpu.memref_squeeze %dma_start3A_39 : memref<1x125xi32, #tpu.memory_space<vmem>> -> memref<125xi32, #tpu.memory_space<vmem>>
    %dma_start3A_41 = arith.constant 0 : i32
    %dma_start3A_42 = arith.constant 0 : i32
    %dma_start3A_43 = tpu.memref_slice %arg2[%dma_start3A_41, %dma_start3A_42] : memref<10240x128xf32, #tpu.memory_space<hbm>> -> memref<10240x128xf32, #tpu.memory_space<hbm>>
    tpu.enqueue_indirect_dma source(%dma_start3A_43 : memref<10240x128xf32, #tpu.memory_space<hbm>>) target(%arg8 : memref<125x128xf32, #tpu.memory_space<vmem>>) offsets(%dma_start3A_40 : memref<125xi32, #tpu.memory_space<vmem>>) semaphore(%arg12 : memref<!tpu.dma_semaphore, #tpu.memory_space<semaphore_mem>>)
    %scan3A_44 = arith.constant 0 : i32
    %scan3A_45 = arith.constant 20 : i32
    %scan3A_46 = arith.addi %scan3A_44, %scan3A_45 : i32
    %scan3A_47 = arith.constant 1 : i32
    scf.for %scan3A_54 = %scan3A_44 to %scan3A_46 step %scan3A_47  : i32 {
      %mul3A_55 = arith.constant 2 : i32
      %mul3A_56 = arith.muli %scan3A_54, %mul3A_55 : i32
      %add3A_57 = arith.constant 0 : i32
      %add3A_58 = arith.addi %add3A_57, %mul3A_56 : i32
      %add3A_59 = arith.constant 1 : i32
      %add3A_60 = arith.addi %add3A_58, %add3A_59 : i32
      %dma_start3A_61 = arith.constant 0 : i32
      %dma_start3A_62 = tpu.memref_slice %arg6[%add3A_60, %dma_start3A_61] : memref<40x125xi32, #tpu.memory_space<vmem>> -> memref<1x125xi32, #tpu.memory_space<vmem>>
      %dma_start3A_63 = tpu.memref_squeeze %dma_start3A_62 : memref<1x125xi32, #tpu.memory_space<vmem>> -> memref<125xi32, #tpu.memory_space<vmem>>
      %dma_start3A_64 = arith.constant 0 : i32
      %dma_start3A_65 = arith.constant 0 : i32
      %dma_start3A_66 = tpu.memref_slice %arg2[%dma_start3A_64, %dma_start3A_65] : memref<10240x128xf32, #tpu.memory_space<hbm>> -> memref<10240x128xf32, #tpu.memory_space<hbm>>
      tpu.enqueue_indirect_dma source(%dma_start3A_66 : memref<10240x128xf32, #tpu.memory_space<hbm>>) target(%arg9 : memref<125x128xf32, #tpu.memory_space<vmem>>) offsets(%dma_start3A_63 : memref<125xi32, #tpu.memory_space<vmem>>) semaphore(%arg13 : memref<!tpu.dma_semaphore, #tpu.memory_space<semaphore_mem>>)
      %dma_wait3A = arith.constant 0 : i32
      %dma_wait3A_67 = arith.constant 0 : i32
      %dma_wait3A_68 = tpu.memref_slice %arg6[%dma_wait3A, %dma_wait3A_67] : memref<40x125xi32, #tpu.memory_space<vmem>> -> memref<1x125xi32, #tpu.memory_space<vmem>>
      %dma_wait3A_69 = tpu.memref_squeeze %dma_wait3A_68 : memref<1x125xi32, #tpu.memory_space<vmem>> -> memref<125xi32, #tpu.memory_space<vmem>>
      %dma_wait3A_70 = arith.constant 0 : i32
      %dma_wait3A_71 = arith.constant 0 : i32
      %dma_wait3A_72 = tpu.memref_slice %arg2[%dma_wait3A_70, %dma_wait3A_71] : memref<10240x128xf32, #tpu.memory_space<hbm>> -> memref<10240x128xf32, #tpu.memory_space<hbm>>
      tpu.wait_indirect_dma semaphore(%arg12 : memref<!tpu.dma_semaphore, #tpu.memory_space<semaphore_mem>>) src(%dma_wait3A_72 : memref<10240x128xf32, #tpu.memory_space<hbm>>) dst(%arg8 : memref<125x128xf32, #tpu.memory_space<vmem>>)
      "tpu.region"() ({
        %run_scoped3A = tpu.sem_alloc : memref<!tpu.dma_semaphore, #tpu.memory_space<semaphore_mem>>
        %dma_start3A_86 = arith.constant 0 : i32
        %dma_start3A_87 = tpu.memref_slice %arg7[%add3A_58, %dma_start3A_86] : memref<40x125xi32, #tpu.memory_space<vmem>> -> memref<1x125xi32, #tpu.memory_space<vmem>>
        %dma_start3A_88 = tpu.memref_squeeze %dma_start3A_87 : memref<1x125xi32, #tpu.memory_space<vmem>> -> memref<125xi32, #tpu.memory_space<vmem>>
        %dma_start3A_89 = arith.constant 0 : i32
        %dma_start3A_90 = arith.constant 0 : i32
        %dma_start3A_91 = tpu.memref_slice %arg11[%dma_start3A_89, %dma_start3A_90] : memref<10240x128xf32, #tpu.memory_space<vmem_shared>> -> memref<10240x128xf32, #tpu.memory_space<vmem_shared>>
        tpu.enqueue_indirect_dma source(%arg8 : memref<125x128xf32, #tpu.memory_space<vmem>>) target(%dma_start3A_91 : memref<10240x128xf32, #tpu.memory_space<vmem_shared>>) offsets(%dma_start3A_88 : memref<125xi32, #tpu.memory_space<vmem>>) semaphore(%run_scoped3A : memref<!tpu.dma_semaphore, #tpu.memory_space<semaphore_mem>>) {add = true}
        %dma_wait3A_92 = arith.constant 0 : i32
        %dma_wait3A_93 = tpu.memref_slice %arg7[%add3A_58, %dma_wait3A_92] : memref<40x125xi32, #tpu.memory_space<vmem>> -> memref<1x125xi32, #tpu.memory_space<vmem>>
        %dma_wait3A_94 = tpu.memref_squeeze %dma_wait3A_93 : memref<1x125xi32, #tpu.memory_space<vmem>> -> memref<125xi32, #tpu.memory_space<vmem>>
        %dma_wait3A_95 = arith.constant 0 : i32
        %dma_wait3A_96 = arith.constant 0 : i32
        %dma_wait3A_97 = tpu.memref_slice %arg11[%dma_wait3A_95, %dma_wait3A_96] : memref<10240x128xf32, #tpu.memory_space<vmem_shared>> -> memref<10240x128xf32, #tpu.memory_space<vmem_shared>>
        tpu.wait_indirect_dma semaphore(%run_scoped3A : memref<!tpu.dma_semaphore, #tpu.memory_space<semaphore_mem>>) src(%arg8 : memref<125x128xf32, #tpu.memory_space<vmem>>) dst(%dma_wait3A_97 : memref<10240x128xf32, #tpu.memory_space<vmem_shared>>)
        tpu.yield
      }) : () -> ()
      %add3A_73 = arith.constant 2 : i32
      %add3A_74 = arith.addi %add3A_58, %add3A_73 : i32
      %lt3A = arith.constant 40 : i32
      %lt3A_75 = arith.cmpi slt, %add3A_74, %lt3A : i32
      %convert_element_type3A = arith.extui %lt3A_75 : i1 to i32
      %cond3A = arith.constant 0 : i32
      %cond3A_76 = arith.cmpi ne, %convert_element_type3A, %cond3A : i32
      scf.if %cond3A_76 {
        %add3A_86 = arith.constant 2 : i32
        %add3A_87 = arith.addi %add3A_58, %add3A_86 : i32
        %dma_start3A_88 = arith.constant 0 : i32
        %dma_start3A_89 = tpu.memref_slice %arg6[%add3A_87, %dma_start3A_88] : memref<40x125xi32, #tpu.memory_space<vmem>> -> memref<1x125xi32, #tpu.memory_space<vmem>>
        %dma_start3A_90 = tpu.memref_squeeze %dma_start3A_89 : memref<1x125xi32, #tpu.memory_space<vmem>> -> memref<125xi32, #tpu.memory_space<vmem>>
        %dma_start3A_91 = arith.constant 0 : i32
        %dma_start3A_92 = arith.constant 0 : i32
        %dma_start3A_93 = tpu.memref_slice %arg2[%dma_start3A_91, %dma_start3A_92] : memref<10240x128xf32, #tpu.memory_space<hbm>> -> memref<10240x128xf32, #tpu.memory_space<hbm>>
        tpu.enqueue_indirect_dma source(%dma_start3A_93 : memref<10240x128xf32, #tpu.memory_space<hbm>>) target(%arg8 : memref<125x128xf32, #tpu.memory_space<vmem>>) offsets(%dma_start3A_90 : memref<125xi32, #tpu.memory_space<vmem>>) semaphore(%arg12 : memref<!tpu.dma_semaphore, #tpu.memory_space<semaphore_mem>>)
      } else {
      }
      %dma_wait3A_77 = arith.constant 0 : i32
      %dma_wait3A_78 = arith.constant 0 : i32
      %dma_wait3A_79 = tpu.memref_slice %arg6[%dma_wait3A_77, %dma_wait3A_78] : memref<40x125xi32, #tpu.memory_space<vmem>> -> memref<1x125xi32, #tpu.memory_space<vmem>>
      %dma_wait3A_80 = tpu.memref_squeeze %dma_wait3A_79 : memref<1x125xi32, #tpu.memory_space<vmem>> -> memref<125xi32, #tpu.memory_space<vmem>>
      %dma_wait3A_81 = arith.constant 0 : i32
      %dma_wait3A_82 = arith.constant 0 : i32
      %dma_wait3A_83 = tpu.memref_slice %arg2[%dma_wait3A_81, %dma_wait3A_82] : memref<10240x128xf32, #tpu.memory_space<hbm>> -> memref<10240x128xf32, #tpu.memory_space<hbm>>
      tpu.wait_indirect_dma semaphore(%arg13 : memref<!tpu.dma_semaphore, #tpu.memory_space<semaphore_mem>>) src(%dma_wait3A_83 : memref<10240x128xf32, #tpu.memory_space<hbm>>) dst(%arg9 : memref<125x128xf32, #tpu.memory_space<vmem>>)
      %add3A_84 = arith.constant 1 : i32
      %add3A_85 = arith.addi %add3A_58, %add3A_84 : i32
      "tpu.region"() ({
        %run_scoped3A = tpu.sem_alloc : memref<!tpu.dma_semaphore, #tpu.memory_space<semaphore_mem>>
        %dma_start3A_86 = arith.constant 0 : i32
        %dma_start3A_87 = tpu.memref_slice %arg7[%add3A_85, %dma_start3A_86] : memref<40x125xi32, #tpu.memory_space<vmem>> -> memref<1x125xi32, #tpu.memory_space<vmem>>
        %dma_start3A_88 = tpu.memref_squeeze %dma_start3A_87 : memref<1x125xi32, #tpu.memory_space<vmem>> -> memref<125xi32, #tpu.memory_space<vmem>>
        %dma_start3A_89 = arith.constant 0 : i32
        %dma_start3A_90 = arith.constant 0 : i32
        %dma_start3A_91 = tpu.memref_slice %arg11[%dma_start3A_89, %dma_start3A_90] : memref<10240x128xf32, #tpu.memory_space<vmem_shared>> -> memref<10240x128xf32, #tpu.memory_space<vmem_shared>>
        tpu.enqueue_indirect_dma source(%arg9 : memref<125x128xf32, #tpu.memory_space<vmem>>) target(%dma_start3A_91 : memref<10240x128xf32, #tpu.memory_space<vmem_shared>>) offsets(%dma_start3A_88 : memref<125xi32, #tpu.memory_space<vmem>>) semaphore(%run_scoped3A : memref<!tpu.dma_semaphore, #tpu.memory_space<semaphore_mem>>) {add = true}
        %dma_wait3A_92 = arith.constant 0 : i32
        %dma_wait3A_93 = tpu.memref_slice %arg7[%add3A_85, %dma_wait3A_92] : memref<40x125xi32, #tpu.memory_space<vmem>> -> memref<1x125xi32, #tpu.memory_space<vmem>>
        %dma_wait3A_94 = tpu.memref_squeeze %dma_wait3A_93 : memref<1x125xi32, #tpu.memory_space<vmem>> -> memref<125xi32, #tpu.memory_space<vmem>>
        %dma_wait3A_95 = arith.constant 0 : i32
        %dma_wait3A_96 = arith.constant 0 : i32
        %dma_wait3A_97 = tpu.memref_slice %arg11[%dma_wait3A_95, %dma_wait3A_96] : memref<10240x128xf32, #tpu.memory_space<vmem_shared>> -> memref<10240x128xf32, #tpu.memory_space<vmem_shared>>
        tpu.wait_indirect_dma semaphore(%run_scoped3A : memref<!tpu.dma_semaphore, #tpu.memory_space<semaphore_mem>>) src(%arg9 : memref<125x128xf32, #tpu.memory_space<vmem>>) dst(%dma_wait3A_97 : memref<10240x128xf32, #tpu.memory_space<vmem_shared>>)
        tpu.yield
      }) : () -> ()
    }
    %scan3A_48 = arith.constant 20 : i32
    %barrier3A_49 = arith.constant 0 : index
    tpu.barrier barrier_id(%barrier3A_49)
    %mul3A_50 = arith.constant 640 : i32
    %mul3A_51 = arith.muli %arg1, %mul3A_50 : i32
    %mul3A_52 = arith.constant 640 : i32
    %mul3A_53 = arith.muli %arg1, %mul3A_52 : i32
    "tpu.region"() ({
      %run_scoped3A = tpu.sem_alloc : memref<!tpu.dma_semaphore, #tpu.memory_space<semaphore_mem>>
      %dma_start3A_54 = arith.constant 0 : i32
      %dma_start3A_55 = tpu.memref_slice %arg5[%arg0, %mul3A_53, %dma_start3A_54] : memref<2x10240x128xf32, #tpu.memory_space<hbm>> -> memref<1x640x128xf32, #tpu.memory_space<hbm>>
      %dma_start3A_56 = tpu.memref_squeeze %dma_start3A_55 : memref<1x640x128xf32, #tpu.memory_space<hbm>> -> memref<640x128xf32, #tpu.memory_space<hbm>>
      %dma_start3A_57 = arith.constant 0 : i32
      %dma_start3A_58 = tpu.memref_slice %arg11[%mul3A_51, %dma_start3A_57] : memref<10240x128xf32, #tpu.memory_space<vmem_shared>> -> memref<640x128xf32, #tpu.memory_space<vmem_shared>>
      tpu.enqueue_dma source(%dma_start3A_58 : memref<640x128xf32, #tpu.memory_space<vmem_shared>>) target(%dma_start3A_56 : memref<640x128xf32, #tpu.memory_space<hbm>>) target_semaphore(%run_scoped3A : memref<!tpu.dma_semaphore, #tpu.memory_space<semaphore_mem>>)
      %dma_wait3A = arith.constant 0 : i32
      %dma_wait3A_59 = tpu.memref_slice %arg5[%arg0, %mul3A_53, %dma_wait3A] : memref<2x10240x128xf32, #tpu.memory_space<hbm>> -> memref<1x640x128xf32, #tpu.memory_space<hbm>>
      %dma_wait3A_60 = tpu.memref_squeeze %dma_wait3A_59 : memref<1x640x128xf32, #tpu.memory_space<hbm>> -> memref<640x128xf32, #tpu.memory_space<hbm>>
      %dma_wait3A_61 = arith.constant 0 : i32
      %dma_wait3A_62 = tpu.memref_slice %arg11[%mul3A_51, %dma_wait3A_61] : memref<10240x128xf32, #tpu.memory_space<vmem_shared>> -> memref<640x128xf32, #tpu.memory_space<vmem_shared>>
      tpu.wait_dma2 semaphore(%run_scoped3A : memref<!tpu.dma_semaphore, #tpu.memory_space<semaphore_mem>>) src(%dma_wait3A_62 : memref<640x128xf32, #tpu.memory_space<vmem_shared>>) dst(%dma_wait3A_60 : memref<640x128xf32, #tpu.memory_space<hbm>>)
      tpu.yield
    }) : () -> ()
    return
  }
}

#map = affine_map<(d0, d1) -> (0, 0)>
#map1 = affine_map<(d0, d1) -> (0, 0, 0)>
module attributes {stable_mosaic.version = 14 : i64} {
  func.func @_sc_scatter(%arg0: i32, %arg1: i32, %arg2: memref<10240x128xf32, #tpu.memory_space<hbm>>, %arg3: memref<2560x125xi32, #tpu.memory_space<hbm>>, %arg4: memref<2560x125xi32, #tpu.memory_space<hbm>>, %arg5: memref<2x10240x128xf32, #tpu.memory_space<hbm>>, %arg6: memref<40x125xi32, #tpu.memory_space<vmem>>, %arg7: memref<40x125xi32, #tpu.memory_space<vmem>>, %arg8: memref<125x128xf32, #tpu.memory_space<vmem>>, %arg9: memref<125x128xf32, #tpu.memory_space<vmem>>, %arg10: memref<16x128xf32, #tpu.memory_space<vmem>>, %arg11: memref<10240x128xf32, #tpu.memory_space<vmem_shared>>, %arg12: memref<!tpu.dma_semaphore, #tpu.memory_space<semaphore_mem>>, %arg13: memref<!tpu.dma_semaphore, #tpu.memory_space<semaphore_mem>>) attributes {dimension_semantics = [#tpu.dimension_semantics<core_parallel>, #tpu.dimension_semantics<subcore_parallel>], iteration_bounds = array<i64: 2, 16>, scalar_prefetch = 0 : i64, scratch_operands = 8 : i64, tpu.core_type = #tpu.core_type<sc_vector_subcore>, window_params = [{transform_indices = #map}, {transform_indices = #map}, {transform_indices = #map}, {transform_indices = #map1}]} {
    %mul3A = arith.constant 2 : i32
    %mul3A_0 = arith.muli %arg1, %mul3A : i32
    %add3A = arith.addi %mul3A_0, %arg0 : i32
    %scan3A = arith.constant 0 : i32
    %scan3A_1 = arith.constant 16 : i32
    %scan3A_2 = arith.addi %scan3A, %scan3A_1 : i32
    %scan3A_3 = arith.constant 1 : i32
    scf.for %scan3A_54 = %scan3A to %scan3A_2 step %scan3A_3  : i32 {
      %mul3A_55 = arith.constant 1 : i32
      %mul3A_56 = arith.muli %scan3A_54, %mul3A_55 : i32
      %add3A_57 = arith.constant 0 : i32
      %add3A_58 = arith.addi %add3A_57, %mul3A_56 : i32
      %broadcast_in_dim3A = arith.constant 0.000000e+00 : f32
      %broadcast_in_dim3A_59 = vector.broadcast %broadcast_in_dim3A : f32 to vector<16xf32>
      %swap3A = arith.index_cast %add3A_58 : i32 to index
      %swap3A_60 = arith.constant 0 : index
      %swap3A_61 = tpu.vector_load %arg10[%swap3A, %swap3A_60] {strides = array<i32>} : memref<16x128xf32, #tpu.memory_space<vmem>>, vector<1x16xf32>,
      %swap3A_62 = vector.shape_cast %swap3A_61 : vector<1x16xf32> to vector<16xf32>
      %swap3A_63 = vector.shape_cast %broadcast_in_dim3A_59 : vector<16xf32> to vector<1x16xf32>
      tpu.vector_store %arg10[%swap3A, %swap3A_60], %swap3A_63 {strides = array<i32>} : memref<16x128xf32, #tpu.memory_space<vmem>>, vector<1x16xf32>,
      %broadcast_in_dim3A_64 = arith.constant 0.000000e+00 : f32
      %broadcast_in_dim3A_65 = vector.broadcast %broadcast_in_dim3A_64 : f32 to vector<16xf32>
      %swap3A_66 = arith.index_cast %add3A_58 : i32 to index
      %swap3A_67 = arith.constant 16 : index
      %swap3A_68 = tpu.vector_load %arg10[%swap3A_66, %swap3A_67] {strides = array<i32>} : memref<16x128xf32, #tpu.memory_space<vmem>>, vector<1x16xf32>,
      %swap3A_69 = vector.shape_cast %swap3A_68 : vector<1x16xf32> to vector<16xf32>
      %swap3A_70 = vector.shape_cast %broadcast_in_dim3A_65 : vector<16xf32> to vector<1x16xf32>
      tpu.vector_store %arg10[%swap3A_66, %swap3A_67], %swap3A_70 {strides = array<i32>} : memref<16x128xf32, #tpu.memory_space<vmem>>, vector<1x16xf32>,
      %broadcast_in_dim3A_71 = arith.constant 0.000000e+00 : f32
      %broadcast_in_dim3A_72 = vector.broadcast %broadcast_in_dim3A_71 : f32 to vector<16xf32>
      %swap3A_73 = arith.index_cast %add3A_58 : i32 to index
      %swap3A_74 = arith.constant 32 : index
      %swap3A_75 = tpu.vector_load %arg10[%swap3A_73, %swap3A_74] {strides = array<i32>} : memref<16x128xf32, #tpu.memory_space<vmem>>, vector<1x16xf32>,
      %swap3A_76 = vector.shape_cast %swap3A_75 : vector<1x16xf32> to vector<16xf32>
      %swap3A_77 = vector.shape_cast %broadcast_in_dim3A_72 : vector<16xf32> to vector<1x16xf32>
      tpu.vector_store %arg10[%swap3A_73, %swap3A_74], %swap3A_77 {strides = array<i32>} : memref<16x128xf32, #tpu.memory_space<vmem>>, vector<1x16xf32>,
      %broadcast_in_dim3A_78 = arith.constant 0.000000e+00 : f32
      %broadcast_in_dim3A_79 = vector.broadcast %broadcast_in_dim3A_78 : f32 to vector<16xf32>
      %swap3A_80 = arith.index_cast %add3A_58 : i32 to index
      %swap3A_81 = arith.constant 48 : index
      %swap3A_82 = tpu.vector_load %arg10[%swap3A_80, %swap3A_81] {strides = array<i32>} : memref<16x128xf32, #tpu.memory_space<vmem>>, vector<1x16xf32>,
      %swap3A_83 = vector.shape_cast %swap3A_82 : vector<1x16xf32> to vector<16xf32>
      %swap3A_84 = vector.shape_cast %broadcast_in_dim3A_79 : vector<16xf32> to vector<1x16xf32>
      tpu.vector_store %arg10[%swap3A_80, %swap3A_81], %swap3A_84 {strides = array<i32>} : memref<16x128xf32, #tpu.memory_space<vmem>>, vector<1x16xf32>,
      %broadcast_in_dim3A_85 = arith.constant 0.000000e+00 : f32
      %broadcast_in_dim3A_86 = vector.broadcast %broadcast_in_dim3A_85 : f32 to vector<16xf32>
      %swap3A_87 = arith.index_cast %add3A_58 : i32 to index
      %swap3A_88 = arith.constant 64 : index
      %swap3A_89 = tpu.vector_load %arg10[%swap3A_87, %swap3A_88] {strides = array<i32>} : memref<16x128xf32, #tpu.memory_space<vmem>>, vector<1x16xf32>,
      %swap3A_90 = vector.shape_cast %swap3A_89 : vector<1x16xf32> to vector<16xf32>
      %swap3A_91 = vector.shape_cast %broadcast_in_dim3A_86 : vector<16xf32> to vector<1x16xf32>
      tpu.vector_store %arg10[%swap3A_87, %swap3A_88], %swap3A_91 {strides = array<i32>} : memref<16x128xf32, #tpu.memory_space<vmem>>, vector<1x16xf32>,
      %broadcast_in_dim3A_92 = arith.constant 0.000000e+00 : f32
      %broadcast_in_dim3A_93 = vector.broadcast %broadcast_in_dim3A_92 : f32 to vector<16xf32>
      %swap3A_94 = arith.index_cast %add3A_58 : i32 to index
      %swap3A_95 = arith.constant 80 : index
      %swap3A_96 = tpu.vector_load %arg10[%swap3A_94, %swap3A_95] {strides = array<i32>} : memref<16x128xf32, #tpu.memory_space<vmem>>, vector<1x16xf32>,
      %swap3A_97 = vector.shape_cast %swap3A_96 : vector<1x16xf32> to vector<16xf32>
      %swap3A_98 = vector.shape_cast %broadcast_in_dim3A_93 : vector<16xf32> to vector<1x16xf32>
      tpu.vector_store %arg10[%swap3A_94, %swap3A_95], %swap3A_98 {strides = array<i32>} : memref<16x128xf32, #tpu.memory_space<vmem>>, vector<1x16xf32>,
      %broadcast_in_dim3A_99 = arith.constant 0.000000e+00 : f32
      %broadcast_in_dim3A_100 = vector.broadcast %broadcast_in_dim3A_99 : f32 to vector<16xf32>
      %swap3A_101 = arith.index_cast %add3A_58 : i32 to index
      %swap3A_102 = arith.constant 96 : index
      %swap3A_103 = tpu.vector_load %arg10[%swap3A_101, %swap3A_102] {strides = array<i32>} : memref<16x128xf32, #tpu.memory_space<vmem>>, vector<1x16xf32>,
      %swap3A_104 = vector.shape_cast %swap3A_103 : vector<1x16xf32> to vector<16xf32>
      %swap3A_105 = vector.shape_cast %broadcast_in_dim3A_100 : vector<16xf32> to vector<1x16xf32>
      tpu.vector_store %arg10[%swap3A_101, %swap3A_102], %swap3A_105 {strides = array<i32>} : memref<16x128xf32, #tpu.memory_space<vmem>>, vector<1x16xf32>,
      %broadcast_in_dim3A_106 = arith.constant 0.000000e+00 : f32
      %broadcast_in_dim3A_107 = vector.broadcast %broadcast_in_dim3A_106 : f32 to vector<16xf32>
      %swap3A_108 = arith.index_cast %add3A_58 : i32 to index
      %swap3A_109 = arith.constant 112 : index
      %swap3A_110 = tpu.vector_load %arg10[%swap3A_108, %swap3A_109] {strides = array<i32>} : memref<16x128xf32, #tpu.memory_space<vmem>>, vector<1x16xf32>,
      %swap3A_111 = vector.shape_cast %swap3A_110 : vector<1x16xf32> to vector<16xf32>
      %swap3A_112 = vector.shape_cast %broadcast_in_dim3A_107 : vector<16xf32> to vector<1x16xf32>
      tpu.vector_store %arg10[%swap3A_108, %swap3A_109], %swap3A_112 {strides = array<i32>} : memref<16x128xf32, #tpu.memory_space<vmem>>, vector<1x16xf32>,
    }
    %scan3A_4 = arith.constant 16 : i32
    %scan3A_5 = arith.constant 0 : i32
    %scan3A_6 = arith.constant 40 : i32
    %scan3A_7 = arith.addi %scan3A_5, %scan3A_6 : i32
    %scan3A_8 = arith.constant 1 : i32
    scf.for %scan3A_54 = %scan3A_5 to %scan3A_7 step %scan3A_8  : i32 {
      %mul3A_55 = arith.constant 1 : i32
      %mul3A_56 = arith.muli %scan3A_54, %mul3A_55 : i32
      %add3A_57 = arith.constant 0 : i32
      %add3A_58 = arith.addi %add3A_57, %mul3A_56 : i32
      %mul3A_59 = arith.constant 640 : i32
      %mul3A_60 = arith.muli %arg1, %mul3A_59 : i32
      %mul3A_61 = arith.constant 16 : i32
      %mul3A_62 = arith.muli %add3A_58, %mul3A_61 : i32
      %add3A_63 = arith.addi %mul3A_60, %mul3A_62 : i32
      "tpu.region"() ({
        %run_scoped3A = tpu.sem_alloc : memref<!tpu.dma_semaphore, #tpu.memory_space<semaphore_mem>>
        %dma_start3A_64 = arith.constant 0 : i32
        %dma_start3A_65 = tpu.memref_slice %arg11[%add3A_63, %dma_start3A_64] : memref<10240x128xf32, #tpu.memory_space<vmem_shared>> -> memref<16x128xf32, #tpu.memory_space<vmem_shared>>
        %dma_start3A_66 = arith.constant 0 : i32
        %dma_start3A_67 = tpu.memref_slice %arg11[%add3A_63, %dma_start3A_66] : memref<10240x128xf32, #tpu.memory_space<vmem_shared>> -> memref<16x128xf32, #tpu.memory_space<vmem_shared>>
        tpu.enqueue_dma source(%arg10 : memref<16x128xf32, #tpu.memory_space<vmem>>) target(%dma_start3A_67 : memref<16x128xf32, #tpu.memory_space<vmem_shared>>) target_semaphore(%run_scoped3A : memref<!tpu.dma_semaphore, #tpu.memory_space<semaphore_mem>>)
        %dma_wait3A = arith.constant 0 : i32
        %dma_wait3A_68 = tpu.memref_slice %arg11[%add3A_63, %dma_wait3A] : memref<10240x128xf32, #tpu.memory_space<vmem_shared>> -> memref<16x128xf32, #tpu.memory_space<vmem_shared>>
        %dma_wait3A_69 = arith.constant 0 : i32
        %dma_wait3A_70 = tpu.memref_slice %arg11[%add3A_63, %dma_wait3A_69] : memref<10240x128xf32, #tpu.memory_space<vmem_shared>> -> memref<16x128xf32, #tpu.memory_space<vmem_shared>>
        tpu.wait_dma2 semaphore(%run_scoped3A : memref<!tpu.dma_semaphore, #tpu.memory_space<semaphore_mem>>) src(%arg10 : memref<16x128xf32, #tpu.memory_space<vmem>>) dst(%dma_wait3A_70 : memref<16x128xf32, #tpu.memory_space<vmem_shared>>)
        tpu.yield
      }) : () -> ()
    }
    %scan3A_9 = arith.constant 40 : i32
    %barrier3A = arith.constant 0 : index
    tpu.barrier barrier_id(%barrier3A)
    %mul3A_10 = arith.constant 80 : i32
    %mul3A_11 = arith.muli %add3A, %mul3A_10 : i32
    %add3A_12 = arith.constant 0 : i32
    %add3A_13 = arith.addi %mul3A_11, %add3A_12 : i32
    "tpu.region"() ({
      %run_scoped3A = tpu.sem_alloc : memref<!tpu.dma_semaphore, #tpu.memory_space<semaphore_mem>>
      %dma_start3A_54 = arith.constant 0 : i32
      %dma_start3A_55 = tpu.memref_slice %arg3[%add3A_13, %dma_start3A_54] : memref<2560x125xi32, #tpu.memory_space<hbm>> -> memref<40x125xi32, #tpu.memory_space<hbm>>
      %dma_start3A_56 = arith.constant 0 : i32
      %dma_start3A_57 = tpu.memref_slice %arg3[%add3A_13, %dma_start3A_56] : memref<2560x125xi32, #tpu.memory_space<hbm>> -> memref<40x125xi32, #tpu.memory_space<hbm>>
      tpu.enqueue_dma source(%dma_start3A_57 : memref<40x125xi32, #tpu.memory_space<hbm>>) target(%arg6 : memref<40x125xi32, #tpu.memory_space<vmem>>) target_semaphore(%run_scoped3A : memref<!tpu.dma_semaphore, #tpu.memory_space<semaphore_mem>>)
      %dma_wait3A = arith.constant 0 : i32
      %dma_wait3A_58 = tpu.memref_slice %arg3[%add3A_13, %dma_wait3A] : memref<2560x125xi32, #tpu.memory_space<hbm>> -> memref<40x125xi32, #tpu.memory_space<hbm>>
      %dma_wait3A_59 = arith.constant 0 : i32
      %dma_wait3A_60 = tpu.memref_slice %arg3[%add3A_13, %dma_wait3A_59] : memref<2560x125xi32, #tpu.memory_space<hbm>> -> memref<40x125xi32, #tpu.memory_space<hbm>>
      tpu.wait_dma2 semaphore(%run_scoped3A : memref<!tpu.dma_semaphore, #tpu.memory_space<semaphore_mem>>) src(%dma_wait3A_60 : memref<40x125xi32, #tpu.memory_space<hbm>>) dst(%arg6 : memref<40x125xi32, #tpu.memory_space<vmem>>)
      tpu.yield
    }) : () -> ()
    %mul3A_14 = arith.constant 80 : i32
    %mul3A_15 = arith.muli %add3A, %mul3A_14 : i32
    %add3A_16 = arith.constant 0 : i32
    %add3A_17 = arith.addi %mul3A_15, %add3A_16 : i32
    "tpu.region"() ({
      %run_scoped3A = tpu.sem_alloc : memref<!tpu.dma_semaphore, #tpu.memory_space<semaphore_mem>>
      %dma_start3A_54 = arith.constant 0 : i32
      %dma_start3A_55 = tpu.memref_slice %arg4[%add3A_17, %dma_start3A_54] : memref<2560x125xi32, #tpu.memory_space<hbm>> -> memref<40x125xi32, #tpu.memory_space<hbm>>
      %dma_start3A_56 = arith.constant 0 : i32
      %dma_start3A_57 = tpu.memref_slice %arg4[%add3A_17, %dma_start3A_56] : memref<2560x125xi32, #tpu.memory_space<hbm>> -> memref<40x125xi32, #tpu.memory_space<hbm>>
      tpu.enqueue_dma source(%dma_start3A_57 : memref<40x125xi32, #tpu.memory_space<hbm>>) target(%arg7 : memref<40x125xi32, #tpu.memory_space<vmem>>) target_semaphore(%run_scoped3A : memref<!tpu.dma_semaphore, #tpu.memory_space<semaphore_mem>>)
      %dma_wait3A = arith.constant 0 : i32
      %dma_wait3A_58 = tpu.memref_slice %arg4[%add3A_17, %dma_wait3A] : memref<2560x125xi32, #tpu.memory_space<hbm>> -> memref<40x125xi32, #tpu.memory_space<hbm>>
      %dma_wait3A_59 = arith.constant 0 : i32
      %dma_wait3A_60 = tpu.memref_slice %arg4[%add3A_17, %dma_wait3A_59] : memref<2560x125xi32, #tpu.memory_space<hbm>> -> memref<40x125xi32, #tpu.memory_space<hbm>>
      tpu.wait_dma2 semaphore(%run_scoped3A : memref<!tpu.dma_semaphore, #tpu.memory_space<semaphore_mem>>) src(%dma_wait3A_60 : memref<40x125xi32, #tpu.memory_space<hbm>>) dst(%arg7 : memref<40x125xi32, #tpu.memory_space<vmem>>)
      tpu.yield
    }) : () -> ()
    %dma_start3A = arith.constant 0 : i32
    %dma_start3A_18 = arith.constant 0 : i32
    %dma_start3A_19 = tpu.memref_slice %arg6[%dma_start3A, %dma_start3A_18] : memref<40x125xi32, #tpu.memory_space<vmem>> -> memref<1x125xi32, #tpu.memory_space<vmem>>
    %dma_start3A_20 = tpu.memref_squeeze %dma_start3A_19 : memref<1x125xi32, #tpu.memory_space<vmem>> -> memref<125xi32, #tpu.memory_space<vmem>>
    %dma_start3A_21 = arith.constant 0 : i32
    %dma_start3A_22 = arith.constant 0 : i32
    %dma_start3A_23 = tpu.memref_slice %arg2[%dma_start3A_21, %dma_start3A_22] : memref<10240x128xf32, #tpu.memory_space<hbm>> -> memref<10240x128xf32, #tpu.memory_space<hbm>>
    tpu.enqueue_indirect_dma source(%dma_start3A_23 : memref<10240x128xf32, #tpu.memory_space<hbm>>) target(%arg8 : memref<125x128xf32, #tpu.memory_space<vmem>>) offsets(%dma_start3A_20 : memref<125xi32, #tpu.memory_space<vmem>>) semaphore(%arg12 : memref<!tpu.dma_semaphore, #tpu.memory_space<semaphore_mem>>)
    %scan3A_24 = arith.constant 0 : i32
    %scan3A_25 = arith.constant 20 : i32
    %scan3A_26 = arith.addi %scan3A_24, %scan3A_25 : i32
    %scan3A_27 = arith.constant 1 : i32
    scf.for %scan3A_54 = %scan3A_24 to %scan3A_26 step %scan3A_27  : i32 {
      %mul3A_55 = arith.constant 2 : i32
      %mul3A_56 = arith.muli %scan3A_54, %mul3A_55 : i32
      %add3A_57 = arith.constant 0 : i32
      %add3A_58 = arith.addi %add3A_57, %mul3A_56 : i32
      %add3A_59 = arith.constant 1 : i32
      %add3A_60 = arith.addi %add3A_58, %add3A_59 : i32
      %dma_start3A_61 = arith.constant 0 : i32
      %dma_start3A_62 = tpu.memref_slice %arg6[%add3A_60, %dma_start3A_61] : memref<40x125xi32, #tpu.memory_space<vmem>> -> memref<1x125xi32, #tpu.memory_space<vmem>>
      %dma_start3A_63 = tpu.memref_squeeze %dma_start3A_62 : memref<1x125xi32, #tpu.memory_space<vmem>> -> memref<125xi32, #tpu.memory_space<vmem>>
      %dma_start3A_64 = arith.constant 0 : i32
      %dma_start3A_65 = arith.constant 0 : i32
      %dma_start3A_66 = tpu.memref_slice %arg2[%dma_start3A_64, %dma_start3A_65] : memref<10240x128xf32, #tpu.memory_space<hbm>> -> memref<10240x128xf32, #tpu.memory_space<hbm>>
      tpu.enqueue_indirect_dma source(%dma_start3A_66 : memref<10240x128xf32, #tpu.memory_space<hbm>>) target(%arg9 : memref<125x128xf32, #tpu.memory_space<vmem>>) offsets(%dma_start3A_63 : memref<125xi32, #tpu.memory_space<vmem>>) semaphore(%arg13 : memref<!tpu.dma_semaphore, #tpu.memory_space<semaphore_mem>>)
      %dma_wait3A = arith.constant 0 : i32
      %dma_wait3A_67 = arith.constant 0 : i32
      %dma_wait3A_68 = tpu.memref_slice %arg6[%dma_wait3A, %dma_wait3A_67] : memref<40x125xi32, #tpu.memory_space<vmem>> -> memref<1x125xi32, #tpu.memory_space<vmem>>
      %dma_wait3A_69 = tpu.memref_squeeze %dma_wait3A_68 : memref<1x125xi32, #tpu.memory_space<vmem>> -> memref<125xi32, #tpu.memory_space<vmem>>
      %dma_wait3A_70 = arith.constant 0 : i32
      %dma_wait3A_71 = arith.constant 0 : i32
      %dma_wait3A_72 = tpu.memref_slice %arg2[%dma_wait3A_70, %dma_wait3A_71] : memref<10240x128xf32, #tpu.memory_space<hbm>> -> memref<10240x128xf32, #tpu.memory_space<hbm>>
      tpu.wait_indirect_dma semaphore(%arg12 : memref<!tpu.dma_semaphore, #tpu.memory_space<semaphore_mem>>) src(%dma_wait3A_72 : memref<10240x128xf32, #tpu.memory_space<hbm>>) dst(%arg8 : memref<125x128xf32, #tpu.memory_space<vmem>>)
      "tpu.region"() ({
        %run_scoped3A = tpu.sem_alloc : memref<!tpu.dma_semaphore, #tpu.memory_space<semaphore_mem>>
        %dma_start3A_86 = arith.constant 0 : i32
        %dma_start3A_87 = tpu.memref_slice %arg7[%add3A_58, %dma_start3A_86] : memref<40x125xi32, #tpu.memory_space<vmem>> -> memref<1x125xi32, #tpu.memory_space<vmem>>
        %dma_start3A_88 = tpu.memref_squeeze %dma_start3A_87 : memref<1x125xi32, #tpu.memory_space<vmem>> -> memref<125xi32, #tpu.memory_space<vmem>>
        %dma_start3A_89 = arith.constant 0 : i32
        %dma_start3A_90 = arith.constant 0 : i32
        %dma_start3A_91 = tpu.memref_slice %arg11[%dma_start3A_89, %dma_start3A_90] : memref<10240x128xf32, #tpu.memory_space<vmem_shared>> -> memref<10240x128xf32, #tpu.memory_space<vmem_shared>>
        tpu.enqueue_indirect_dma source(%arg8 : memref<125x128xf32, #tpu.memory_space<vmem>>) target(%dma_start3A_91 : memref<10240x128xf32, #tpu.memory_space<vmem_shared>>) offsets(%dma_start3A_88 : memref<125xi32, #tpu.memory_space<vmem>>) semaphore(%run_scoped3A : memref<!tpu.dma_semaphore, #tpu.memory_space<semaphore_mem>>) {add = true}
        %dma_wait3A_92 = arith.constant 0 : i32
        %dma_wait3A_93 = tpu.memref_slice %arg7[%add3A_58, %dma_wait3A_92] : memref<40x125xi32, #tpu.memory_space<vmem>> -> memref<1x125xi32, #tpu.memory_space<vmem>>
        %dma_wait3A_94 = tpu.memref_squeeze %dma_wait3A_93 : memref<1x125xi32, #tpu.memory_space<vmem>> -> memref<125xi32, #tpu.memory_space<vmem>>
        %dma_wait3A_95 = arith.constant 0 : i32
        %dma_wait3A_96 = arith.constant 0 : i32
        %dma_wait3A_97 = tpu.memref_slice %arg11[%dma_wait3A_95, %dma_wait3A_96] : memref<10240x128xf32, #tpu.memory_space<vmem_shared>> -> memref<10240x128xf32, #tpu.memory_space<vmem_shared>>
        tpu.wait_indirect_dma semaphore(%run_scoped3A : memref<!tpu.dma_semaphore, #tpu.memory_space<semaphore_mem>>) src(%arg8 : memref<125x128xf32, #tpu.memory_space<vmem>>) dst(%dma_wait3A_97 : memref<10240x128xf32, #tpu.memory_space<vmem_shared>>)
        tpu.yield
      }) : () -> ()
      %add3A_73 = arith.constant 2 : i32
      %add3A_74 = arith.addi %add3A_58, %add3A_73 : i32
      %lt3A = arith.constant 40 : i32
      %lt3A_75 = arith.cmpi slt, %add3A_74, %lt3A : i32
      %convert_element_type3A = arith.extui %lt3A_75 : i1 to i32
      %cond3A = arith.constant 0 : i32
      %cond3A_76 = arith.cmpi ne, %convert_element_type3A, %cond3A : i32
      scf.if %cond3A_76 {
        %add3A_86 = arith.constant 2 : i32
        %add3A_87 = arith.addi %add3A_58, %add3A_86 : i32
        %dma_start3A_88 = arith.constant 0 : i32
        %dma_start3A_89 = tpu.memref_slice %arg6[%add3A_87, %dma_start3A_88] : memref<40x125xi32, #tpu.memory_space<vmem>> -> memref<1x125xi32, #tpu.memory_space<vmem>>
        %dma_start3A_90 = tpu.memref_squeeze %dma_start3A_89 : memref<1x125xi32, #tpu.memory_space<vmem>> -> memref<125xi32, #tpu.memory_space<vmem>>
        %dma_start3A_91 = arith.constant 0 : i32
        %dma_start3A_92 = arith.constant 0 : i32
        %dma_start3A_93 = tpu.memref_slice %arg2[%dma_start3A_91, %dma_start3A_92] : memref<10240x128xf32, #tpu.memory_space<hbm>> -> memref<10240x128xf32, #tpu.memory_space<hbm>>
        tpu.enqueue_indirect_dma source(%dma_start3A_93 : memref<10240x128xf32, #tpu.memory_space<hbm>>) target(%arg8 : memref<125x128xf32, #tpu.memory_space<vmem>>) offsets(%dma_start3A_90 : memref<125xi32, #tpu.memory_space<vmem>>) semaphore(%arg12 : memref<!tpu.dma_semaphore, #tpu.memory_space<semaphore_mem>>)
      } else {
      }
      %dma_wait3A_77 = arith.constant 0 : i32
      %dma_wait3A_78 = arith.constant 0 : i32
      %dma_wait3A_79 = tpu.memref_slice %arg6[%dma_wait3A_77, %dma_wait3A_78] : memref<40x125xi32, #tpu.memory_space<vmem>> -> memref<1x125xi32, #tpu.memory_space<vmem>>
      %dma_wait3A_80 = tpu.memref_squeeze %dma_wait3A_79 : memref<1x125xi32, #tpu.memory_space<vmem>> -> memref<125xi32, #tpu.memory_space<vmem>>
      %dma_wait3A_81 = arith.constant 0 : i32
      %dma_wait3A_82 = arith.constant 0 : i32
      %dma_wait3A_83 = tpu.memref_slice %arg2[%dma_wait3A_81, %dma_wait3A_82] : memref<10240x128xf32, #tpu.memory_space<hbm>> -> memref<10240x128xf32, #tpu.memory_space<hbm>>
      tpu.wait_indirect_dma semaphore(%arg13 : memref<!tpu.dma_semaphore, #tpu.memory_space<semaphore_mem>>) src(%dma_wait3A_83 : memref<10240x128xf32, #tpu.memory_space<hbm>>) dst(%arg9 : memref<125x128xf32, #tpu.memory_space<vmem>>)
      %add3A_84 = arith.constant 1 : i32
      %add3A_85 = arith.addi %add3A_58, %add3A_84 : i32
      "tpu.region"() ({
        %run_scoped3A = tpu.sem_alloc : memref<!tpu.dma_semaphore, #tpu.memory_space<semaphore_mem>>
        %dma_start3A_86 = arith.constant 0 : i32
        %dma_start3A_87 = tpu.memref_slice %arg7[%add3A_85, %dma_start3A_86] : memref<40x125xi32, #tpu.memory_space<vmem>> -> memref<1x125xi32, #tpu.memory_space<vmem>>
        %dma_start3A_88 = tpu.memref_squeeze %dma_start3A_87 : memref<1x125xi32, #tpu.memory_space<vmem>> -> memref<125xi32, #tpu.memory_space<vmem>>
        %dma_start3A_89 = arith.constant 0 : i32
        %dma_start3A_90 = arith.constant 0 : i32
        %dma_start3A_91 = tpu.memref_slice %arg11[%dma_start3A_89, %dma_start3A_90] : memref<10240x128xf32, #tpu.memory_space<vmem_shared>> -> memref<10240x128xf32, #tpu.memory_space<vmem_shared>>
        tpu.enqueue_indirect_dma source(%arg9 : memref<125x128xf32, #tpu.memory_space<vmem>>) target(%dma_start3A_91 : memref<10240x128xf32, #tpu.memory_space<vmem_shared>>) offsets(%dma_start3A_88 : memref<125xi32, #tpu.memory_space<vmem>>) semaphore(%run_scoped3A : memref<!tpu.dma_semaphore, #tpu.memory_space<semaphore_mem>>) {add = true}
        %dma_wait3A_92 = arith.constant 0 : i32
        %dma_wait3A_93 = tpu.memref_slice %arg7[%add3A_85, %dma_wait3A_92] : memref<40x125xi32, #tpu.memory_space<vmem>> -> memref<1x125xi32, #tpu.memory_space<vmem>>
        %dma_wait3A_94 = tpu.memref_squeeze %dma_wait3A_93 : memref<1x125xi32, #tpu.memory_space<vmem>> -> memref<125xi32, #tpu.memory_space<vmem>>
        %dma_wait3A_95 = arith.constant 0 : i32
        %dma_wait3A_96 = arith.constant 0 : i32
        %dma_wait3A_97 = tpu.memref_slice %arg11[%dma_wait3A_95, %dma_wait3A_96] : memref<10240x128xf32, #tpu.memory_space<vmem_shared>> -> memref<10240x128xf32, #tpu.memory_space<vmem_shared>>
        tpu.wait_indirect_dma semaphore(%run_scoped3A : memref<!tpu.dma_semaphore, #tpu.memory_space<semaphore_mem>>) src(%arg9 : memref<125x128xf32, #tpu.memory_space<vmem>>) dst(%dma_wait3A_97 : memref<10240x128xf32, #tpu.memory_space<vmem_shared>>)
        tpu.yield
      }) : () -> ()
    }
    %scan3A_28 = arith.constant 20 : i32
    %mul3A_29 = arith.constant 80 : i32
    %mul3A_30 = arith.muli %add3A, %mul3A_29 : i32
    %add3A_31 = arith.constant 40 : i32
    %add3A_32 = arith.addi %mul3A_30, %add3A_31 : i32
    "tpu.region"() ({
      %run_scoped3A = tpu.sem_alloc : memref<!tpu.dma_semaphore, #tpu.memory_space<semaphore_mem>>
      %dma_start3A_54 = arith.constant 0 : i32
      %dma_start3A_55 = tpu.memref_slice %arg3[%add3A_32, %dma_start3A_54] : memref<2560x125xi32, #tpu.memory_space<hbm>> -> memref<40x125xi32, #tpu.memory_space<hbm>>
      %dma_start3A_56 = arith.constant 0 : i32
      %dma_start3A_57 = tpu.memref_slice %arg3[%add3A_32, %dma_start3A_56] : memref<2560x125xi32, #tpu.memory_space<hbm>> -> memref<40x125xi32, #tpu.memory_space<hbm>>
      tpu.enqueue_dma source(%dma_start3A_57 : memref<40x125xi32, #tpu.memory_space<hbm>>) target(%arg6 : memref<40x125xi32, #tpu.memory_space<vmem>>) target_semaphore(%run_scoped3A : memref<!tpu.dma_semaphore, #tpu.memory_space<semaphore_mem>>)
      %dma_wait3A = arith.constant 0 : i32
      %dma_wait3A_58 = tpu.memref_slice %arg3[%add3A_32, %dma_wait3A] : memref<2560x125xi32, #tpu.memory_space<hbm>> -> memref<40x125xi32, #tpu.memory_space<hbm>>
      %dma_wait3A_59 = arith.constant 0 : i32
      %dma_wait3A_60 = tpu.memref_slice %arg3[%add3A_32, %dma_wait3A_59] : memref<2560x125xi32, #tpu.memory_space<hbm>> -> memref<40x125xi32, #tpu.memory_space<hbm>>
      tpu.wait_dma2 semaphore(%run_scoped3A : memref<!tpu.dma_semaphore, #tpu.memory_space<semaphore_mem>>) src(%dma_wait3A_60 : memref<40x125xi32, #tpu.memory_space<hbm>>) dst(%arg6 : memref<40x125xi32, #tpu.memory_space<vmem>>)
      tpu.yield
    }) : () -> ()
    %mul3A_33 = arith.constant 80 : i32
    %mul3A_34 = arith.muli %add3A, %mul3A_33 : i32
    %add3A_35 = arith.constant 40 : i32
    %add3A_36 = arith.addi %mul3A_34, %add3A_35 : i32
    "tpu.region"() ({
      %run_scoped3A = tpu.sem_alloc : memref<!tpu.dma_semaphore, #tpu.memory_space<semaphore_mem>>
      %dma_start3A_54 = arith.constant 0 : i32
      %dma_start3A_55 = tpu.memref_slice %arg4[%add3A_36, %dma_start3A_54] : memref<2560x125xi32, #tpu.memory_space<hbm>> -> memref<40x125xi32, #tpu.memory_space<hbm>>
      %dma_start3A_56 = arith.constant 0 : i32
      %dma_start3A_57 = tpu.memref_slice %arg4[%add3A_36, %dma_start3A_56] : memref<2560x125xi32, #tpu.memory_space<hbm>> -> memref<40x125xi32, #tpu.memory_space<hbm>>
      tpu.enqueue_dma source(%dma_start3A_57 : memref<40x125xi32, #tpu.memory_space<hbm>>) target(%arg7 : memref<40x125xi32, #tpu.memory_space<vmem>>) target_semaphore(%run_scoped3A : memref<!tpu.dma_semaphore, #tpu.memory_space<semaphore_mem>>)
      %dma_wait3A = arith.constant 0 : i32
      %dma_wait3A_58 = tpu.memref_slice %arg4[%add3A_36, %dma_wait3A] : memref<2560x125xi32, #tpu.memory_space<hbm>> -> memref<40x125xi32, #tpu.memory_space<hbm>>
      %dma_wait3A_59 = arith.constant 0 : i32
      %dma_wait3A_60 = tpu.memref_slice %arg4[%add3A_36, %dma_wait3A_59] : memref<2560x125xi32, #tpu.memory_space<hbm>> -> memref<40x125xi32, #tpu.memory_space<hbm>>
      tpu.wait_dma2 semaphore(%run_scoped3A : memref<!tpu.dma_semaphore, #tpu.memory_space<semaphore_mem>>) src(%dma_wait3A_60 : memref<40x125xi32, #tpu.memory_space<hbm>>) dst(%arg7 : memref<40x125xi32, #tpu.memory_space<vmem>>)
      tpu.yield
    }) : () -> ()
    %dma_start3A_37 = arith.constant 0 : i32
    %dma_start3A_38 = arith.constant 0 : i32
    %dma_start3A_39 = tpu.memref_slice %arg6[%dma_start3A_37, %dma_start3A_38] : memref<40x125xi32, #tpu.memory_space<vmem>> -> memref<1x125xi32, #tpu.memory_space<vmem>>
    %dma_start3A_40 = tpu.memref_squeeze %dma_start3A_39 : memref<1x125xi32, #tpu.memory_space<vmem>> -> memref<125xi32, #tpu.memory_space<vmem>>
    %dma_start3A_41 = arith.constant 0 : i32
    %dma_start3A_42 = arith.constant 0 : i32
    %dma_start3A_43 = tpu.memref_slice %arg2[%dma_start3A_41, %dma_start3A_42] : memref<10240x128xf32, #tpu.memory_space<hbm>> -> memref<10240x128xf32, #tpu.memory_space<hbm>>
    tpu.enqueue_indirect_dma source(%dma_start3A_43 : memref<10240x128xf32, #tpu.memory_space<hbm>>) target(%arg8 : memref<125x128xf32, #tpu.memory_space<vmem>>) offsets(%dma_start3A_40 : memref<125xi32, #tpu.memory_space<vmem>>) semaphore(%arg12 : memref<!tpu.dma_semaphore, #tpu.memory_space<semaphore_mem>>)
    %scan3A_44 = arith.constant 0 : i32
    %scan3A_45 = arith.constant 20 : i32
    %scan3A_46 = arith.addi %scan3A_44, %scan3A_45 : i32
    %scan3A_47 = arith.constant 1 : i32
    scf.for %scan3A_54 = %scan3A_44 to %scan3A_46 step %scan3A_47  : i32 {
      %mul3A_55 = arith.constant 2 : i32
      %mul3A_56 = arith.muli %scan3A_54, %mul3A_55 : i32
      %add3A_57 = arith.constant 0 : i32
      %add3A_58 = arith.addi %add3A_57, %mul3A_56 : i32
      %add3A_59 = arith.constant 1 : i32
      %add3A_60 = arith.addi %add3A_58, %add3A_59 : i32
      %dma_start3A_61 = arith.constant 0 : i32
      %dma_start3A_62 = tpu.memref_slice %arg6[%add3A_60, %dma_start3A_61] : memref<40x125xi32, #tpu.memory_space<vmem>> -> memref<1x125xi32, #tpu.memory_space<vmem>>
      %dma_start3A_63 = tpu.memref_squeeze %dma_start3A_62 : memref<1x125xi32, #tpu.memory_space<vmem>> -> memref<125xi32, #tpu.memory_space<vmem>>
      %dma_start3A_64 = arith.constant 0 : i32
      %dma_start3A_65 = arith.constant 0 : i32
      %dma_start3A_66 = tpu.memref_slice %arg2[%dma_start3A_64, %dma_start3A_65] : memref<10240x128xf32, #tpu.memory_space<hbm>> -> memref<10240x128xf32, #tpu.memory_space<hbm>>
      tpu.enqueue_indirect_dma source(%dma_start3A_66 : memref<10240x128xf32, #tpu.memory_space<hbm>>) target(%arg9 : memref<125x128xf32, #tpu.memory_space<vmem>>) offsets(%dma_start3A_63 : memref<125xi32, #tpu.memory_space<vmem>>) semaphore(%arg13 : memref<!tpu.dma_semaphore, #tpu.memory_space<semaphore_mem>>)
      %dma_wait3A = arith.constant 0 : i32
      %dma_wait3A_67 = arith.constant 0 : i32
      %dma_wait3A_68 = tpu.memref_slice %arg6[%dma_wait3A, %dma_wait3A_67] : memref<40x125xi32, #tpu.memory_space<vmem>> -> memref<1x125xi32, #tpu.memory_space<vmem>>
      %dma_wait3A_69 = tpu.memref_squeeze %dma_wait3A_68 : memref<1x125xi32, #tpu.memory_space<vmem>> -> memref<125xi32, #tpu.memory_space<vmem>>
      %dma_wait3A_70 = arith.constant 0 : i32
      %dma_wait3A_71 = arith.constant 0 : i32
      %dma_wait3A_72 = tpu.memref_slice %arg2[%dma_wait3A_70, %dma_wait3A_71] : memref<10240x128xf32, #tpu.memory_space<hbm>> -> memref<10240x128xf32, #tpu.memory_space<hbm>>
      tpu.wait_indirect_dma semaphore(%arg12 : memref<!tpu.dma_semaphore, #tpu.memory_space<semaphore_mem>>) src(%dma_wait3A_72 : memref<10240x128xf32, #tpu.memory_space<hbm>>) dst(%arg8 : memref<125x128xf32, #tpu.memory_space<vmem>>)
      "tpu.region"() ({
        %run_scoped3A = tpu.sem_alloc : memref<!tpu.dma_semaphore, #tpu.memory_space<semaphore_mem>>
        %dma_start3A_86 = arith.constant 0 : i32
        %dma_start3A_87 = tpu.memref_slice %arg7[%add3A_58, %dma_start3A_86] : memref<40x125xi32, #tpu.memory_space<vmem>> -> memref<1x125xi32, #tpu.memory_space<vmem>>
        %dma_start3A_88 = tpu.memref_squeeze %dma_start3A_87 : memref<1x125xi32, #tpu.memory_space<vmem>> -> memref<125xi32, #tpu.memory_space<vmem>>
        %dma_start3A_89 = arith.constant 0 : i32
        %dma_start3A_90 = arith.constant 0 : i32
        %dma_start3A_91 = tpu.memref_slice %arg11[%dma_start3A_89, %dma_start3A_90] : memref<10240x128xf32, #tpu.memory_space<vmem_shared>> -> memref<10240x128xf32, #tpu.memory_space<vmem_shared>>
        tpu.enqueue_indirect_dma source(%arg8 : memref<125x128xf32, #tpu.memory_space<vmem>>) target(%dma_start3A_91 : memref<10240x128xf32, #tpu.memory_space<vmem_shared>>) offsets(%dma_start3A_88 : memref<125xi32, #tpu.memory_space<vmem>>) semaphore(%run_scoped3A : memref<!tpu.dma_semaphore, #tpu.memory_space<semaphore_mem>>) {add = true}
        %dma_wait3A_92 = arith.constant 0 : i32
        %dma_wait3A_93 = tpu.memref_slice %arg7[%add3A_58, %dma_wait3A_92] : memref<40x125xi32, #tpu.memory_space<vmem>> -> memref<1x125xi32, #tpu.memory_space<vmem>>
        %dma_wait3A_94 = tpu.memref_squeeze %dma_wait3A_93 : memref<1x125xi32, #tpu.memory_space<vmem>> -> memref<125xi32, #tpu.memory_space<vmem>>
        %dma_wait3A_95 = arith.constant 0 : i32
        %dma_wait3A_96 = arith.constant 0 : i32
        %dma_wait3A_97 = tpu.memref_slice %arg11[%dma_wait3A_95, %dma_wait3A_96] : memref<10240x128xf32, #tpu.memory_space<vmem_shared>> -> memref<10240x128xf32, #tpu.memory_space<vmem_shared>>
        tpu.wait_indirect_dma semaphore(%run_scoped3A : memref<!tpu.dma_semaphore, #tpu.memory_space<semaphore_mem>>) src(%arg8 : memref<125x128xf32, #tpu.memory_space<vmem>>) dst(%dma_wait3A_97 : memref<10240x128xf32, #tpu.memory_space<vmem_shared>>)
        tpu.yield
      }) : () -> ()
      %add3A_73 = arith.constant 2 : i32
      %add3A_74 = arith.addi %add3A_58, %add3A_73 : i32
      %lt3A = arith.constant 40 : i32
      %lt3A_75 = arith.cmpi slt, %add3A_74, %lt3A : i32
      %convert_element_type3A = arith.extui %lt3A_75 : i1 to i32
      %cond3A = arith.constant 0 : i32
      %cond3A_76 = arith.cmpi ne, %convert_element_type3A, %cond3A : i32
      scf.if %cond3A_76 {
        %add3A_86 = arith.constant 2 : i32
        %add3A_87 = arith.addi %add3A_58, %add3A_86 : i32
        %dma_start3A_88 = arith.constant 0 : i32
        %dma_start3A_89 = tpu.memref_slice %arg6[%add3A_87, %dma_start3A_88] : memref<40x125xi32, #tpu.memory_space<vmem>> -> memref<1x125xi32, #tpu.memory_space<vmem>>
        %dma_start3A_90 = tpu.memref_squeeze %dma_start3A_89 : memref<1x125xi32, #tpu.memory_space<vmem>> -> memref<125xi32, #tpu.memory_space<vmem>>
        %dma_start3A_91 = arith.constant 0 : i32
        %dma_start3A_92 = arith.constant 0 : i32
        %dma_start3A_93 = tpu.memref_slice %arg2[%dma_start3A_91, %dma_start3A_92] : memref<10240x128xf32, #tpu.memory_space<hbm>> -> memref<10240x128xf32, #tpu.memory_space<hbm>>
        tpu.enqueue_indirect_dma source(%dma_start3A_93 : memref<10240x128xf32, #tpu.memory_space<hbm>>) target(%arg8 : memref<125x128xf32, #tpu.memory_space<vmem>>) offsets(%dma_start3A_90 : memref<125xi32, #tpu.memory_space<vmem>>) semaphore(%arg12 : memref<!tpu.dma_semaphore, #tpu.memory_space<semaphore_mem>>)
      } else {
      }
      %dma_wait3A_77 = arith.constant 0 : i32
      %dma_wait3A_78 = arith.constant 0 : i32
      %dma_wait3A_79 = tpu.memref_slice %arg6[%dma_wait3A_77, %dma_wait3A_78] : memref<40x125xi32, #tpu.memory_space<vmem>> -> memref<1x125xi32, #tpu.memory_space<vmem>>
      %dma_wait3A_80 = tpu.memref_squeeze %dma_wait3A_79 : memref<1x125xi32, #tpu.memory_space<vmem>> -> memref<125xi32, #tpu.memory_space<vmem>>
      %dma_wait3A_81 = arith.constant 0 : i32
      %dma_wait3A_82 = arith.constant 0 : i32
      %dma_wait3A_83 = tpu.memref_slice %arg2[%dma_wait3A_81, %dma_wait3A_82] : memref<10240x128xf32, #tpu.memory_space<hbm>> -> memref<10240x128xf32, #tpu.memory_space<hbm>>
      tpu.wait_indirect_dma semaphore(%arg13 : memref<!tpu.dma_semaphore, #tpu.memory_space<semaphore_mem>>) src(%dma_wait3A_83 : memref<10240x128xf32, #tpu.memory_space<hbm>>) dst(%arg9 : memref<125x128xf32, #tpu.memory_space<vmem>>)
      %add3A_84 = arith.constant 1 : i32
      %add3A_85 = arith.addi %add3A_58, %add3A_84 : i32
      "tpu.region"() ({
        %run_scoped3A = tpu.sem_alloc : memref<!tpu.dma_semaphore, #tpu.memory_space<semaphore_mem>>
        %dma_start3A_86 = arith.constant 0 : i32
        %dma_start3A_87 = tpu.memref_slice %arg7[%add3A_85, %dma_start3A_86] : memref<40x125xi32, #tpu.memory_space<vmem>> -> memref<1x125xi32, #tpu.memory_space<vmem>>
        %dma_start3A_88 = tpu.memref_squeeze %dma_start3A_87 : memref<1x125xi32, #tpu.memory_space<vmem>> -> memref<125xi32, #tpu.memory_space<vmem>>
        %dma_start3A_89 = arith.constant 0 : i32
        %dma_start3A_90 = arith.constant 0 : i32
        %dma_start3A_91 = tpu.memref_slice %arg11[%dma_start3A_89, %dma_start3A_90] : memref<10240x128xf32, #tpu.memory_space<vmem_shared>> -> memref<10240x128xf32, #tpu.memory_space<vmem_shared>>
        tpu.enqueue_indirect_dma source(%arg9 : memref<125x128xf32, #tpu.memory_space<vmem>>) target(%dma_start3A_91 : memref<10240x128xf32, #tpu.memory_space<vmem_shared>>) offsets(%dma_start3A_88 : memref<125xi32, #tpu.memory_space<vmem>>) semaphore(%run_scoped3A : memref<!tpu.dma_semaphore, #tpu.memory_space<semaphore_mem>>) {add = true}
        %dma_wait3A_92 = arith.constant 0 : i32
        %dma_wait3A_93 = tpu.memref_slice %arg7[%add3A_85, %dma_wait3A_92] : memref<40x125xi32, #tpu.memory_space<vmem>> -> memref<1x125xi32, #tpu.memory_space<vmem>>
        %dma_wait3A_94 = tpu.memref_squeeze %dma_wait3A_93 : memref<1x125xi32, #tpu.memory_space<vmem>> -> memref<125xi32, #tpu.memory_space<vmem>>
        %dma_wait3A_95 = arith.constant 0 : i32
        %dma_wait3A_96 = arith.constant 0 : i32
        %dma_wait3A_97 = tpu.memref_slice %arg11[%dma_wait3A_95, %dma_wait3A_96] : memref<10240x128xf32, #tpu.memory_space<vmem_shared>> -> memref<10240x128xf32, #tpu.memory_space<vmem_shared>>
        tpu.wait_indirect_dma semaphore(%run_scoped3A : memref<!tpu.dma_semaphore, #tpu.memory_space<semaphore_mem>>) src(%arg9 : memref<125x128xf32, #tpu.memory_space<vmem>>) dst(%dma_wait3A_97 : memref<10240x128xf32, #tpu.memory_space<vmem_shared>>)
        tpu.yield
      }) : () -> ()
    }
    %scan3A_48 = arith.constant 20 : i32
    %barrier3A_49 = arith.constant 0 : index
    tpu.barrier barrier_id(%barrier3A_49)
    %mul3A_50 = arith.constant 640 : i32
    %mul3A_51 = arith.muli %arg1, %mul3A_50 : i32
    %mul3A_52 = arith.constant 640 : i32
    %mul3A_53 = arith.muli %arg1, %mul3A_52 : i32
    "tpu.region"() ({
      %run_scoped3A = tpu.sem_alloc : memref<!tpu.dma_semaphore, #tpu.memory_space<semaphore_mem>>
      %dma_start3A_54 = arith.constant 0 : i32
      %dma_start3A_55 = tpu.memref_slice %arg5[%arg0, %mul3A_53, %dma_start3A_54] : memref<2x10240x128xf32, #tpu.memory_space<hbm>> -> memref<1x640x128xf32, #tpu.memory_space<hbm>>
      %dma_start3A_56 = tpu.memref_squeeze %dma_start3A_55 : memref<1x640x128xf32, #tpu.memory_space<hbm>> -> memref<640x128xf32, #tpu.memory_space<hbm>>
      %dma_start3A_57 = arith.constant 0 : i32
      %dma_start3A_58 = tpu.memref_slice %arg11[%mul3A_51, %dma_start3A_57] : memref<10240x128xf32, #tpu.memory_space<vmem_shared>> -> memref<640x128xf32, #tpu.memory_space<vmem_shared>>
      tpu.enqueue_dma source(%dma_start3A_58 : memref<640x128xf32, #tpu.memory_space<vmem_shared>>) target(%dma_start3A_56 : memref<640x128xf32, #tpu.memory_space<hbm>>) target_semaphore(%run_scoped3A : memref<!tpu.dma_semaphore, #tpu.memory_space<semaphore_mem>>)
      %dma_wait3A = arith.constant 0 : i32
      %dma_wait3A_59 = tpu.memref_slice %arg5[%arg0, %mul3A_53, %dma_wait3A] : memref<2x10240x128xf32, #tpu.memory_space<hbm>> -> memref<1x640x128xf32, #tpu.memory_space<hbm>>
      %dma_wait3A_60 = tpu.memref_squeeze %dma_wait3A_59 : memref<1x640x128xf32, #tpu.memory_space<hbm>> -> memref<640x128xf32, #tpu.memory_space<hbm>>
      %dma_wait3A_61 = arith.constant 0 : i32
      %dma_wait3A_62 = tpu.memref_slice %arg11[%mul3A_51, %dma_wait3A_61] : memref<10240x128xf32, #tpu.memory_space<vmem_shared>> -> memref<640x128xf32, #tpu.memory_space<vmem_shared>>
      tpu.wait_dma2 semaphore(%run_scoped3A : memref<!tpu.dma_semaphore, #tpu.memory_space<semaphore_mem>>) src(%dma_wait3A_62 : memref<640x128xf32, #tpu.memory_space<vmem_shared>>) dst(%dma_wait3A_60 : memref<640x128xf32, #tpu.memory_space<hbm>>)
      tpu.yield
    }) : () -> ()
    return
  }
}

module attributes {stable_mosaic.version = 14 : i64} {
  func.func @_prep_body(%arg0: i32, %arg1: memref<2x2048x128xf32, #tpu.memory_space<vmem>>, %arg2: memref<2048x128xf32, #tpu.memory_space<vmem>>, %arg3: memref<128x128xf32, #tpu.memory_space<vmem>>, %arg4: memref<2048x128xf32, #tpu.memory_space<vmem>>, %arg5: memref<2048x128xf32, #tpu.memory_space<vmem>>) attributes {dimension_semantics = [#tpu.dimension_semantics<arbitrary>], iteration_bounds = array<i64: 5>, scalar_prefetch = 0 : i64, scratch_operands = 0 : i64, tpu.core_type = #tpu.core_type<tc>, window_params = [{transform_indices = @transform_0, window_bounds = array<i64: 2, 2048, 128>}, {transform_indices = @transform_1, window_bounds = array<i64: 2048, 128>}, {pipeline_mode = #tpu.pipeline_mode<synchronous>, transform_indices = @transform_2, window_bounds = array<i64: 128, 128>}, {transform_indices = @transform_3, window_bounds = array<i64: 2048, 128>}, {transform_indices = @transform_4, window_bounds = array<i64: 2048, 128>}]} {
    %get3A = arith.constant 0 : index
    %get3A_0 = arith.constant 0 : index
    %get3A_1 = arith.constant 0 : index
    %get3A_2 = vector.load %arg1[%get3A, %get3A_0, %get3A_1] : memref<2x2048x128xf32, #tpu.memory_space<vmem>>, vector<1x2048x128xf32>
    %get3A_3 = vector.shape_cast %get3A_2 : vector<1x2048x128xf32> to vector<2048x128xf32>
    %get3A_4 = arith.constant 1 : index
    %get3A_5 = arith.constant 0 : index
    %get3A_6 = arith.constant 0 : index
    %get3A_7 = vector.load %arg1[%get3A_4, %get3A_5, %get3A_6] : memref<2x2048x128xf32, #tpu.memory_space<vmem>>, vector<1x2048x128xf32>
    %get3A_8 = vector.shape_cast %get3A_7 : vector<1x2048x128xf32> to vector<2048x128xf32>
    %add3A = arith.addf %get3A_3, %get3A_8 : vector<2048x128xf32>
    %add3A_9 = arith.constant 1.000000e+00 : f32
    %add3A_10 = vector.broadcast %add3A_9 : f32 to vector<2048x128xf32>
    %add3A_11 = arith.addf %add3A, %add3A_10 : vector<2048x128xf32>
    %max3A = arith.constant 1.000000e+00 : f32
    %max3A_12 = vector.broadcast %max3A : f32 to vector<2048x128xf32>
    %max3A_13 = arith.maximumf %add3A_11, %max3A_12 : vector<2048x128xf32>
    %rsqrt3A = math.rsqrt %max3A_13 : vector<2048x128xf32>
    %swap3A = arith.constant 0 : index
    %swap3A_14 = arith.constant 0 : index
    %swap3A_15 = vector.load %arg4[%swap3A, %swap3A_14] : memref<2048x128xf32, #tpu.memory_space<vmem>>, vector<2048x128xf32>
    tpu.vector_store %arg4[%swap3A, %swap3A_14], %rsqrt3A {strides = array<i32>} : memref<2048x128xf32, #tpu.memory_space<vmem>>, vector<2048x128xf32>,
    %get3A_16 = arith.constant 0 : index
    %get3A_17 = arith.constant 0 : index
    %get3A_18 = vector.load %arg2[%get3A_16, %get3A_17] : memref<2048x128xf32, #tpu.memory_space<vmem>>, vector<2048x128xf32>
    %get3A_19 = arith.constant 0 : index
    %get3A_20 = arith.constant 0 : index
    %get3A_21 = vector.load %arg3[%get3A_19, %get3A_20] : memref<128x128xf32, #tpu.memory_space<vmem>>, vector<128x128xf32>
    %dot_general3A = arith.constant dense<0.000000e+00> : vector<2048x128xf32>
    %dot_general3A_22 = tpu.matmul %get3A_18, %get3A_21, %dot_general3A {dimension_numbers = #tpu.dot_dimension_numbers<[1], [0], [0], [1], [0, 0, 1, 1], [], []>, transpose_lhs_hint = false} : vector<2048x128xf32>, vector<128x128xf32>, vector<2048x128xf32> -> vector<2048x128xf32>
    %mul3A = arith.mulf %dot_general3A_22, %rsqrt3A : vector<2048x128xf32>
    %swap3A_23 = arith.constant 0 : index
    %swap3A_24 = arith.constant 0 : index
    %swap3A_25 = vector.load %arg5[%swap3A_23, %swap3A_24] : memref<2048x128xf32, #tpu.memory_space<vmem>>, vector<2048x128xf32>
    tpu.vector_store %arg5[%swap3A_23, %swap3A_24], %mul3A {strides = array<i32>} : memref<2048x128xf32, #tpu.memory_space<vmem>>, vector<2048x128xf32>,
    return
  }
  func.func @transform_0(%arg0: i32) -> (i32, i32, i32) {
    %c0_i32 = arith.constant 0 : i32
    %c0_i32_0 = arith.constant 0 : i32
    %c0_i32_1 = arith.constant 0 : i32
    return %c0_i32, %arg0, %c0_i32_0 : i32, i32, i32
  }
  func.func @transform_1(%arg0: i32) -> (i32, i32) {
    %c0_i32 = arith.constant 0 : i32
    %c0_i32_0 = arith.constant 0 : i32
    return %arg0, %c0_i32 : i32, i32
  }
  func.func @transform_2(%arg0: i32) -> (i32, i32) {
    %c0_i32 = arith.constant 0 : i32
    %c0_i32_0 = arith.constant 0 : i32
    %c0_i32_1 = arith.constant 0 : i32
    return %c0_i32, %c0_i32_0 : i32, i32
  }
  func.func @transform_3(%arg0: i32) -> (i32, i32) {
    %c0_i32 = arith.constant 0 : i32
    %c0_i32_0 = arith.constant 0 : i32
    return %arg0, %c0_i32 : i32, i32
  }
  func.func @transform_4(%arg0: i32) -> (i32, i32) {
    %c0_i32 = arith.constant 0 : i32
    %c0_i32_0 = arith.constant 0 : i32
    return %arg0, %c0_i32 : i32, i32
  }
}

module attributes {stable_mosaic.version = 14 : i64} {
  func.func @_mid_body(%arg0: i32, %arg1: memref<2x2048x128xf32, #tpu.memory_space<vmem>>, %arg2: memref<2048x128xf32, #tpu.memory_space<vmem>>, %arg3: memref<2048x128xf32, #tpu.memory_space<vmem>>, %arg4: memref<1x128xf32, #tpu.memory_space<vmem>>, %arg5: memref<128x128xf32, #tpu.memory_space<vmem>>, %arg6: memref<2048x128xf32, #tpu.memory_space<vmem>>, %arg7: memref<2048x128xf32, #tpu.memory_space<vmem>>) attributes {dimension_semantics = [#tpu.dimension_semantics<arbitrary>], iteration_bounds = array<i64: 5>, scalar_prefetch = 0 : i64, scratch_operands = 0 : i64, tpu.core_type = #tpu.core_type<tc>, window_params = [{transform_indices = @transform_0, window_bounds = array<i64: 2, 2048, 128>}, {transform_indices = @transform_1, window_bounds = array<i64: 2048, 128>}, {transform_indices = @transform_2, window_bounds = array<i64: 2048, 128>}, {pipeline_mode = #tpu.pipeline_mode<synchronous>, transform_indices = @transform_3, window_bounds = array<i64: 1, 128>}, {pipeline_mode = #tpu.pipeline_mode<synchronous>, transform_indices = @transform_4, window_bounds = array<i64: 128, 128>}, {transform_indices = @transform_5, window_bounds = array<i64: 2048, 128>}, {transform_indices = @transform_6, window_bounds = array<i64: 2048, 128>}]} {
    %get3A = arith.constant 0 : index
    %get3A_0 = arith.constant 0 : index
    %get3A_1 = vector.load %arg3[%get3A, %get3A_0] : memref<2048x128xf32, #tpu.memory_space<vmem>>, vector<2048x128xf32>
    %get3A_2 = arith.constant 0 : index
    %get3A_3 = arith.constant 0 : index
    %get3A_4 = arith.constant 0 : index
    %get3A_5 = vector.load %arg1[%get3A_2, %get3A_3, %get3A_4] : memref<2x2048x128xf32, #tpu.memory_space<vmem>>, vector<1x2048x128xf32>
    %get3A_6 = vector.shape_cast %get3A_5 : vector<1x2048x128xf32> to vector<2048x128xf32>
    %get3A_7 = arith.constant 1 : index
    %get3A_8 = arith.constant 0 : index
    %get3A_9 = arith.constant 0 : index
    %get3A_10 = vector.load %arg1[%get3A_7, %get3A_8, %get3A_9] : memref<2x2048x128xf32, #tpu.memory_space<vmem>>, vector<1x2048x128xf32>
    %get3A_11 = vector.shape_cast %get3A_10 : vector<1x2048x128xf32> to vector<2048x128xf32>
    %add3A = arith.addf %get3A_6, %get3A_11 : vector<2048x128xf32>
    %get3A_12 = arith.constant 0 : index
    %get3A_13 = arith.constant 0 : index
    %get3A_14 = vector.load %arg2[%get3A_12, %get3A_13] : memref<2048x128xf32, #tpu.memory_space<vmem>>, vector<2048x128xf32>
    %add3A_15 = arith.addf %add3A, %get3A_14 : vector<2048x128xf32>
    %mul3A = arith.mulf %get3A_1, %add3A_15 : vector<2048x128xf32>
    %get3A_16 = arith.constant 0 : index
    %get3A_17 = arith.constant 0 : index
    %get3A_18 = vector.load %arg4[%get3A_16, %get3A_17] : memref<1x128xf32, #tpu.memory_space<vmem>>, vector<1x128xf32>
    %add3A_19 = vector.broadcast %get3A_18 : vector<1x128xf32> to vector<2048x128xf32>
    %add3A_20 = arith.addf %mul3A, %add3A_19 : vector<2048x128xf32>
    %max3A = arith.constant 0.000000e+00 : f32
    %max3A_21 = vector.broadcast %max3A : f32 to vector<2048x128xf32>
    %max3A_22 = arith.maximumf %add3A_20, %max3A_21 : vector<2048x128xf32>
    %swap3A = arith.constant 0 : index
    %swap3A_23 = arith.constant 0 : index
    %swap3A_24 = vector.load %arg6[%swap3A, %swap3A_23] : memref<2048x128xf32, #tpu.memory_space<vmem>>, vector<2048x128xf32>
    tpu.vector_store %arg6[%swap3A, %swap3A_23], %max3A_22 {strides = array<i32>} : memref<2048x128xf32, #tpu.memory_space<vmem>>, vector<2048x128xf32>,
    %get3A_25 = arith.constant 0 : index
    %get3A_26 = arith.constant 0 : index
    %get3A_27 = vector.load %arg5[%get3A_25, %get3A_26] : memref<128x128xf32, #tpu.memory_space<vmem>>, vector<128x128xf32>
    %dot_general3A = arith.constant dense<0.000000e+00> : vector<2048x128xf32>
    %dot_general3A_28 = tpu.matmul %max3A_22, %get3A_27, %dot_general3A {dimension_numbers = #tpu.dot_dimension_numbers<[1], [0], [0], [1], [0, 0, 1, 1], [], []>, transpose_lhs_hint = false} : vector<2048x128xf32>, vector<128x128xf32>, vector<2048x128xf32> -> vector<2048x128xf32>
    %get3A_29 = arith.constant 0 : index
    %get3A_30 = arith.constant 0 : index
    %get3A_31 = vector.load %arg3[%get3A_29, %get3A_30] : memref<2048x128xf32, #tpu.memory_space<vmem>>, vector<2048x128xf32>
    %mul3A_32 = arith.mulf %dot_general3A_28, %get3A_31 : vector<2048x128xf32>
    %swap3A_33 = arith.constant 0 : index
    %swap3A_34 = arith.constant 0 : index
    %swap3A_35 = vector.load %arg7[%swap3A_33, %swap3A_34] : memref<2048x128xf32, #tpu.memory_space<vmem>>, vector<2048x128xf32>
    tpu.vector_store %arg7[%swap3A_33, %swap3A_34], %mul3A_32 {strides = array<i32>} : memref<2048x128xf32, #tpu.memory_space<vmem>>, vector<2048x128xf32>,
    return
  }
  func.func @transform_0(%arg0: i32) -> (i32, i32, i32) {
    %c0_i32 = arith.constant 0 : i32
    %c0_i32_0 = arith.constant 0 : i32
    %c0_i32_1 = arith.constant 0 : i32
    return %c0_i32, %arg0, %c0_i32_0 : i32, i32, i32
  }
  func.func @transform_1(%arg0: i32) -> (i32, i32) {
    %c0_i32 = arith.constant 0 : i32
    %c0_i32_0 = arith.constant 0 : i32
    return %arg0, %c0_i32 : i32, i32
  }
  func.func @transform_2(%arg0: i32) -> (i32, i32) {
    %c0_i32 = arith.constant 0 : i32
    %c0_i32_0 = arith.constant 0 : i32
    return %arg0, %c0_i32 : i32, i32
  }
  func.func @transform_3(%arg0: i32) -> (i32, i32) {
    %c0_i32 = arith.constant 0 : i32
    %c0_i32_0 = arith.constant 0 : i32
    %c0_i32_1 = arith.constant 0 : i32
    return %c0_i32, %c0_i32_0 : i32, i32
  }
  func.func @transform_4(%arg0: i32) -> (i32, i32) {
    %c0_i32 = arith.constant 0 : i32
    %c0_i32_0 = arith.constant 0 : i32
    %c0_i32_1 = arith.constant 0 : i32
    return %c0_i32, %c0_i32_0 : i32, i32
  }
  func.func @transform_5(%arg0: i32) -> (i32, i32) {
    %c0_i32 = arith.constant 0 : i32
    %c0_i32_0 = arith.constant 0 : i32
    return %arg0, %c0_i32 : i32, i32
  }
  func.func @transform_6(%arg0: i32) -> (i32, i32) {
    %c0_i32 = arith.constant 0 : i32
    %c0_i32_0 = arith.constant 0 : i32
    return %arg0, %c0_i32 : i32, i32
  }
}

module attributes {stable_mosaic.version = 14 : i64} {
  func.func @_fin_body(%arg0: i32, %arg1: memref<2x2048x128xf32, #tpu.memory_space<vmem>>, %arg2: memref<2048x128xf32, #tpu.memory_space<vmem>>, %arg3: memref<2048x128xf32, #tpu.memory_space<vmem>>, %arg4: memref<1x128xf32, #tpu.memory_space<vmem>>, %arg5: memref<2048x128xf32, #tpu.memory_space<vmem>>, %arg6: memref<2048x128xf32, #tpu.memory_space<vmem>>) attributes {dimension_semantics = [#tpu.dimension_semantics<arbitrary>], iteration_bounds = array<i64: 5>, scalar_prefetch = 0 : i64, scratch_operands = 0 : i64, tpu.core_type = #tpu.core_type<tc>, window_params = [{transform_indices = @transform_0, window_bounds = array<i64: 2, 2048, 128>}, {transform_indices = @transform_1, window_bounds = array<i64: 2048, 128>}, {transform_indices = @transform_2, window_bounds = array<i64: 2048, 128>}, {pipeline_mode = #tpu.pipeline_mode<synchronous>, transform_indices = @transform_3, window_bounds = array<i64: 1, 128>}, {transform_indices = @transform_4, window_bounds = array<i64: 2048, 128>}, {transform_indices = @transform_5, window_bounds = array<i64: 2048, 128>}]} {
    %get3A = arith.constant 0 : index
    %get3A_0 = arith.constant 0 : index
    %get3A_1 = vector.load %arg3[%get3A, %get3A_0] : memref<2048x128xf32, #tpu.memory_space<vmem>>, vector<2048x128xf32>
    %get3A_2 = arith.constant 0 : index
    %get3A_3 = arith.constant 0 : index
    %get3A_4 = arith.constant 0 : index
    %get3A_5 = vector.load %arg1[%get3A_2, %get3A_3, %get3A_4] : memref<2x2048x128xf32, #tpu.memory_space<vmem>>, vector<1x2048x128xf32>
    %get3A_6 = vector.shape_cast %get3A_5 : vector<1x2048x128xf32> to vector<2048x128xf32>
    %get3A_7 = arith.constant 1 : index
    %get3A_8 = arith.constant 0 : index
    %get3A_9 = arith.constant 0 : index
    %get3A_10 = vector.load %arg1[%get3A_7, %get3A_8, %get3A_9] : memref<2x2048x128xf32, #tpu.memory_space<vmem>>, vector<1x2048x128xf32>
    %get3A_11 = vector.shape_cast %get3A_10 : vector<1x2048x128xf32> to vector<2048x128xf32>
    %add3A = arith.addf %get3A_6, %get3A_11 : vector<2048x128xf32>
    %get3A_12 = arith.constant 0 : index
    %get3A_13 = arith.constant 0 : index
    %get3A_14 = vector.load %arg2[%get3A_12, %get3A_13] : memref<2048x128xf32, #tpu.memory_space<vmem>>, vector<2048x128xf32>
    %add3A_15 = arith.addf %add3A, %get3A_14 : vector<2048x128xf32>
    %mul3A = arith.mulf %get3A_1, %add3A_15 : vector<2048x128xf32>
    %get3A_16 = arith.constant 0 : index
    %get3A_17 = arith.constant 0 : index
    %get3A_18 = vector.load %arg4[%get3A_16, %get3A_17] : memref<1x128xf32, #tpu.memory_space<vmem>>, vector<1x128xf32>
    %add3A_19 = vector.broadcast %get3A_18 : vector<1x128xf32> to vector<2048x128xf32>
    %add3A_20 = arith.addf %mul3A, %add3A_19 : vector<2048x128xf32>
    %max3A = arith.constant 0.000000e+00 : f32
    %max3A_21 = vector.broadcast %max3A : f32 to vector<2048x128xf32>
    %max3A_22 = arith.maximumf %add3A_20, %max3A_21 : vector<2048x128xf32>
    %get3A_23 = arith.constant 0 : index
    %get3A_24 = arith.constant 0 : index
    %get3A_25 = vector.load %arg5[%get3A_23, %get3A_24] : memref<2048x128xf32, #tpu.memory_space<vmem>>, vector<2048x128xf32>
    %add3A_26 = arith.addf %max3A_22, %get3A_25 : vector<2048x128xf32>
    %swap3A = arith.constant 0 : index
    %swap3A_27 = arith.constant 0 : index
    %swap3A_28 = vector.load %arg6[%swap3A, %swap3A_27] : memref<2048x128xf32, #tpu.memory_space<vmem>>, vector<2048x128xf32>
    tpu.vector_store %arg6[%swap3A, %swap3A_27], %add3A_26 {strides = array<i32>} : memref<2048x128xf32, #tpu.memory_space<vmem>>, vector<2048x128xf32>,
    return
  }
  func.func @transform_0(%arg0: i32) -> (i32, i32, i32) {
    %c0_i32 = arith.constant 0 : i32
    %c0_i32_0 = arith.constant 0 : i32
    %c0_i32_1 = arith.constant 0 : i32
    return %c0_i32, %arg0, %c0_i32_0 : i32, i32, i32
  }
  func.func @transform_1(%arg0: i32) -> (i32, i32) {
    %c0_i32 = arith.constant 0 : i32
    %c0_i32_0 = arith.constant 0 : i32
    return %arg0, %c0_i32 : i32, i32
  }
  func.func @transform_2(%arg0: i32) -> (i32, i32) {
    %c0_i32 = arith.constant 0 : i32
    %c0_i32_0 = arith.constant 0 : i32
    return %arg0, %c0_i32 : i32, i32
  }
  func.func @transform_3(%arg0: i32) -> (i32, i32) {
    %c0_i32 = arith.constant 0 : i32
    %c0_i32_0 = arith.constant 0 : i32
    %c0_i32_1 = arith.constant 0 : i32
    return %c0_i32, %c0_i32_0 : i32, i32
  }
  func.func @transform_4(%arg0: i32) -> (i32, i32) {
    %c0_i32 = arith.constant 0 : i32
    %c0_i32_0 = arith.constant 0 : i32
    return %arg0, %c0_i32 : i32, i32
  }
  func.func @transform_5(%arg0: i32) -> (i32, i32) {
    %c0_i32 = arith.constant 0 : i32
    %c0_i32_0 = arith.constant 0 : i32
    return %arg0, %c0_i32 : i32, i32
  }
}

module attributes {stable_mosaic.version = 14 : i64} {
  func.func @_mlp_body(%arg0: i32, %arg1: memref<2000x128xf32, #tpu.memory_space<vmem>>, %arg2: memref<2000x1xi32, #tpu.memory_space<vmem>>, %arg3: memref<128x64xf32, #tpu.memory_space<vmem>>, %arg4: memref<1x64xf32, #tpu.memory_space<vmem>>, %arg5: memref<64x8xf32, #tpu.memory_space<vmem>>, %arg6: memref<1x8xf32, #tpu.memory_space<vmem>>, %arg7: memref<2000x1xf32, #tpu.memory_space<vmem>>) attributes {dimension_semantics = [#tpu.dimension_semantics<arbitrary>], iteration_bounds = array<i64: 160>, scalar_prefetch = 0 : i64, scratch_operands = 0 : i64, tpu.core_type = #tpu.core_type<tc>, window_params = [{transform_indices = @transform_0, window_bounds = array<i64: 2000, 128>}, {transform_indices = @transform_1, window_bounds = array<i64: 2000, 1>}, {pipeline_mode = #tpu.pipeline_mode<synchronous>, transform_indices = @transform_2, window_bounds = array<i64: 128, 64>}, {pipeline_mode = #tpu.pipeline_mode<synchronous>, transform_indices = @transform_3, window_bounds = array<i64: 1, 64>}, {pipeline_mode = #tpu.pipeline_mode<synchronous>, transform_indices = @transform_4, window_bounds = array<i64: 64, 8>}, {pipeline_mode = #tpu.pipeline_mode<synchronous>, transform_indices = @transform_5, window_bounds = array<i64: 1, 8>}, {transform_indices = @transform_6, window_bounds = array<i64: 2000, 1>}]} {
    %get3A = arith.constant 0 : index
    %get3A_0 = arith.constant 0 : index
    %get3A_1 = vector.load %arg1[%get3A, %get3A_0] : memref<2000x128xf32, #tpu.memory_space<vmem>>, vector<2000x128xf32>
    %convert_element_type3A = arith.truncf %get3A_1 : vector<2000x128xf32> to vector<2000x128xbf16>
    %get3A_2 = arith.constant 0 : index
    %get3A_3 = arith.constant 0 : index
    %get3A_4 = vector.load %arg3[%get3A_2, %get3A_3] : memref<128x64xf32, #tpu.memory_space<vmem>>, vector<128x64xf32>
    %convert_element_type3A_5 = arith.truncf %get3A_4 : vector<128x64xf32> to vector<128x64xbf16>
    %dot_general3A = arith.constant dense<0.000000e+00> : vector<2000x64xf32>
    %dot_general3A_6 = tpu.matmul %convert_element_type3A, %convert_element_type3A_5, %dot_general3A {dimension_numbers = #tpu.dot_dimension_numbers<[1], [0], [0], [1], [0, 0, 1, 1], [], []>, transpose_lhs_hint = false} : vector<2000x128xbf16>, vector<128x64xbf16>, vector<2000x64xf32> -> vector<2000x64xf32>
    %get3A_7 = arith.constant 0 : index
    %get3A_8 = arith.constant 0 : index
    %get3A_9 = vector.load %arg4[%get3A_7, %get3A_8] : memref<1x64xf32, #tpu.memory_space<vmem>>, vector<1x64xf32>
    %add3A = vector.broadcast %get3A_9 : vector<1x64xf32> to vector<2000x64xf32>
    %add3A_10 = arith.addf %dot_general3A_6, %add3A : vector<2000x64xf32>
    %max3A = arith.constant 0.000000e+00 : f32
    %max3A_11 = vector.broadcast %max3A : f32 to vector<2000x64xf32>
    %max3A_12 = arith.maximumf %add3A_10, %max3A_11 : vector<2000x64xf32>
    %get3A_13 = arith.constant 0 : index
    %get3A_14 = arith.constant 0 : index
    %get3A_15 = vector.load %arg5[%get3A_13, %get3A_14] : memref<64x8xf32, #tpu.memory_space<vmem>>, vector<64x8xf32>
    %dot_general3A_16 = arith.constant dense<0.000000e+00> : vector<2000x8xf32>
    %dot_general3A_17 = tpu.matmul %max3A_12, %get3A_15, %dot_general3A_16 {dimension_numbers = #tpu.dot_dimension_numbers<[1], [0], [0], [1], [0, 0, 1, 1], [], []>, transpose_lhs_hint = false} : vector<2000x64xf32>, vector<64x8xf32>, vector<2000x8xf32> -> vector<2000x8xf32>
    %get3A_18 = arith.constant 0 : index
    %get3A_19 = arith.constant 0 : index
    %get3A_20 = vector.load %arg6[%get3A_18, %get3A_19] : memref<1x8xf32, #tpu.memory_space<vmem>>, vector<1x8xf32>
    %add3A_21 = vector.broadcast %get3A_20 : vector<1x8xf32> to vector<2000x8xf32>
    %add3A_22 = arith.addf %dot_general3A_17, %add3A_21 : vector<2000x8xf32>
    %get3A_23 = arith.constant 0 : index
    %get3A_24 = arith.constant 0 : index
    %get3A_25 = vector.load %arg2[%get3A_23, %get3A_24] : memref<2000x1xi32, #tpu.memory_space<vmem>>, vector<2000x1xi32>
    %iota3A = tpu.iota {dimensions = array<i32: 1>} : vector<2000x8xi32>
    %eq3A = vector.broadcast %get3A_25 : vector<2000x1xi32> to vector<2000x8xi32>
    %eq3A_26 = arith.cmpi eq, %eq3A, %iota3A : vector<2000x8xi32>
    %jit3A = arith.constant 0.000000e+00 : f32
    %broadcast_in_dim3A = vector.broadcast %jit3A : f32 to vector<2000x8xf32>
    %select_n3A = arith.select %eq3A_26, %add3A_22, %broadcast_in_dim3A : vector<2000x8xi1>, vector<2000x8xf32>
    %reduce_sum3A = arith.constant dense<0.000000e+00> : vector<2000xf32>
    %reduce_sum3A_27 = vector.multi_reduction <add>, %select_n3A, %reduce_sum3A [1] : vector<2000x8xf32> to vector<2000xf32>
    %broadcast_in_dim3A_28 = vector.shape_cast %reduce_sum3A_27 : vector<2000xf32> to vector<2000x1xf32>
    %swap3A = arith.constant 0 : index
    %swap3A_29 = arith.constant 0 : index
    %swap3A_30 = vector.load %arg7[%swap3A, %swap3A_29] : memref<2000x1xf32, #tpu.memory_space<vmem>>, vector<2000x1xf32>
    tpu.vector_store %arg7[%swap3A, %swap3A_29], %broadcast_in_dim3A_28 {strides = array<i32>} : memref<2000x1xf32, #tpu.memory_space<vmem>>, vector<2000x1xf32>,
    return
  }
  func.func @transform_0(%arg0: i32) -> (i32, i32) {
    %c0_i32 = arith.constant 0 : i32
    %c0_i32_0 = arith.constant 0 : i32
    return %arg0, %c0_i32 : i32, i32
  }
  func.func @transform_1(%arg0: i32) -> (i32, i32) {
    %c0_i32 = arith.constant 0 : i32
    %c0_i32_0 = arith.constant 0 : i32
    return %arg0, %c0_i32 : i32, i32
  }
  func.func @transform_2(%arg0: i32) -> (i32, i32) {
    %c0_i32 = arith.constant 0 : i32
    %c0_i32_0 = arith.constant 0 : i32
    %c0_i32_1 = arith.constant 0 : i32
    return %c0_i32, %c0_i32_0 : i32, i32
  }
  func.func @transform_3(%arg0: i32) -> (i32, i32) {
    %c0_i32 = arith.constant 0 : i32
    %c0_i32_0 = arith.constant 0 : i32
    %c0_i32_1 = arith.constant 0 : i32
    return %c0_i32, %c0_i32_0 : i32, i32
  }
  func.func @transform_4(%arg0: i32) -> (i32, i32) {
    %c0_i32 = arith.constant 0 : i32
    %c0_i32_0 = arith.constant 0 : i32
    %c0_i32_1 = arith.constant 0 : i32
    return %c0_i32, %c0_i32_0 : i32, i32
  }
  func.func @transform_5(%arg0: i32) -> (i32, i32) {
    %c0_i32 = arith.constant 0 : i32
    %c0_i32_0 = arith.constant 0 : i32
    %c0_i32_1 = arith.constant 0 : i32
    return %c0_i32, %c0_i32_0 : i32, i32
  }
  func.func @transform_6(%arg0: i32) -> (i32, i32) {
    %c0_i32 = arith.constant 0 : i32
    %c0_i32_0 = arith.constant 0 : i32
    return %arg0, %c0_i32 : i32, i32
  }
}

</mosaic_0001>

<sc_bundles>
// kernel: kernel.10.cloned.1.call-start
scs
__scs_entry_jumppad:
0x0: {  	(pc) =	sbr.rel $0x88, $3  }
0x1: {  	(tag) =	ssettag $0x0;
	lr =	simm.s32 $0x1  }
0x2: {  	[smem:$0x3F95] =	sst lr;
	_ =	strace $0xD0000000  }
0x3: {  	_ = 	snop  }
0x4: {  	_ = 	snop  }
0x5: {  	_ = 	snop  }
0x6: {  	_ = 	snop  }
0x7: {  	_ = 	snop  }
__scs_overlays_trampoline_lowered:
0x8: {  	[smem:$0x3FA4] =	sst s0  }
0x9: {  	[smem:$0x3FA5] =	sst s1  }
0xa: {  	[smem:$0x3FA6] =	sst s2  }
0xb: {  	[smem:$0x3FA7] =	sst s3  }
0xc: {  	[smem:$0x3FA8] =	sst s4  }
0xd: {  	[smem:$0x3FA9] =	sst s5  }
0xe: {  	[smem:$0x3FAA] =	sst s6  }
0xf: {  	[smem:$0x3FAB] =	sst s7  }
0x10: {  	[smem:$0x3FAC] =	sst s8  }
0x11: {  	[smem:$0x3FAD] =	sst s9;
	s0 =	simm.s32 @!p0 $0x0  }
0x12: {  	s1 =	sld [smem:$0x3F93];
	s0 =	simm.s32 @p0 $0x1  }
0x13: {  	[smem:$0x3FAE] =	sst s0;
	s0 =	simm.s32 @!p1 $0x0  }
0x14: {  	s2 =	sld [smem:$0x3F92];
	s0 =	simm.s32 @p1 $0x1  }
0x15: {  	[smem:$0x3FAF] =	sst s0;
	s0 =	simm.s32 @!p2 $0x0  }
0x16: {  	s3 =	sld [smem:$0x3FDB];
	s0 =	simm.s32 @p2 $0x1  }
0x17: {  	s4 =	simm.s32 $0x1BF5;
	[smem:$0x3FB1] =	sst s0  }
0x18: {  	s0 =	sld [smem:$0x3F94];
	_ =	swait.ge [sflag:s4], $0x0  }
0x19: {  	s7 =	sld [smem:$0x3F95]  }
0x1a: {  	s8 =	sadd.s32 $0xFFFFE003, lr  }
0x1b: {  	s9 =	sadd.s32 $0xFFFFFEF7, lr;
	s5 =	simm.s32 $0xFFFFFFFF;
	p2 =	slt.u32 s8, $0xFFFFF086  }
0x1c: {  	p1 =	slt.u32 s9, $0xF7A;
	s5 =	simm.s32 @!p2 $0x0  }
0x1d: {  	s5 =	simm.s32 @p1 $0x1;
	p0 =	seq.s32 s7, s2  }
0x1e: {  	s7 =	smul.u32 @!p0 $0xF7A, s2;
	p2 =	seq.s32 @!p0 s5, $0x0  }
0x1f: {  	s9 =	smul.u32 $0xF7A, s1;
	s8 =	simm.s32 @!p0 $0x1BF5;
	p2 =	por !p2, p0  }
0x20: {  	[sflag:s8] =	ssyncset.s32 @!p0 $0xFFFFF086;
	s6 =	sadd.s32 @!p0 s3, s7;
	s7 =	simm.s32 @!p0 $0x108  }
0x21: {  	s3 =	sadd.s32 s3, s9;
	s6 =	sadd.s32 @!p0 $0x88, s6;
	s7 =	simm.s32 @p2 $0x1082  }
0x22: {  	[simem:s7], [sflag:s8] =	dma.local @!p0 [hbm:s6], $0xF7A  }
0x23: {  	s9 =	sor.u32 $0xD0000000, s2;
	s6 =	simm.s32 $0x108;
	_ =	swait.ge @!p0 [sflag:s8], $0x0  }
0x24: {  	s3 =	sadd.s32 $0x88, s3;
	s6 =	simm.s32 @!p1 $0x1082;
	[sflag:s4] =	ssyncset.s32 $0xFFFFF086  }
0x25: {  	[simem:s6], [sflag:s4] =	dma.local [hbm:s3], $0xF7A  }
0x26: {  	[smem:$0x3F95] =	sst s1;
	(tag) =	ssettag s2;
	_ =	strace s9  }
0x27: {  	s1 =	sld [smem:$0x3FA5]  }
0x28: {  	s2 =	sld [smem:$0x3FA6]  }
0x29: {  	s4 =	sld [smem:$0x3FA8]  }
0x2a: {  	p0 =	seq.s32 s5, $0x0;
	s5 =	sld [smem:$0x3FA9]  }
0x2b: {  	s6 =	sld [smem:$0x3FAA]  }
0x2c: {  	s7 =	sld [smem:$0x3FAB]  }
0x2d: {  	s3 =	simm.s32 $0x108;
	s8 =	sld [smem:$0x3FAC]  }
0x2e: {  	s3 =	simm.s32 @!p0 $0x1082;
	s9 =	sld [smem:$0x3FAD]  }
0x2f: {  	lr =	sadd.s32 s0, s3;
	s0 =	sld [smem:$0x3FA4]  }
0x30: {  	s3 =	sld [smem:$0x3FA7]  }
0x31: {  	[smem:$0x3FB0] =	sst s10  }
0x32: {  	s10 =	sld [smem:$0x3FAE];
	_ =	sdelay $0x3  }
0x33: {  	p0 =	seq.s32 s10, $0x1;
	s10 =	sld [smem:$0x3FB0];
	_ =	sdelay $0x3  }
0x34: {  	[smem:$0x3FB0] =	sst s10  }
0x35: {  	s10 =	sld [smem:$0x3FAF];
	_ =	sdelay $0x3  }
0x36: {  	p1 =	seq.s32 s10, $0x1;
	s10 =	sld [smem:$0x3FB0];
	_ =	sdelay $0x3  }
0x37: {  	[smem:$0x3FB0] =	sst s10  }
0x38: {  	s10 =	sld [smem:$0x3FB1]  }
0x39: {  	_ = 	snop;
	(pc) =	sbr.ind lr, $3  }
0x3a: {  	_ = 	snop  }
0x3b: {  	_ = 	snop  }
0x3c: {  	p2 =	seq.s32 s10, $0x1;
	s10 =	sld [smem:$0x3FB0]  }
0x3d: {  	_ =	shalt  }
0x3e: {  	_ =	shalt  }
0x3f: {  	_ =	shalt  }
0x40: {  	_ =	shalt  }
0x41: {  	_ =	shalt  }
0x42: {  	_ =	shalt  }
0x43: {  	_ =	shalt  }
0x44: {  	_ =	shalt  }
0x45: {  	_ =	shalt  }
0x46: {  	_ =	shalt  }
0x47: {  	_ =	shalt  }
0x48: {  	_ =	shalt  }
0x49: {  	_ =	shalt  }
0x4a: {  	_ =	shalt  }
0x4b: {  	_ =	shalt  }
0x4c: {  	_ =	shalt  }
0x4d: {  	_ =	shalt  }
0x4e: {  	_ =	shalt  }
0x4f: {  	_ =	shalt  }
0x50: {  	_ =	shalt  }
0x51: {  	_ =	shalt  }
0x52: {  	_ =	shalt  }
0x53: {  	_ =	shalt  }
0x54: {  	_ =	shalt  }
0x55: {  	_ =	shalt  }
0x56: {  	_ =	shalt  }
0x57: {  	_ =	shalt  }
0x58: {  	_ =	shalt  }
0x59: {  	_ =	shalt  }
0x5a: {  	_ =	shalt  }
0x5b: {  	_ =	shalt  }
0x5c: {  	_ =	shalt  }
0x5d: {  	_ =	shalt  }
0x5e: {  	_ =	shalt  }
0x5f: {  	_ =	shalt  }
0x60: {  	_ =	shalt  }
0x61: {  	_ =	shalt  }
0x62: {  	_ =	shalt  }
0x63: {  	_ =	shalt  }
0x64: {  	_ =	shalt  }
0x65: {  	_ =	shalt  }
0x66: {  	_ =	shalt  }
0x67: {  	_ =	shalt  }
0x68: {  	_ =	shalt  }
0x69: {  	_ =	shalt  }
0x6a: {  	_ =	shalt  }
0x6b: {  	_ =	shalt  }
0x6c: {  	_ =	shalt  }
0x6d: {  	_ =	shalt  }
0x6e: {  	_ =	shalt  }
0x6f: {  	_ =	shalt  }
0x70: {  	_ =	shalt  }
0x71: {  	_ =	shalt  }
0x72: {  	_ =	shalt  }
0x73: {  	_ =	shalt  }
0x74: {  	_ =	shalt  }
0x75: {  	_ =	shalt  }
0x76: {  	_ =	shalt  }
0x77: {  	_ =	shalt  }
0x78: {  	_ =	shalt  }
0x79: {  	_ =	shalt  }
0x7a: {  	_ =	shalt  }
0x7b: {  	_ =	shalt  }
0x7c: {  	_ =	shalt  }
0x7d: {  	_ =	shalt  }
0x7e: {  	_ =	shalt  }
0x7f: {  	_ =	shalt  }
0x80: {  	_ =	shalt  }
0x81: {  	_ =	shalt  }
0x82: {  	_ =	shalt  }
0x83: {  	_ =	shalt  }
0x84: {  	_ =	shalt  }
0x85: {  	_ =	shalt  }
0x86: {  	_ =	shalt  }
0x87: {  	_ =	shalt  }
.Lfunc_end0:
.L_simem_size_0:
called_computation_lowered:
.L_overlay_start_0:
0x88: {  	s2 =	sld [smem:$0x3FD9]  }
0x89: {  	s3 =	sld [smem:$0x3FFE];
	_ =	sdelay $0x1  }
0x8a: {  	s1 =	srdreg.scid  }
0x8b: {  	s0 =	sand.u32 $0x1, s1  }
0x8c: {  	s16 =	sshll.u32 s0, $0xA;
	s2 =	sadd.s32 s3, s2  }
0x8d: {  	s2 =	sadd.s32 s2, s16  }
0x8e: {  	[smem:$0x3FBC] =	sst s2  }
0x8f: {  	_ = 	snop  }
0x90: {  	(tm) =	ssettm $0x1  }
0x91: {  	s17 =	sld [smem:$0x3FFB];
	_ =	sdelay $0x3  }
0x92: {  	_ =	strace s17  }
0x93: {  	s2 =	sld [smem:$0x3FFC];
	_ =	sdelay $0x3  }
0x94: {  	_ =	strace s2  }
0x95: {  	s2 =	sld [smem:$0x3FFD];
	_ =	sdelay $0x3  }
0x96: {  	_ =	strace s2  }
0x97: {  	_ =	strace $0x8FFFFFFF  }
0x98: {  	s18 =	sld [smem:$0x3FDB];
	_ =	sdelay $0x1  }
0x99: {  	s19 =	simm.s32 $_scs_section_size  }
0x9a: {  	s4 =	simm.s32 $_size__tile_overlayer_lowered;
	s5 =	simm.s32 $_tile_overlayer_lowered  }
0x9b: {  	s22 =	simm.s32 $0x1BFF;
	s21 =	sshll.u32 s5, $0x1;
	s2 =	sadd.s32 s19, s18  }
0x9c: {  	s6 =	simm.s32 $0x0;
	s20 =	sshll.u32 s4, $0x1;
	s4 =	sadd.s32 s21, s2  }
0x9d: {  	[timem:s6], [sflag:s22] =	dma.local [hbm:s4], s20  }
0x9e: {  	_ =	swait.ge [sflag:s22], s20  }
0x9f: {  	s3 =	ssub.s32 $0x0, s20;
	[sflag:s22] =	ssyncset.done $0x0  }
0xa0: {  	[sflag:s22] =	ssyncadd.s32 s3;
	_ =	sdelay $0x1  }
0xa1: {  	s23 =	simm.s32 $0x1B8B  }
0xa2: {  	_ =	swait.ge [sflag:s23], $0x1  }
0xa3: {  	[sflag:s23] =	ssyncset.done $0x0  }
0xa4: {  	s25 =	simm.s32 $0x1B8E;
	s24 =	sld [smem:$0x3FFE];
	[sflag:s23] =	ssyncadd.s32 $0xFFFFFFFF  }
0xa5: {  	s26 =	simm.s32 $execute0_lowered;
	[smem:$0x3FD2] =	sst s25  }
0xa6: {  	s4 =	sshll.u32 s26, $0x1;
	_ =	strace $0x80000046;
	[dreg:$0x1] =	wrdreg $0xFFFFFFFF  }
0xa7: {  	s28 =	simm.s32 $_size_execute0_lowered;
	s2 =	sadd.s32 s2, s4;
	[dreg:$0x0] =	wrdreg $0x0  }
0xa8: {  	s4 =	sshll.u32 s28, $0x1;
	[dreg:$0x2] =	wrdreg s2  }
0xa9: {  	[dreg:$0x3] =	wrdreg s4  }
0xaa: {  	[dreg:$0x4] =	wrdreg $0xC0  }
0xab: {  	_ =	task [dreg:s6], $0x5FFFF  }
0xac: {  	[dreg:$0x1] =	wrdreg $0xFFFFFFFF  }
0xad: {  	[dreg:$0x0] =	wrdreg $0x60  }
0xae: {  	[dreg:$0x2] =	wrdreg s24  }
0xaf: {  	[dreg:$0x3] =	wrdreg $0x16B000  }
0xb0: {  	[dreg:$0x4] =	wrdreg $0x9  }
0xb1: {  	_ =	task.clear_ibuf [dreg:s6], $0x5FFFF;
	_ =	strace $0x90000046  }
0xb2: {  	s29 =	simm.s32 $0x9;
	_ =	strace $0x80000048  }
0xb3: {  	_ =	swait.ge [sflag:s29], $0x1  }
0xb4: {  	[sflag:s29] =	ssyncadd.s32 $0xFFFFFFFF  }
0xb5: {  	_ =	strace $0x90000048  }
0xb6: {  	_ =	sfence  }
0xb7: {  	s30 =	sld [smem:$0x0];
	_ =	sdelay $0x2  }
0xb8: {  	s31 =	sshll.u32 s1, $0xD;
	s1 =	sshrl.u32 s1, $0x2  }
0xb9: {  	s3 =	sand.u32 $0x4000, s31;
	s1 =	sadd.s32 s1, s30  }
0xba: {  	s0 =	sor.u32 s3, s0;
	s1 =	sshll.u32 s1, $0x11  }
0xbb: {  	s0 =	sor.u32 s1, s0  }
0xbc: {  	s0 =	sadd.s32 $0x8F2B, s0  }
0xbd: {  	[sflag:s0] =	ssyncadd.remote.s32 $0x1  }
0xbe: {  	_ =	sfence.sel $0xFFFF  }
0xbf: {  	[dreg:$0x0] =	wrdreg $0xFFFFFFFF;
	(pc) =	sbr.abs _section_cstart, $3  }
0xc0: {  	[dreg:$0x1] =	wrdreg $0xFFFFFFFF  }
0xc1: {  	_ =	task.clear_ibuf [dreg:s6], $0x2FFFF;
	_ =	strace $0x9FFFFFFF  }
0xc2: {  	(tm) =	ssettm $0x7FFFFFFF  }
0xc3: {  	_ =	shalt  }
tec
execute0_lowered:
.L_overlay_start_1:
0x0: {  	(tag) =	ssettag $0x1  }
0x1: {  	s1 =	srdreg.scid  }
0x2: {  	s0 =	stileid.u32;
	s5 =	rddreg [dreg:$0x0]  }
0x3: {  	s2 =	rddreg [dreg:$0x1];
	s3 =	simm.s32 $0x0;
	s10 =	simm.s32 $0x7D  }
0x4: {  	s11 =	simm.s32 $0x2800;
	s12 =	simm.s32 $0x2B00;
	s8 =	smul.u32 $0x14000, s0  }
0x5: {  	s4 =	sand.u32 $0x1, s1;
	s30 =	sshll.u32 s0, $0x1;
	s9 =	smul.u32 $0xA00, s0  }
0x6: {  	s13 =	simm.s32 $0x0;
	s1 =	sor.u32 s4, s30;
	s7 =	smul.u32 $0x140000, s4  }
0x7: {  	[smem:$0x7FF] =	sst s3;
	s4 =	ssub.s32 $0x2, s4;
	s6 =	smul.u32 $0x500, s1  }
0x8: {  	s1 =	rddreg [dreg:$0x2];
	_ =	strace $0x80000047;
	s31 =	sshrl.u32 s4, $0x1  }
0x9: {  	s9 =	sshrl.u32 s9, $0x2;
	s7 =	sadd.s32 s8, s7;
	s8 =	ssub.s32 s4, s31  }
0xa: {  	s4 =	sadd.s32 s9, s2;
	s6 =	sadd.s32 s6, s5;
	s7 =	sshrl.u32 s7, $0x3  }
0xb: {  	s9 =	simm.s32 $0x1;
	s7 =	sadd.s32 s7, s5;
	s5 =	sadd.s32 $0x3400, s6  }
0xc: {  	v0 =	vimm.f32 $0.0e+00;
	v1 =	vimm.f32 $1.000000000e+00;
	s6 =	sadd.s32 $0xD400, s7;
	s7 =	smax.u32 s8, $0x1;
	s8 =	simm.s32 $0x2880  }
.LBB2_1:
0xd: {  	[tilespmem:$0x2880] =	vst v0  }
0xe: {  	[tilespmem:$0x2890] =	vst v0  }
0xf: {  	[tilespmem:$0x28A0] =	vst v0  }
0x10: {  	[tilespmem:$0x28B0] =	vst v0  }
0x11: {  	[tilespmem:$0x28C0] =	vst v0  }
0x12: {  	[tilespmem:$0x28D0] =	vst v0  }
0x13: {  	[tilespmem:$0x28E0] =	vst v0  }
0x14: {  	[tilespmem:$0x28F0] =	vst v0  }
0x15: {  	[tilespmem:$0x2900] =	vst v0  }
0x16: {  	[tilespmem:$0x2910] =	vst v0  }
0x17: {  	[tilespmem:$0x2920] =	vst v0  }
0x18: {  	[tilespmem:$0x2930] =	vst v0  }
0x19: {  	[tilespmem:$0x2940] =	vst v0  }
0x1a: {  	[tilespmem:$0x2950] =	vst v0  }
0x1b: {  	[tilespmem:$0x2960] =	vst v0  }
0x1c: {  	[tilespmem:$0x2970] =	vst v0  }
0x1d: {  	[tilespmem:$0x2980] =	vst v0  }
0x1e: {  	[tilespmem:$0x2990] =	vst v0  }
0x1f: {  	[tilespmem:$0x29A0] =	vst v0  }
0x20: {  	[tilespmem:$0x29B0] =	vst v0  }
0x21: {  	[tilespmem:$0x29C0] =	vst v0  }
0x22: {  	[tilespmem:$0x29D0] =	vst v0  }
0x23: {  	[tilespmem:$0x29E0] =	vst v0  }
0x24: {  	[tilespmem:$0x29F0] =	vst v0  }
0x25: {  	[tilespmem:$0x2A00] =	vst v0  }
0x26: {  	[tilespmem:$0x2A10] =	vst v0  }
0x27: {  	[tilespmem:$0x2A20] =	vst v0  }
0x28: {  	[tilespmem:$0x2A30] =	vst v0  }
0x29: {  	[tilespmem:$0x2A40] =	vst v0  }
0x2a: {  	[tilespmem:$0x2A50] =	vst v0  }
0x2b: {  	[tilespmem:$0x2A60] =	vst v0  }
0x2c: {  	[tilespmem:$0x2A70] =	vst v0  }
0x2d: {  	[tilespmem:$0x2A80] =	vst v0  }
0x2e: {  	[tilespmem:$0x2A90] =	vst v0  }
0x2f: {  	[tilespmem:$0x2AA0] =	vst v0  }
0x30: {  	[tilespmem:$0x2AB0] =	vst v0  }
0x31: {  	[tilespmem:$0x2AC0] =	vst v0  }
0x32: {  	[tilespmem:$0x2AD0] =	vst v0  }
0x33: {  	[tilespmem:$0x2AE0] =	vst v0  }
0x34: {  	[tilespmem:$0x2AF0] =	vst v0  }
0x35: {  	[spmem:s4] =	stream.linear.scatter [tilespmem:s8], [sflag:$0x1], $0x280, $0x38;
	[tilespmem:$0x16D80] =	vst v63  }
0x36: {  	_ =	swait.ge [sflag:s9], $0x280  }
0x37: {  	[sflag:s9] =	ssyncset.done $0x0  }
0x38: {  	[sflag:s9] =	ssyncadd.s32 $0xFFFFFD80  }
0x39: {  	[tilespmem:$0x2800] =	vst v1  }
0x3a: {  	[tilespmem:$0x2810] =	vst v1  }
0x3b: {  	[tilespmem:$0x2820] =	vst v1  }
0x3c: {  	[tilespmem:$0x2830] =	vst v1  }
0x3d: {  	[tilespmem:$0x2840] =	vst v1  }
0x3e: {  	[tilespmem:$0x2850] =	vst v1  }
0x3f: {  	[tilespmem:$0x2860] =	vst v1  }
0x40: {  	[tilespmem:$0x2870] =	vst v1  }
0x41: {  	[tilespmem:s3], [sflag:$0x1] =	stream.linear.gather [hbm4b:s5+s3], $0x2800, $0x38;
	[tilespmem:$0x16D80] =	vst v63  }
0x42: {  	_ =	swait.ge [sflag:s9], $0x2800  }
0x43: {  	[sflag:s9] =	ssyncset.done $0x0  }
0x44: {  	[sflag:s9] =	ssyncadd.s32 $0xFFFFD800  }
0x45: {  	s14 =	simm.s32 $0x0;
	[bflag:$0x0] =	sbarrier.arrive $0xFFFF  }
0x46: {  	[spmem:s2] =	stream.indirect.scatter.add.f32 [tilespmem:s11], [sflag:$0x1], $0x1, s14, s10, $0xb8;
	[tilespmem:$0x16D80] =	vst v63  }
0x47: {  	_ =	swait.ge [sflag:s9], $0x7D  }
0x48: {  	s14 =	simm.s32 $0x200;
	[sflag:s9] =	ssyncset.done $0x0  }
.LBB2_2:
0x49: {  	s15 =	sshra.s32 s14, $0x2;
	[sflag:s9] =	ssyncadd.s32 $0xFFFFFF83;
	p0 =	sne.s32 s14, $0x9E00  }
0x4a: {  	[spmem:s2] =	stream.indirect.scatter.add.f32 [tilespmem:s11], [sflag:$0x1], $0x1, s15, s10, $0xb8;
	[tilespmem:$0x16D80] =	vst v63  }
.Ltmp0:
0x4b: {  	_ = 	snop;
	(pc) =	sbr.rel @p0 .LBB2_2-.Ltmp0, $4  }
0x4c: {  	_ = 	snop  }
0x4d: {  	s14 =	sadd.s32 $0x200, s14  }
0x4e: {  	_ =	swait.ge [sflag:s9], $0x7D  }
0x4f: {  	[sflag:s9] =	ssyncset.done $0x0  }
0x50: {  	[sflag:s9] =	ssyncadd.s32 $0xFFFFFF83  }
0x51: {  	[bflag:$0x0] =	sbarrier.arrive $0xFFFF  }
0x52: {  	[tilespmem:s8], [sflag:$0x1] =	stream.linear.gather [spmem:s4], $0x280, $0x38;
	[tilespmem:$0x16D80] =	vst v63  }
0x53: {  	_ =	swait.ge [sflag:s9], $0x280  }
0x54: {  	[sflag:s9] =	ssyncset.done $0x0  }
0x55: {  	s14 =	simm.s32 $0x0;
	[sflag:s9] =	ssyncadd.s32 $0xFFFFFD80  }
0x56: {  	v2 =	vld [tilespmem:s14+$0x2880];
	_ =	sdelay $0x4  }
0x57: {  	v3 =	vbroadcast v2, $0x0  }
0x58: {  	s14 =	simm.s32 $0x2F00  }
0x59: {  	[tilespmem:s14+$0xFFFFFC00] =	vst v3  }
0x5a: {  	[tilespmem:s14+$0xFFFFFC10] =	vst v3  }
0x5b: {  	[tilespmem:s14+$0xFFFFFC20] =	vst v3  }
0x5c: {  	[tilespmem:s14+$0xFFFFFC30] =	vst v3  }
0x5d: {  	[tilespmem:s14+$0xFFFFFC40] =	vst v3  }
0x5e: {  	[tilespmem:s14+$0xFFFFFC50] =	vst v3  }
0x5f: {  	v4 =	vbroadcast v2, $0x1;
	[tilespmem:s14+$0xFFFFFC60] =	vst v3  }
0x60: {  	[tilespmem:s14+$0xFFFFFC70] =	vst v3  }
0x61: {  	[tilespmem:s14+$0xFFFFFC80] =	vst v4  }
0x62: {  	[tilespmem:s14+$0xFFFFFC90] =	vst v4  }
0x63: {  	[tilespmem:s14+$0xFFFFFCA0] =	vst v4  }
0x64: {  	[tilespmem:s14+$0xFFFFFCB0] =	vst v4  }
0x65: {  	[tilespmem:s14+$0xFFFFFCC0] =	vst v4  }
0x66: {  	[tilespmem:s14+$0xFFFFFCD0] =	vst v4  }
0x67: {  	v58 =	vbroadcast v2, $0x3;
	[tilespmem:s14+$0xFFFFFCE0] =	vst v4  }
0x68: {  	[tilespmem:s14+$0xFFFFFCF0] =	vst v4  }
0x69: {  	[tilespmem:s14+$0xFFFFFD80] =	vst v58  }
0x6a: {  	[tilespmem:s14+$0xFFFFFD90] =	vst v58  }
0x6b: {  	[tilespmem:s14+$0xFFFFFDA0] =	vst v58  }
0x6c: {  	[tilespmem:s14+$0xFFFFFDB0] =	vst v58  }
0x6d: {  	[tilespmem:s14+$0xFFFFFDC0] =	vst v58  }
0x6e: {  	[tilespmem:s14+$0xFFFFFDD0] =	vst v58  }
0x6f: {  	v59 =	vbroadcast v2, $0x5;
	[tilespmem:s14+$0xFFFFFDE0] =	vst v58  }
0x70: {  	[tilespmem:s14+$0xFFFFFDF0] =	vst v58  }
0x71: {  	[tilespmem:s14+$0xFFFFFE80] =	vst v59  }
0x72: {  	[tilespmem:s14+$0xFFFFFE90] =	vst v59  }
0x73: {  	[tilespmem:s14+$0xFFFFFEA0] =	vst v59  }
0x74: {  	[tilespmem:s14+$0xFFFFFEB0] =	vst v59  }
0x75: {  	[tilespmem:s14+$0xFFFFFEC0] =	vst v59  }
0x76: {  	[tilespmem:s14+$0xFFFFFED0] =	vst v59  }
0x77: {  	v60 =	vbroadcast v2, $0x7;
	[tilespmem:s14+$0xFFFFFEE0] =	vst v59  }
0x78: {  	[tilespmem:s14+$0xFFFFFEF0] =	vst v59  }
0x79: {  	[tilespmem:s14+$0xFFFFFF80] =	vst v60  }
0x7a: {  	[tilespmem:s14+$0xFFFFFF90] =	vst v60  }
0x7b: {  	[tilespmem:s14+$0xFFFFFFA0] =	vst v60  }
0x7c: {  	[tilespmem:s14+$0xFFFFFFB0] =	vst v60  }
0x7d: {  	[tilespmem:s14+$0xFFFFFFC0] =	vst v60  }
0x7e: {  	[tilespmem:s14+$0xFFFFFFD0] =	vst v60  }
0x7f: {  	v61 =	vbroadcast v2, $0x9;
	[tilespmem:s14+$0xFFFFFFE0] =	vst v60  }
0x80: {  	[tilespmem:s14+$0xFFFFFFF0] =	vst v60  }
0x81: {  	[tilespmem:s14+$0x80] =	vst v61  }
0x82: {  	[tilespmem:s14+$0x90] =	vst v61  }
0x83: {  	[tilespmem:s14+$0xA0] =	vst v61  }
0x84: {  	[tilespmem:s14+$0xB0] =	vst v61  }
0x85: {  	[tilespmem:s14+$0xC0] =	vst v61  }
0x86: {  	[tilespmem:s14+$0xD0] =	vst v61  }
0x87: {  	v62 =	vbroadcast v2, $0xB;
	[tilespmem:s14+$0xE0] =	vst v61  }
0x88: {  	[tilespmem:s14+$0xF0] =	vst v61  }
0x89: {  	[tilespmem:s14+$0x180] =	vst v62  }
0x8a: {  	[tilespmem:s14+$0x190] =	vst v62  }
0x8b: {  	[tilespmem:s14+$0x1A0] =	vst v62  }
0x8c: {  	[tilespmem:s14+$0x1B0] =	vst v62  }
0x8d: {  	[tilespmem:s14+$0x1C0] =	vst v62  }
0x8e: {  	[tilespmem:s14+$0x1D0] =	vst v62  }
0x8f: {  	v63 =	vbroadcast v2, $0xD;
	[tilespmem:s14+$0x1E0] =	vst v62  }
0x90: {  	[tilespmem:s14+$0x1F0] =	vst v62  }
0x91: {  	v3 =	vbroadcast v2, $0x2;
	[tilespmem:s14+$0x280] =	vst v63  }
0x92: {  	[tilespmem:s14+$0x290] =	vst v63  }
0x93: {  	[tilespmem:s14+$0xFFFFFD00] =	vst v3  }
0x94: {  	[tilespmem:s14+$0xFFFFFD10] =	vst v3  }
0x95: {  	[tilespmem:s14+$0xFFFFFD20] =	vst v3  }
0x96: {  	[tilespmem:s14+$0xFFFFFD30] =	vst v3  }
0x97: {  	[tilespmem:s14+$0xFFFFFD40] =	vst v3  }
0x98: {  	[tilespmem:s14+$0xFFFFFD50] =	vst v3  }
0x99: {  	[tilespmem:s14+$0xFFFFFD60] =	vst v3  }
0x9a: {  	[tilespmem:s14+$0xFFFFFD70] =	vst v3;
	v3 =	vbroadcast v2, $0x4  }
0x9b: {  	[tilespmem:s14+$0x2A0] =	vst v63  }
0x9c: {  	[tilespmem:s14+$0xFFFFFE00] =	vst v3  }
0x9d: {  	[tilespmem:s14+$0xFFFFFE10] =	vst v3  }
0x9e: {  	[tilespmem:s14+$0xFFFFFE20] =	vst v3  }
0x9f: {  	[tilespmem:s14+$0xFFFFFE30] =	vst v3  }
0xa0: {  	[tilespmem:s14+$0xFFFFFE40] =	vst v3  }
0xa1: {  	[tilespmem:s14+$0xFFFFFE50] =	vst v3  }
0xa2: {  	[tilespmem:s14+$0xFFFFFE60] =	vst v3  }
0xa3: {  	[tilespmem:s14+$0xFFFFFE70] =	vst v3;
	v3 =	vbroadcast v2, $0x6  }
0xa4: {  	[tilespmem:s14+$0x2B0] =	vst v63  }
0xa5: {  	[tilespmem:s14+$0xFFFFFF00] =	vst v3  }
0xa6: {  	[tilespmem:s14+$0xFFFFFF10] =	vst v3  }
0xa7: {  	[tilespmem:s14+$0xFFFFFF20] =	vst v3  }
0xa8: {  	[tilespmem:s14+$0xFFFFFF30] =	vst v3  }
0xa9: {  	[tilespmem:s14+$0xFFFFFF40] =	vst v3  }
0xaa: {  	[tilespmem:s14+$0xFFFFFF50] =	vst v3  }
0xab: {  	[tilespmem:s14+$0xFFFFFF60] =	vst v3  }
0xac: {  	[tilespmem:s14+$0xFFFFFF70] =	vst v3;
	v3 =	vbroadcast v2, $0x8  }
0xad: {  	[tilespmem:s14+$0x2C0] =	vst v63  }
0xae: {  	[tilespmem:s14+$0x0] =	vst v3  }
0xaf: {  	[tilespmem:s14+$0x10] =	vst v3  }
0xb0: {  	[tilespmem:s14+$0x20] =	vst v3  }
0xb1: {  	[tilespmem:s14+$0x30] =	vst v3  }
0xb2: {  	[tilespmem:s14+$0x40] =	vst v3  }
0xb3: {  	[tilespmem:s14+$0x50] =	vst v3  }
0xb4: {  	[tilespmem:s14+$0x60] =	vst v3  }
0xb5: {  	[tilespmem:s14+$0x70] =	vst v3;
	v3 =	vbroadcast v2, $0xA  }
0xb6: {  	[tilespmem:s14+$0x2D0] =	vst v63  }
0xb7: {  	[tilespmem:s14+$0x100] =	vst v3  }
0xb8: {  	[tilespmem:s14+$0x110] =	vst v3  }
0xb9: {  	[tilespmem:s14+$0x120] =	vst v3  }
0xba: {  	[tilespmem:s14+$0x130] =	vst v3  }
0xbb: {  	[tilespmem:s14+$0x140] =	vst v3  }
0xbc: {  	[tilespmem:s14+$0x150] =	vst v3  }
0xbd: {  	[tilespmem:s14+$0x160] =	vst v3  }
0xbe: {  	[tilespmem:s14+$0x170] =	vst v3;
	v3 =	vbroadcast v2, $0xC  }
0xbf: {  	[tilespmem:s14+$0x2E0] =	vst v63  }
0xc0: {  	[tilespmem:s14+$0x200] =	vst v3  }
0xc1: {  	[tilespmem:s14+$0x210] =	vst v3  }
0xc2: {  	[tilespmem:s14+$0x220] =	vst v3  }
0xc3: {  	[tilespmem:s14+$0x230] =	vst v3  }
0xc4: {  	[tilespmem:s14+$0x240] =	vst v3  }
0xc5: {  	[tilespmem:s14+$0x250] =	vst v3  }
0xc6: {  	[tilespmem:s14+$0x260] =	vst v3  }
0xc7: {  	[tilespmem:s14+$0x270] =	vst v3;
	v3 =	vbroadcast v2, $0xE  }
0xc8: {  	[tilespmem:s14+$0x2F0] =	vst v63  }
0xc9: {  	[tilespmem:s14+$0x300] =	vst v3  }
0xca: {  	[tilespmem:s14+$0x310] =	vst v3  }
0xcb: {  	[tilespmem:s14+$0x320] =	vst v3  }
0xcc: {  	[tilespmem:s14+$0x330] =	vst v3  }
0xcd: {  	[tilespmem:s14+$0x340] =	vst v3  }
0xce: {  	[tilespmem:s14+$0x350] =	vst v3  }
0xcf: {  	v2 =	vbroadcast v2, $0xF;
	[tilespmem:s14+$0x360] =	vst v3  }
0xd0: {  	[tilespmem:s14+$0x370] =	vst v3  }
0xd1: {  	[tilespmem:s14+$0x380] =	vst v2  }
0xd2: {  	[tilespmem:s14+$0x390] =	vst v2  }
0xd3: {  	[tilespmem:s14+$0x3A0] =	vst v2  }
0xd4: {  	[tilespmem:s14+$0x3B0] =	vst v2  }
0xd5: {  	[tilespmem:s14+$0x3C0] =	vst v2  }
0xd6: {  	[tilespmem:s14+$0x3D0] =	vst v2  }
0xd7: {  	[tilespmem:s14+$0x3E0] =	vst v2  }
0xd8: {  	s16 =	simm.s32 $0x10;
	s15 =	simm.s32 $0x80;
	[tilespmem:s14+$0x3F0] =	vst v2  }
.LBB2_4:
0xd9: {  	p0 =	sne.s32 s15, $0x9C0;
	v2 =	vld [tilespmem:s16+$0x2880];
	_ =	sdelay $0x4  }
0xda: {  	v11 =	vbroadcast v2, $0x0;
	v12 =	vbroadcast v2, $0x1  }
0xdb: {  	s14 =	sadd.s32 $0x800, s14;
	v13 =	vbroadcast v2, $0x2;
	v14 =	vbroadcast v2, $0x3  }
0xdc: {  	v15 =	vbroadcast v2, $0x4;
	v16 =	vbroadcast v2, $0x5;
	[tilespmem:s14+$0xFFFFFC00] =	vst v11  }
0xdd: {  	v17 =	vbroadcast v2, $0x6;
	v10 =	vbroadcast v2, $0x7;
	[tilespmem:s14+$0xFFFFFC10] =	vst v11  }
0xde: {  	v9 =	vbroadcast v2, $0x8;
	v8 =	vbroadcast v2, $0x9;
	[tilespmem:s14+$0xFFFFFC20] =	vst v11  }
0xdf: {  	v7 =	vbroadcast v2, $0xA;
	v6 =	vbroadcast v2, $0xB;
	[tilespmem:s14+$0xFFFFFC30] =	vst v11  }
0xe0: {  	v5 =	vbroadcast v2, $0xC;
	v4 =	vbroadcast v2, $0xD;
	[tilespmem:s14+$0xFFFFFC40] =	vst v11  }
0xe1: {  	v3 =	vbroadcast v2, $0xE;
	v2 =	vbroadcast v2, $0xF;
	[tilespmem:s14+$0xFFFFFC50] =	vst v11  }
0xe2: {  	[tilespmem:s14+$0xFFFFFC60] =	vst v11  }
0xe3: {  	[tilespmem:s14+$0xFFFFFC70] =	vst v11  }
0xe4: {  	[tilespmem:s14+$0xFFFFFC80] =	vst v12  }
0xe5: {  	[tilespmem:s14+$0xFFFFFC90] =	vst v12  }
0xe6: {  	[tilespmem:s14+$0xFFFFFCA0] =	vst v12  }
0xe7: {  	[tilespmem:s14+$0xFFFFFCB0] =	vst v12  }
0xe8: {  	[tilespmem:s14+$0xFFFFFCC0] =	vst v12  }
0xe9: {  	[tilespmem:s14+$0xFFFFFCD0] =	vst v12  }
0xea: {  	[tilespmem:s14+$0xFFFFFCE0] =	vst v12  }
0xeb: {  	[tilespmem:s14+$0xFFFFFCF0] =	vst v12  }
0xec: {  	[tilespmem:s14+$0xFFFFFD00] =	vst v13  }
0xed: {  	[tilespmem:s14+$0xFFFFFD10] =	vst v13  }
0xee: {  	[tilespmem:s14+$0xFFFFFD20] =	vst v13  }
0xef: {  	[tilespmem:s14+$0xFFFFFD30] =	vst v13  }
0xf0: {  	[tilespmem:s14+$0xFFFFFD40] =	vst v13  }
0xf1: {  	[tilespmem:s14+$0xFFFFFD50] =	vst v13  }
0xf2: {  	[tilespmem:s14+$0xFFFFFD60] =	vst v13  }
0xf3: {  	[tilespmem:s14+$0xFFFFFD70] =	vst v13  }
0xf4: {  	[tilespmem:s14+$0xFFFFFD80] =	vst v14  }
0xf5: {  	[tilespmem:s14+$0xFFFFFD90] =	vst v14  }
0xf6: {  	[tilespmem:s14+$0xFFFFFDA0] =	vst v14  }
0xf7: {  	[tilespmem:s14+$0xFFFFFDB0] =	vst v14  }
0xf8: {  	[tilespmem:s14+$0xFFFFFDC0] =	vst v14  }
0xf9: {  	[tilespmem:s14+$0xFFFFFDD0] =	vst v14  }
0xfa: {  	[tilespmem:s14+$0xFFFFFDE0] =	vst v14  }
0xfb: {  	[tilespmem:s14+$0xFFFFFDF0] =	vst v14  }
0xfc: {  	[tilespmem:s14+$0xFFFFFE00] =	vst v15  }
0xfd: {  	[tilespmem:s14+$0xFFFFFE10] =	vst v15  }
0xfe: {  	[tilespmem:s14+$0xFFFFFE20] =	vst v15  }
0xff: {  	[tilespmem:s14+$0xFFFFFE30] =	vst v15  }
0x100: {  	[tilespmem:s14+$0xFFFFFE40] =	vst v15  }
0x101: {  	[tilespmem:s14+$0xFFFFFE50] =	vst v15  }
0x102: {  	[tilespmem:s14+$0xFFFFFE60] =	vst v15  }
0x103: {  	[tilespmem:s14+$0xFFFFFE70] =	vst v15  }
0x104: {  	[tilespmem:s14+$0xFFFFFE80] =	vst v16  }
0x105: {  	[tilespmem:s14+$0xFFFFFE90] =	vst v16  }
0x106: {  	[tilespmem:s14+$0xFFFFFEA0] =	vst v16  }
0x107: {  	[tilespmem:s14+$0xFFFFFEB0] =	vst v16  }
0x108: {  	[tilespmem:s14+$0xFFFFFEC0] =	vst v16  }
0x109: {  	[tilespmem:s14+$0xFFFFFED0] =	vst v16  }
0x10a: {  	[tilespmem:s14+$0xFFFFFEE0] =	vst v16  }
0x10b: {  	[tilespmem:s14+$0xFFFFFEF0] =	vst v16  }
0x10c: {  	[tilespmem:s14+$0xFFFFFF00] =	vst v17  }
0x10d: {  	[tilespmem:s14+$0xFFFFFF10] =	vst v17  }
0x10e: {  	[tilespmem:s14+$0xFFFFFF20] =	vst v17  }
0x10f: {  	[tilespmem:s14+$0xFFFFFF30] =	vst v17  }
0x110: {  	[tilespmem:s14+$0xFFFFFF40] =	vst v17  }
0x111: {  	[tilespmem:s14+$0xFFFFFF50] =	vst v17  }
0x112: {  	[tilespmem:s14+$0xFFFFFF60] =	vst v17  }
0x113: {  	[tilespmem:s14+$0xFFFFFF70] =	vst v17  }
0x114: {  	[tilespmem:s14+$0xFFFFFF80] =	vst v10  }
0x115: {  	[tilespmem:s14+$0xFFFFFF90] =	vst v10  }
0x116: {  	[tilespmem:s14+$0xFFFFFFA0] =	vst v10  }
0x117: {  	[tilespmem:s14+$0xFFFFFFB0] =	vst v10  }
0x118: {  	[tilespmem:s14+$0xFFFFFFC0] =	vst v10  }
0x119: {  	[tilespmem:s14+$0xFFFFFFD0] =	vst v10  }
0x11a: {  	[tilespmem:s14+$0xFFFFFFE0] =	vst v10  }
0x11b: {  	[tilespmem:s14+$0xFFFFFFF0] =	vst v10  }
0x11c: {  	[tilespmem:s14+$0x0] =	vst v9  }
0x11d: {  	[tilespmem:s14+$0x10] =	vst v9  }
0x11e: {  	[tilespmem:s14+$0x20] =	vst v9  }
0x11f: {  	[tilespmem:s14+$0x30] =	vst v9  }
0x120: {  	[tilespmem:s14+$0x40] =	vst v9  }
0x121: {  	[tilespmem:s14+$0x50] =	vst v9  }
0x122: {  	[tilespmem:s14+$0x60] =	vst v9  }
0x123: {  	[tilespmem:s14+$0x70] =	vst v9  }
0x124: {  	[tilespmem:s14+$0x80] =	vst v8  }
0x125: {  	[tilespmem:s14+$0x90] =	vst v8  }
0x126: {  	[tilespmem:s14+$0xA0] =	vst v8  }
0x127: {  	[tilespmem:s14+$0xB0] =	vst v8  }
0x128: {  	[tilespmem:s14+$0xC0] =	vst v8  }
0x129: {  	[tilespmem:s14+$0xD0] =	vst v8  }
0x12a: {  	[tilespmem:s14+$0xE0] =	vst v8  }
0x12b: {  	[tilespmem:s14+$0xF0] =	vst v8  }
0x12c: {  	[tilespmem:s14+$0x100] =	vst v7  }
0x12d: {  	[tilespmem:s14+$0x110] =	vst v7  }
0x12e: {  	[tilespmem:s14+$0x120] =	vst v7  }
0x12f: {  	[tilespmem:s14+$0x130] =	vst v7  }
0x130: {  	[tilespmem:s14+$0x140] =	vst v7  }
0x131: {  	[tilespmem:s14+$0x150] =	vst v7  }
0x132: {  	[tilespmem:s14+$0x160] =	vst v7  }
0x133: {  	[tilespmem:s14+$0x170] =	vst v7  }
0x134: {  	[tilespmem:s14+$0x180] =	vst v6  }
0x135: {  	[tilespmem:s14+$0x190] =	vst v6  }
0x136: {  	[tilespmem:s14+$0x1A0] =	vst v6  }
0x137: {  	[tilespmem:s14+$0x1B0] =	vst v6  }
0x138: {  	[tilespmem:s14+$0x1C0] =	vst v6  }
0x139: {  	[tilespmem:s14+$0x1D0] =	vst v6  }
0x13a: {  	[tilespmem:s14+$0x1E0] =	vst v6  }
0x13b: {  	[tilespmem:s14+$0x1F0] =	vst v6  }
0x13c: {  	[tilespmem:s14+$0x200] =	vst v5  }
0x13d: {  	[tilespmem:s14+$0x210] =	vst v5  }
0x13e: {  	[tilespmem:s14+$0x220] =	vst v5  }
0x13f: {  	[tilespmem:s14+$0x230] =	vst v5  }
0x140: {  	[tilespmem:s14+$0x240] =	vst v5  }
0x141: {  	[tilespmem:s14+$0x250] =	vst v5  }
0x142: {  	[tilespmem:s14+$0x260] =	vst v5  }
0x143: {  	[tilespmem:s14+$0x270] =	vst v5  }
0x144: {  	[tilespmem:s14+$0x280] =	vst v4  }
0x145: {  	[tilespmem:s14+$0x290] =	vst v4  }
0x146: {  	[tilespmem:s14+$0x2A0] =	vst v4  }
0x147: {  	[tilespmem:s14+$0x2B0] =	vst v4  }
0x148: {  	[tilespmem:s14+$0x2C0] =	vst v4  }
0x149: {  	[tilespmem:s14+$0x2D0] =	vst v4  }
0x14a: {  	[tilespmem:s14+$0x2E0] =	vst v4  }
0x14b: {  	[tilespmem:s14+$0x2F0] =	vst v4  }
0x14c: {  	[tilespmem:s14+$0x300] =	vst v3  }
0x14d: {  	[tilespmem:s14+$0x310] =	vst v3  }
0x14e: {  	[tilespmem:s14+$0x320] =	vst v3  }
0x14f: {  	[tilespmem:s14+$0x330] =	vst v3  }
0x150: {  	[tilespmem:s14+$0x340] =	vst v3  }
0x151: {  	[tilespmem:s14+$0x350] =	vst v3  }
0x152: {  	[tilespmem:s14+$0x360] =	vst v3  }
0x153: {  	[tilespmem:s14+$0x370] =	vst v3  }
0x154: {  	[tilespmem:s14+$0x380] =	vst v2  }
0x155: {  	[tilespmem:s14+$0x390] =	vst v2  }
0x156: {  	[tilespmem:s14+$0x3A0] =	vst v2  }
.Ltmp1:
0x157: {  	[tilespmem:s14+$0x3B0] =	vst v2;
	(pc) =	sbr.rel @p0 .LBB2_4-.Ltmp1, $4  }
0x158: {  	[tilespmem:s14+$0x3C0] =	vst v2  }
0x159: {  	[tilespmem:s14+$0x3D0] =	vst v2  }
0x15a: {  	[tilespmem:s14+$0x3E0] =	vst v2  }
0x15b: {  	s16 =	sshra.s32 s15, $0x2;
	s15 =	sadd.s32 $0x40, s15;
	[tilespmem:s14+$0x3F0] =	vst v2  }
0x15c: {  	v2 =	vld [tilespmem:s16+$0x2880];
	_ =	sdelay $0x4  }
0x15d: {  	v3 =	vbroadcast v2, $0x0  }
0x15e: {  	s14 =	sadd.s32 $0x800, s14  }
0x15f: {  	[tilespmem:s14+$0xFFFFFC00] =	vst v3  }
0x160: {  	[tilespmem:s14+$0xFFFFFC10] =	vst v3  }
0x161: {  	[tilespmem:s14+$0xFFFFFC20] =	vst v3  }
0x162: {  	[tilespmem:s14+$0xFFFFFC30] =	vst v3  }
0x163: {  	[tilespmem:s14+$0xFFFFFC40] =	vst v3  }
0x164: {  	[tilespmem:s14+$0xFFFFFC50] =	vst v3  }
0x165: {  	v4 =	vbroadcast v2, $0x1;
	[tilespmem:s14+$0xFFFFFC60] =	vst v3  }
0x166: {  	[tilespmem:s14+$0xFFFFFC70] =	vst v3  }
0x167: {  	[tilespmem:s14+$0xFFFFFC80] =	vst v4  }
0x168: {  	[tilespmem:s14+$0xFFFFFC90] =	vst v4  }
0x169: {  	[tilespmem:s14+$0xFFFFFCA0] =	vst v4  }
0x16a: {  	[tilespmem:s14+$0xFFFFFCB0] =	vst v4  }
0x16b: {  	[tilespmem:s14+$0xFFFFFCC0] =	vst v4  }
0x16c: {  	[tilespmem:s14+$0xFFFFFCD0] =	vst v4  }
0x16d: {  	v58 =	vbroadcast v2, $0x3;
	[tilespmem:s14+$0xFFFFFCE0] =	vst v4  }
0x16e: {  	[tilespmem:s14+$0xFFFFFCF0] =	vst v4  }
0x16f: {  	[tilespmem:s14+$0xFFFFFD80] =	vst v58  }
0x170: {  	[tilespmem:s14+$0xFFFFFD90] =	vst v58  }
0x171: {  	[tilespmem:s14+$0xFFFFFDA0] =	vst v58  }
0x172: {  	[tilespmem:s14+$0xFFFFFDB0] =	vst v58  }
0x173: {  	[tilespmem:s14+$0xFFFFFDC0] =	vst v58  }
0x174: {  	[tilespmem:s14+$0xFFFFFDD0] =	vst v58  }
0x175: {  	v59 =	vbroadcast v2, $0x5;
	[tilespmem:s14+$0xFFFFFDE0] =	vst v58  }
0x176: {  	[tilespmem:s14+$0xFFFFFDF0] =	vst v58  }
0x177: {  	[tilespmem:s14+$0xFFFFFE80] =	vst v59  }
0x178: {  	[tilespmem:s14+$0xFFFFFE90] =	vst v59  }
0x179: {  	[tilespmem:s14+$0xFFFFFEA0] =	vst v59  }
0x17a: {  	[tilespmem:s14+$0xFFFFFEB0] =	vst v59  }
0x17b: {  	[tilespmem:s14+$0xFFFFFEC0] =	vst v59  }
0x17c: {  	[tilespmem:s14+$0xFFFFFED0] =	vst v59  }
0x17d: {  	v60 =	vbroadcast v2, $0x7;
	[tilespmem:s14+$0xFFFFFEE0] =	vst v59  }
0x17e: {  	[tilespmem:s14+$0xFFFFFEF0] =	vst v59  }
0x17f: {  	[tilespmem:s14+$0xFFFFFF80] =	vst v60  }
0x180: {  	[tilespmem:s14+$0xFFFFFF90] =	vst v60  }
0x181: {  	[tilespmem:s14+$0xFFFFFFA0] =	vst v60  }
0x182: {  	[tilespmem:s14+$0xFFFFFFB0] =	vst v60  }
0x183: {  	[tilespmem:s14+$0xFFFFFFC0] =	vst v60  }
0x184: {  	[tilespmem:s14+$0xFFFFFFD0] =	vst v60  }
0x185: {  	v61 =	vbroadcast v2, $0x9;
	[tilespmem:s14+$0xFFFFFFE0] =	vst v60  }
0x186: {  	[tilespmem:s14+$0xFFFFFFF0] =	vst v60  }
0x187: {  	[tilespmem:s14+$0x80] =	vst v61  }
0x188: {  	[tilespmem:s14+$0x90] =	vst v61  }
0x189: {  	[tilespmem:s14+$0xA0] =	vst v61  }
0x18a: {  	[tilespmem:s14+$0xB0] =	vst v61  }
0x18b: {  	[tilespmem:s14+$0xC0] =	vst v61  }
0x18c: {  	[tilespmem:s14+$0xD0] =	vst v61  }
0x18d: {  	v62 =	vbroadcast v2, $0xB;
	[tilespmem:s14+$0xE0] =	vst v61  }
0x18e: {  	[tilespmem:s14+$0xF0] =	vst v61  }
0x18f: {  	[tilespmem:s14+$0x180] =	vst v62  }
0x190: {  	[tilespmem:s14+$0x190] =	vst v62  }
0x191: {  	[tilespmem:s14+$0x1A0] =	vst v62  }
0x192: {  	[tilespmem:s14+$0x1B0] =	vst v62  }
0x193: {  	[tilespmem:s14+$0x1C0] =	vst v62  }
0x194: {  	[tilespmem:s14+$0x1D0] =	vst v62  }
0x195: {  	v63 =	vbroadcast v2, $0xD;
	[tilespmem:s14+$0x1E0] =	vst v62  }
0x196: {  	[tilespmem:s14+$0x1F0] =	vst v62  }
0x197: {  	v3 =	vbroadcast v2, $0x2;
	[tilespmem:s14+$0x280] =	vst v63  }
0x198: {  	[tilespmem:s14+$0x290] =	vst v63  }
0x199: {  	[tilespmem:s14+$0xFFFFFD00] =	vst v3  }
0x19a: {  	[tilespmem:s14+$0xFFFFFD10] =	vst v3  }
0x19b: {  	[tilespmem:s14+$0xFFFFFD20] =	vst v3  }
0x19c: {  	[tilespmem:s14+$0xFFFFFD30] =	vst v3  }
0x19d: {  	[tilespmem:s14+$0xFFFFFD40] =	vst v3  }
0x19e: {  	[tilespmem:s14+$0xFFFFFD50] =	vst v3  }
0x19f: {  	[tilespmem:s14+$0xFFFFFD60] =	vst v3  }
0x1a0: {  	[tilespmem:s14+$0xFFFFFD70] =	vst v3;
	v3 =	vbroadcast v2, $0x4  }
0x1a1: {  	[tilespmem:s14+$0x2A0] =	vst v63  }
0x1a2: {  	[tilespmem:s14+$0xFFFFFE00] =	vst v3  }
0x1a3: {  	[tilespmem:s14+$0xFFFFFE10] =	vst v3  }
0x1a4: {  	[tilespmem:s14+$0xFFFFFE20] =	vst v3  }
0x1a5: {  	[tilespmem:s14+$0xFFFFFE30] =	vst v3  }
0x1a6: {  	[tilespmem:s14+$0xFFFFFE40] =	vst v3  }
0x1a7: {  	[tilespmem:s14+$0xFFFFFE50] =	vst v3  }
0x1a8: {  	[tilespmem:s14+$0xFFFFFE60] =	vst v3  }
0x1a9: {  	[tilespmem:s14+$0xFFFFFE70] =	vst v3;
	v3 =	vbroadcast v2, $0x6  }
0x1aa: {  	[tilespmem:s14+$0x2B0] =	vst v63  }
0x1ab: {  	[tilespmem:s14+$0xFFFFFF00] =	vst v3  }
0x1ac: {  	[tilespmem:s14+$0xFFFFFF10] =	vst v3  }
0x1ad: {  	[tilespmem:s14+$0xFFFFFF20] =	vst v3  }
0x1ae: {  	[tilespmem:s14+$0xFFFFFF30] =	vst v3  }
0x1af: {  	[tilespmem:s14+$0xFFFFFF40] =	vst v3  }
0x1b0: {  	[tilespmem:s14+$0xFFFFFF50] =	vst v3  }
0x1b1: {  	[tilespmem:s14+$0xFFFFFF60] =	vst v3  }
0x1b2: {  	[tilespmem:s14+$0xFFFFFF70] =	vst v3;
	v3 =	vbroadcast v2, $0x8  }
0x1b3: {  	[tilespmem:s14+$0x2C0] =	vst v63  }
0x1b4: {  	[tilespmem:s14+$0x0] =	vst v3  }
0x1b5: {  	[tilespmem:s14+$0x10] =	vst v3  }
0x1b6: {  	[tilespmem:s14+$0x20] =	vst v3  }
0x1b7: {  	[tilespmem:s14+$0x30] =	vst v3  }
0x1b8: {  	[tilespmem:s14+$0x40] =	vst v3  }
0x1b9: {  	[tilespmem:s14+$0x50] =	vst v3  }
0x1ba: {  	[tilespmem:s14+$0x60] =	vst v3  }
0x1bb: {  	[tilespmem:s14+$0x70] =	vst v3;
	v3 =	vbroadcast v2, $0xA  }
0x1bc: {  	[tilespmem:s14+$0x2D0] =	vst v63  }
0x1bd: {  	[tilespmem:s14+$0x100] =	vst v3  }
0x1be: {  	[tilespmem:s14+$0x110] =	vst v3  }
0x1bf: {  	[tilespmem:s14+$0x120] =	vst v3  }
0x1c0: {  	[tilespmem:s14+$0x130] =	vst v3  }
0x1c1: {  	[tilespmem:s14+$0x140] =	vst v3  }
0x1c2: {  	[tilespmem:s14+$0x150] =	vst v3  }
0x1c3: {  	[tilespmem:s14+$0x160] =	vst v3  }
0x1c4: {  	[tilespmem:s14+$0x170] =	vst v3;
	v3 =	vbroadcast v2, $0xC  }
0x1c5: {  	[tilespmem:s14+$0x2E0] =	vst v63  }
0x1c6: {  	[tilespmem:s14+$0x200] =	vst v3  }
0x1c7: {  	[tilespmem:s14+$0x210] =	vst v3  }
0x1c8: {  	[tilespmem:s14+$0x220] =	vst v3  }
0x1c9: {  	[tilespmem:s14+$0x230] =	vst v3  }
0x1ca: {  	[tilespmem:s14+$0x240] =	vst v3  }
0x1cb: {  	[tilespmem:s14+$0x250] =	vst v3  }
0x1cc: {  	[tilespmem:s14+$0x260] =	vst v3  }
0x1cd: {  	[tilespmem:s14+$0x270] =	vst v3;
	v3 =	vbroadcast v2, $0xE  }
0x1ce: {  	[tilespmem:s14+$0x2F0] =	vst v63  }
0x1cf: {  	[tilespmem:s14+$0x300] =	vst v3  }
0x1d0: {  	[tilespmem:s14+$0x310] =	vst v3  }
0x1d1: {  	[tilespmem:s14+$0x320] =	vst v3  }
0x1d2: {  	[tilespmem:s14+$0x330] =	vst v3  }
0x1d3: {  	[tilespmem:s14+$0x340] =	vst v3  }
0x1d4: {  	[tilespmem:s14+$0x350] =	vst v3  }
0x1d5: {  	v2 =	vbroadcast v2, $0xF;
	[tilespmem:s14+$0x360] =	vst v3  }
0x1d6: {  	[tilespmem:s14+$0x370] =	vst v3  }
0x1d7: {  	[tilespmem:s14+$0x380] =	vst v2  }
0x1d8: {  	[tilespmem:s14+$0x390] =	vst v2  }
0x1d9: {  	[tilespmem:s14+$0x3A0] =	vst v2  }
0x1da: {  	[tilespmem:s14+$0x3B0] =	vst v2  }
0x1db: {  	[tilespmem:s14+$0x3C0] =	vst v2  }
0x1dc: {  	s13 =	sadd.s32 $0x1, s13;
	[tilespmem:s14+$0x3D0] =	vst v2  }
0x1dd: {  	p0 =	sne.s32 s13, s7;
	[tilespmem:s14+$0x3E0] =	vst v2  }
.Ltmp2:
0x1de: {  	[tilespmem:s14+$0x3F0] =	vst v2;
	(pc) =	sbr.rel @p0 .LBB2_1-.Ltmp2, $4  }
0x1df: {  	[hbm4b:s6+s3] =	stream.linear.scatter [tilespmem:s12], [sflag:$0x1], $0x14000, $0x38;
	[tilespmem:$0x16D80] =	vst v63  }
0x1e0: {  	_ =	swait.ge [sflag:s9], $0x14000  }
0x1e1: {  	[sflag:s9] =	ssyncset.done $0x0  }
0x1e2: {  	[sflag:s9] =	ssyncadd.s32 $0xFFFEC000  }
0x1e3: {  	_ =	sfence.sel $0x180000  }
0x1e4: {  	[bflag:$0x0] =	sbarrier.arrive $0xFFFF  }
0x1e5: {  	p0 =	sne.s32 s0, $0x0;
	_ =	strace $0x90000047  }
0x1e6: {  	s0 =	sadd.s32 @!p0 $0x100000, s1;
	[bflag:$0x2] =	sbarrier.arrive $0xFFFF  }
0x1e7: {  	[sflag:s0] =	ssyncadd.tile.s32 @!p0 $0x1;
	_ =	shalt  }
.Lfunc_end2:
_tile_overlayer_lowered:
.L_overlay_start_2:
0x1e8: {  	(tag) =	ssettag $0x2  }
0x1e9: {  	s0 =	rddreg [dreg:$0x0];
	s2 =	stileid.u32  }
0x1ea: {  	s1 =	rddreg [dreg:$0x1];
	p0 =	sne.s32 s2, $0x0  }
0x1eb: {  	s3 =	rddreg [dreg:$0x2];
	[bflag:$0x3] =	sbarrier.arrive $0xFFFF;
	s2 =	simm.s32 @!p0 $0x1C01  }
0x1ec: {  	[timem:s3], [sflag:s2] =	dma.local @!p0 [hbm:s0], s1  }
0x1ed: {  	s0 =	simm.s32 @!p0 $0x1  }
0x1ee: {  	_ =	swait.ge @!p0 [sflag:s0], s1  }
0x1ef: {  	s1 =	ssub.s32 @!p0 $0x0, s1;
	[sflag:s0] =	ssyncset.done @!p0 $0x0  }
0x1f0: {  	[sflag:s0] =	ssyncadd.s32 @!p0 s1  }
0x1f1: {  	[bflag:$0x3] =	sbarrier.arrive $0xFFFF  }
0x1f2: {  	_ =	shalt  }

// kernel: kernel.13.cloned.1.call-start
scs
__scs_entry_jumppad:
0x0: {  	(pc) =	sbr.rel $0x88, $3  }
0x1: {  	(tag) =	ssettag $0x0;
	lr =	simm.s32 $0x1  }
0x2: {  	[smem:$0x3F95] =	sst lr;
	_ =	strace $0xD0000000  }
0x3: {  	_ = 	snop  }
0x4: {  	_ = 	snop  }
0x5: {  	_ = 	snop  }
0x6: {  	_ = 	snop  }
0x7: {  	_ = 	snop  }
__scs_overlays_trampoline_lowered:
0x8: {  	[smem:$0x3FA4] =	sst s0  }
0x9: {  	[smem:$0x3FA5] =	sst s1  }
0xa: {  	[smem:$0x3FA6] =	sst s2  }
0xb: {  	[smem:$0x3FA7] =	sst s3  }
0xc: {  	[smem:$0x3FA8] =	sst s4  }
0xd: {  	[smem:$0x3FA9] =	sst s5  }
0xe: {  	[smem:$0x3FAA] =	sst s6  }
0xf: {  	[smem:$0x3FAB] =	sst s7  }
0x10: {  	[smem:$0x3FAC] =	sst s8  }
0x11: {  	[smem:$0x3FAD] =	sst s9;
	s0 =	simm.s32 @!p0 $0x0  }
0x12: {  	s1 =	sld [smem:$0x3F93];
	s0 =	simm.s32 @p0 $0x1  }
0x13: {  	[smem:$0x3FAE] =	sst s0;
	s0 =	simm.s32 @!p1 $0x0  }
0x14: {  	s2 =	sld [smem:$0x3F92];
	s0 =	simm.s32 @p1 $0x1  }
0x15: {  	[smem:$0x3FAF] =	sst s0;
	s0 =	simm.s32 @!p2 $0x0  }
0x16: {  	s3 =	sld [smem:$0x3FDB];
	s0 =	simm.s32 @p2 $0x1  }
0x17: {  	s4 =	simm.s32 $0x1BF5;
	[smem:$0x3FB1] =	sst s0  }
0x18: {  	s0 =	sld [smem:$0x3F94];
	_ =	swait.ge [sflag:s4], $0x0  }
0x19: {  	s7 =	sld [smem:$0x3F95]  }
0x1a: {  	s8 =	sadd.s32 $0xFFFFE003, lr  }
0x1b: {  	s9 =	sadd.s32 $0xFFFFFEF7, lr;
	s5 =	simm.s32 $0xFFFFFFFF;
	p2 =	slt.u32 s8, $0xFFFFF086  }
0x1c: {  	p1 =	slt.u32 s9, $0xF7A;
	s5 =	simm.s32 @!p2 $0x0  }
0x1d: {  	s5 =	simm.s32 @p1 $0x1;
	p0 =	seq.s32 s7, s2  }
0x1e: {  	s7 =	smul.u32 @!p0 $0xF7A, s2;
	p2 =	seq.s32 @!p0 s5, $0x0  }
0x1f: {  	s9 =	smul.u32 $0xF7A, s1;
	s8 =	simm.s32 @!p0 $0x1BF5;
	p2 =	por !p2, p0  }
0x20: {  	[sflag:s8] =	ssyncset.s32 @!p0 $0xFFFFF086;
	s6 =	sadd.s32 @!p0 s3, s7;
	s7 =	simm.s32 @!p0 $0x108  }
0x21: {  	s3 =	sadd.s32 s3, s9;
	s6 =	sadd.s32 @!p0 $0x88, s6;
	s7 =	simm.s32 @p2 $0x1082  }
0x22: {  	[simem:s7], [sflag:s8] =	dma.local @!p0 [hbm:s6], $0xF7A  }
0x23: {  	s9 =	sor.u32 $0xD0000000, s2;
	s6 =	simm.s32 $0x108;
	_ =	swait.ge @!p0 [sflag:s8], $0x0  }
0x24: {  	s3 =	sadd.s32 $0x88, s3;
	s6 =	simm.s32 @!p1 $0x1082;
	[sflag:s4] =	ssyncset.s32 $0xFFFFF086  }
0x25: {  	[simem:s6], [sflag:s4] =	dma.local [hbm:s3], $0xF7A  }
0x26: {  	[smem:$0x3F95] =	sst s1;
	(tag) =	ssettag s2;
	_ =	strace s9  }
0x27: {  	s1 =	sld [smem:$0x3FA5]  }
0x28: {  	s2 =	sld [smem:$0x3FA6]  }
0x29: {  	s4 =	sld [smem:$0x3FA8]  }
0x2a: {  	p0 =	seq.s32 s5, $0x0;
	s5 =	sld [smem:$0x3FA9]  }
0x2b: {  	s6 =	sld [smem:$0x3FAA]  }
0x2c: {  	s7 =	sld [smem:$0x3FAB]  }
0x2d: {  	s3 =	simm.s32 $0x108;
	s8 =	sld [smem:$0x3FAC]  }
0x2e: {  	s3 =	simm.s32 @!p0 $0x1082;
	s9 =	sld [smem:$0x3FAD]  }
0x2f: {  	lr =	sadd.s32 s0, s3;
	s0 =	sld [smem:$0x3FA4]  }
0x30: {  	s3 =	sld [smem:$0x3FA7]  }
0x31: {  	[smem:$0x3FB0] =	sst s10  }
0x32: {  	s10 =	sld [smem:$0x3FAE];
	_ =	sdelay $0x3  }
0x33: {  	p0 =	seq.s32 s10, $0x1;
	s10 =	sld [smem:$0x3FB0];
	_ =	sdelay $0x3  }
0x34: {  	[smem:$0x3FB0] =	sst s10  }
0x35: {  	s10 =	sld [smem:$0x3FAF];
	_ =	sdelay $0x3  }
0x36: {  	p1 =	seq.s32 s10, $0x1;
	s10 =	sld [smem:$0x3FB0];
	_ =	sdelay $0x3  }
0x37: {  	[smem:$0x3FB0] =	sst s10  }
0x38: {  	s10 =	sld [smem:$0x3FB1]  }
0x39: {  	_ = 	snop;
	(pc) =	sbr.ind lr, $3  }
0x3a: {  	_ = 	snop  }
0x3b: {  	_ = 	snop  }
0x3c: {  	p2 =	seq.s32 s10, $0x1;
	s10 =	sld [smem:$0x3FB0]  }
0x3d: {  	_ =	shalt  }
0x3e: {  	_ =	shalt  }
0x3f: {  	_ =	shalt  }
0x40: {  	_ =	shalt  }
0x41: {  	_ =	shalt  }
0x42: {  	_ =	shalt  }
0x43: {  	_ =	shalt  }
0x44: {  	_ =	shalt  }
0x45: {  	_ =	shalt  }
0x46: {  	_ =	shalt  }
0x47: {  	_ =	shalt  }
0x48: {  	_ =	shalt  }
0x49: {  	_ =	shalt  }
0x4a: {  	_ =	shalt  }
0x4b: {  	_ =	shalt  }
0x4c: {  	_ =	shalt  }
0x4d: {  	_ =	shalt  }
0x4e: {  	_ =	shalt  }
0x4f: {  	_ =	shalt  }
0x50: {  	_ =	shalt  }
0x51: {  	_ =	shalt  }
0x52: {  	_ =	shalt  }
0x53: {  	_ =	shalt  }
0x54: {  	_ =	shalt  }
0x55: {  	_ =	shalt  }
0x56: {  	_ =	shalt  }
0x57: {  	_ =	shalt  }
0x58: {  	_ =	shalt  }
0x59: {  	_ =	shalt  }
0x5a: {  	_ =	shalt  }
0x5b: {  	_ =	shalt  }
0x5c: {  	_ =	shalt  }
0x5d: {  	_ =	shalt  }
0x5e: {  	_ =	shalt  }
0x5f: {  	_ =	shalt  }
0x60: {  	_ =	shalt  }
0x61: {  	_ =	shalt  }
0x62: {  	_ =	shalt  }
0x63: {  	_ =	shalt  }
0x64: {  	_ =	shalt  }
0x65: {  	_ =	shalt  }
0x66: {  	_ =	shalt  }
0x67: {  	_ =	shalt  }
0x68: {  	_ =	shalt  }
0x69: {  	_ =	shalt  }
0x6a: {  	_ =	shalt  }
0x6b: {  	_ =	shalt  }
0x6c: {  	_ =	shalt  }
0x6d: {  	_ =	shalt  }
0x6e: {  	_ =	shalt  }
0x6f: {  	_ =	shalt  }
0x70: {  	_ =	shalt  }
0x71: {  	_ =	shalt  }
0x72: {  	_ =	shalt  }
0x73: {  	_ =	shalt  }
0x74: {  	_ =	shalt  }
0x75: {  	_ =	shalt  }
0x76: {  	_ =	shalt  }
0x77: {  	_ =	shalt  }
0x78: {  	_ =	shalt  }
0x79: {  	_ =	shalt  }
0x7a: {  	_ =	shalt  }
0x7b: {  	_ =	shalt  }
0x7c: {  	_ =	shalt  }
0x7d: {  	_ =	shalt  }
0x7e: {  	_ =	shalt  }
0x7f: {  	_ =	shalt  }
0x80: {  	_ =	shalt  }
0x81: {  	_ =	shalt  }
0x82: {  	_ =	shalt  }
0x83: {  	_ =	shalt  }
0x84: {  	_ =	shalt  }
0x85: {  	_ =	shalt  }
0x86: {  	_ =	shalt  }
0x87: {  	_ =	shalt  }
.Lfunc_end0:
.L_simem_size_0:
called_computation.1_lowered:
.L_overlay_start_0:
0x88: {  	s2 =	sld [smem:$0x3FD9]  }
0x89: {  	s3 =	sld [smem:$0x3FFE];
	_ =	sdelay $0x1  }
0x8a: {  	s1 =	srdreg.scid  }
0x8b: {  	s0 =	sand.u32 $0x1, s1  }
0x8c: {  	s16 =	sshll.u32 s0, $0xA;
	s2 =	sadd.s32 s3, s2  }
0x8d: {  	s2 =	sadd.s32 s2, s16  }
0x8e: {  	[smem:$0x3FBC] =	sst s2  }
0x8f: {  	_ = 	snop  }
0x90: {  	(tm) =	ssettm $0x1  }
0x91: {  	s17 =	sld [smem:$0x3FFB];
	_ =	sdelay $0x3  }
0x92: {  	_ =	strace s17  }
0x93: {  	s2 =	sld [smem:$0x3FFC];
	_ =	sdelay $0x3  }
0x94: {  	_ =	strace s2  }
0x95: {  	s2 =	sld [smem:$0x3FFD];
	_ =	sdelay $0x3  }
0x96: {  	_ =	strace s2  }
0x97: {  	_ =	strace $0x8FFFFFFF  }
0x98: {  	s18 =	sld [smem:$0x3FDB];
	_ =	sdelay $0x1  }
0x99: {  	s19 =	simm.s32 $_scs_section_size  }
0x9a: {  	s4 =	simm.s32 $_size__tile_overlayer_lowered;
	s5 =	simm.s32 $_tile_overlayer_lowered  }
0x9b: {  	s22 =	simm.s32 $0x1BFF;
	s21 =	sshll.u32 s5, $0x1;
	s2 =	sadd.s32 s19, s18  }
0x9c: {  	s6 =	simm.s32 $0x0;
	s20 =	sshll.u32 s4, $0x1;
	s4 =	sadd.s32 s21, s2  }
0x9d: {  	[timem:s6], [sflag:s22] =	dma.local [hbm:s4], s20  }
0x9e: {  	_ =	swait.ge [sflag:s22], s20  }
0x9f: {  	s3 =	ssub.s32 $0x0, s20;
	[sflag:s22] =	ssyncset.done $0x0  }
0xa0: {  	[sflag:s22] =	ssyncadd.s32 s3;
	_ =	sdelay $0x1  }
0xa1: {  	s23 =	simm.s32 $0x1B8B  }
0xa2: {  	_ =	swait.ge [sflag:s23], $0x1  }
0xa3: {  	[sflag:s23] =	ssyncset.done $0x0  }
0xa4: {  	s25 =	simm.s32 $0x1B8E;
	s24 =	sld [smem:$0x3FFE];
	[sflag:s23] =	ssyncadd.s32 $0xFFFFFFFF  }
0xa5: {  	s26 =	simm.s32 $execute0_lowered;
	[smem:$0x3FD2] =	sst s25  }
0xa6: {  	s4 =	sshll.u32 s26, $0x1;
	_ =	strace $0x80000049;
	[dreg:$0x1] =	wrdreg $0xFFFFFFFF  }
0xa7: {  	s28 =	simm.s32 $_size_execute0_lowered;
	s2 =	sadd.s32 s2, s4;
	[dreg:$0x0] =	wrdreg $0x0  }
0xa8: {  	s4 =	sshll.u32 s28, $0x1;
	[dreg:$0x2] =	wrdreg s2  }
0xa9: {  	[dreg:$0x3] =	wrdreg s4  }
0xaa: {  	[dreg:$0x4] =	wrdreg $0xC0  }
0xab: {  	_ =	task [dreg:s6], $0x5FFFF  }
0xac: {  	[dreg:$0x1] =	wrdreg $0xFFFFFFFF  }
0xad: {  	[dreg:$0x0] =	wrdreg $0x60  }
0xae: {  	[dreg:$0x2] =	wrdreg s24  }
0xaf: {  	[dreg:$0x3] =	wrdreg $0xB0000  }
0xb0: {  	[dreg:$0x4] =	wrdreg $0x9  }
0xb1: {  	_ =	task.clear_ibuf [dreg:s6], $0x5FFFF;
	_ =	strace $0x90000049  }
0xb2: {  	s29 =	simm.s32 $0x9;
	_ =	strace $0x8000004B  }
0xb3: {  	_ =	swait.ge [sflag:s29], $0x1  }
0xb4: {  	[sflag:s29] =	ssyncadd.s32 $0xFFFFFFFF  }
0xb5: {  	_ =	strace $0x9000004B  }
0xb6: {  	_ =	sfence  }
0xb7: {  	s30 =	sld [smem:$0x0];
	_ =	sdelay $0x2  }
0xb8: {  	s31 =	sshll.u32 s1, $0xD;
	s1 =	sshrl.u32 s1, $0x2  }
0xb9: {  	s3 =	sand.u32 $0x4000, s31;
	s1 =	sadd.s32 s1, s30  }
0xba: {  	s0 =	sor.u32 s3, s0;
	s1 =	sshll.u32 s1, $0x11  }
0xbb: {  	s0 =	sor.u32 s1, s0  }
0xbc: {  	s0 =	sadd.s32 $0x8F2B, s0  }
0xbd: {  	[sflag:s0] =	ssyncadd.remote.s32 $0x1  }
0xbe: {  	_ =	sfence.sel $0xFFFF  }
0xbf: {  	[dreg:$0x0] =	wrdreg $0xFFFFFFFF;
	(pc) =	sbr.abs _section_cstart, $3  }
0xc0: {  	[dreg:$0x1] =	wrdreg $0xFFFFFFFF  }
0xc1: {  	_ =	task.clear_ibuf [dreg:s6], $0x2FFFF;
	_ =	strace $0x9FFFFFFF  }
0xc2: {  	(tm) =	ssettm $0x7FFFFFFF  }
0xc3: {  	_ =	shalt  }
tec
execute0_lowered:
.L_overlay_start_1:
0x0: {  	(tag) =	ssettag $0x1  }
0x1: {  	s5 =	rddreg [dreg:$0x0]  }
0x2: {  	s1 =	rddreg [dreg:$0x1]  }
0x3: {  	s2 =	srdreg.scid;
	s0 =	rddreg [dreg:$0x2]  }
0x4: {  	s3 =	simm.s32 $0x0;
	s14 =	simm.s32 $0x1400;
	s15 =	simm.s32 $0x7D  }
0x5: {  	s16 =	simm.s32 $0x2800;
	s17 =	simm.s32 $0x6800;
	s18 =	simm.s32 $0x1  }
0x6: {  	s19 =	simm.s32 $0x2;
	s20 =	simm.s32 $0x1380;
	s21 =	simm.s32 $0x2700  }
0x7: {  	s22 =	simm.s32 $0x2780;
	s6 =	sand.u32 $0x1, s2;
	s2 =	stileid.u32  }
0x8: {  	[smem:$0x7FF] =	sst s3;
	s4 =	sadd.s32 $0xD400, s5;
	s7 =	smul.u32 $0x140000, s6  }
0x9: {  	s9 =	sadd.s32 $0x5D400, s5;
	s10 =	sadd.s32 $0x3400, s5;
	s8 =	smul.u32 $0x14000, s2  }
0xa: {  	_ =	strace $0x8000004A;
	s26 =	sshll.u32 s2, $0x1;
	s11 =	smul.u32 $0x50000, s2  }
0xb: {  	s28 =	ssub.s32 $0x2, s6;
	s7 =	sadd.s32 s8, s7;
	s8 =	sor.u32 s6, s26  }
0xc: {  	s30 =	sshrl.u32 s28, $0x1;
	s11 =	sshrl.u32 s11, $0x2;
	s29 =	smul.u32 $0x2800, s8  }
0xd: {  	s13 =	ssub.s32 s28, s30;
	s7 =	sshrl.u32 s7, $0x3;
	s8 =	smul.u32 $0x500, s8  }
0xe: {  	s12 =	sadd.s32 s7, s5;
	s5 =	sadd.s32 s11, s1;
	s31 =	sshrl.u32 s29, $0x3  }
0xf: {  	s6 =	sadd.s32 s9, s8;
	s7 =	sadd.s32 s10, s8;
	s11 =	sadd.s32 $0x280, s31  }
0x10: {  	s8 =	sadd.s32 s9, s11;
	s9 =	sadd.s32 s10, s11;
	s10 =	sadd.s32 $0x67400, s12  }
0x11: {  	v0 =	vimm.f32 $0.0e+00;
	s11 =	smax.u32 s13, $0x1;
	s12 =	simm.s32 $0xA800;
	s13 =	simm.s32 $0x3  }
.LBB2_1:
0x12: {  	s23 =	simm.s32 $0x0;
	s24 =	simm.s32 $0x200  }
.LBB2_2:
0x13: {  	p0 =	sne.s32 s24, $0x1E00;
	[tilespmem:s23+$0xA870] =	vst v0  }
0x14: {  	[tilespmem:s23+$0xA800] =	vst v0  }
0x15: {  	[tilespmem:s23+$0xA810] =	vst v0  }
.Ltmp0:
0x16: {  	[tilespmem:s23+$0xA820] =	vst v0;
	(pc) =	sbr.rel @p0 .LBB2_2-.Ltmp0, $4  }
0x17: {  	[tilespmem:s23+$0xA830] =	vst v0  }
0x18: {  	[tilespmem:s23+$0xA840] =	vst v0  }
0x19: {  	[tilespmem:s23+$0xA850] =	vst v0  }
0x1a: {  	[tilespmem:s23+$0xA860] =	vst v0;
	s23 =	sshra.s32 s24, $0x2;
	s24 =	sadd.s32 $0x200, s24  }
0x1b: {  	[tilespmem:s23+$0xA870] =	vst v0  }
0x1c: {  	[tilespmem:s23+$0xA800] =	vst v0  }
0x1d: {  	[tilespmem:s23+$0xA810] =	vst v0  }
0x1e: {  	[tilespmem:s23+$0xA820] =	vst v0  }
0x1f: {  	[tilespmem:s23+$0xA830] =	vst v0  }
0x20: {  	[tilespmem:s23+$0xA840] =	vst v0  }
0x21: {  	[tilespmem:s23+$0xA850] =	vst v0  }
0x22: {  	[tilespmem:s23+$0xA860] =	vst v0;
	s31 =	sadd.s32 $0x0, s5  }
0x23: {  	[spmem:s31] =	stream.linear.scatter [tilespmem:s12], [sflag:$0x3], $0x800, $0x38;
	[tilespmem:$0x1F000] =	vst v63  }
0x24: {  	s23 =	simm.s32 $0x2000;
	_ =	swait.ge [sflag:s13], $0x800  }
.LBB2_4:
0x25: {  	s24 =	sshra.s32 s23, $0x2;
	[sflag:s13] =	ssyncset.done $0x0;
	p0 =	sne.s32 s23, $0x4E000  }
.Ltmp1:
0x26: {  	s24 =	sadd.s32 s24, s5;
	[sflag:s13] =	ssyncadd.s32 $0xFFFFF800;
	(pc) =	sbr.rel @p0 .LBB2_4-.Ltmp1, $3  }
0x27: {  	[spmem:s24] =	stream.linear.scatter [tilespmem:s12], [sflag:$0x3], $0x800, $0x38;
	[tilespmem:$0x1F000] =	vst v63  }
0x28: {  	s23 =	sadd.s32 $0x2000, s23;
	_ =	sdelay $0x1  }
0x29: {  	_ =	swait.ge [sflag:s13], $0x800  }
0x2a: {  	[sflag:s13] =	ssyncset.done $0x0  }
0x2b: {  	[sflag:s13] =	ssyncadd.s32 $0xFFFFF800  }
0x2c: {  	s23 =	simm.s32 $0x0;
	[bflag:$0x0] =	sbarrier.arrive $0xFFFF  }
0x2d: {  	[tilespmem:s23], [sflag:$0x3] =	stream.linear.gather [hbm4b:s6+s23], $0x1400, $0x38;
	[tilespmem:$0x1F000] =	vst v63  }
0x2e: {  	_ =	swait.ge [sflag:s13], $0x1400  }
0x2f: {  	[sflag:s13] =	ssyncset.done $0x0  }
0x30: {  	[sflag:s13] =	ssyncadd.s32 $0xFFFFEC00  }
0x31: {  	[tilespmem:s14], [sflag:$0x3] =	stream.linear.gather [hbm4b:s7+s23], $0x1400, $0x38;
	[tilespmem:$0x1F000] =	vst v63  }
0x32: {  	_ =	swait.ge [sflag:s13], $0x1400  }
0x33: {  	[sflag:s13] =	ssyncset.done $0x0  }
0x34: {  	[sflag:s13] =	ssyncadd.s32 $0xFFFFEC00  }
0x35: {  	[tilespmem:s16], [sflag:$0x1] =	stream.indirect.gather [hbm4b:s4+s15], $0x80, s23, s15, $0xb8;
	[tilespmem:$0x1F000] =	vst v63  }
0x36: {  	s28 =	simm.s32 $0x80  }
0x37: {  	[tilespmem:s17], [sflag:$0x2] =	stream.indirect.gather [hbm4b:s4+s15], $0x80, s28, s15, $0xb8;
	[tilespmem:$0x1F000] =	vst v63  }
0x38: {  	_ =	swait.ge [sflag:s18], $0x3E80  }
0x39: {  	[sflag:s18] =	ssyncset.done $0x0  }
0x3a: {  	s29 =	simm.s32 $0x1400;
	[sflag:s18] =	ssyncadd.s32 $0xFFFFC180  }
0x3b: {  	[spmem:s1] =	stream.indirect.scatter.add.f32 [tilespmem:s16], [sflag:$0x3], $0x80, s29, s15, $0xb8;
	[tilespmem:$0x1F000] =	vst v63  }
0x3c: {  	_ =	swait.ge [sflag:s13], $0x3E80  }
0x3d: {  	[sflag:s13] =	ssyncset.done $0x0  }
0x3e: {  	s30 =	simm.s32 $0x100;
	[sflag:s13] =	ssyncadd.s32 $0xFFFFC180  }
0x3f: {  	[tilespmem:s16], [sflag:$0x1] =	stream.indirect.gather [hbm4b:s4+s15], $0x80, s30, s15, $0xb8;
	[tilespmem:$0x1F000] =	vst v63  }
0x40: {  	_ =	swait.ge [sflag:s19], $0x3E80  }
0x41: {  	[sflag:s19] =	ssyncset.done $0x0  }
0x42: {  	s31 =	simm.s32 $0x1480;
	[sflag:s19] =	ssyncadd.s32 $0xFFFFC180  }
0x43: {  	[spmem:s1] =	stream.indirect.scatter.add.f32 [tilespmem:s17], [sflag:$0x3], $0x80, s31, s15, $0xb8;
	[tilespmem:$0x1F000] =	vst v63  }
0x44: {  	_ =	swait.ge [sflag:s13], $0x3E80  }
0x45: {  	s24 =	simm.s32 $0x800;
	s23 =	simm.s32 $0x100;
	[sflag:s13] =	ssyncset.done $0x0  }
.LBB2_6:
0x46: {  	s25 =	sadd.s32 $0x80, s23  }
0x47: {  	[sflag:s13] =	ssyncadd.s32 $0xFFFFC180;
	s26 =	smov.u32 s24;
	s28 =	sadd.s32 $0x400, s24  }
0x48: {  	[tilespmem:s17], [sflag:$0x2] =	stream.indirect.gather [hbm4b:s4+s15], $0x80, s25, s15, $0xb8;
	[tilespmem:$0x1F000] =	vst v63  }
0x49: {  	p0 =	sne.s32 s24, $0x4800;
	_ =	swait.ge [sflag:s18], $0x3E80  }
0x4a: {  	[sflag:s18] =	ssyncset.done $0x0  }
0x4b: {  	s24 =	sadd.s32 $0x1400, s23;
	[sflag:s18] =	ssyncadd.s32 $0xFFFFC180  }
0x4c: {  	[spmem:s1] =	stream.indirect.scatter.add.f32 [tilespmem:s16], [sflag:$0x3], $0x80, s24, s15, $0xb8;
	[tilespmem:$0x1F000] =	vst v63  }
0x4d: {  	_ =	swait.ge [sflag:s13], $0x3E80  }
0x4e: {  	[sflag:s13] =	ssyncset.done $0x0  }
0x4f: {  	s24 =	sadd.s32 $0x100, s23;
	[sflag:s13] =	ssyncadd.s32 $0xFFFFC180  }
0x50: {  	[tilespmem:s16], [sflag:$0x1] =	stream.indirect.gather [hbm4b:s4+s15], $0x80, s24, s15, $0xb8;
	[tilespmem:$0x1F000] =	vst v63  }
0x51: {  	_ =	swait.ge [sflag:s19], $0x3E80  }
.Ltmp2:
0x52: {  	[sflag:s19] =	ssyncset.done $0x0;
	(pc) =	sbr.rel @p0 .LBB2_6-.Ltmp2, $4  }
0x53: {  	s23 =	sadd.s32 $0x1480, s23;
	[sflag:s19] =	ssyncadd.s32 $0xFFFFC180  }
0x54: {  	[spmem:s1] =	stream.indirect.scatter.add.f32 [tilespmem:s17], [sflag:$0x3], $0x80, s23, s15, $0xb8;
	[tilespmem:$0x1F000] =	vst v63  }
0x55: {  	_ =	swait.ge [sflag:s13], $0x3E80  }
0x56: {  	s24 =	smov.u32 s28;
	s23 =	sshra.s32 s26, $0x2;
	[sflag:s13] =	ssyncset.done $0x0  }
0x57: {  	s24 =	sadd.s32 $0x80, s23;
	[sflag:s13] =	ssyncadd.s32 $0xFFFFC180  }
0x58: {  	[tilespmem:s17], [sflag:$0x2] =	stream.indirect.gather [hbm4b:s4+s15], $0x80, s24, s15, $0xb8;
	[tilespmem:$0x1F000] =	vst v63  }
0x59: {  	_ =	swait.ge [sflag:s18], $0x3E80  }
0x5a: {  	[sflag:s18] =	ssyncset.done $0x0  }
0x5b: {  	s30 =	sadd.s32 $0x1400, s23;
	[sflag:s18] =	ssyncadd.s32 $0xFFFFC180  }
0x5c: {  	[spmem:s1] =	stream.indirect.scatter.add.f32 [tilespmem:s16], [sflag:$0x3], $0x80, s30, s15, $0xb8;
	[tilespmem:$0x1F000] =	vst v63  }
0x5d: {  	_ =	swait.ge [sflag:s13], $0x3E80  }
0x5e: {  	[sflag:s13] =	ssyncset.done $0x0  }
0x5f: {  	s31 =	sadd.s32 $0x100, s23;
	[sflag:s13] =	ssyncadd.s32 $0xFFFFC180  }
0x60: {  	[tilespmem:s16], [sflag:$0x1] =	stream.indirect.gather [hbm4b:s4+s15], $0x80, s31, s15, $0xb8;
	[tilespmem:$0x1F000] =	vst v63  }
0x61: {  	_ =	swait.ge [sflag:s19], $0x3E80  }
0x62: {  	[sflag:s19] =	ssyncset.done $0x0  }
0x63: {  	s25 =	sadd.s32 $0x1480, s23;
	[sflag:s19] =	ssyncadd.s32 $0xFFFFC180  }
0x64: {  	[spmem:s1] =	stream.indirect.scatter.add.f32 [tilespmem:s17], [sflag:$0x3], $0x80, s25, s15, $0xb8;
	[tilespmem:$0x1F000] =	vst v63  }
0x65: {  	_ =	swait.ge [sflag:s13], $0x3E80  }
0x66: {  	[sflag:s13] =	ssyncset.done $0x0  }
0x67: {  	[sflag:s13] =	ssyncadd.s32 $0xFFFFC180  }
0x68: {  	[tilespmem:s17], [sflag:$0x2] =	stream.indirect.gather [hbm4b:s4+s15], $0x80, s20, s15, $0xb8;
	[tilespmem:$0x1F000] =	vst v63  }
0x69: {  	_ =	swait.ge [sflag:s18], $0x3E80  }
0x6a: {  	[sflag:s18] =	ssyncset.done $0x0  }
0x6b: {  	[sflag:s18] =	ssyncadd.s32 $0xFFFFC180  }
0x6c: {  	[spmem:s1] =	stream.indirect.scatter.add.f32 [tilespmem:s16], [sflag:$0x3], $0x80, s21, s15, $0xb8;
	[tilespmem:$0x1F000] =	vst v63  }
0x6d: {  	_ =	swait.ge [sflag:s13], $0x3E80  }
0x6e: {  	[sflag:s13] =	ssyncset.done $0x0  }
0x6f: {  	[sflag:s13] =	ssyncadd.s32 $0xFFFFC180  }
0x70: {  	_ =	swait.ge [sflag:s19], $0x3E80  }
0x71: {  	[sflag:s19] =	ssyncset.done $0x0  }
0x72: {  	[sflag:s19] =	ssyncadd.s32 $0xFFFFC180  }
0x73: {  	[spmem:s1] =	stream.indirect.scatter.add.f32 [tilespmem:s17], [sflag:$0x3], $0x80, s22, s15, $0xb8;
	[tilespmem:$0x1F000] =	vst v63  }
0x74: {  	_ =	swait.ge [sflag:s13], $0x3E80  }
0x75: {  	[sflag:s13] =	ssyncset.done $0x0  }
0x76: {  	s26 =	simm.s32 $0x0;
	[sflag:s13] =	ssyncadd.s32 $0xFFFFC180  }
0x77: {  	[tilespmem:s26], [sflag:$0x3] =	stream.linear.gather [hbm4b:s8+s26], $0x1400, $0x38;
	[tilespmem:$0x1F000] =	vst v63  }
0x78: {  	_ =	swait.ge [sflag:s13], $0x1400  }
0x79: {  	[sflag:s13] =	ssyncset.done $0x0  }
0x7a: {  	[sflag:s13] =	ssyncadd.s32 $0xFFFFEC00  }
0x7b: {  	[tilespmem:s14], [sflag:$0x3] =	stream.linear.gather [hbm4b:s9+s26], $0x1400, $0x38;
	[tilespmem:$0x1F000] =	vst v63  }
0x7c: {  	_ =	swait.ge [sflag:s13], $0x1400  }
0x7d: {  	[sflag:s13] =	ssyncset.done $0x0  }
0x7e: {  	[sflag:s13] =	ssyncadd.s32 $0xFFFFEC00  }
0x7f: {  	[tilespmem:s16], [sflag:$0x1] =	stream.indirect.gather [hbm4b:s4+s15], $0x80, s26, s15, $0xb8;
	[tilespmem:$0x1F000] =	vst v63  }
0x80: {  	s28 =	simm.s32 $0x80  }
0x81: {  	[tilespmem:s17], [sflag:$0x2] =	stream.indirect.gather [hbm4b:s4+s15], $0x80, s28, s15, $0xb8;
	[tilespmem:$0x1F000] =	vst v63  }
0x82: {  	_ =	swait.ge [sflag:s18], $0x3E80  }
0x83: {  	[sflag:s18] =	ssyncset.done $0x0  }
0x84: {  	s29 =	simm.s32 $0x1400;
	[sflag:s18] =	ssyncadd.s32 $0xFFFFC180  }
0x85: {  	[spmem:s1] =	stream.indirect.scatter.add.f32 [tilespmem:s16], [sflag:$0x3], $0x80, s29, s15, $0xb8;
	[tilespmem:$0x1F000] =	vst v63  }
0x86: {  	_ =	swait.ge [sflag:s13], $0x3E80  }
0x87: {  	[sflag:s13] =	ssyncset.done $0x0  }
0x88: {  	s30 =	simm.s32 $0x100;
	[sflag:s13] =	ssyncadd.s32 $0xFFFFC180  }
0x89: {  	[tilespmem:s16], [sflag:$0x1] =	stream.indirect.gather [hbm4b:s4+s15], $0x80, s30, s15, $0xb8;
	[tilespmem:$0x1F000] =	vst v63  }
0x8a: {  	_ =	swait.ge [sflag:s19], $0x3E80  }
0x8b: {  	[sflag:s19] =	ssyncset.done $0x0  }
0x8c: {  	s31 =	simm.s32 $0x1480;
	[sflag:s19] =	ssyncadd.s32 $0xFFFFC180  }
0x8d: {  	[spmem:s1] =	stream.indirect.scatter.add.f32 [tilespmem:s17], [sflag:$0x3], $0x80, s31, s15, $0xb8;
	[tilespmem:$0x1F000] =	vst v63  }
0x8e: {  	_ =	swait.ge [sflag:s13], $0x3E80  }
0x8f: {  	s23 =	simm.s32 $0x100;
	s24 =	simm.s32 $0x800;
	[sflag:s13] =	ssyncset.done $0x0  }
.LBB2_8:
0x90: {  	s25 =	sadd.s32 $0x80, s23  }
0x91: {  	[sflag:s13] =	ssyncadd.s32 $0xFFFFC180;
	s26 =	smov.u32 s24;
	s28 =	sadd.s32 $0x400, s24  }
0x92: {  	[tilespmem:s17], [sflag:$0x2] =	stream.indirect.gather [hbm4b:s4+s15], $0x80, s25, s15, $0xb8;
	[tilespmem:$0x1F000] =	vst v63  }
0x93: {  	p0 =	sne.s32 s24, $0x4800;
	_ =	swait.ge [sflag:s18], $0x3E80  }
0x94: {  	[sflag:s18] =	ssyncset.done $0x0  }
0x95: {  	s24 =	sadd.s32 $0x1400, s23;
	[sflag:s18] =	ssyncadd.s32 $0xFFFFC180  }
0x96: {  	[spmem:s1] =	stream.indirect.scatter.add.f32 [tilespmem:s16], [sflag:$0x3], $0x80, s24, s15, $0xb8;
	[tilespmem:$0x1F000] =	vst v63  }
0x97: {  	_ =	swait.ge [sflag:s13], $0x3E80  }
0x98: {  	[sflag:s13] =	ssyncset.done $0x0  }
0x99: {  	s24 =	sadd.s32 $0x100, s23;
	[sflag:s13] =	ssyncadd.s32 $0xFFFFC180  }
0x9a: {  	[tilespmem:s16], [sflag:$0x1] =	stream.indirect.gather [hbm4b:s4+s15], $0x80, s24, s15, $0xb8;
	[tilespmem:$0x1F000] =	vst v63  }
0x9b: {  	_ =	swait.ge [sflag:s19], $0x3E80  }
.Ltmp3:
0x9c: {  	[sflag:s19] =	ssyncset.done $0x0;
	(pc) =	sbr.rel @p0 .LBB2_8-.Ltmp3, $4  }
0x9d: {  	s23 =	sadd.s32 $0x1480, s23;
	[sflag:s19] =	ssyncadd.s32 $0xFFFFC180  }
0x9e: {  	[spmem:s1] =	stream.indirect.scatter.add.f32 [tilespmem:s17], [sflag:$0x3], $0x80, s23, s15, $0xb8;
	[tilespmem:$0x1F000] =	vst v63  }
0x9f: {  	_ =	swait.ge [sflag:s13], $0x3E80  }
0xa0: {  	s24 =	smov.u32 s28;
	s23 =	sshra.s32 s26, $0x2;
	[sflag:s13] =	ssyncset.done $0x0  }
0xa1: {  	s24 =	sadd.s32 $0x80, s23;
	[sflag:s13] =	ssyncadd.s32 $0xFFFFC180  }
0xa2: {  	[tilespmem:s17], [sflag:$0x2] =	stream.indirect.gather [hbm4b:s4+s15], $0x80, s24, s15, $0xb8;
	[tilespmem:$0x1F000] =	vst v63  }
0xa3: {  	_ =	swait.ge [sflag:s18], $0x3E80  }
0xa4: {  	[sflag:s18] =	ssyncset.done $0x0  }
0xa5: {  	s26 =	sadd.s32 $0x1400, s23;
	[sflag:s18] =	ssyncadd.s32 $0xFFFFC180  }
0xa6: {  	[spmem:s1] =	stream.indirect.scatter.add.f32 [tilespmem:s16], [sflag:$0x3], $0x80, s26, s15, $0xb8;
	[tilespmem:$0x1F000] =	vst v63  }
0xa7: {  	_ =	swait.ge [sflag:s13], $0x3E80  }
0xa8: {  	[sflag:s13] =	ssyncset.done $0x0  }
0xa9: {  	s28 =	sadd.s32 $0x100, s23;
	[sflag:s13] =	ssyncadd.s32 $0xFFFFC180  }
0xaa: {  	[tilespmem:s16], [sflag:$0x1] =	stream.indirect.gather [hbm4b:s4+s15], $0x80, s28, s15, $0xb8;
	[tilespmem:$0x1F000] =	vst v63  }
0xab: {  	_ =	swait.ge [sflag:s19], $0x3E80  }
0xac: {  	[sflag:s19] =	ssyncset.done $0x0  }
0xad: {  	s29 =	sadd.s32 $0x1480, s23;
	[sflag:s19] =	ssyncadd.s32 $0xFFFFC180  }
0xae: {  	[spmem:s1] =	stream.indirect.scatter.add.f32 [tilespmem:s17], [sflag:$0x3], $0x80, s29, s15, $0xb8;
	[tilespmem:$0x1F000] =	vst v63  }
0xaf: {  	_ =	swait.ge [sflag:s13], $0x3E80  }
0xb0: {  	[sflag:s13] =	ssyncset.done $0x0  }
0xb1: {  	[sflag:s13] =	ssyncadd.s32 $0xFFFFC180  }
0xb2: {  	[tilespmem:s17], [sflag:$0x2] =	stream.indirect.gather [hbm4b:s4+s15], $0x80, s20, s15, $0xb8;
	[tilespmem:$0x1F000] =	vst v63  }
0xb3: {  	_ =	swait.ge [sflag:s18], $0x3E80  }
0xb4: {  	[sflag:s18] =	ssyncset.done $0x0  }
0xb5: {  	[sflag:s18] =	ssyncadd.s32 $0xFFFFC180  }
0xb6: {  	[spmem:s1] =	stream.indirect.scatter.add.f32 [tilespmem:s16], [sflag:$0x3], $0x80, s21, s15, $0xb8;
	[tilespmem:$0x1F000] =	vst v63  }
0xb7: {  	_ =	swait.ge [sflag:s13], $0x3E80  }
0xb8: {  	[sflag:s13] =	ssyncset.done $0x0  }
0xb9: {  	[sflag:s13] =	ssyncadd.s32 $0xFFFFC180  }
0xba: {  	_ =	swait.ge [sflag:s19], $0x3E80  }
0xbb: {  	[sflag:s19] =	ssyncset.done $0x0  }
0xbc: {  	[sflag:s19] =	ssyncadd.s32 $0xFFFFC180  }
0xbd: {  	[spmem:s1] =	stream.indirect.scatter.add.f32 [tilespmem:s17], [sflag:$0x3], $0x80, s22, s15, $0xb8;
	[tilespmem:$0x1F000] =	vst v63  }
0xbe: {  	_ =	swait.ge [sflag:s13], $0x3E80  }
0xbf: {  	s30 =	sshll.u32 s2, $0x6;
	s3 =	sadd.s32 $0x1, s3;
	[sflag:s13] =	ssyncset.done $0x0  }
0xc0: {  	s31 =	sshrl.u32 s5, $0x3;
	p0 =	sne.s32 s3, s11;
	[sflag:s13] =	ssyncadd.s32 $0xFFFFC180  }
.Ltmp4:
0xc1: {  	s23 =	sor.u32 $0x1C03, s30;
	[bflag:$0x0] =	sbarrier.arrive $0xFFFF;
	(pc) =	sbr.rel @p0 .LBB2_1-.Ltmp4, $4  }
0xc2: {  	[hbm:s10], [sflag:s23] =	dma.local [spmem:s31], $0x2800  }
0xc3: {  	_ =	swait.ge [sflag:s13], $0x2800  }
0xc4: {  	[sflag:s13] =	ssyncset.done $0x0  }
0xc5: {  	[sflag:s13] =	ssyncadd.s32 $0xFFFFD800  }
0xc6: {  	_ =	sfence.sel $0x180000  }
0xc7: {  	[bflag:$0x0] =	sbarrier.arrive $0xFFFF  }
0xc8: {  	p0 =	sne.s32 s2, $0x0;
	_ =	strace $0x9000004A  }
0xc9: {  	s0 =	sadd.s32 @!p0 $0x100000, s0;
	[bflag:$0x2] =	sbarrier.arrive $0xFFFF  }
0xca: {  	[sflag:s0] =	ssyncadd.tile.s32 @!p0 $0x1;
	_ =	shalt  }
.Lfunc_end2:
_tile_overlayer_lowered:
.L_overlay_start_2:
0xcb: {  	(tag) =	ssettag $0x2  }
0xcc: {  	s0 =	rddreg [dreg:$0x0];
	s2 =	stileid.u32  }
0xcd: {  	s1 =	rddreg [dreg:$0x1];
	p0 =	sne.s32 s2, $0x0  }
0xce: {  	s3 =	rddreg [dreg:$0x2];
	[bflag:$0x3] =	sbarrier.arrive $0xFFFF;
	s2 =	simm.s32 @!p0 $0x1C03  }
0xcf: {  	[timem:s3], [sflag:s2] =	dma.local @!p0 [hbm:s0], s1  }
0xd0: {  	s0 =	simm.s32 @!p0 $0x3  }
0xd1: {  	_ =	swait.ge @!p0 [sflag:s0], s1  }
0xd2: {  	s1 =	ssub.s32 @!p0 $0x0, s1;
	[sflag:s0] =	ssyncset.done @!p0 $0x0  }
0xd3: {  	[sflag:s0] =	ssyncadd.s32 @!p0 s1  }
0xd4: {  	[bflag:$0x3] =	sbarrier.arrive $0xFFFF  }
0xd5: {  	_ =	shalt  }

// kernel: kernel.16.cloned.1.call-start
scs
__scs_entry_jumppad:
0x0: {  	(pc) =	sbr.rel $0x88, $3  }
0x1: {  	(tag) =	ssettag $0x0;
	lr =	simm.s32 $0x1  }
0x2: {  	[smem:$0x3F95] =	sst lr;
	_ =	strace $0xD0000000  }
0x3: {  	_ = 	snop  }
0x4: {  	_ = 	snop  }
0x5: {  	_ = 	snop  }
0x6: {  	_ = 	snop  }
0x7: {  	_ = 	snop  }
__scs_overlays_trampoline_lowered:
0x8: {  	[smem:$0x3FA4] =	sst s0  }
0x9: {  	[smem:$0x3FA5] =	sst s1  }
0xa: {  	[smem:$0x3FA6] =	sst s2  }
0xb: {  	[smem:$0x3FA7] =	sst s3  }
0xc: {  	[smem:$0x3FA8] =	sst s4  }
0xd: {  	[smem:$0x3FA9] =	sst s5  }
0xe: {  	[smem:$0x3FAA] =	sst s6  }
0xf: {  	[smem:$0x3FAB] =	sst s7  }
0x10: {  	[smem:$0x3FAC] =	sst s8  }
0x11: {  	[smem:$0x3FAD] =	sst s9;
	s0 =	simm.s32 @!p0 $0x0  }
0x12: {  	s1 =	sld [smem:$0x3F93];
	s0 =	simm.s32 @p0 $0x1  }
0x13: {  	[smem:$0x3FAE] =	sst s0;
	s0 =	simm.s32 @!p1 $0x0  }
0x14: {  	s2 =	sld [smem:$0x3F92];
	s0 =	simm.s32 @p1 $0x1  }
0x15: {  	[smem:$0x3FAF] =	sst s0;
	s0 =	simm.s32 @!p2 $0x0  }
0x16: {  	s3 =	sld [smem:$0x3FDB];
	s0 =	simm.s32 @p2 $0x1  }
0x17: {  	s4 =	simm.s32 $0x1BF5;
	[smem:$0x3FB1] =	sst s0  }
0x18: {  	s0 =	sld [smem:$0x3F94];
	_ =	swait.ge [sflag:s4], $0x0  }
0x19: {  	s7 =	sld [smem:$0x3F95]  }
0x1a: {  	s8 =	sadd.s32 $0xFFFFE003, lr  }
0x1b: {  	s9 =	sadd.s32 $0xFFFFFEF7, lr;
	s5 =	simm.s32 $0xFFFFFFFF;
	p2 =	slt.u32 s8, $0xFFFFF086  }
0x1c: {  	p1 =	slt.u32 s9, $0xF7A;
	s5 =	simm.s32 @!p2 $0x0  }
0x1d: {  	s5 =	simm.s32 @p1 $0x1;
	p0 =	seq.s32 s7, s2  }
0x1e: {  	s7 =	smul.u32 @!p0 $0xF7A, s2;
	p2 =	seq.s32 @!p0 s5, $0x0  }
0x1f: {  	s9 =	smul.u32 $0xF7A, s1;
	s8 =	simm.s32 @!p0 $0x1BF5;
	p2 =	por !p2, p0  }
0x20: {  	[sflag:s8] =	ssyncset.s32 @!p0 $0xFFFFF086;
	s6 =	sadd.s32 @!p0 s3, s7;
	s7 =	simm.s32 @!p0 $0x108  }
0x21: {  	s3 =	sadd.s32 s3, s9;
	s6 =	sadd.s32 @!p0 $0x88, s6;
	s7 =	simm.s32 @p2 $0x1082  }
0x22: {  	[simem:s7], [sflag:s8] =	dma.local @!p0 [hbm:s6], $0xF7A  }
0x23: {  	s9 =	sor.u32 $0xD0000000, s2;
	s6 =	simm.s32 $0x108;
	_ =	swait.ge @!p0 [sflag:s8], $0x0  }
0x24: {  	s3 =	sadd.s32 $0x88, s3;
	s6 =	simm.s32 @!p1 $0x1082;
	[sflag:s4] =	ssyncset.s32 $0xFFFFF086  }
0x25: {  	[simem:s6], [sflag:s4] =	dma.local [hbm:s3], $0xF7A  }
0x26: {  	[smem:$0x3F95] =	sst s1;
	(tag) =	ssettag s2;
	_ =	strace s9  }
0x27: {  	s1 =	sld [smem:$0x3FA5]  }
0x28: {  	s2 =	sld [smem:$0x3FA6]  }
0x29: {  	s4 =	sld [smem:$0x3FA8]  }
0x2a: {  	p0 =	seq.s32 s5, $0x0;
	s5 =	sld [smem:$0x3FA9]  }
0x2b: {  	s6 =	sld [smem:$0x3FAA]  }
0x2c: {  	s7 =	sld [smem:$0x3FAB]  }
0x2d: {  	s3 =	simm.s32 $0x108;
	s8 =	sld [smem:$0x3FAC]  }
0x2e: {  	s3 =	simm.s32 @!p0 $0x1082;
	s9 =	sld [smem:$0x3FAD]  }
0x2f: {  	lr =	sadd.s32 s0, s3;
	s0 =	sld [smem:$0x3FA4]  }
0x30: {  	s3 =	sld [smem:$0x3FA7]  }
0x31: {  	[smem:$0x3FB0] =	sst s10  }
0x32: {  	s10 =	sld [smem:$0x3FAE];
	_ =	sdelay $0x3  }
0x33: {  	p0 =	seq.s32 s10, $0x1;
	s10 =	sld [smem:$0x3FB0];
	_ =	sdelay $0x3  }
0x34: {  	[smem:$0x3FB0] =	sst s10  }
0x35: {  	s10 =	sld [smem:$0x3FAF];
	_ =	sdelay $0x3  }
0x36: {  	p1 =	seq.s32 s10, $0x1;
	s10 =	sld [smem:$0x3FB0];
	_ =	sdelay $0x3  }
0x37: {  	[smem:$0x3FB0] =	sst s10  }
0x38: {  	s10 =	sld [smem:$0x3FB1]  }
0x39: {  	_ = 	snop;
	(pc) =	sbr.ind lr, $3  }
0x3a: {  	_ = 	snop  }
0x3b: {  	_ = 	snop  }
0x3c: {  	p2 =	seq.s32 s10, $0x1;
	s10 =	sld [smem:$0x3FB0]  }
0x3d: {  	_ =	shalt  }
0x3e: {  	_ =	shalt  }
0x3f: {  	_ =	shalt  }
0x40: {  	_ =	shalt  }
0x41: {  	_ =	shalt  }
0x42: {  	_ =	shalt  }
0x43: {  	_ =	shalt  }
0x44: {  	_ =	shalt  }
0x45: {  	_ =	shalt  }
0x46: {  	_ =	shalt  }
0x47: {  	_ =	shalt  }
0x48: {  	_ =	shalt  }
0x49: {  	_ =	shalt  }
0x4a: {  	_ =	shalt  }
0x4b: {  	_ =	shalt  }
0x4c: {  	_ =	shalt  }
0x4d: {  	_ =	shalt  }
0x4e: {  	_ =	shalt  }
0x4f: {  	_ =	shalt  }
0x50: {  	_ =	shalt  }
0x51: {  	_ =	shalt  }
0x52: {  	_ =	shalt  }
0x53: {  	_ =	shalt  }
0x54: {  	_ =	shalt  }
0x55: {  	_ =	shalt  }
0x56: {  	_ =	shalt  }
0x57: {  	_ =	shalt  }
0x58: {  	_ =	shalt  }
0x59: {  	_ =	shalt  }
0x5a: {  	_ =	shalt  }
0x5b: {  	_ =	shalt  }
0x5c: {  	_ =	shalt  }
0x5d: {  	_ =	shalt  }
0x5e: {  	_ =	shalt  }
0x5f: {  	_ =	shalt  }
0x60: {  	_ =	shalt  }
0x61: {  	_ =	shalt  }
0x62: {  	_ =	shalt  }
0x63: {  	_ =	shalt  }
0x64: {  	_ =	shalt  }
0x65: {  	_ =	shalt  }
0x66: {  	_ =	shalt  }
0x67: {  	_ =	shalt  }
0x68: {  	_ =	shalt  }
0x69: {  	_ =	shalt  }
0x6a: {  	_ =	shalt  }
0x6b: {  	_ =	shalt  }
0x6c: {  	_ =	shalt  }
0x6d: {  	_ =	shalt  }
0x6e: {  	_ =	shalt  }
0x6f: {  	_ =	shalt  }
0x70: {  	_ =	shalt  }
0x71: {  	_ =	shalt  }
0x72: {  	_ =	shalt  }
0x73: {  	_ =	shalt  }
0x74: {  	_ =	shalt  }
0x75: {  	_ =	shalt  }
0x76: {  	_ =	shalt  }
0x77: {  	_ =	shalt  }
0x78: {  	_ =	shalt  }
0x79: {  	_ =	shalt  }
0x7a: {  	_ =	shalt  }
0x7b: {  	_ =	shalt  }
0x7c: {  	_ =	shalt  }
0x7d: {  	_ =	shalt  }
0x7e: {  	_ =	shalt  }
0x7f: {  	_ =	shalt  }
0x80: {  	_ =	shalt  }
0x81: {  	_ =	shalt  }
0x82: {  	_ =	shalt  }
0x83: {  	_ =	shalt  }
0x84: {  	_ =	shalt  }
0x85: {  	_ =	shalt  }
0x86: {  	_ =	shalt  }
0x87: {  	_ =	shalt  }
.Lfunc_end0:
.L_simem_size_0:
called_computation.2_lowered:
.L_overlay_start_0:
0x88: {  	s2 =	sld [smem:$0x3FD9]  }
0x89: {  	s3 =	sld [smem:$0x3FFE];
	_ =	sdelay $0x1  }
0x8a: {  	s1 =	srdreg.scid  }
0x8b: {  	s0 =	sand.u32 $0x1, s1  }
0x8c: {  	s16 =	sshll.u32 s0, $0xA;
	s2 =	sadd.s32 s3, s2  }
0x8d: {  	s2 =	sadd.s32 s2, s16  }
0x8e: {  	[smem:$0x3FBC] =	sst s2  }
0x8f: {  	_ = 	snop  }
0x90: {  	(tm) =	ssettm $0x1  }
0x91: {  	s17 =	sld [smem:$0x3FFB];
	_ =	sdelay $0x3  }
0x92: {  	_ =	strace s17  }
0x93: {  	s2 =	sld [smem:$0x3FFC];
	_ =	sdelay $0x3  }
0x94: {  	_ =	strace s2  }
0x95: {  	s2 =	sld [smem:$0x3FFD];
	_ =	sdelay $0x3  }
0x96: {  	_ =	strace s2  }
0x97: {  	_ =	strace $0x8FFFFFFF  }
0x98: {  	s18 =	sld [smem:$0x3FDB];
	_ =	sdelay $0x1  }
0x99: {  	s19 =	simm.s32 $_scs_section_size  }
0x9a: {  	s4 =	simm.s32 $_size__tile_overlayer_lowered;
	s5 =	simm.s32 $_tile_overlayer_lowered  }
0x9b: {  	s22 =	simm.s32 $0x1BFF;
	s21 =	sshll.u32 s5, $0x1;
	s2 =	sadd.s32 s19, s18  }
0x9c: {  	s6 =	simm.s32 $0x0;
	s20 =	sshll.u32 s4, $0x1;
	s4 =	sadd.s32 s21, s2  }
0x9d: {  	[timem:s6], [sflag:s22] =	dma.local [hbm:s4], s20  }
0x9e: {  	_ =	swait.ge [sflag:s22], s20  }
0x9f: {  	s3 =	ssub.s32 $0x0, s20;
	[sflag:s22] =	ssyncset.done $0x0  }
0xa0: {  	[sflag:s22] =	ssyncadd.s32 s3;
	_ =	sdelay $0x1  }
0xa1: {  	s23 =	simm.s32 $0x1B8B  }
0xa2: {  	_ =	swait.ge [sflag:s23], $0x1  }
0xa3: {  	[sflag:s23] =	ssyncset.done $0x0  }
0xa4: {  	s25 =	simm.s32 $0x1B8E;
	s24 =	sld [smem:$0x3FFE];
	[sflag:s23] =	ssyncadd.s32 $0xFFFFFFFF  }
0xa5: {  	s26 =	simm.s32 $execute0_lowered;
	[smem:$0x3FD2] =	sst s25  }
0xa6: {  	s4 =	sshll.u32 s26, $0x1;
	_ =	strace $0x8000004C;
	[dreg:$0x1] =	wrdreg $0xFFFFFFFF  }
0xa7: {  	s28 =	simm.s32 $_size_execute0_lowered;
	s2 =	sadd.s32 s2, s4;
	[dreg:$0x0] =	wrdreg $0x0  }
0xa8: {  	s4 =	sshll.u32 s28, $0x1;
	[dreg:$0x2] =	wrdreg s2  }
0xa9: {  	[dreg:$0x3] =	wrdreg s4  }
0xaa: {  	[dreg:$0x4] =	wrdreg $0xC0  }
0xab: {  	_ =	task [dreg:s6], $0x5FFFF  }
0xac: {  	[dreg:$0x1] =	wrdreg $0xFFFFFFFF  }
0xad: {  	[dreg:$0x0] =	wrdreg $0x60  }
0xae: {  	[dreg:$0x2] =	wrdreg s24  }
0xaf: {  	[dreg:$0x3] =	wrdreg $0xB0000  }
0xb0: {  	[dreg:$0x4] =	wrdreg $0x9  }
0xb1: {  	_ =	task.clear_ibuf [dreg:s6], $0x5FFFF;
	_ =	strace $0x9000004C  }
0xb2: {  	s29 =	simm.s32 $0x9;
	_ =	strace $0x8000004E  }
0xb3: {  	_ =	swait.ge [sflag:s29], $0x1  }
0xb4: {  	[sflag:s29] =	ssyncadd.s32 $0xFFFFFFFF  }
0xb5: {  	_ =	strace $0x9000004E  }
0xb6: {  	_ =	sfence  }
0xb7: {  	s30 =	sld [smem:$0x0];
	_ =	sdelay $0x2  }
0xb8: {  	s31 =	sshll.u32 s1, $0xD;
	s1 =	sshrl.u32 s1, $0x2  }
0xb9: {  	s3 =	sand.u32 $0x4000, s31;
	s1 =	sadd.s32 s1, s30  }
0xba: {  	s0 =	sor.u32 s3, s0;
	s1 =	sshll.u32 s1, $0x11  }
0xbb: {  	s0 =	sor.u32 s1, s0  }
0xbc: {  	s0 =	sadd.s32 $0x8F2B, s0  }
0xbd: {  	[sflag:s0] =	ssyncadd.remote.s32 $0x1  }
0xbe: {  	_ =	sfence.sel $0xFFFF  }
0xbf: {  	[dreg:$0x0] =	wrdreg $0xFFFFFFFF;
	(pc) =	sbr.abs _section_cstart, $3  }
0xc0: {  	[dreg:$0x1] =	wrdreg $0xFFFFFFFF  }
0xc1: {  	_ =	task.clear_ibuf [dreg:s6], $0x2FFFF;
	_ =	strace $0x9FFFFFFF  }
0xc2: {  	(tm) =	ssettm $0x7FFFFFFF  }
0xc3: {  	_ =	shalt  }
tec
execute0_lowered:
.L_overlay_start_1:
0x0: {  	(tag) =	ssettag $0x1  }
0x1: {  	s5 =	rddreg [dreg:$0x0]  }
0x2: {  	s1 =	rddreg [dreg:$0x1]  }
0x3: {  	s2 =	srdreg.scid;
	s0 =	rddreg [dreg:$0x2]  }
0x4: {  	s3 =	simm.s32 $0x0;
	s14 =	simm.s32 $0x1400;
	s15 =	simm.s32 $0x7D  }
0x5: {  	s16 =	simm.s32 $0x2800;
	s17 =	simm.s32 $0x6800;
	s18 =	simm.s32 $0x1  }
0x6: {  	s19 =	simm.s32 $0x2;
	s20 =	simm.s32 $0x1380;
	s21 =	simm.s32 $0x2700  }
0x7: {  	s22 =	simm.s32 $0x2780;
	s6 =	sand.u32 $0x1, s2;
	s2 =	stileid.u32  }
0x8: {  	[smem:$0x7FF] =	sst s3;
	s4 =	sadd.s32 $0xD400, s5;
	s7 =	smul.u32 $0x140000, s6  }
0x9: {  	s9 =	sadd.s32 $0x5D400, s5;
	s10 =	sadd.s32 $0x3400, s5;
	s8 =	smul.u32 $0x14000, s2  }
0xa: {  	_ =	strace $0x8000004D;
	s26 =	sshll.u32 s2, $0x1;
	s11 =	smul.u32 $0x50000, s2  }
0xb: {  	s28 =	ssub.s32 $0x2, s6;
	s7 =	sadd.s32 s8, s7;
	s8 =	sor.u32 s6, s26  }
0xc: {  	s30 =	sshrl.u32 s28, $0x1;
	s11 =	sshrl.u32 s11, $0x2;
	s29 =	smul.u32 $0x2800, s8  }
0xd: {  	s13 =	ssub.s32 s28, s30;
	s7 =	sshrl.u32 s7, $0x3;
	s8 =	smul.u32 $0x500, s8  }
0xe: {  	s12 =	sadd.s32 s7, s5;
	s5 =	sadd.s32 s11, s1;
	s31 =	sshrl.u32 s29, $0x3  }
0xf: {  	s6 =	sadd.s32 s9, s8;
	s7 =	sadd.s32 s10, s8;
	s11 =	sadd.s32 $0x280, s31  }
0x10: {  	s8 =	sadd.s32 s9, s11;
	s9 =	sadd.s32 s10, s11;
	s10 =	sadd.s32 $0x67400, s12  }
0x11: {  	v0 =	vimm.f32 $0.0e+00;
	s11 =	smax.u32 s13, $0x1;
	s12 =	simm.s32 $0xA800;
	s13 =	simm.s32 $0x3  }
.LBB2_1:
0x12: {  	s23 =	simm.s32 $0x0;
	s24 =	simm.s32 $0x200  }
.LBB2_2:
0x13: {  	p0 =	sne.s32 s24, $0x1E00;
	[tilespmem:s23+$0xA870] =	vst v0  }
0x14: {  	[tilespmem:s23+$0xA800] =	vst v0  }
0x15: {  	[tilespmem:s23+$0xA810] =	vst v0  }
.Ltmp0:
0x16: {  	[tilespmem:s23+$0xA820] =	vst v0;
	(pc) =	sbr.rel @p0 .LBB2_2-.Ltmp0, $4  }
0x17: {  	[tilespmem:s23+$0xA830] =	vst v0  }
0x18: {  	[tilespmem:s23+$0xA840] =	vst v0  }
0x19: {  	[tilespmem:s23+$0xA850] =	vst v0  }
0x1a: {  	[tilespmem:s23+$0xA860] =	vst v0;
	s23 =	sshra.s32 s24, $0x2;
	s24 =	sadd.s32 $0x200, s24  }
0x1b: {  	[tilespmem:s23+$0xA870] =	vst v0  }
0x1c: {  	[tilespmem:s23+$0xA800] =	vst v0  }
0x1d: {  	[tilespmem:s23+$0xA810] =	vst v0  }
0x1e: {  	[tilespmem:s23+$0xA820] =	vst v0  }
0x1f: {  	[tilespmem:s23+$0xA830] =	vst v0  }
0x20: {  	[tilespmem:s23+$0xA840] =	vst v0  }
0x21: {  	[tilespmem:s23+$0xA850] =	vst v0  }
0x22: {  	[tilespmem:s23+$0xA860] =	vst v0;
	s31 =	sadd.s32 $0x0, s5  }
0x23: {  	[spmem:s31] =	stream.linear.scatter [tilespmem:s12], [sflag:$0x3], $0x800, $0x38;
	[tilespmem:$0x1F000] =	vst v63  }
0x24: {  	s23 =	simm.s32 $0x2000;
	_ =	swait.ge [sflag:s13], $0x800  }
.LBB2_4:
0x25: {  	s24 =	sshra.s32 s23, $0x2;
	[sflag:s13] =	ssyncset.done $0x0;
	p0 =	sne.s32 s23, $0x4E000  }
.Ltmp1:
0x26: {  	s24 =	sadd.s32 s24, s5;
	[sflag:s13] =	ssyncadd.s32 $0xFFFFF800;
	(pc) =	sbr.rel @p0 .LBB2_4-.Ltmp1, $3  }
0x27: {  	[spmem:s24] =	stream.linear.scatter [tilespmem:s12], [sflag:$0x3], $0x800, $0x38;
	[tilespmem:$0x1F000] =	vst v63  }
0x28: {  	s23 =	sadd.s32 $0x2000, s23;
	_ =	sdelay $0x1  }
0x29: {  	_ =	swait.ge [sflag:s13], $0x800  }
0x2a: {  	[sflag:s13] =	ssyncset.done $0x0  }
0x2b: {  	[sflag:s13] =	ssyncadd.s32 $0xFFFFF800  }
0x2c: {  	s23 =	simm.s32 $0x0;
	[bflag:$0x0] =	sbarrier.arrive $0xFFFF  }
0x2d: {  	[tilespmem:s23], [sflag:$0x3] =	stream.linear.gather [hbm4b:s6+s23], $0x1400, $0x38;
	[tilespmem:$0x1F000] =	vst v63  }
0x2e: {  	_ =	swait.ge [sflag:s13], $0x1400  }
0x2f: {  	[sflag:s13] =	ssyncset.done $0x0  }
0x30: {  	[sflag:s13] =	ssyncadd.s32 $0xFFFFEC00  }
0x31: {  	[tilespmem:s14], [sflag:$0x3] =	stream.linear.gather [hbm4b:s7+s23], $0x1400, $0x38;
	[tilespmem:$0x1F000] =	vst v63  }
0x32: {  	_ =	swait.ge [sflag:s13], $0x1400  }
0x33: {  	[sflag:s13] =	ssyncset.done $0x0  }
0x34: {  	[sflag:s13] =	ssyncadd.s32 $0xFFFFEC00  }
0x35: {  	[tilespmem:s16], [sflag:$0x1] =	stream.indirect.gather [hbm4b:s4+s15], $0x80, s23, s15, $0xb8;
	[tilespmem:$0x1F000] =	vst v63  }
0x36: {  	s28 =	simm.s32 $0x80  }
0x37: {  	[tilespmem:s17], [sflag:$0x2] =	stream.indirect.gather [hbm4b:s4+s15], $0x80, s28, s15, $0xb8;
	[tilespmem:$0x1F000] =	vst v63  }
0x38: {  	_ =	swait.ge [sflag:s18], $0x3E80  }
0x39: {  	[sflag:s18] =	ssyncset.done $0x0  }
0x3a: {  	s29 =	simm.s32 $0x1400;
	[sflag:s18] =	ssyncadd.s32 $0xFFFFC180  }
0x3b: {  	[spmem:s1] =	stream.indirect.scatter.add.f32 [tilespmem:s16], [sflag:$0x3], $0x80, s29, s15, $0xb8;
	[tilespmem:$0x1F000] =	vst v63  }
0x3c: {  	_ =	swait.ge [sflag:s13], $0x3E80  }
0x3d: {  	[sflag:s13] =	ssyncset.done $0x0  }
0x3e: {  	s30 =	simm.s32 $0x100;
	[sflag:s13] =	ssyncadd.s32 $0xFFFFC180  }
0x3f: {  	[tilespmem:s16], [sflag:$0x1] =	stream.indirect.gather [hbm4b:s4+s15], $0x80, s30, s15, $0xb8;
	[tilespmem:$0x1F000] =	vst v63  }
0x40: {  	_ =	swait.ge [sflag:s19], $0x3E80  }
0x41: {  	[sflag:s19] =	ssyncset.done $0x0  }
0x42: {  	s31 =	simm.s32 $0x1480;
	[sflag:s19] =	ssyncadd.s32 $0xFFFFC180  }
0x43: {  	[spmem:s1] =	stream.indirect.scatter.add.f32 [tilespmem:s17], [sflag:$0x3], $0x80, s31, s15, $0xb8;
	[tilespmem:$0x1F000] =	vst v63  }
0x44: {  	_ =	swait.ge [sflag:s13], $0x3E80  }
0x45: {  	s24 =	simm.s32 $0x800;
	s23 =	simm.s32 $0x100;
	[sflag:s13] =	ssyncset.done $0x0  }
.LBB2_6:
0x46: {  	s25 =	sadd.s32 $0x80, s23  }
0x47: {  	[sflag:s13] =	ssyncadd.s32 $0xFFFFC180;
	s26 =	smov.u32 s24;
	s28 =	sadd.s32 $0x400, s24  }
0x48: {  	[tilespmem:s17], [sflag:$0x2] =	stream.indirect.gather [hbm4b:s4+s15], $0x80, s25, s15, $0xb8;
	[tilespmem:$0x1F000] =	vst v63  }
0x49: {  	p0 =	sne.s32 s24, $0x4800;
	_ =	swait.ge [sflag:s18], $0x3E80  }
0x4a: {  	[sflag:s18] =	ssyncset.done $0x0  }
0x4b: {  	s24 =	sadd.s32 $0x1400, s23;
	[sflag:s18] =	ssyncadd.s32 $0xFFFFC180  }
0x4c: {  	[spmem:s1] =	stream.indirect.scatter.add.f32 [tilespmem:s16], [sflag:$0x3], $0x80, s24, s15, $0xb8;
	[tilespmem:$0x1F000] =	vst v63  }
0x4d: {  	_ =	swait.ge [sflag:s13], $0x3E80  }
0x4e: {  	[sflag:s13] =	ssyncset.done $0x0  }
0x4f: {  	s24 =	sadd.s32 $0x100, s23;
	[sflag:s13] =	ssyncadd.s32 $0xFFFFC180  }
0x50: {  	[tilespmem:s16], [sflag:$0x1] =	stream.indirect.gather [hbm4b:s4+s15], $0x80, s24, s15, $0xb8;
	[tilespmem:$0x1F000] =	vst v63  }
0x51: {  	_ =	swait.ge [sflag:s19], $0x3E80  }
.Ltmp2:
0x52: {  	[sflag:s19] =	ssyncset.done $0x0;
	(pc) =	sbr.rel @p0 .LBB2_6-.Ltmp2, $4  }
0x53: {  	s23 =	sadd.s32 $0x1480, s23;
	[sflag:s19] =	ssyncadd.s32 $0xFFFFC180  }
0x54: {  	[spmem:s1] =	stream.indirect.scatter.add.f32 [tilespmem:s17], [sflag:$0x3], $0x80, s23, s15, $0xb8;
	[tilespmem:$0x1F000] =	vst v63  }
0x55: {  	_ =	swait.ge [sflag:s13], $0x3E80  }
0x56: {  	s24 =	smov.u32 s28;
	s23 =	sshra.s32 s26, $0x2;
	[sflag:s13] =	ssyncset.done $0x0  }
0x57: {  	s24 =	sadd.s32 $0x80, s23;
	[sflag:s13] =	ssyncadd.s32 $0xFFFFC180  }
0x58: {  	[tilespmem:s17], [sflag:$0x2] =	stream.indirect.gather [hbm4b:s4+s15], $0x80, s24, s15, $0xb8;
	[tilespmem:$0x1F000] =	vst v63  }
0x59: {  	_ =	swait.ge [sflag:s18], $0x3E80  }
0x5a: {  	[sflag:s18] =	ssyncset.done $0x0  }
0x5b: {  	s30 =	sadd.s32 $0x1400, s23;
	[sflag:s18] =	ssyncadd.s32 $0xFFFFC180  }
0x5c: {  	[spmem:s1] =	stream.indirect.scatter.add.f32 [tilespmem:s16], [sflag:$0x3], $0x80, s30, s15, $0xb8;
	[tilespmem:$0x1F000] =	vst v63  }
0x5d: {  	_ =	swait.ge [sflag:s13], $0x3E80  }
0x5e: {  	[sflag:s13] =	ssyncset.done $0x0  }
0x5f: {  	s31 =	sadd.s32 $0x100, s23;
	[sflag:s13] =	ssyncadd.s32 $0xFFFFC180  }
0x60: {  	[tilespmem:s16], [sflag:$0x1] =	stream.indirect.gather [hbm4b:s4+s15], $0x80, s31, s15, $0xb8;
	[tilespmem:$0x1F000] =	vst v63  }
0x61: {  	_ =	swait.ge [sflag:s19], $0x3E80  }
0x62: {  	[sflag:s19] =	ssyncset.done $0x0  }
0x63: {  	s25 =	sadd.s32 $0x1480, s23;
	[sflag:s19] =	ssyncadd.s32 $0xFFFFC180  }
0x64: {  	[spmem:s1] =	stream.indirect.scatter.add.f32 [tilespmem:s17], [sflag:$0x3], $0x80, s25, s15, $0xb8;
	[tilespmem:$0x1F000] =	vst v63  }
0x65: {  	_ =	swait.ge [sflag:s13], $0x3E80  }
0x66: {  	[sflag:s13] =	ssyncset.done $0x0  }
0x67: {  	[sflag:s13] =	ssyncadd.s32 $0xFFFFC180  }
0x68: {  	[tilespmem:s17], [sflag:$0x2] =	stream.indirect.gather [hbm4b:s4+s15], $0x80, s20, s15, $0xb8;
	[tilespmem:$0x1F000] =	vst v63  }
0x69: {  	_ =	swait.ge [sflag:s18], $0x3E80  }
0x6a: {  	[sflag:s18] =	ssyncset.done $0x0  }
0x6b: {  	[sflag:s18] =	ssyncadd.s32 $0xFFFFC180  }
0x6c: {  	[spmem:s1] =	stream.indirect.scatter.add.f32 [tilespmem:s16], [sflag:$0x3], $0x80, s21, s15, $0xb8;
	[tilespmem:$0x1F000] =	vst v63  }
0x6d: {  	_ =	swait.ge [sflag:s13], $0x3E80  }
0x6e: {  	[sflag:s13] =	ssyncset.done $0x0  }
0x6f: {  	[sflag:s13] =	ssyncadd.s32 $0xFFFFC180  }
0x70: {  	_ =	swait.ge [sflag:s19], $0x3E80  }
0x71: {  	[sflag:s19] =	ssyncset.done $0x0  }
0x72: {  	[sflag:s19] =	ssyncadd.s32 $0xFFFFC180  }
0x73: {  	[spmem:s1] =	stream.indirect.scatter.add.f32 [tilespmem:s17], [sflag:$0x3], $0x80, s22, s15, $0xb8;
	[tilespmem:$0x1F000] =	vst v63  }
0x74: {  	_ =	swait.ge [sflag:s13], $0x3E80  }
0x75: {  	[sflag:s13] =	ssyncset.done $0x0  }
0x76: {  	s26 =	simm.s32 $0x0;
	[sflag:s13] =	ssyncadd.s32 $0xFFFFC180  }
0x77: {  	[tilespmem:s26], [sflag:$0x3] =	stream.linear.gather [hbm4b:s8+s26], $0x1400, $0x38;
	[tilespmem:$0x1F000] =	vst v63  }
0x78: {  	_ =	swait.ge [sflag:s13], $0x1400  }
0x79: {  	[sflag:s13] =	ssyncset.done $0x0  }
0x7a: {  	[sflag:s13] =	ssyncadd.s32 $0xFFFFEC00  }
0x7b: {  	[tilespmem:s14], [sflag:$0x3] =	stream.linear.gather [hbm4b:s9+s26], $0x1400, $0x38;
	[tilespmem:$0x1F000] =	vst v63  }
0x7c: {  	_ =	swait.ge [sflag:s13], $0x1400  }
0x7d: {  	[sflag:s13] =	ssyncset.done $0x0  }
0x7e: {  	[sflag:s13] =	ssyncadd.s32 $0xFFFFEC00  }
0x7f: {  	[tilespmem:s16], [sflag:$0x1] =	stream.indirect.gather [hbm4b:s4+s15], $0x80, s26, s15, $0xb8;
	[tilespmem:$0x1F000] =	vst v63  }
0x80: {  	s28 =	simm.s32 $0x80  }
0x81: {  	[tilespmem:s17], [sflag:$0x2] =	stream.indirect.gather [hbm4b:s4+s15], $0x80, s28, s15, $0xb8;
	[tilespmem:$0x1F000] =	vst v63  }
0x82: {  	_ =	swait.ge [sflag:s18], $0x3E80  }
0x83: {  	[sflag:s18] =	ssyncset.done $0x0  }
0x84: {  	s29 =	simm.s32 $0x1400;
	[sflag:s18] =	ssyncadd.s32 $0xFFFFC180  }
0x85: {  	[spmem:s1] =	stream.indirect.scatter.add.f32 [tilespmem:s16], [sflag:$0x3], $0x80, s29, s15, $0xb8;
	[tilespmem:$0x1F000] =	vst v63  }
0x86: {  	_ =	swait.ge [sflag:s13], $0x3E80  }
0x87: {  	[sflag:s13] =	ssyncset.done $0x0  }
0x88: {  	s30 =	simm.s32 $0x100;
	[sflag:s13] =	ssyncadd.s32 $0xFFFFC180  }
0x89: {  	[tilespmem:s16], [sflag:$0x1] =	stream.indirect.gather [hbm4b:s4+s15], $0x80, s30, s15, $0xb8;
	[tilespmem:$0x1F000] =	vst v63  }
0x8a: {  	_ =	swait.ge [sflag:s19], $0x3E80  }
0x8b: {  	[sflag:s19] =	ssyncset.done $0x0  }
0x8c: {  	s31 =	simm.s32 $0x1480;
	[sflag:s19] =	ssyncadd.s32 $0xFFFFC180  }
0x8d: {  	[spmem:s1] =	stream.indirect.scatter.add.f32 [tilespmem:s17], [sflag:$0x3], $0x80, s31, s15, $0xb8;
	[tilespmem:$0x1F000] =	vst v63  }
0x8e: {  	_ =	swait.ge [sflag:s13], $0x3E80  }
0x8f: {  	s23 =	simm.s32 $0x100;
	s24 =	simm.s32 $0x800;
	[sflag:s13] =	ssyncset.done $0x0  }
.LBB2_8:
0x90: {  	s25 =	sadd.s32 $0x80, s23  }
0x91: {  	[sflag:s13] =	ssyncadd.s32 $0xFFFFC180;
	s26 =	smov.u32 s24;
	s28 =	sadd.s32 $0x400, s24  }
0x92: {  	[tilespmem:s17], [sflag:$0x2] =	stream.indirect.gather [hbm4b:s4+s15], $0x80, s25, s15, $0xb8;
	[tilespmem:$0x1F000] =	vst v63  }
0x93: {  	p0 =	sne.s32 s24, $0x4800;
	_ =	swait.ge [sflag:s18], $0x3E80  }
0x94: {  	[sflag:s18] =	ssyncset.done $0x0  }
0x95: {  	s24 =	sadd.s32 $0x1400, s23;
	[sflag:s18] =	ssyncadd.s32 $0xFFFFC180  }
0x96: {  	[spmem:s1] =	stream.indirect.scatter.add.f32 [tilespmem:s16], [sflag:$0x3], $0x80, s24, s15, $0xb8;
	[tilespmem:$0x1F000] =	vst v63  }
0x97: {  	_ =	swait.ge [sflag:s13], $0x3E80  }
0x98: {  	[sflag:s13] =	ssyncset.done $0x0  }
0x99: {  	s24 =	sadd.s32 $0x100, s23;
	[sflag:s13] =	ssyncadd.s32 $0xFFFFC180  }
0x9a: {  	[tilespmem:s16], [sflag:$0x1] =	stream.indirect.gather [hbm4b:s4+s15], $0x80, s24, s15, $0xb8;
	[tilespmem:$0x1F000] =	vst v63  }
0x9b: {  	_ =	swait.ge [sflag:s19], $0x3E80  }
.Ltmp3:
0x9c: {  	[sflag:s19] =	ssyncset.done $0x0;
	(pc) =	sbr.rel @p0 .LBB2_8-.Ltmp3, $4  }
0x9d: {  	s23 =	sadd.s32 $0x1480, s23;
	[sflag:s19] =	ssyncadd.s32 $0xFFFFC180  }
0x9e: {  	[spmem:s1] =	stream.indirect.scatter.add.f32 [tilespmem:s17], [sflag:$0x3], $0x80, s23, s15, $0xb8;
	[tilespmem:$0x1F000] =	vst v63  }
0x9f: {  	_ =	swait.ge [sflag:s13], $0x3E80  }
0xa0: {  	s24 =	smov.u32 s28;
	s23 =	sshra.s32 s26, $0x2;
	[sflag:s13] =	ssyncset.done $0x0  }
0xa1: {  	s24 =	sadd.s32 $0x80, s23;
	[sflag:s13] =	ssyncadd.s32 $0xFFFFC180  }
0xa2: {  	[tilespmem:s17], [sflag:$0x2] =	stream.indirect.gather [hbm4b:s4+s15], $0x80, s24, s15, $0xb8;
	[tilespmem:$0x1F000] =	vst v63  }
0xa3: {  	_ =	swait.ge [sflag:s18], $0x3E80  }
0xa4: {  	[sflag:s18] =	ssyncset.done $0x0  }
0xa5: {  	s26 =	sadd.s32 $0x1400, s23;
	[sflag:s18] =	ssyncadd.s32 $0xFFFFC180  }
0xa6: {  	[spmem:s1] =	stream.indirect.scatter.add.f32 [tilespmem:s16], [sflag:$0x3], $0x80, s26, s15, $0xb8;
	[tilespmem:$0x1F000] =	vst v63  }
0xa7: {  	_ =	swait.ge [sflag:s13], $0x3E80  }
0xa8: {  	[sflag:s13] =	ssyncset.done $0x0  }
0xa9: {  	s28 =	sadd.s32 $0x100, s23;
	[sflag:s13] =	ssyncadd.s32 $0xFFFFC180  }
0xaa: {  	[tilespmem:s16], [sflag:$0x1] =	stream.indirect.gather [hbm4b:s4+s15], $0x80, s28, s15, $0xb8;
	[tilespmem:$0x1F000] =	vst v63  }
0xab: {  	_ =	swait.ge [sflag:s19], $0x3E80  }
0xac: {  	[sflag:s19] =	ssyncset.done $0x0  }
0xad: {  	s29 =	sadd.s32 $0x1480, s23;
	[sflag:s19] =	ssyncadd.s32 $0xFFFFC180  }
0xae: {  	[spmem:s1] =	stream.indirect.scatter.add.f32 [tilespmem:s17], [sflag:$0x3], $0x80, s29, s15, $0xb8;
	[tilespmem:$0x1F000] =	vst v63  }
0xaf: {  	_ =	swait.ge [sflag:s13], $0x3E80  }
0xb0: {  	[sflag:s13] =	ssyncset.done $0x0  }
0xb1: {  	[sflag:s13] =	ssyncadd.s32 $0xFFFFC180  }
0xb2: {  	[tilespmem:s17], [sflag:$0x2] =	stream.indirect.gather [hbm4b:s4+s15], $0x80, s20, s15, $0xb8;
	[tilespmem:$0x1F000] =	vst v63  }
0xb3: {  	_ =	swait.ge [sflag:s18], $0x3E80  }
0xb4: {  	[sflag:s18] =	ssyncset.done $0x0  }
0xb5: {  	[sflag:s18] =	ssyncadd.s32 $0xFFFFC180  }
0xb6: {  	[spmem:s1] =	stream.indirect.scatter.add.f32 [tilespmem:s16], [sflag:$0x3], $0x80, s21, s15, $0xb8;
	[tilespmem:$0x1F000] =	vst v63  }
0xb7: {  	_ =	swait.ge [sflag:s13], $0x3E80  }
0xb8: {  	[sflag:s13] =	ssyncset.done $0x0  }
0xb9: {  	[sflag:s13] =	ssyncadd.s32 $0xFFFFC180  }
0xba: {  	_ =	swait.ge [sflag:s19], $0x3E80  }
0xbb: {  	[sflag:s19] =	ssyncset.done $0x0  }
0xbc: {  	[sflag:s19] =	ssyncadd.s32 $0xFFFFC180  }
0xbd: {  	[spmem:s1] =	stream.indirect.scatter.add.f32 [tilespmem:s17], [sflag:$0x3], $0x80, s22, s15, $0xb8;
	[tilespmem:$0x1F000] =	vst v63  }
0xbe: {  	_ =	swait.ge [sflag:s13], $0x3E80  }
0xbf: {  	s30 =	sshll.u32 s2, $0x6;
	s3 =	sadd.s32 $0x1, s3;
	[sflag:s13] =	ssyncset.done $0x0  }
0xc0: {  	s31 =	sshrl.u32 s5, $0x3;
	p0 =	sne.s32 s3, s11;
	[sflag:s13] =	ssyncadd.s32 $0xFFFFC180  }
.Ltmp4:
0xc1: {  	s23 =	sor.u32 $0x1C03, s30;
	[bflag:$0x0] =	sbarrier.arrive $0xFFFF;
	(pc) =	sbr.rel @p0 .LBB2_1-.Ltmp4, $4  }
0xc2: {  	[hbm:s10], [sflag:s23] =	dma.local [spmem:s31], $0x2800  }
0xc3: {  	_ =	swait.ge [sflag:s13], $0x2800  }
0xc4: {  	[sflag:s13] =	ssyncset.done $0x0  }
0xc5: {  	[sflag:s13] =	ssyncadd.s32 $0xFFFFD800  }
0xc6: {  	_ =	sfence.sel $0x180000  }
0xc7: {  	[bflag:$0x0] =	sbarrier.arrive $0xFFFF  }
0xc8: {  	p0 =	sne.s32 s2, $0x0;
	_ =	strace $0x9000004D  }
0xc9: {  	s0 =	sadd.s32 @!p0 $0x100000, s0;
	[bflag:$0x2] =	sbarrier.arrive $0xFFFF  }
0xca: {  	[sflag:s0] =	ssyncadd.tile.s32 @!p0 $0x1;
	_ =	shalt  }
.Lfunc_end2:
_tile_overlayer_lowered:
.L_overlay_start_2:
0xcb: {  	(tag) =	ssettag $0x2  }
0xcc: {  	s0 =	rddreg [dreg:$0x0];
	s2 =	stileid.u32  }
0xcd: {  	s1 =	rddreg [dreg:$0x1];
	p0 =	sne.s32 s2, $0x0  }
0xce: {  	s3 =	rddreg [dreg:$0x2];
	[bflag:$0x3] =	sbarrier.arrive $0xFFFF;
	s2 =	simm.s32 @!p0 $0x1C03  }
0xcf: {  	[timem:s3], [sflag:s2] =	dma.local @!p0 [hbm:s0], s1  }
0xd0: {  	s0 =	simm.s32 @!p0 $0x3  }
0xd1: {  	_ =	swait.ge @!p0 [sflag:s0], s1  }
0xd2: {  	s1 =	ssub.s32 @!p0 $0x0, s1;
	[sflag:s0] =	ssyncset.done @!p0 $0x0  }
0xd3: {  	[sflag:s0] =	ssyncadd.s32 @!p0 s1  }
0xd4: {  	[bflag:$0x3] =	sbarrier.arrive $0xFFFF  }
0xd5: {  	_ =	shalt  }

// kernel: kernel.19.cloned.1.call-start
scs
__scs_entry_jumppad:
0x0: {  	(pc) =	sbr.rel $0x88, $3  }
0x1: {  	(tag) =	ssettag $0x0;
	lr =	simm.s32 $0x1  }
0x2: {  	[smem:$0x3F95] =	sst lr;
	_ =	strace $0xD0000000  }
0x3: {  	_ = 	snop  }
0x4: {  	_ = 	snop  }
0x5: {  	_ = 	snop  }
0x6: {  	_ = 	snop  }
0x7: {  	_ = 	snop  }
__scs_overlays_trampoline_lowered:
0x8: {  	[smem:$0x3FA4] =	sst s0  }
0x9: {  	[smem:$0x3FA5] =	sst s1  }
0xa: {  	[smem:$0x3FA6] =	sst s2  }
0xb: {  	[smem:$0x3FA7] =	sst s3  }
0xc: {  	[smem:$0x3FA8] =	sst s4  }
0xd: {  	[smem:$0x3FA9] =	sst s5  }
0xe: {  	[smem:$0x3FAA] =	sst s6  }
0xf: {  	[smem:$0x3FAB] =	sst s7  }
0x10: {  	[smem:$0x3FAC] =	sst s8  }
0x11: {  	[smem:$0x3FAD] =	sst s9;
	s0 =	simm.s32 @!p0 $0x0  }
0x12: {  	s1 =	sld [smem:$0x3F93];
	s0 =	simm.s32 @p0 $0x1  }
0x13: {  	[smem:$0x3FAE] =	sst s0;
	s0 =	simm.s32 @!p1 $0x0  }
0x14: {  	s2 =	sld [smem:$0x3F92];
	s0 =	simm.s32 @p1 $0x1  }
0x15: {  	[smem:$0x3FAF] =	sst s0;
	s0 =	simm.s32 @!p2 $0x0  }
0x16: {  	s3 =	sld [smem:$0x3FDB];
	s0 =	simm.s32 @p2 $0x1  }
0x17: {  	s4 =	simm.s32 $0x1BF5;
	[smem:$0x3FB1] =	sst s0  }
0x18: {  	s0 =	sld [smem:$0x3F94];
	_ =	swait.ge [sflag:s4], $0x0  }
0x19: {  	s7 =	sld [smem:$0x3F95]  }
0x1a: {  	s8 =	sadd.s32 $0xFFFFE003, lr  }
0x1b: {  	s9 =	sadd.s32 $0xFFFFFEF7, lr;
	s5 =	simm.s32 $0xFFFFFFFF;
	p2 =	slt.u32 s8, $0xFFFFF086  }
0x1c: {  	p1 =	slt.u32 s9, $0xF7A;
	s5 =	simm.s32 @!p2 $0x0  }
0x1d: {  	s5 =	simm.s32 @p1 $0x1;
	p0 =	seq.s32 s7, s2  }
0x1e: {  	s7 =	smul.u32 @!p0 $0xF7A, s2;
	p2 =	seq.s32 @!p0 s5, $0x0  }
0x1f: {  	s9 =	smul.u32 $0xF7A, s1;
	s8 =	simm.s32 @!p0 $0x1BF5;
	p2 =	por !p2, p0  }
0x20: {  	[sflag:s8] =	ssyncset.s32 @!p0 $0xFFFFF086;
	s6 =	sadd.s32 @!p0 s3, s7;
	s7 =	simm.s32 @!p0 $0x108  }
0x21: {  	s3 =	sadd.s32 s3, s9;
	s6 =	sadd.s32 @!p0 $0x88, s6;
	s7 =	simm.s32 @p2 $0x1082  }
0x22: {  	[simem:s7], [sflag:s8] =	dma.local @!p0 [hbm:s6], $0xF7A  }
0x23: {  	s9 =	sor.u32 $0xD0000000, s2;
	s6 =	simm.s32 $0x108;
	_ =	swait.ge @!p0 [sflag:s8], $0x0  }
0x24: {  	s3 =	sadd.s32 $0x88, s3;
	s6 =	simm.s32 @!p1 $0x1082;
	[sflag:s4] =	ssyncset.s32 $0xFFFFF086  }
0x25: {  	[simem:s6], [sflag:s4] =	dma.local [hbm:s3], $0xF7A  }
0x26: {  	[smem:$0x3F95] =	sst s1;
	(tag) =	ssettag s2;
	_ =	strace s9  }
0x27: {  	s1 =	sld [smem:$0x3FA5]  }
0x28: {  	s2 =	sld [smem:$0x3FA6]  }
0x29: {  	s4 =	sld [smem:$0x3FA8]  }
0x2a: {  	p0 =	seq.s32 s5, $0x0;
	s5 =	sld [smem:$0x3FA9]  }
0x2b: {  	s6 =	sld [smem:$0x3FAA]  }
0x2c: {  	s7 =	sld [smem:$0x3FAB]  }
0x2d: {  	s3 =	simm.s32 $0x108;
	s8 =	sld [smem:$0x3FAC]  }
0x2e: {  	s3 =	simm.s32 @!p0 $0x1082;
	s9 =	sld [smem:$0x3FAD]  }
0x2f: {  	lr =	sadd.s32 s0, s3;
	s0 =	sld [smem:$0x3FA4]  }
0x30: {  	s3 =	sld [smem:$0x3FA7]  }
0x31: {  	[smem:$0x3FB0] =	sst s10  }
0x32: {  	s10 =	sld [smem:$0x3FAE];
	_ =	sdelay $0x3  }
0x33: {  	p0 =	seq.s32 s10, $0x1;
	s10 =	sld [smem:$0x3FB0];
	_ =	sdelay $0x3  }
0x34: {  	[smem:$0x3FB0] =	sst s10  }
0x35: {  	s10 =	sld [smem:$0x3FAF];
	_ =	sdelay $0x3  }
0x36: {  	p1 =	seq.s32 s10, $0x1;
	s10 =	sld [smem:$0x3FB0];
	_ =	sdelay $0x3  }
0x37: {  	[smem:$0x3FB0] =	sst s10  }
0x38: {  	s10 =	sld [smem:$0x3FB1]  }
0x39: {  	_ = 	snop;
	(pc) =	sbr.ind lr, $3  }
0x3a: {  	_ = 	snop  }
0x3b: {  	_ = 	snop  }
0x3c: {  	p2 =	seq.s32 s10, $0x1;
	s10 =	sld [smem:$0x3FB0]  }
0x3d: {  	_ =	shalt  }
0x3e: {  	_ =	shalt  }
0x3f: {  	_ =	shalt  }
0x40: {  	_ =	shalt  }
0x41: {  	_ =	shalt  }
0x42: {  	_ =	shalt  }
0x43: {  	_ =	shalt  }
0x44: {  	_ =	shalt  }
0x45: {  	_ =	shalt  }
0x46: {  	_ =	shalt  }
0x47: {  	_ =	shalt  }
0x48: {  	_ =	shalt  }
0x49: {  	_ =	shalt  }
0x4a: {  	_ =	shalt  }
0x4b: {  	_ =	shalt  }
0x4c: {  	_ =	shalt  }
0x4d: {  	_ =	shalt  }
0x4e: {  	_ =	shalt  }
0x4f: {  	_ =	shalt  }
0x50: {  	_ =	shalt  }
0x51: {  	_ =	shalt  }
0x52: {  	_ =	shalt  }
0x53: {  	_ =	shalt  }
0x54: {  	_ =	shalt  }
0x55: {  	_ =	shalt  }
0x56: {  	_ =	shalt  }
0x57: {  	_ =	shalt  }
0x58: {  	_ =	shalt  }
0x59: {  	_ =	shalt  }
0x5a: {  	_ =	shalt  }
0x5b: {  	_ =	shalt  }
0x5c: {  	_ =	shalt  }
0x5d: {  	_ =	shalt  }
0x5e: {  	_ =	shalt  }
0x5f: {  	_ =	shalt  }
0x60: {  	_ =	shalt  }
0x61: {  	_ =	shalt  }
0x62: {  	_ =	shalt  }
0x63: {  	_ =	shalt  }
0x64: {  	_ =	shalt  }
0x65: {  	_ =	shalt  }
0x66: {  	_ =	shalt  }
0x67: {  	_ =	shalt  }
0x68: {  	_ =	shalt  }
0x69: {  	_ =	shalt  }
0x6a: {  	_ =	shalt  }
0x6b: {  	_ =	shalt  }
0x6c: {  	_ =	shalt  }
0x6d: {  	_ =	shalt  }
0x6e: {  	_ =	shalt  }
0x6f: {  	_ =	shalt  }
0x70: {  	_ =	shalt  }
0x71: {  	_ =	shalt  }
0x72: {  	_ =	shalt  }
0x73: {  	_ =	shalt  }
0x74: {  	_ =	shalt  }
0x75: {  	_ =	shalt  }
0x76: {  	_ =	shalt  }
0x77: {  	_ =	shalt  }
0x78: {  	_ =	shalt  }
0x79: {  	_ =	shalt  }
0x7a: {  	_ =	shalt  }
0x7b: {  	_ =	shalt  }
0x7c: {  	_ =	shalt  }
0x7d: {  	_ =	shalt  }
0x7e: {  	_ =	shalt  }
0x7f: {  	_ =	shalt  }
0x80: {  	_ =	shalt  }
0x81: {  	_ =	shalt  }
0x82: {  	_ =	shalt  }
0x83: {  	_ =	shalt  }
0x84: {  	_ =	shalt  }
0x85: {  	_ =	shalt  }
0x86: {  	_ =	shalt  }
0x87: {  	_ =	shalt  }
.Lfunc_end0:
.L_simem_size_0:
called_computation.3_lowered:
.L_overlay_start_0:
0x88: {  	s2 =	sld [smem:$0x3FD9]  }
0x89: {  	s3 =	sld [smem:$0x3FFE];
	_ =	sdelay $0x1  }
0x8a: {  	s1 =	srdreg.scid  }
0x8b: {  	s0 =	sand.u32 $0x1, s1  }
0x8c: {  	s16 =	sshll.u32 s0, $0xA;
	s2 =	sadd.s32 s3, s2  }
0x8d: {  	s2 =	sadd.s32 s2, s16  }
0x8e: {  	[smem:$0x3FBC] =	sst s2  }
0x8f: {  	_ = 	snop  }
0x90: {  	(tm) =	ssettm $0x1  }
0x91: {  	s17 =	sld [smem:$0x3FFB];
	_ =	sdelay $0x3  }
0x92: {  	_ =	strace s17  }
0x93: {  	s2 =	sld [smem:$0x3FFC];
	_ =	sdelay $0x3  }
0x94: {  	_ =	strace s2  }
0x95: {  	s2 =	sld [smem:$0x3FFD];
	_ =	sdelay $0x3  }
0x96: {  	_ =	strace s2  }
0x97: {  	_ =	strace $0x8FFFFFFF  }
0x98: {  	s18 =	sld [smem:$0x3FDB];
	_ =	sdelay $0x1  }
0x99: {  	s19 =	simm.s32 $_scs_section_size  }
0x9a: {  	s4 =	simm.s32 $_size__tile_overlayer_lowered;
	s5 =	simm.s32 $_tile_overlayer_lowered  }
0x9b: {  	s22 =	simm.s32 $0x1BFF;
	s21 =	sshll.u32 s5, $0x1;
	s2 =	sadd.s32 s19, s18  }
0x9c: {  	s6 =	simm.s32 $0x0;
	s20 =	sshll.u32 s4, $0x1;
	s4 =	sadd.s32 s21, s2  }
0x9d: {  	[timem:s6], [sflag:s22] =	dma.local [hbm:s4], s20  }
0x9e: {  	_ =	swait.ge [sflag:s22], s20  }
0x9f: {  	s3 =	ssub.s32 $0x0, s20;
	[sflag:s22] =	ssyncset.done $0x0  }
0xa0: {  	[sflag:s22] =	ssyncadd.s32 s3;
	_ =	sdelay $0x1  }
0xa1: {  	s23 =	simm.s32 $0x1B8B  }
0xa2: {  	_ =	swait.ge [sflag:s23], $0x1  }
0xa3: {  	[sflag:s23] =	ssyncset.done $0x0  }
0xa4: {  	s25 =	simm.s32 $0x1B8E;
	s24 =	sld [smem:$0x3FFE];
	[sflag:s23] =	ssyncadd.s32 $0xFFFFFFFF  }
0xa5: {  	s26 =	simm.s32 $execute0_lowered;
	[smem:$0x3FD2] =	sst s25  }
0xa6: {  	s4 =	sshll.u32 s26, $0x1;
	_ =	strace $0x8000004F;
	[dreg:$0x1] =	wrdreg $0xFFFFFFFF  }
0xa7: {  	s28 =	simm.s32 $_size_execute0_lowered;
	s2 =	sadd.s32 s2, s4;
	[dreg:$0x0] =	wrdreg $0x0  }
0xa8: {  	s4 =	sshll.u32 s28, $0x1;
	[dreg:$0x2] =	wrdreg s2  }
0xa9: {  	[dreg:$0x3] =	wrdreg s4  }
0xaa: {  	[dreg:$0x4] =	wrdreg $0xC0  }
0xab: {  	_ =	task [dreg:s6], $0x5FFFF  }
0xac: {  	[dreg:$0x1] =	wrdreg $0xFFFFFFFF  }
0xad: {  	[dreg:$0x0] =	wrdreg $0x60  }
0xae: {  	[dreg:$0x2] =	wrdreg s24  }
0xaf: {  	[dreg:$0x3] =	wrdreg $0x9  }
0xb0: {  	_ =	task.clear_ibuf [dreg:s6], $0x4FFFF;
	_ =	strace $0x9000004F  }
0xb1: {  	s29 =	simm.s32 $0x9;
	_ =	strace $0x80000051  }
0xb2: {  	_ =	swait.ge [sflag:s29], $0x1  }
0xb3: {  	[sflag:s29] =	ssyncadd.s32 $0xFFFFFFFF  }
0xb4: {  	_ =	strace $0x90000051  }
0xb5: {  	_ =	sfence  }
0xb6: {  	s30 =	sld [smem:$0x0];
	_ =	sdelay $0x2  }
0xb7: {  	s31 =	sshll.u32 s1, $0xD;
	s1 =	sshrl.u32 s1, $0x2  }
0xb8: {  	s3 =	sand.u32 $0x4000, s31;
	s1 =	sadd.s32 s1, s30  }
0xb9: {  	s0 =	sor.u32 s3, s0;
	s1 =	sshll.u32 s1, $0x11  }
0xba: {  	s0 =	sor.u32 s1, s0  }
0xbb: {  	s0 =	sadd.s32 $0x8F2B, s0  }
0xbc: {  	[sflag:s0] =	ssyncadd.remote.s32 $0x1  }
0xbd: {  	_ =	sfence.sel $0xFFFF  }
0xbe: {  	[dreg:$0x0] =	wrdreg $0xFFFFFFFF;
	(pc) =	sbr.abs _section_cstart, $3  }
0xbf: {  	[dreg:$0x1] =	wrdreg $0xFFFFFFFF  }
0xc0: {  	_ =	task.clear_ibuf [dreg:s6], $0x2FFFF;
	_ =	strace $0x9FFFFFFF  }
0xc1: {  	(tm) =	ssettm $0x7FFFFFFF  }
tec
execute0_lowered:
.L_overlay_start_1:
0x0: {  	(tag) =	ssettag $0x1  }
0x1: {  	s1 =	srdreg.scid;
	s0 =	stileid.u32  }
0x2: {  	s8 =	rddreg [dreg:$0x0];
	s2 =	simm.s32 $0x0;
	s11 =	simm.s32 $0x2800  }
0x3: {  	s12 =	simm.s32 $0x7D;
	s13 =	simm.s32 $0x5000;
	s14 =	simm.s32 $0x9000  }
0x4: {  	s15 =	simm.s32 $0x80;
	s16 =	simm.s32 $0xD000;
	s17 =	simm.s32 $0x2880  }
0x5: {  	s18 =	simm.s32 $0x11000;
	s19 =	simm.s32 $0x1;
	s20 =	simm.s32 $0x15000  }
0x6: {  	s21 =	simm.s32 $0x2;
	s3 =	sand.u32 $0x1, s1;
	s4 =	sshll.u32 s0, $0x1  }
0x7: {  	s22 =	simm.s32 $0x19000;
	s23 =	simm.s32 $0x3;
	s7 =	sor.u32 s3, s4  }
0x8: {  	s24 =	simm.s32 $0x4;
	s25 =	simm.s32 $0x0;
	s4 =	smul.u32 $0x500, s7  }
.Ltmp0:
0x9: {  	[smem:$0x7FF] =	sst s2;
	s5 =	ssub.s32 $0x2, s3;
	(pc) =	sbr.rel .LBB2_1-.Ltmp0, $4  }
0xa: {  	_ =	strace $0x80000050;
	s3 =	sadd.s32 $0x3400, s8;
	s6 =	sshrl.u32 s5, $0x1  }
0xb: {  	s7 =	smul.u32 $0x28000, s7;
	s10 =	ssub.s32 s5, s6;
	s9 =	sadd.s32 s4, s8  }
0xc: {  	s4 =	sadd.s32 $0x49400, s8;
	s8 =	sadd.s32 $0x49C00, s8;
	s5 =	sadd.s32 $0x35400, s9  }
0xd: {  	s6 =	sadd.s32 $0x3F400, s9;
	s9 =	smax.u32 s10, $0x1;
	s10 =	simm.s32 $0x5  }
.LBB2_8:
0xe: {  	s25 =	sadd.s32 $0x1, s25  }
0xf: {  	_ =	swait.ge [sflag:s23], $0x3E80;
	p0 =	sne.s32 s25, s9  }
.Ltmp1:
0x10: {  	[sflag:s23] =	ssyncset.done $0x0;
	(pc) =	sbr.rel @!p0 .LBB2_9-.Ltmp1, $4  }
0x11: {  	[sflag:s23] =	ssyncadd.s32 $0xFFFFC180  }
0x12: {  	_ =	swait.ge [sflag:s24], $0x3E80  }
0x13: {  	[sflag:s24] =	ssyncset.done $0x0  }
0x14: {  	[sflag:s24] =	ssyncadd.s32 $0xFFFFC180  }
.LBB2_1:
0x15: {  	[tilespmem:s2], [sflag:$0x5] =	stream.linear.gather [hbm4b:s5+s2], $0x2800, $0x38;
	[tilespmem:$0x1D000] =	vst v63  }
0x16: {  	_ =	swait.ge [sflag:s10], $0x2800  }
0x17: {  	[sflag:s10] =	ssyncset.done $0x0  }
0x18: {  	[sflag:s10] =	ssyncadd.s32 $0xFFFFD800  }
0x19: {  	[tilespmem:s11], [sflag:$0x5] =	stream.linear.gather [hbm4b:s6+s2], $0x2800, $0x38;
	[tilespmem:$0x1D000] =	vst v63  }
0x1a: {  	_ =	swait.ge [sflag:s10], $0x2800  }
0x1b: {  	[sflag:s10] =	ssyncset.done $0x0  }
0x1c: {  	[sflag:s10] =	ssyncadd.s32 $0xFFFFD800  }
0x1d: {  	[tilespmem:s13], [sflag:$0x1] =	stream.indirect.gather [hbm4b:s3+s12], $0x80, s2, s12, $0xb8;
	[tilespmem:$0x1D000] =	vst v63  }
0x1e: {  	_ = 	snop  }
0x1f: {  	[tilespmem:s14], [sflag:$0x1] =	stream.indirect.gather [hbm4b:s3+s12], $0x80, s11, s12, $0xb8;
	[tilespmem:$0x1D000] =	vst v63  }
0x20: {  	_ = 	snop  }
0x21: {  	[tilespmem:s16], [sflag:$0x2] =	stream.indirect.gather [hbm4b:s3+s12], $0x80, s15, s12, $0xb8;
	[tilespmem:$0x1D000] =	vst v63  }
0x22: {  	s26 =	simm.s32 $0x0  }
0x23: {  	[tilespmem:s18], [sflag:$0x2] =	stream.indirect.gather [hbm4b:s3+s12], $0x80, s17, s12, $0xb8;
	[tilespmem:$0x1D000] =	vst v63  }
.LBB2_2:
0x24: {  	_ =	swait.ge [sflag:s19], $0x3E80  }
0x25: {  	[sflag:s19] =	ssyncset.done $0x0  }
0x26: {  	[sflag:s19] =	ssyncadd.s32 $0xFFFFC180  }
0x27: {  	_ =	swait.ge [sflag:s19], $0x3E80  }
0x28: {  	p0 =	seq.s32 s26, $0x0;
	[sflag:s19] =	ssyncset.done $0x0  }
0x29: {  	s28 =	simm.s32 @!p0 $0x3;
	[sflag:s19] =	ssyncadd.s32 $0xFFFFC180  }
0x2a: {  	_ =	swait.ge @!p0 [sflag:s28], $0x3E80  }
0x2b: {  	[sflag:s28] =	ssyncset.done @!p0 $0x0  }
0x2c: {  	[sflag:s28] =	ssyncadd.s32 @!p0 $0xFFFFC180;
	s28 =	simm.s32 $0x0  }
0x2d: {  	v0 =	vld [tilespmem:s28+$0x5070]  }
0x2e: {  	v1 =	vld [tilespmem:s28+$0x9070]  }
0x2f: {  	v2 =	vld [tilespmem:s28+$0x5000]  }
0x30: {  	v3 =	vld [tilespmem:s28+$0x9000]  }
0x31: {  	v4 =	vld [tilespmem:s28+$0x5010]  }
0x32: {  	v5 =	vld [tilespmem:s28+$0x9010]  }
0x33: {  	v6 =	vld [tilespmem:s28+$0x5020]  }
0x34: {  	v7 =	vld [tilespmem:s28+$0x5030]  }
0x35: {  	v0 =	vmul.f32 v1, v0;
	v1 =	vld [tilespmem:s28+$0x9020]  }
0x36: {  	v8 =	vld [tilespmem:s28+$0x9030]  }
0x37: {  	v9 =	vld [tilespmem:s28+$0x9040];
	v2 =	vmul.f32 v3, v2  }
0x38: {  	[tilespmem:s28+$0x15070] =	vst v0;
	v0 =	vmul.f32 v5, v4;
	v5 =	vld [tilespmem:s28+$0x5040]  }
0x39: {  	v3 =	vld [tilespmem:s28+$0x9050];
	[tilespmem:s28+$0x15000] =	vst v2  }
0x3a: {  	v2 =	vld [tilespmem:s28+$0x5050];
	[tilespmem:s28+$0x15010] =	vst v0;
	v0 =	vmul.f32 v1, v6  }
0x3b: {  	v4 =	vld [tilespmem:s28+$0x9060];
	v6 =	vmul.f32 v8, v7  }
0x3c: {  	s29 =	simm.s32 $0x80;
	[tilespmem:s28+$0x15020] =	vst v0;
	v0 =	vld [tilespmem:s28+$0x5060]  }
0x3d: {  	s30 =	simm.s32 $0x400;
	v5 =	vmul.f32 v9, v5;
	v1 =	vld [tilespmem:s29+$0x5070];
	[tilespmem:s28+$0x15030] =	vst v6  }
.LBB2_3:
0x3e: {  	p1 =	sne.s32 s30, $0xF800;
	v6 =	vld [tilespmem:s29+$0x9070]  }
0x3f: {  	v7 =	vld [tilespmem:s29+$0x5000];
	[tilespmem:s28+$0x15040] =	vst v5;
	v2 =	vmul.f32 v3, v2  }
0x40: {  	v3 =	vld [tilespmem:s29+$0x9000]  }
0x41: {  	v5 =	vld [tilespmem:s29+$0x5010];
	[tilespmem:s28+$0x15050] =	vst v2;
	v0 =	vmul.f32 v4, v0  }
0x42: {  	v2 =	vld [tilespmem:s29+$0x9010]  }
0x43: {  	v4 =	vld [tilespmem:s29+$0x5020];
	v1 =	vmul.f32 v6, v1;
	[tilespmem:s28+$0x15060] =	vst v0;
	s28 =	smov.u32 s29  }
0x44: {  	v0 =	vld [tilespmem:s28+$0x9020]  }
0x45: {  	v3 =	vmul.f32 v3, v7;
	v6 =	vld [tilespmem:s28+$0x5030];
	[tilespmem:s28+$0x15070] =	vst v1  }
0x46: {  	v1 =	vld [tilespmem:s28+$0x9030]  }
0x47: {  	[tilespmem:s28+$0x15000] =	vst v3;
	v2 =	vmul.f32 v2, v5;
	v5 =	vld [tilespmem:s28+$0x5040]  }
0x48: {  	v7 =	vld [tilespmem:s28+$0x9040]  }
.Ltmp2:
0x49: {  	[tilespmem:s28+$0x15010] =	vst v2;
	v0 =	vmul.f32 v0, v4;
	v2 =	vld [tilespmem:s28+$0x5050];
	(pc) =	sbr.rel @p1 .LBB2_3-.Ltmp2, $4  }
0x4a: {  	v3 =	vld [tilespmem:s28+$0x9050]  }
0x4b: {  	[tilespmem:s28+$0x15020] =	vst v0;
	v6 =	vmul.f32 v1, v6;
	v0 =	vld [tilespmem:s28+$0x5060]  }
0x4c: {  	s29 =	sshra.s32 s30, $0x2;
	v4 =	vld [tilespmem:s28+$0x9060]  }
0x4d: {  	s30 =	sadd.s32 $0x200, s30;
	v1 =	vld [tilespmem:s29+$0x5070];
	[tilespmem:s28+$0x15030] =	vst v6;
	v5 =	vmul.f32 v7, v5  }
0x4e: {  	v6 =	vld [tilespmem:s29+$0x9070]  }
0x4f: {  	v7 =	vld [tilespmem:s29+$0x5000];
	[tilespmem:s28+$0x15040] =	vst v5;
	v2 =	vmul.f32 v3, v2  }
0x50: {  	v3 =	vld [tilespmem:s29+$0x9000]  }
0x51: {  	v5 =	vld [tilespmem:s29+$0x5010];
	[tilespmem:s28+$0x15050] =	vst v2;
	v0 =	vmul.f32 v4, v0  }
0x52: {  	v2 =	vld [tilespmem:s29+$0x9010]  }
0x53: {  	v4 =	vld [tilespmem:s29+$0x5020];
	[tilespmem:s28+$0x15060] =	vst v0  }
0x54: {  	v0 =	vmul.f32 v6, v1;
	v1 =	vld [tilespmem:s29+$0x9020]  }
0x55: {  	v6 =	vld [tilespmem:s29+$0x5030]  }
0x56: {  	v3 =	vmul.f32 v3, v7;
	[tilespmem:s29+$0x15070] =	vst v0;
	v0 =	vld [tilespmem:s29+$0x9030]  }
0x57: {  	v7 =	vld [tilespmem:s29+$0x9060]  }
0x58: {  	[tilespmem:s29+$0x15000] =	vst v3;
	v2 =	vmul.f32 v2, v5;
	v3 =	vld [tilespmem:s29+$0x5040]  }
0x59: {  	v5 =	vld [tilespmem:s29+$0x9040]  }
0x5a: {  	[tilespmem:s29+$0x15010] =	vst v2;
	v1 =	vmul.f32 v1, v4;
	v2 =	vld [tilespmem:s29+$0x5050]  }
0x5b: {  	v4 =	vld [tilespmem:s29+$0x9050]  }
0x5c: {  	[tilespmem:s29+$0x15020] =	vst v1;
	v1 =	vld [tilespmem:s29+$0x5060];
	_ =	sdelay $0x1  }
0x5d: {  	v0 =	vmul.f32 v0, v6  }
0x5e: {  	v3 =	vmul.f32 v5, v3  }
0x5f: {  	[tilespmem:s29+$0x15030] =	vst v0;
	v0 =	vmul.f32 v4, v2  }
0x60: {  	s28 =	sshll.u32 s26, $0xC;
	[tilespmem:s29+$0x15040] =	vst v3;
	v1 =	vmul.f32 v7, v1  }
0x61: {  	s28 =	sadd.s32 s7, s28;
	[tilespmem:s29+$0x15050] =	vst v0  }
0x62: {  	p1 =	seq.s32 s26, $0x27;
	[tilespmem:s29+$0x15060] =	vst v1;
	s29 =	sadd.s32 s4, s28  }
0x63: {  	[hbm4b:s29+s2] =	stream.linear.scatter [tilespmem:s20], [sflag:$0x3], $0x3E80, $0x38;
	[tilespmem:$0x1D000] =	vst v63  }
0x64: {  	s29 =	sshll.u32 @!p1 s26, $0x8  }
0x65: {  	s31 =	simm.s32 @!p1 $0x7D;
	s1 =	simm.s32 @!p1 $0x5000;
	s30 =	sadd.s32 @!p1 $0x100, s29  }
0x66: {  	[tilespmem:s1], [sflag:$0x1] =	stream.indirect.gather @!p1 [hbm4b:s3+s31], $0x80, s30, s31, $0xb8;
	[tilespmem:$0x1D000] =	vst v63  }
0x67: {  	s1 =	sadd.s32 @!p1 $0x2900, s29;
	s29 =	simm.s32 @!p1 $0x9000  }
0x68: {  	[tilespmem:s29], [sflag:$0x1] =	stream.indirect.gather @!p1 [hbm4b:s3+s31], $0x80, s1, s31, $0xb8;
	[tilespmem:$0x1D000] =	vst v63  }
0x69: {  	_ =	swait.ge [sflag:s21], $0x3E80  }
0x6a: {  	[sflag:s21] =	ssyncset.done $0x0  }
0x6b: {  	[sflag:s21] =	ssyncadd.s32 $0xFFFFC180  }
0x6c: {  	_ =	swait.ge [sflag:s21], $0x3E80  }
0x6d: {  	[sflag:s21] =	ssyncset.done $0x0  }
0x6e: {  	s1 =	simm.s32 @!p0 $0x4;
	[sflag:s21] =	ssyncadd.s32 $0xFFFFC180  }
0x6f: {  	_ =	swait.ge @!p0 [sflag:s1], $0x3E80  }
0x70: {  	[sflag:s1] =	ssyncset.done @!p0 $0x0  }
0x71: {  	s29 =	simm.s32 $0x0;
	[sflag:s1] =	ssyncadd.s32 @!p0 $0xFFFFC180  }
0x72: {  	v0 =	vld [tilespmem:s29+$0xD070]  }
0x73: {  	v1 =	vld [tilespmem:s29+$0x11070]  }
0x74: {  	v2 =	vld [tilespmem:s29+$0xD000]  }
0x75: {  	v3 =	vld [tilespmem:s29+$0x11000]  }
0x76: {  	v4 =	vld [tilespmem:s29+$0xD010]  }
0x77: {  	v5 =	vld [tilespmem:s29+$0x11010]  }
0x78: {  	v6 =	vld [tilespmem:s29+$0xD020]  }
0x79: {  	v7 =	vld [tilespmem:s29+$0xD030]  }
0x7a: {  	v0 =	vmul.f32 v1, v0;
	v1 =	vld [tilespmem:s29+$0x11020]  }
0x7b: {  	v8 =	vld [tilespmem:s29+$0x11030]  }
0x7c: {  	v9 =	vld [tilespmem:s29+$0x11040];
	v2 =	vmul.f32 v3, v2  }
0x7d: {  	[tilespmem:s29+$0x19070] =	vst v0;
	v0 =	vmul.f32 v5, v4;
	v5 =	vld [tilespmem:s29+$0xD040]  }
0x7e: {  	v3 =	vld [tilespmem:s29+$0x11050];
	[tilespmem:s29+$0x19000] =	vst v2  }
0x7f: {  	v2 =	vld [tilespmem:s29+$0xD050];
	[tilespmem:s29+$0x19010] =	vst v0;
	v0 =	vmul.f32 v1, v6  }
0x80: {  	v4 =	vld [tilespmem:s29+$0x11060];
	v6 =	vmul.f32 v8, v7  }
0x81: {  	s30 =	simm.s32 $0x80;
	[tilespmem:s29+$0x19020] =	vst v0;
	v0 =	vld [tilespmem:s29+$0xD060]  }
0x82: {  	s31 =	simm.s32 $0x400;
	v5 =	vmul.f32 v9, v5;
	v1 =	vld [tilespmem:s30+$0xD070];
	[tilespmem:s29+$0x19030] =	vst v6  }
.LBB2_5:
0x83: {  	p0 =	sne.s32 s31, $0xF800;
	v6 =	vld [tilespmem:s30+$0x11070]  }
0x84: {  	v7 =	vld [tilespmem:s30+$0xD000];
	[tilespmem:s29+$0x19040] =	vst v5;
	v2 =	vmul.f32 v3, v2  }
0x85: {  	v3 =	vld [tilespmem:s30+$0x11000]  }
0x86: {  	v5 =	vld [tilespmem:s30+$0xD010];
	[tilespmem:s29+$0x19050] =	vst v2;
	v0 =	vmul.f32 v4, v0  }
0x87: {  	v2 =	vld [tilespmem:s30+$0x11010]  }
0x88: {  	v4 =	vld [tilespmem:s30+$0xD020];
	v1 =	vmul.f32 v6, v1;
	[tilespmem:s29+$0x19060] =	vst v0;
	s29 =	smov.u32 s30  }
0x89: {  	v0 =	vld [tilespmem:s29+$0x11020]  }
0x8a: {  	v3 =	vmul.f32 v3, v7;
	v6 =	vld [tilespmem:s29+$0xD030];
	[tilespmem:s29+$0x19070] =	vst v1  }
0x8b: {  	v1 =	vld [tilespmem:s29+$0x11030]  }
0x8c: {  	[tilespmem:s29+$0x19000] =	vst v3;
	v2 =	vmul.f32 v2, v5;
	v5 =	vld [tilespmem:s29+$0xD040]  }
0x8d: {  	v7 =	vld [tilespmem:s29+$0x11040]  }
.Ltmp3:
0x8e: {  	[tilespmem:s29+$0x19010] =	vst v2;
	v0 =	vmul.f32 v0, v4;
	v2 =	vld [tilespmem:s29+$0xD050];
	(pc) =	sbr.rel @p0 .LBB2_5-.Ltmp3, $4  }
0x8f: {  	v3 =	vld [tilespmem:s29+$0x11050]  }
0x90: {  	[tilespmem:s29+$0x19020] =	vst v0;
	v6 =	vmul.f32 v1, v6;
	v0 =	vld [tilespmem:s29+$0xD060]  }
0x91: {  	s30 =	sshra.s32 s31, $0x2;
	v4 =	vld [tilespmem:s29+$0x11060]  }
0x92: {  	s31 =	sadd.s32 $0x200, s31;
	v1 =	vld [tilespmem:s30+$0xD070];
	[tilespmem:s29+$0x19030] =	vst v6;
	v5 =	vmul.f32 v7, v5  }
0x93: {  	v6 =	vld [tilespmem:s30+$0x11070]  }
0x94: {  	v7 =	vld [tilespmem:s30+$0xD000];
	[tilespmem:s29+$0x19040] =	vst v5;
	v2 =	vmul.f32 v3, v2  }
0x95: {  	v51 =	vld [tilespmem:s30+$0x11000]  }
0x96: {  	v5 =	vld [tilespmem:s30+$0xD010];
	[tilespmem:s29+$0x19050] =	vst v2;
	v0 =	vmul.f32 v4, v0  }
0x97: {  	v2 =	vld [tilespmem:s30+$0x11010]  }
0x98: {  	v52 =	vld [tilespmem:s30+$0xD020];
	[tilespmem:s29+$0x19060] =	vst v0  }
0x99: {  	v54 =	vld [tilespmem:s30+$0x11020]  }
0x9a: {  	v55 =	vld [tilespmem:s30+$0xD030]  }
0x9b: {  	v56 =	vld [tilespmem:s30+$0x11030]  }
0x9c: {  	v57 =	vld [tilespmem:s30+$0xD040]  }
0x9d: {  	v58 =	vld [tilespmem:s30+$0x11040]  }
0x9e: {  	v59 =	vld [tilespmem:s30+$0xD050]  }
0x9f: {  	v53 =	vmul.f32 v6, v1;
	v60 =	vld [tilespmem:s30+$0x11050]  }
0xa0: {  	v61 =	vld [tilespmem:s30+$0xD060];
	v3 =	vmul.f32 v51, v7  }
0xa1: {  	v62 =	vld [tilespmem:s30+$0x11060];
	[tilespmem:s30+$0x19070] =	vst v53;
	v2 =	vmul.f32 v2, v5  }
0xa2: {  	[tilespmem:s30+$0x19000] =	vst v3;
	v1 =	vmul.f32 v54, v52  }
0xa3: {  	[tilespmem:s30+$0x19010] =	vst v2;
	v0 =	vmul.f32 v56, v55  }
0xa4: {  	v3 =	vmul.f32 v58, v57;
	[tilespmem:s30+$0x19020] =	vst v1  }
.Ltmp4:
0xa5: {  	v63 =	vmul.f32 v60, v59;
	[tilespmem:s30+$0x19030] =	vst v0;
	(pc) =	sbr.rel @p1 .LBB2_8-.Ltmp4, $4  }
0xa6: {  	[tilespmem:s30+$0x19040] =	vst v3;
	v1 =	vmul.f32 v62, v61  }
0xa7: {  	[tilespmem:s30+$0x19050] =	vst v63  }
0xa8: {  	s1 =	sadd.s32 s28, s8;
	[tilespmem:s30+$0x19060] =	vst v1  }
0xa9: {  	[hbm4b:s1+s2] =	stream.linear.scatter [tilespmem:s22], [sflag:$0x4], $0x3E80, $0x38;
	[tilespmem:$0x1D000] =	vst v63  }
.Ltmp5:
0xaa: {  	s1 =	sshll.u32 s26, $0x8;
	(pc) =	sbr.rel .LBB2_2-.Ltmp5, $4  }
0xab: {  	s28 =	sadd.s32 $0x180, s1  }
0xac: {  	[tilespmem:s16], [sflag:$0x2] =	stream.indirect.gather [hbm4b:s3+s12], $0x80, s28, s12, $0xb8;
	[tilespmem:$0x1D000] =	vst v63  }
0xad: {  	s26 =	sadd.s32 $0x1, s26;
	s1 =	sadd.s32 $0x2980, s1  }
0xae: {  	[tilespmem:s18], [sflag:$0x2] =	stream.indirect.gather [hbm4b:s3+s12], $0x80, s1, s12, $0xb8;
	[tilespmem:$0x1D000] =	vst v63  }
.LBB2_9:
0xaf: {  	_ =	sfence.sel $0x180000  }
0xb0: {  	[bflag:$0x0] =	sbarrier.arrive $0xFFFF  }
0xb1: {  	_ =	strace $0x90000050  }
0xb2: {  	[bflag:$0x2] =	sbarrier.arrive $0xFFFF  }
0xb3: {  	p0 =	sne.s32 s0, $0x0;
	s0 =	rddreg [dreg:$0x1]  }
0xb4: {  	s0 =	sadd.s32 @!p0 $0x100000, s0  }
0xb5: {  	[sflag:s0] =	ssyncadd.tile.s32 @!p0 $0x1;
	_ =	shalt  }
.Lfunc_end2:
_tile_overlayer_lowered:
.L_overlay_start_2:
0xb6: {  	(tag) =	ssettag $0x2  }
0xb7: {  	s0 =	rddreg [dreg:$0x0];
	s2 =	stileid.u32  }
0xb8: {  	s1 =	rddreg [dreg:$0x1];
	p0 =	sne.s32 s2, $0x0  }
0xb9: {  	s3 =	rddreg [dreg:$0x2];
	[bflag:$0x3] =	sbarrier.arrive $0xFFFF;
	s2 =	simm.s32 @!p0 $0x1C05  }
0xba: {  	[timem:s3], [sflag:s2] =	dma.local @!p0 [hbm:s0], s1  }
0xbb: {  	s0 =	simm.s32 @!p0 $0x5  }
0xbc: {  	_ =	swait.ge @!p0 [sflag:s0], s1  }
0xbd: {  	s1 =	ssub.s32 @!p0 $0x0, s1;
	[sflag:s0] =	ssyncset.done @!p0 $0x0  }
0xbe: {  	[sflag:s0] =	ssyncadd.s32 @!p0 s1  }
0xbf: {  	[bflag:$0x3] =	sbarrier.arrive $0xFFFF  }
0xc0: {  	_ =	shalt  }

</sc_bundles>
